<compile_context>
chip_gen: v7x
topology: tpu7x:2x2x1
jax: 0.10.2.dev20260603
libtpu: 0.0.44.dev20260713+nightly
codegen_flags: <defaults>
</compile_context>

<pallas_src>
import functools
import math

import jax
import jax.numpy as jnp
from jax import lax
from jax.experimental import pallas as pl
from jax.experimental.pallas import tpu as pltpu
from jax.experimental.pallas import tpu_sc as plsc

_NC = 2
_NS = 16
_NW = _NC * _NS
_IB = 128
_CB = 6
_BN = 1024


def _sc_mesh():
    return plsc.VectorSubcoreMesh(core_axis_name="c", subcore_axis_name="s")


_SC_PARAMS = pltpu.CompilerParams(use_tc_tiling_on_sc=False)


def _deg_kernel(acc_n, eblocks):
    bpt = eblocks // _NW
    nch = bpt // 16
    rpt = acc_n // _NS

    @functools.partial(
        pl.kernel,
        out_type=jax.ShapeDtypeStruct((_NC * acc_n,), jnp.float32),
        mesh=_sc_mesh(),
        compiler_params=_SC_PARAMS,
        scratch_types=[
            pltpu.VMEM((16, 2, _IB), jnp.int32),
            pltpu.VMEM((_IB,), jnp.float32),
            pltpu.VMEM_SHARED((acc_n,), jnp.float32),
            pltpu.SemaphoreType.DMA,
        ],
    )
    def deg(edges_hbm, ones_hbm, zeros_hbm, out_hbm, idx, ones, dacc, ssem):
        c = lax.axis_index("c")
        s = lax.axis_index("s")
        pltpu.sync_copy(zeros_hbm.at[pl.ds(s * rpt, rpt)],
                        dacc.at[pl.ds(s * rpt, rpt)])
        pltpu.sync_copy(ones_hbm, ones)
        plsc.subcore_barrier()
        base = (c * _NS + s) * bpt

        def body(i, carry):
            pltpu.sync_copy(edges_hbm.at[pl.ds(base + i * 16, 16)], idx)
            scatters = []
            for j in range(16):
                scatters.append(pltpu.async_copy(
                    ones, dacc.at[idx.at[j, 1]], ssem, add=True))
            for sc in scatters:
                sc.wait()
            return carry

        lax.fori_loop(0, nch, body, 0)
        plsc.subcore_barrier()
        pltpu.sync_copy(dacc.at[pl.ds(s * rpt, rpt)],
                        out_hbm.at[pl.ds(c * acc_n + s * rpt, rpt)])

    return deg


def _agg_kernel(acc_n, eblocks, feat):
    bpt = eblocks // _NW
    nch = bpt // _CB
    nch2 = nch // 2
    rpt = acc_n // _NS

    @functools.partial(
        pl.kernel,
        out_type=jax.ShapeDtypeStruct((_NC * acc_n, feat), jnp.float32),
        mesh=_sc_mesh(),
        compiler_params=_SC_PARAMS,
        scratch_types=[
            pltpu.VMEM((2 * _CB, 2, _IB), jnp.int32),
            pltpu.VMEM((_CB * _IB, feat), jnp.float32),
            pltpu.VMEM((_CB * _IB, feat), jnp.float32),
            pltpu.VMEM_SHARED((acc_n, feat), jnp.float32),
            pltpu.SemaphoreType.DMA,
            pltpu.SemaphoreType.DMA,
            pltpu.SemaphoreType.DMA,
        ],
    )
    def agg(g_hbm, edges_hbm, out_hbm, idxp, rows0, rows1, acc,
            gsem, ssem0, ssem1):
        c = lax.axis_index("c")
        s = lax.axis_index("s")
        pltpu.sync_copy(g_hbm.at[pl.ds(s * rpt, rpt)],
                        acc.at[pl.ds(s * rpt, rpt)])
        plsc.subcore_barrier()
        base = (c * _NS + s) * bpt
        slots = ((0, rows0, ssem0), (1, rows1, ssem1))

        def pair(i2, drain):
            for k, rows, ssem in slots:
                if drain:
                    pltpu.make_async_copy(
                        g_hbm.at[pl.ds(0, _CB * _IB)], rows, ssem).wait()
            pltpu.sync_copy(
                edges_hbm.at[pl.ds(base + i2 * 2 * _CB, 2 * _CB)], idxp)
            gathers = [
                [pltpu.async_copy(g_hbm.at[idxp.at[k * _CB + j, 0]],
                                  rows.at[pl.ds(j * _IB, _IB)], gsem)
                 for j in range(_CB)]
                for k, rows, ssem in slots]
            for k, rows, ssem in slots:
                for j in range(_CB):
                    gathers[k][j].wait()
                    pltpu.async_copy(rows.at[pl.ds(j * _IB, _IB)],
                                     acc.at[idxp.at[k * _CB + j, 1]],
                                     ssem, add=True)

        pair(0, False)

        def body(i2, carry):
            pair(i2, True)
            return carry

        lax.fori_loop(1, nch2, body, 0)
        for k, rows, ssem in slots:
            pltpu.make_async_copy(
                g_hbm.at[pl.ds(0, _CB * _IB)], rows, ssem).wait()
        plsc.subcore_barrier()
        pltpu.sync_copy(acc.at[pl.ds(s * rpt, rpt)],
                        out_hbm.at[pl.ds(c * acc_n + s * rpt, rpt)])

    return agg


def _mmh_body(xt_ref, w_ref, h_ref):
    h_ref[...] = lax.dot_general(
        xt_ref[...], w_ref[...], (((0,), (0,)), ((), ())),
        preferred_element_type=jnp.float32)


def _mmh(xt, w1, acc_n):
    f_in = xt.shape[0]
    h = w1.shape[1]
    return pl.pallas_call(
        _mmh_body,
        grid=(acc_n // _BN,),
        in_specs=[
            pl.BlockSpec((f_in, _BN), lambda i: (0, i)),
            pl.BlockSpec((f_in, h), lambda i: (0, 0)),
        ],
        out_specs=pl.BlockSpec((_BN, h), lambda i: (i, 0)),
        out_shape=jax.ShapeDtypeStruct((acc_n, h), jnp.float32),
    )(xt, w1)


def _scale_body(hv_ref, dega_ref, degb_ref, rep_ref, gv_ref, dinv_ref):
    deg = dega_ref[...] + degb_ref[...] + 1.0
    dinvv = jnp.dot(lax.rsqrt(deg), rep_ref[...],
                    preferred_element_type=jnp.float32)
    gv_ref[...] = hv_ref[...] * dinvv
    dinv_ref[...] = dinvv


def _scale(hv, deg8, rep, acc_n):
    nv = acc_n // 8
    half = nv // 128
    return pl.pallas_call(
        _scale_body,
        grid=(nv // 128,),
        in_specs=[
            pl.BlockSpec((128, 128), lambda i: (i, 0)),
            pl.BlockSpec((128, 8), lambda i: (i, 0)),
            pl.BlockSpec((128, 8), lambda i, _h=half: (i + _h, 0)),
            pl.BlockSpec((8, 128), lambda i: (0, 0)),
        ],
        out_specs=[
            pl.BlockSpec((128, 128), lambda i: (i, 0)),
            pl.BlockSpec((128, 128), lambda i: (i, 0)),
        ],
        out_shape=[
            jax.ShapeDtypeStruct((nv, 128), jnp.float32),
            jax.ShapeDtypeStruct((nv, 128), jnp.float32),
        ],
    )(hv, deg8, deg8, rep)


def _mid_body(a0_ref, a1_ref, g1_ref, dinv_ref, b1_ref, w2_ref, g2_ref):
    sgm = a0_ref[...] + a1_ref[...] - g1_ref[...]
    dinvv = dinv_ref[...]
    h2 = jnp.maximum(dinvv * sgm + b1_ref[...], 0.0)
    g2_ref[...] = jnp.dot(h2, w2_ref[...],
                          preferred_element_type=jnp.float32) * dinvv


def _mid(accs_v, g1v, dinvv, b1t, w2blk, acc_n):
    nv = acc_n // 8
    half = nv // 128
    return pl.pallas_call(
        _mid_body,
        grid=(nv // 128,),
        in_specs=[
            pl.BlockSpec((128, 128), lambda i: (i, 0)),
            pl.BlockSpec((128, 128), lambda i, _h=half: (i + _h, 0)),
            pl.BlockSpec((128, 128), lambda i: (i, 0)),
            pl.BlockSpec((128, 128), lambda i: (i, 0)),
            pl.BlockSpec((1, 128), lambda i: (0, 0)),
            pl.BlockSpec((128, 128), lambda i: (0, 0)),
        ],
        out_specs=pl.BlockSpec((128, 128), lambda i: (i, 0)),
        out_shape=jax.ShapeDtypeStruct((nv, 128), jnp.float32),
    )(accs_v, accs_v, g1v, dinvv, b1t, w2blk)


def _fin_body(n_cls, a0_ref, a1_ref, g2_ref, dinv_ref, b2_ref, gsum_ref,
              o_ref):
    z = dinv_ref[...] * (a0_ref[...] + a1_ref[...] - g2_ref[...]) + b2_ref[...]
    col = lax.broadcasted_iota(jnp.int32, z.shape, 1)
    valid = (col % 16) < n_cls
    ev = jnp.where(valid, jnp.exp(z), 0.0)
    sums = jnp.dot(ev, gsum_ref[...], preferred_element_type=jnp.float32)
    o_ref[...] = z - jnp.log(sums)


def _fin(accs_v, g2v, dinvv, b2t, gsum, n_cls, acc_n):
    nv = acc_n // 8
    half = nv // 128
    return pl.pallas_call(
        functools.partial(_fin_body, n_cls),
        grid=(nv // 128,),
        in_specs=[
            pl.BlockSpec((128, 128), lambda i: (i, 0)),
            pl.BlockSpec((128, 128), lambda i, _h=half: (i + _h, 0)),
            pl.BlockSpec((128, 128), lambda i: (i, 0)),
            pl.BlockSpec((128, 128), lambda i: (i, 0)),
            pl.BlockSpec((1, 128), lambda i: (0, 0)),
            pl.BlockSpec((128, 128), lambda i: (0, 0)),
        ],
        out_specs=pl.BlockSpec((128, 128), lambda i: (i, 0)),
        out_shape=jax.ShapeDtypeStruct((nv, 128), jnp.float32),
    )(accs_v, accs_v, g2v, dinvv, b2t, gsum)


def kernel(x, edge_index, W1, b1, W2, b2):
    n, _ = x.shape
    e = edge_index.shape[1]
    h = W1.shape[1]
    n_cls = W2.shape[1]
    assert h == 16, "feature width must match one 64B DMA granule"


    lcm = _BN * 128 // math.gcd(_BN, 128)
    acc_n = -(-(n + 1) // lcm) * lcm
    pad_rows = acc_n - n

    step = _NW * 2 * _CB * _IB
    e2 = -(-e // step) * step
    eblocks = e2 // _IB
    npad = e2 - e
    ar = jnp.arange(npad, dtype=jnp.int32)
    src2 = jnp.concatenate([edge_index[0], ar % n]).reshape(eblocks, _IB)
    dst2 = jnp.concatenate([edge_index[1], n + (ar % pad_rows)]).reshape(eblocks, _IB)
    edges2 = jnp.stack([src2, dst2], axis=1)

    ones = jnp.ones((_IB,), jnp.float32)
    zeros = jnp.zeros((acc_n,), jnp.float32)
    w2p = jnp.pad(W2, ((0, 0), (0, h - n_cls)))
    b2p_row = jnp.pad(b2, (0, h - n_cls))

    degs = _deg_kernel(acc_n, eblocks)(edges2, ones, zeros)
    hm = _mmh(x.T, W1, acc_n)
    hv = jnp.reshape(hm, (acc_n // 8, 128))
    deg8 = jnp.reshape(degs, (2 * acc_n // 8, 8))
    rep = jnp.repeat(jnp.eye(8, dtype=jnp.float32), 16, axis=1)
    g1v, dinvv = _scale(hv, deg8, rep, acc_n)

    b1t = jnp.tile(b1, 8).reshape(1, 8 * h)
    b2t = jnp.tile(b2p_row, 8).reshape(1, 8 * h)
    w2blk = jnp.kron(jnp.eye(8, dtype=jnp.float32), w2p)
    gsum = jnp.kron(jnp.eye(8, dtype=jnp.float32),
                    jnp.ones((h, h), jnp.float32))

    agg = _agg_kernel(acc_n, eblocks, h)
    accs1 = agg(jnp.reshape(g1v, (acc_n, h)), edges2)
    accs1_v = jnp.reshape(accs1, (2 * acc_n // 8, 128))
    g2v = _mid(accs1_v, g1v, dinvv, b1t, w2blk, acc_n)
    accs2 = agg(jnp.reshape(g2v, (acc_n, h)), edges2)
    accs2_v = jnp.reshape(accs2, (2 * acc_n // 8, 128))
    outv = _fin(accs2_v, g2v, dinvv, b2t, gsum, n_cls, acc_n)
    return jnp.reshape(outv, (acc_n, h))[:n, :n_cls]

# --- scband reference (transcript-rebuilt; emitter-appended) ---
"""Pipeline reference for scband-net-23587960389982 (READ-ONLY COPY).

The authoritative reference and input builder live on the scoring server;
editing this copy changes nothing except your own understanding.
"""

import jax, jax.numpy as jnp
import numpy as np

N = 100000
E = 3200000
F_IN = 1433
H = 16
C = 7


def setup_inputs(seed: int = 0) -> dict:
    key = jax.random.key(seed)
    k1, k2, k3, k4 = jax.random.split(key, 4)
    x = jax.random.normal(k1, (N, F_IN), dtype=jnp.float32)
    edge_index = jax.random.randint(k2, (2, E), 0, N, dtype=jnp.int32)
    W1 = jax.random.normal(k3, (F_IN, H), dtype=jnp.float32) * 0.05
    b1 = jnp.zeros((H,), dtype=jnp.float32)
    W2 = jax.random.normal(k4, (H, C), dtype=jnp.float32) * 0.05
    b2 = jnp.zeros((C,), dtype=jnp.float32)
    return {"x": x, "edge_index": edge_index, "W1": W1, "b1": b1, "W2": W2, "b2": b2}


def _gcn_conv(x, edge_index, W, b, n_nodes):
    # GCNConv: add self-loops, symmetric deg^{-1/2} normalization, scatter-add.
    loop = jnp.arange(n_nodes, dtype=edge_index.dtype)
    src = jnp.concatenate([edge_index[0], loop])
    dst = jnp.concatenate([edge_index[1], loop])
    deg = jax.ops.segment_sum(jnp.ones(src.shape[0], dtype=jnp.float32), dst, num_segments=n_nodes)
    dinv = jnp.where(deg > 0, 1.0 / jnp.sqrt(deg), 0.0)
    norm = dinv[src] * dinv[dst]
    h = x @ W
    msg = h[src] * norm[:, None]
    out = jax.ops.segment_sum(msg, dst, num_segments=n_nodes)
    return out + b


def reference(x, edge_index, W1, b1, W2, b2):
    h = _gcn_conv(x, edge_index, W1, b1, N)
    h = jax.nn.relu(h)
    # F.dropout with training=False (eval mode) is identity
    out = _gcn_conv(h, edge_index, W2, b2, N)
    return jax.nn.log_softmax(out, axis=1)

if __name__ == "__main__":
    import jax
    _d = setup_inputs()
    print(jax.jit(kernel)(*tuple(_d.values())))

</pallas_src>

<mosaic_0001>
#map = affine_map<(d0, d1) -> (0, 0, 0)>
#map1 = affine_map<(d0, d1) -> (0)>
module attributes {stable_mosaic.version = 14 : i64} {
  func.func @deg(%arg0: i32, %arg1: i32, %arg2: memref<25344x2x128xi32, #tpu.memory_space<hbm>>, %arg3: memref<128xf32, #tpu.memory_space<hbm>>, %arg4: memref<100352xf32, #tpu.memory_space<hbm>>, %arg5: memref<200704xf32, #tpu.memory_space<hbm>>, %arg6: memref<16x2x128xi32, #tpu.memory_space<vmem>>, %arg7: memref<128xf32, #tpu.memory_space<vmem>>, %arg8: memref<100352xf32, #tpu.memory_space<vmem_shared>>, %arg9: memref<!tpu.dma_semaphore, #tpu.memory_space<semaphore_mem>>) attributes {dimension_semantics = [#tpu.dimension_semantics<core_parallel>, #tpu.dimension_semantics<subcore_parallel>], iteration_bounds = array<i64: 2, 16>, scalar_prefetch = 0 : i64, scratch_operands = 4 : i64, tpu.core_type = #tpu.core_type<sc_vector_subcore>, window_params = [{transform_indices = #map}, {transform_indices = #map1}, {transform_indices = #map1}, {transform_indices = #map1}]} {
    %mul3A = arith.constant 6272 : i32
    %mul3A_0 = arith.muli %arg1, %mul3A : i32
    %mul3A_1 = arith.constant 6272 : i32
    %mul3A_2 = arith.muli %arg1, %mul3A_1 : i32
    "tpu.region"() ({
      %run_scoped3A = tpu.sem_alloc : memref<!tpu.dma_semaphore, #tpu.memory_space<semaphore_mem>>
      %dma_start3A = tpu.memref_slice %arg8[%mul3A_2] : memref<100352xf32, #tpu.memory_space<vmem_shared>> -> memref<6272xf32, #tpu.memory_space<vmem_shared>>
      %dma_start3A_20 = tpu.memref_slice %arg4[%mul3A_0] : memref<100352xf32, #tpu.memory_space<hbm>> -> memref<6272xf32, #tpu.memory_space<hbm>>
      tpu.enqueue_dma source(%dma_start3A_20 : memref<6272xf32, #tpu.memory_space<hbm>>) target(%dma_start3A : memref<6272xf32, #tpu.memory_space<vmem_shared>>) target_semaphore(%run_scoped3A : memref<!tpu.dma_semaphore, #tpu.memory_space<semaphore_mem>>)
      %dma_wait3A = tpu.memref_slice %arg8[%mul3A_2] : memref<100352xf32, #tpu.memory_space<vmem_shared>> -> memref<6272xf32, #tpu.memory_space<vmem_shared>>
      %dma_wait3A_21 = tpu.memref_slice %arg4[%mul3A_0] : memref<100352xf32, #tpu.memory_space<hbm>> -> memref<6272xf32, #tpu.memory_space<hbm>>
      tpu.wait_dma2 semaphore(%run_scoped3A : memref<!tpu.dma_semaphore, #tpu.memory_space<semaphore_mem>>) src(%dma_wait3A_21 : memref<6272xf32, #tpu.memory_space<hbm>>) dst(%dma_wait3A : memref<6272xf32, #tpu.memory_space<vmem_shared>>)
      tpu.yield
    }) : () -> ()
    "tpu.region"() ({
      %run_scoped3A = tpu.sem_alloc : memref<!tpu.dma_semaphore, #tpu.memory_space<semaphore_mem>>
      tpu.enqueue_dma source(%arg3 : memref<128xf32, #tpu.memory_space<hbm>>) target(%arg7 : memref<128xf32, #tpu.memory_space<vmem>>) target_semaphore(%run_scoped3A : memref<!tpu.dma_semaphore, #tpu.memory_space<semaphore_mem>>)
      tpu.wait_dma2 semaphore(%run_scoped3A : memref<!tpu.dma_semaphore, #tpu.memory_space<semaphore_mem>>) src(%arg3 : memref<128xf32, #tpu.memory_space<hbm>>) dst(%arg7 : memref<128xf32, #tpu.memory_space<vmem>>)
      tpu.yield
    }) : () -> ()
    %barrier3A = arith.constant 0 : index
    tpu.barrier barrier_id(%barrier3A)
    %mul3A_3 = arith.constant 16 : i32
    %mul3A_4 = arith.muli %arg0, %mul3A_3 : i32
    %add3A = arith.addi %mul3A_4, %arg1 : i32
    %mul3A_5 = arith.constant 792 : i32
    %mul3A_6 = arith.muli %add3A, %mul3A_5 : i32
    %scan3A = arith.constant 0 : i32
    %scan3A_7 = arith.constant 0 : i32
    %scan3A_8 = arith.constant 49 : i32
    %scan3A_9 = arith.addi %scan3A_7, %scan3A_8 : i32
    %scan3A_10 = arith.constant 1 : i32
    scf.for %scan3A_20 = %scan3A_7 to %scan3A_9 step %scan3A_10  : i32 {
      %mul3A_21 = arith.constant 16 : i32
      %mul3A_22 = arith.muli %scan3A_20, %mul3A_21 : i32
      %add3A_23 = arith.addi %mul3A_6, %mul3A_22 : i32
      "tpu.region"() ({
        %run_scoped3A = tpu.sem_alloc : memref<!tpu.dma_semaphore, #tpu.memory_space<semaphore_mem>>
        %dma_start3A_246 = arith.constant 0 : i32
        %dma_start3A_247 = arith.constant 0 : i32
        %dma_start3A_248 = tpu.memref_slice %arg2[%add3A_23, %dma_start3A_246, %dma_start3A_247] : memref<25344x2x128xi32, #tpu.memory_space<hbm>> -> memref<16x2x128xi32, #tpu.memory_space<hbm>>
        %dma_start3A_249 = arith.constant 0 : i32
        %dma_start3A_250 = arith.constant 0 : i32
        %dma_start3A_251 = tpu.memref_slice %arg2[%add3A_23, %dma_start3A_249, %dma_start3A_250] : memref<25344x2x128xi32, #tpu.memory_space<hbm>> -> memref<16x2x128xi32, #tpu.memory_space<hbm>>
        tpu.enqueue_dma source(%dma_start3A_251 : memref<16x2x128xi32, #tpu.memory_space<hbm>>) target(%arg6 : memref<16x2x128xi32, #tpu.memory_space<vmem>>) target_semaphore(%run_scoped3A : memref<!tpu.dma_semaphore, #tpu.memory_space<semaphore_mem>>)
        %dma_wait3A_252 = arith.constant 0 : i32
        %dma_wait3A_253 = arith.constant 0 : i32
        %dma_wait3A_254 = tpu.memref_slice %arg2[%add3A_23, %dma_wait3A_252, %dma_wait3A_253] : memref<25344x2x128xi32, #tpu.memory_space<hbm>> -> memref<16x2x128xi32, #tpu.memory_space<hbm>>
        %dma_wait3A_255 = arith.constant 0 : i32
        %dma_wait3A_256 = arith.constant 0 : i32
        %dma_wait3A_257 = tpu.memref_slice %arg2[%add3A_23, %dma_wait3A_255, %dma_wait3A_256] : memref<25344x2x128xi32, #tpu.memory_space<hbm>> -> memref<16x2x128xi32, #tpu.memory_space<hbm>>
        tpu.wait_dma2 semaphore(%run_scoped3A : memref<!tpu.dma_semaphore, #tpu.memory_space<semaphore_mem>>) src(%dma_wait3A_257 : memref<16x2x128xi32, #tpu.memory_space<hbm>>) dst(%arg6 : memref<16x2x128xi32, #tpu.memory_space<vmem>>)
        tpu.yield
      }) : () -> ()
      %dma_start3A = arith.constant 0 : i32
      %dma_start3A_24 = arith.constant 1 : i32
      %dma_start3A_25 = arith.constant 0 : i32
      %dma_start3A_26 = tpu.memref_slice %arg6[%dma_start3A, %dma_start3A_24, %dma_start3A_25] : memref<16x2x128xi32, #tpu.memory_space<vmem>> -> memref<1x1x128xi32, #tpu.memory_space<vmem>>
      %dma_start3A_27 = tpu.memref_squeeze %dma_start3A_26 : memref<1x1x128xi32, #tpu.memory_space<vmem>> -> memref<128xi32, #tpu.memory_space<vmem>>
      %dma_start3A_28 = arith.constant 0 : i32
      %dma_start3A_29 = tpu.memref_slice %arg8[%dma_start3A_28] : memref<100352xf32, #tpu.memory_space<vmem_shared>> -> memref<100352xf32, #tpu.memory_space<vmem_shared>>
      tpu.enqueue_indirect_dma source(%arg7 : memref<128xf32, #tpu.memory_space<vmem>>) target(%dma_start3A_29 : memref<100352xf32, #tpu.memory_space<vmem_shared>>) offsets(%dma_start3A_27 : memref<128xi32, #tpu.memory_space<vmem>>) semaphore(%arg9 : memref<!tpu.dma_semaphore, #tpu.memory_space<semaphore_mem>>) {add = true}
      %dma_start3A_30 = arith.constant 1 : i32
      %dma_start3A_31 = arith.constant 1 : i32
      %dma_start3A_32 = arith.constant 0 : i32
      %dma_start3A_33 = tpu.memref_slice %arg6[%dma_start3A_30, %dma_start3A_31, %dma_start3A_32] : memref<16x2x128xi32, #tpu.memory_space<vmem>> -> memref<1x1x128xi32, #tpu.memory_space<vmem>>
      %dma_start3A_34 = tpu.memref_squeeze %dma_start3A_33 : memref<1x1x128xi32, #tpu.memory_space<vmem>> -> memref<128xi32, #tpu.memory_space<vmem>>
      %dma_start3A_35 = arith.constant 0 : i32
      %dma_start3A_36 = tpu.memref_slice %arg8[%dma_start3A_35] : memref<100352xf32, #tpu.memory_space<vmem_shared>> -> memref<100352xf32, #tpu.memory_space<vmem_shared>>
      tpu.enqueue_indirect_dma source(%arg7 : memref<128xf32, #tpu.memory_space<vmem>>) target(%dma_start3A_36 : memref<100352xf32, #tpu.memory_space<vmem_shared>>) offsets(%dma_start3A_34 : memref<128xi32, #tpu.memory_space<vmem>>) semaphore(%arg9 : memref<!tpu.dma_semaphore, #tpu.memory_space<semaphore_mem>>) {add = true}
      %dma_start3A_37 = arith.constant 2 : i32
      %dma_start3A_38 = arith.constant 1 : i32
      %dma_start3A_39 = arith.constant 0 : i32
      %dma_start3A_40 = tpu.memref_slice %arg6[%dma_start3A_37, %dma_start3A_38, %dma_start3A_39] : memref<16x2x128xi32, #tpu.memory_space<vmem>> -> memref<1x1x128xi32, #tpu.memory_space<vmem>>
      %dma_start3A_41 = tpu.memref_squeeze %dma_start3A_40 : memref<1x1x128xi32, #tpu.memory_space<vmem>> -> memref<128xi32, #tpu.memory_space<vmem>>
      %dma_start3A_42 = arith.constant 0 : i32
      %dma_start3A_43 = tpu.memref_slice %arg8[%dma_start3A_42] : memref<100352xf32, #tpu.memory_space<vmem_shared>> -> memref<100352xf32, #tpu.memory_space<vmem_shared>>
      tpu.enqueue_indirect_dma source(%arg7 : memref<128xf32, #tpu.memory_space<vmem>>) target(%dma_start3A_43 : memref<100352xf32, #tpu.memory_space<vmem_shared>>) offsets(%dma_start3A_41 : memref<128xi32, #tpu.memory_space<vmem>>) semaphore(%arg9 : memref<!tpu.dma_semaphore, #tpu.memory_space<semaphore_mem>>) {add = true}
      %dma_start3A_44 = arith.constant 3 : i32
      %dma_start3A_45 = arith.constant 1 : i32
      %dma_start3A_46 = arith.constant 0 : i32
      %dma_start3A_47 = tpu.memref_slice %arg6[%dma_start3A_44, %dma_start3A_45, %dma_start3A_46] : memref<16x2x128xi32, #tpu.memory_space<vmem>> -> memref<1x1x128xi32, #tpu.memory_space<vmem>>
      %dma_start3A_48 = tpu.memref_squeeze %dma_start3A_47 : memref<1x1x128xi32, #tpu.memory_space<vmem>> -> memref<128xi32, #tpu.memory_space<vmem>>
      %dma_start3A_49 = arith.constant 0 : i32
      %dma_start3A_50 = tpu.memref_slice %arg8[%dma_start3A_49] : memref<100352xf32, #tpu.memory_space<vmem_shared>> -> memref<100352xf32, #tpu.memory_space<vmem_shared>>
      tpu.enqueue_indirect_dma source(%arg7 : memref<128xf32, #tpu.memory_space<vmem>>) target(%dma_start3A_50 : memref<100352xf32, #tpu.memory_space<vmem_shared>>) offsets(%dma_start3A_48 : memref<128xi32, #tpu.memory_space<vmem>>) semaphore(%arg9 : memref<!tpu.dma_semaphore, #tpu.memory_space<semaphore_mem>>) {add = true}
      %dma_start3A_51 = arith.constant 4 : i32
      %dma_start3A_52 = arith.constant 1 : i32
      %dma_start3A_53 = arith.constant 0 : i32
      %dma_start3A_54 = tpu.memref_slice %arg6[%dma_start3A_51, %dma_start3A_52, %dma_start3A_53] : memref<16x2x128xi32, #tpu.memory_space<vmem>> -> memref<1x1x128xi32, #tpu.memory_space<vmem>>
      %dma_start3A_55 = tpu.memref_squeeze %dma_start3A_54 : memref<1x1x128xi32, #tpu.memory_space<vmem>> -> memref<128xi32, #tpu.memory_space<vmem>>
      %dma_start3A_56 = arith.constant 0 : i32
      %dma_start3A_57 = tpu.memref_slice %arg8[%dma_start3A_56] : memref<100352xf32, #tpu.memory_space<vmem_shared>> -> memref<100352xf32, #tpu.memory_space<vmem_shared>>
      tpu.enqueue_indirect_dma source(%arg7 : memref<128xf32, #tpu.memory_space<vmem>>) target(%dma_start3A_57 : memref<100352xf32, #tpu.memory_space<vmem_shared>>) offsets(%dma_start3A_55 : memref<128xi32, #tpu.memory_space<vmem>>) semaphore(%arg9 : memref<!tpu.dma_semaphore, #tpu.memory_space<semaphore_mem>>) {add = true}
      %dma_start3A_58 = arith.constant 5 : i32
      %dma_start3A_59 = arith.constant 1 : i32
      %dma_start3A_60 = arith.constant 0 : i32
      %dma_start3A_61 = tpu.memref_slice %arg6[%dma_start3A_58, %dma_start3A_59, %dma_start3A_60] : memref<16x2x128xi32, #tpu.memory_space<vmem>> -> memref<1x1x128xi32, #tpu.memory_space<vmem>>
      %dma_start3A_62 = tpu.memref_squeeze %dma_start3A_61 : memref<1x1x128xi32, #tpu.memory_space<vmem>> -> memref<128xi32, #tpu.memory_space<vmem>>
      %dma_start3A_63 = arith.constant 0 : i32
      %dma_start3A_64 = tpu.memref_slice %arg8[%dma_start3A_63] : memref<100352xf32, #tpu.memory_space<vmem_shared>> -> memref<100352xf32, #tpu.memory_space<vmem_shared>>
      tpu.enqueue_indirect_dma source(%arg7 : memref<128xf32, #tpu.memory_space<vmem>>) target(%dma_start3A_64 : memref<100352xf32, #tpu.memory_space<vmem_shared>>) offsets(%dma_start3A_62 : memref<128xi32, #tpu.memory_space<vmem>>) semaphore(%arg9 : memref<!tpu.dma_semaphore, #tpu.memory_space<semaphore_mem>>) {add = true}
      %dma_start3A_65 = arith.constant 6 : i32
      %dma_start3A_66 = arith.constant 1 : i32
      %dma_start3A_67 = arith.constant 0 : i32
      %dma_start3A_68 = tpu.memref_slice %arg6[%dma_start3A_65, %dma_start3A_66, %dma_start3A_67] : memref<16x2x128xi32, #tpu.memory_space<vmem>> -> memref<1x1x128xi32, #tpu.memory_space<vmem>>
      %dma_start3A_69 = tpu.memref_squeeze %dma_start3A_68 : memref<1x1x128xi32, #tpu.memory_space<vmem>> -> memref<128xi32, #tpu.memory_space<vmem>>
      %dma_start3A_70 = arith.constant 0 : i32
      %dma_start3A_71 = tpu.memref_slice %arg8[%dma_start3A_70] : memref<100352xf32, #tpu.memory_space<vmem_shared>> -> memref<100352xf32, #tpu.memory_space<vmem_shared>>
      tpu.enqueue_indirect_dma source(%arg7 : memref<128xf32, #tpu.memory_space<vmem>>) target(%dma_start3A_71 : memref<100352xf32, #tpu.memory_space<vmem_shared>>) offsets(%dma_start3A_69 : memref<128xi32, #tpu.memory_space<vmem>>) semaphore(%arg9 : memref<!tpu.dma_semaphore, #tpu.memory_space<semaphore_mem>>) {add = true}
      %dma_start3A_72 = arith.constant 7 : i32
      %dma_start3A_73 = arith.constant 1 : i32
      %dma_start3A_74 = arith.constant 0 : i32
      %dma_start3A_75 = tpu.memref_slice %arg6[%dma_start3A_72, %dma_start3A_73, %dma_start3A_74] : memref<16x2x128xi32, #tpu.memory_space<vmem>> -> memref<1x1x128xi32, #tpu.memory_space<vmem>>
      %dma_start3A_76 = tpu.memref_squeeze %dma_start3A_75 : memref<1x1x128xi32, #tpu.memory_space<vmem>> -> memref<128xi32, #tpu.memory_space<vmem>>
      %dma_start3A_77 = arith.constant 0 : i32
      %dma_start3A_78 = tpu.memref_slice %arg8[%dma_start3A_77] : memref<100352xf32, #tpu.memory_space<vmem_shared>> -> memref<100352xf32, #tpu.memory_space<vmem_shared>>
      tpu.enqueue_indirect_dma source(%arg7 : memref<128xf32, #tpu.memory_space<vmem>>) target(%dma_start3A_78 : memref<100352xf32, #tpu.memory_space<vmem_shared>>) offsets(%dma_start3A_76 : memref<128xi32, #tpu.memory_space<vmem>>) semaphore(%arg9 : memref<!tpu.dma_semaphore, #tpu.memory_space<semaphore_mem>>) {add = true}
      %dma_start3A_79 = arith.constant 8 : i32
      %dma_start3A_80 = arith.constant 1 : i32
      %dma_start3A_81 = arith.constant 0 : i32
      %dma_start3A_82 = tpu.memref_slice %arg6[%dma_start3A_79, %dma_start3A_80, %dma_start3A_81] : memref<16x2x128xi32, #tpu.memory_space<vmem>> -> memref<1x1x128xi32, #tpu.memory_space<vmem>>
      %dma_start3A_83 = tpu.memref_squeeze %dma_start3A_82 : memref<1x1x128xi32, #tpu.memory_space<vmem>> -> memref<128xi32, #tpu.memory_space<vmem>>
      %dma_start3A_84 = arith.constant 0 : i32
      %dma_start3A_85 = tpu.memref_slice %arg8[%dma_start3A_84] : memref<100352xf32, #tpu.memory_space<vmem_shared>> -> memref<100352xf32, #tpu.memory_space<vmem_shared>>
      tpu.enqueue_indirect_dma source(%arg7 : memref<128xf32, #tpu.memory_space<vmem>>) target(%dma_start3A_85 : memref<100352xf32, #tpu.memory_space<vmem_shared>>) offsets(%dma_start3A_83 : memref<128xi32, #tpu.memory_space<vmem>>) semaphore(%arg9 : memref<!tpu.dma_semaphore, #tpu.memory_space<semaphore_mem>>) {add = true}
      %dma_start3A_86 = arith.constant 9 : i32
      %dma_start3A_87 = arith.constant 1 : i32
      %dma_start3A_88 = arith.constant 0 : i32
      %dma_start3A_89 = tpu.memref_slice %arg6[%dma_start3A_86, %dma_start3A_87, %dma_start3A_88] : memref<16x2x128xi32, #tpu.memory_space<vmem>> -> memref<1x1x128xi32, #tpu.memory_space<vmem>>
      %dma_start3A_90 = tpu.memref_squeeze %dma_start3A_89 : memref<1x1x128xi32, #tpu.memory_space<vmem>> -> memref<128xi32, #tpu.memory_space<vmem>>
      %dma_start3A_91 = arith.constant 0 : i32
      %dma_start3A_92 = tpu.memref_slice %arg8[%dma_start3A_91] : memref<100352xf32, #tpu.memory_space<vmem_shared>> -> memref<100352xf32, #tpu.memory_space<vmem_shared>>
      tpu.enqueue_indirect_dma source(%arg7 : memref<128xf32, #tpu.memory_space<vmem>>) target(%dma_start3A_92 : memref<100352xf32, #tpu.memory_space<vmem_shared>>) offsets(%dma_start3A_90 : memref<128xi32, #tpu.memory_space<vmem>>) semaphore(%arg9 : memref<!tpu.dma_semaphore, #tpu.memory_space<semaphore_mem>>) {add = true}
      %dma_start3A_93 = arith.constant 10 : i32
      %dma_start3A_94 = arith.constant 1 : i32
      %dma_start3A_95 = arith.constant 0 : i32
      %dma_start3A_96 = tpu.memref_slice %arg6[%dma_start3A_93, %dma_start3A_94, %dma_start3A_95] : memref<16x2x128xi32, #tpu.memory_space<vmem>> -> memref<1x1x128xi32, #tpu.memory_space<vmem>>
      %dma_start3A_97 = tpu.memref_squeeze %dma_start3A_96 : memref<1x1x128xi32, #tpu.memory_space<vmem>> -> memref<128xi32, #tpu.memory_space<vmem>>
      %dma_start3A_98 = arith.constant 0 : i32
      %dma_start3A_99 = tpu.memref_slice %arg8[%dma_start3A_98] : memref<100352xf32, #tpu.memory_space<vmem_shared>> -> memref<100352xf32, #tpu.memory_space<vmem_shared>>
      tpu.enqueue_indirect_dma source(%arg7 : memref<128xf32, #tpu.memory_space<vmem>>) target(%dma_start3A_99 : memref<100352xf32, #tpu.memory_space<vmem_shared>>) offsets(%dma_start3A_97 : memref<128xi32, #tpu.memory_space<vmem>>) semaphore(%arg9 : memref<!tpu.dma_semaphore, #tpu.memory_space<semaphore_mem>>) {add = true}
      %dma_start3A_100 = arith.constant 11 : i32
      %dma_start3A_101 = arith.constant 1 : i32
      %dma_start3A_102 = arith.constant 0 : i32
      %dma_start3A_103 = tpu.memref_slice %arg6[%dma_start3A_100, %dma_start3A_101, %dma_start3A_102] : memref<16x2x128xi32, #tpu.memory_space<vmem>> -> memref<1x1x128xi32, #tpu.memory_space<vmem>>
      %dma_start3A_104 = tpu.memref_squeeze %dma_start3A_103 : memref<1x1x128xi32, #tpu.memory_space<vmem>> -> memref<128xi32, #tpu.memory_space<vmem>>
      %dma_start3A_105 = arith.constant 0 : i32
      %dma_start3A_106 = tpu.memref_slice %arg8[%dma_start3A_105] : memref<100352xf32, #tpu.memory_space<vmem_shared>> -> memref<100352xf32, #tpu.memory_space<vmem_shared>>
      tpu.enqueue_indirect_dma source(%arg7 : memref<128xf32, #tpu.memory_space<vmem>>) target(%dma_start3A_106 : memref<100352xf32, #tpu.memory_space<vmem_shared>>) offsets(%dma_start3A_104 : memref<128xi32, #tpu.memory_space<vmem>>) semaphore(%arg9 : memref<!tpu.dma_semaphore, #tpu.memory_space<semaphore_mem>>) {add = true}
      %dma_start3A_107 = arith.constant 12 : i32
      %dma_start3A_108 = arith.constant 1 : i32
      %dma_start3A_109 = arith.constant 0 : i32
      %dma_start3A_110 = tpu.memref_slice %arg6[%dma_start3A_107, %dma_start3A_108, %dma_start3A_109] : memref<16x2x128xi32, #tpu.memory_space<vmem>> -> memref<1x1x128xi32, #tpu.memory_space<vmem>>
      %dma_start3A_111 = tpu.memref_squeeze %dma_start3A_110 : memref<1x1x128xi32, #tpu.memory_space<vmem>> -> memref<128xi32, #tpu.memory_space<vmem>>
      %dma_start3A_112 = arith.constant 0 : i32
      %dma_start3A_113 = tpu.memref_slice %arg8[%dma_start3A_112] : memref<100352xf32, #tpu.memory_space<vmem_shared>> -> memref<100352xf32, #tpu.memory_space<vmem_shared>>
      tpu.enqueue_indirect_dma source(%arg7 : memref<128xf32, #tpu.memory_space<vmem>>) target(%dma_start3A_113 : memref<100352xf32, #tpu.memory_space<vmem_shared>>) offsets(%dma_start3A_111 : memref<128xi32, #tpu.memory_space<vmem>>) semaphore(%arg9 : memref<!tpu.dma_semaphore, #tpu.memory_space<semaphore_mem>>) {add = true}
      %dma_start3A_114 = arith.constant 13 : i32
      %dma_start3A_115 = arith.constant 1 : i32
      %dma_start3A_116 = arith.constant 0 : i32
      %dma_start3A_117 = tpu.memref_slice %arg6[%dma_start3A_114, %dma_start3A_115, %dma_start3A_116] : memref<16x2x128xi32, #tpu.memory_space<vmem>> -> memref<1x1x128xi32, #tpu.memory_space<vmem>>
      %dma_start3A_118 = tpu.memref_squeeze %dma_start3A_117 : memref<1x1x128xi32, #tpu.memory_space<vmem>> -> memref<128xi32, #tpu.memory_space<vmem>>
      %dma_start3A_119 = arith.constant 0 : i32
      %dma_start3A_120 = tpu.memref_slice %arg8[%dma_start3A_119] : memref<100352xf32, #tpu.memory_space<vmem_shared>> -> memref<100352xf32, #tpu.memory_space<vmem_shared>>
      tpu.enqueue_indirect_dma source(%arg7 : memref<128xf32, #tpu.memory_space<vmem>>) target(%dma_start3A_120 : memref<100352xf32, #tpu.memory_space<vmem_shared>>) offsets(%dma_start3A_118 : memref<128xi32, #tpu.memory_space<vmem>>) semaphore(%arg9 : memref<!tpu.dma_semaphore, #tpu.memory_space<semaphore_mem>>) {add = true}
      %dma_start3A_121 = arith.constant 14 : i32
      %dma_start3A_122 = arith.constant 1 : i32
      %dma_start3A_123 = arith.constant 0 : i32
      %dma_start3A_124 = tpu.memref_slice %arg6[%dma_start3A_121, %dma_start3A_122, %dma_start3A_123] : memref<16x2x128xi32, #tpu.memory_space<vmem>> -> memref<1x1x128xi32, #tpu.memory_space<vmem>>
      %dma_start3A_125 = tpu.memref_squeeze %dma_start3A_124 : memref<1x1x128xi32, #tpu.memory_space<vmem>> -> memref<128xi32, #tpu.memory_space<vmem>>
      %dma_start3A_126 = arith.constant 0 : i32
      %dma_start3A_127 = tpu.memref_slice %arg8[%dma_start3A_126] : memref<100352xf32, #tpu.memory_space<vmem_shared>> -> memref<100352xf32, #tpu.memory_space<vmem_shared>>
      tpu.enqueue_indirect_dma source(%arg7 : memref<128xf32, #tpu.memory_space<vmem>>) target(%dma_start3A_127 : memref<100352xf32, #tpu.memory_space<vmem_shared>>) offsets(%dma_start3A_125 : memref<128xi32, #tpu.memory_space<vmem>>) semaphore(%arg9 : memref<!tpu.dma_semaphore, #tpu.memory_space<semaphore_mem>>) {add = true}
      %dma_start3A_128 = arith.constant 15 : i32
      %dma_start3A_129 = arith.constant 1 : i32
      %dma_start3A_130 = arith.constant 0 : i32
      %dma_start3A_131 = tpu.memref_slice %arg6[%dma_start3A_128, %dma_start3A_129, %dma_start3A_130] : memref<16x2x128xi32, #tpu.memory_space<vmem>> -> memref<1x1x128xi32, #tpu.memory_space<vmem>>
      %dma_start3A_132 = tpu.memref_squeeze %dma_start3A_131 : memref<1x1x128xi32, #tpu.memory_space<vmem>> -> memref<128xi32, #tpu.memory_space<vmem>>
      %dma_start3A_133 = arith.constant 0 : i32
      %dma_start3A_134 = tpu.memref_slice %arg8[%dma_start3A_133] : memref<100352xf32, #tpu.memory_space<vmem_shared>> -> memref<100352xf32, #tpu.memory_space<vmem_shared>>
      tpu.enqueue_indirect_dma source(%arg7 : memref<128xf32, #tpu.memory_space<vmem>>) target(%dma_start3A_134 : memref<100352xf32, #tpu.memory_space<vmem_shared>>) offsets(%dma_start3A_132 : memref<128xi32, #tpu.memory_space<vmem>>) semaphore(%arg9 : memref<!tpu.dma_semaphore, #tpu.memory_space<semaphore_mem>>) {add = true}
      %dma_wait3A = arith.constant 0 : i32
      %dma_wait3A_135 = arith.constant 1 : i32
      %dma_wait3A_136 = arith.constant 0 : i32
      %dma_wait3A_137 = tpu.memref_slice %arg6[%dma_wait3A, %dma_wait3A_135, %dma_wait3A_136] : memref<16x2x128xi32, #tpu.memory_space<vmem>> -> memref<1x1x128xi32, #tpu.memory_space<vmem>>
      %dma_wait3A_138 = tpu.memref_squeeze %dma_wait3A_137 : memref<1x1x128xi32, #tpu.memory_space<vmem>> -> memref<128xi32, #tpu.memory_space<vmem>>
      %dma_wait3A_139 = arith.constant 0 : i32
      %dma_wait3A_140 = tpu.memref_slice %arg8[%dma_wait3A_139] : memref<100352xf32, #tpu.memory_space<vmem_shared>> -> memref<100352xf32, #tpu.memory_space<vmem_shared>>
      tpu.wait_indirect_dma semaphore(%arg9 : memref<!tpu.dma_semaphore, #tpu.memory_space<semaphore_mem>>) src(%arg7 : memref<128xf32, #tpu.memory_space<vmem>>) dst(%dma_wait3A_140 : memref<100352xf32, #tpu.memory_space<vmem_shared>>)
      %dma_wait3A_141 = arith.constant 1 : i32
      %dma_wait3A_142 = arith.constant 1 : i32
      %dma_wait3A_143 = arith.constant 0 : i32
      %dma_wait3A_144 = tpu.memref_slice %arg6[%dma_wait3A_141, %dma_wait3A_142, %dma_wait3A_143] : memref<16x2x128xi32, #tpu.memory_space<vmem>> -> memref<1x1x128xi32, #tpu.memory_space<vmem>>
      %dma_wait3A_145 = tpu.memref_squeeze %dma_wait3A_144 : memref<1x1x128xi32, #tpu.memory_space<vmem>> -> memref<128xi32, #tpu.memory_space<vmem>>
      %dma_wait3A_146 = arith.constant 0 : i32
      %dma_wait3A_147 = tpu.memref_slice %arg8[%dma_wait3A_146] : memref<100352xf32, #tpu.memory_space<vmem_shared>> -> memref<100352xf32, #tpu.memory_space<vmem_shared>>
      tpu.wait_indirect_dma semaphore(%arg9 : memref<!tpu.dma_semaphore, #tpu.memory_space<semaphore_mem>>) src(%arg7 : memref<128xf32, #tpu.memory_space<vmem>>) dst(%dma_wait3A_147 : memref<100352xf32, #tpu.memory_space<vmem_shared>>)
      %dma_wait3A_148 = arith.constant 2 : i32
      %dma_wait3A_149 = arith.constant 1 : i32
      %dma_wait3A_150 = arith.constant 0 : i32
      %dma_wait3A_151 = tpu.memref_slice %arg6[%dma_wait3A_148, %dma_wait3A_149, %dma_wait3A_150] : memref<16x2x128xi32, #tpu.memory_space<vmem>> -> memref<1x1x128xi32, #tpu.memory_space<vmem>>
      %dma_wait3A_152 = tpu.memref_squeeze %dma_wait3A_151 : memref<1x1x128xi32, #tpu.memory_space<vmem>> -> memref<128xi32, #tpu.memory_space<vmem>>
      %dma_wait3A_153 = arith.constant 0 : i32
      %dma_wait3A_154 = tpu.memref_slice %arg8[%dma_wait3A_153] : memref<100352xf32, #tpu.memory_space<vmem_shared>> -> memref<100352xf32, #tpu.memory_space<vmem_shared>>
      tpu.wait_indirect_dma semaphore(%arg9 : memref<!tpu.dma_semaphore, #tpu.memory_space<semaphore_mem>>) src(%arg7 : memref<128xf32, #tpu.memory_space<vmem>>) dst(%dma_wait3A_154 : memref<100352xf32, #tpu.memory_space<vmem_shared>>)
      %dma_wait3A_155 = arith.constant 3 : i32
      %dma_wait3A_156 = arith.constant 1 : i32
      %dma_wait3A_157 = arith.constant 0 : i32
      %dma_wait3A_158 = tpu.memref_slice %arg6[%dma_wait3A_155, %dma_wait3A_156, %dma_wait3A_157] : memref<16x2x128xi32, #tpu.memory_space<vmem>> -> memref<1x1x128xi32, #tpu.memory_space<vmem>>
      %dma_wait3A_159 = tpu.memref_squeeze %dma_wait3A_158 : memref<1x1x128xi32, #tpu.memory_space<vmem>> -> memref<128xi32, #tpu.memory_space<vmem>>
      %dma_wait3A_160 = arith.constant 0 : i32
      %dma_wait3A_161 = tpu.memref_slice %arg8[%dma_wait3A_160] : memref<100352xf32, #tpu.memory_space<vmem_shared>> -> memref<100352xf32, #tpu.memory_space<vmem_shared>>
      tpu.wait_indirect_dma semaphore(%arg9 : memref<!tpu.dma_semaphore, #tpu.memory_space<semaphore_mem>>) src(%arg7 : memref<128xf32, #tpu.memory_space<vmem>>) dst(%dma_wait3A_161 : memref<100352xf32, #tpu.memory_space<vmem_shared>>)
      %dma_wait3A_162 = arith.constant 4 : i32
      %dma_wait3A_163 = arith.constant 1 : i32
      %dma_wait3A_164 = arith.constant 0 : i32
      %dma_wait3A_165 = tpu.memref_slice %arg6[%dma_wait3A_162, %dma_wait3A_163, %dma_wait3A_164] : memref<16x2x128xi32, #tpu.memory_space<vmem>> -> memref<1x1x128xi32, #tpu.memory_space<vmem>>
      %dma_wait3A_166 = tpu.memref_squeeze %dma_wait3A_165 : memref<1x1x128xi32, #tpu.memory_space<vmem>> -> memref<128xi32, #tpu.memory_space<vmem>>
      %dma_wait3A_167 = arith.constant 0 : i32
      %dma_wait3A_168 = tpu.memref_slice %arg8[%dma_wait3A_167] : memref<100352xf32, #tpu.memory_space<vmem_shared>> -> memref<100352xf32, #tpu.memory_space<vmem_shared>>
      tpu.wait_indirect_dma semaphore(%arg9 : memref<!tpu.dma_semaphore, #tpu.memory_space<semaphore_mem>>) src(%arg7 : memref<128xf32, #tpu.memory_space<vmem>>) dst(%dma_wait3A_168 : memref<100352xf32, #tpu.memory_space<vmem_shared>>)
      %dma_wait3A_169 = arith.constant 5 : i32
      %dma_wait3A_170 = arith.constant 1 : i32
      %dma_wait3A_171 = arith.constant 0 : i32
      %dma_wait3A_172 = tpu.memref_slice %arg6[%dma_wait3A_169, %dma_wait3A_170, %dma_wait3A_171] : memref<16x2x128xi32, #tpu.memory_space<vmem>> -> memref<1x1x128xi32, #tpu.memory_space<vmem>>
      %dma_wait3A_173 = tpu.memref_squeeze %dma_wait3A_172 : memref<1x1x128xi32, #tpu.memory_space<vmem>> -> memref<128xi32, #tpu.memory_space<vmem>>
      %dma_wait3A_174 = arith.constant 0 : i32
      %dma_wait3A_175 = tpu.memref_slice %arg8[%dma_wait3A_174] : memref<100352xf32, #tpu.memory_space<vmem_shared>> -> memref<100352xf32, #tpu.memory_space<vmem_shared>>
      tpu.wait_indirect_dma semaphore(%arg9 : memref<!tpu.dma_semaphore, #tpu.memory_space<semaphore_mem>>) src(%arg7 : memref<128xf32, #tpu.memory_space<vmem>>) dst(%dma_wait3A_175 : memref<100352xf32, #tpu.memory_space<vmem_shared>>)
      %dma_wait3A_176 = arith.constant 6 : i32
      %dma_wait3A_177 = arith.constant 1 : i32
      %dma_wait3A_178 = arith.constant 0 : i32
      %dma_wait3A_179 = tpu.memref_slice %arg6[%dma_wait3A_176, %dma_wait3A_177, %dma_wait3A_178] : memref<16x2x128xi32, #tpu.memory_space<vmem>> -> memref<1x1x128xi32, #tpu.memory_space<vmem>>
      %dma_wait3A_180 = tpu.memref_squeeze %dma_wait3A_179 : memref<1x1x128xi32, #tpu.memory_space<vmem>> -> memref<128xi32, #tpu.memory_space<vmem>>
      %dma_wait3A_181 = arith.constant 0 : i32
      %dma_wait3A_182 = tpu.memref_slice %arg8[%dma_wait3A_181] : memref<100352xf32, #tpu.memory_space<vmem_shared>> -> memref<100352xf32, #tpu.memory_space<vmem_shared>>
      tpu.wait_indirect_dma semaphore(%arg9 : memref<!tpu.dma_semaphore, #tpu.memory_space<semaphore_mem>>) src(%arg7 : memref<128xf32, #tpu.memory_space<vmem>>) dst(%dma_wait3A_182 : memref<100352xf32, #tpu.memory_space<vmem_shared>>)
      %dma_wait3A_183 = arith.constant 7 : i32
      %dma_wait3A_184 = arith.constant 1 : i32
      %dma_wait3A_185 = arith.constant 0 : i32
      %dma_wait3A_186 = tpu.memref_slice %arg6[%dma_wait3A_183, %dma_wait3A_184, %dma_wait3A_185] : memref<16x2x128xi32, #tpu.memory_space<vmem>> -> memref<1x1x128xi32, #tpu.memory_space<vmem>>
      %dma_wait3A_187 = tpu.memref_squeeze %dma_wait3A_186 : memref<1x1x128xi32, #tpu.memory_space<vmem>> -> memref<128xi32, #tpu.memory_space<vmem>>
      %dma_wait3A_188 = arith.constant 0 : i32
      %dma_wait3A_189 = tpu.memref_slice %arg8[%dma_wait3A_188] : memref<100352xf32, #tpu.memory_space<vmem_shared>> -> memref<100352xf32, #tpu.memory_space<vmem_shared>>
      tpu.wait_indirect_dma semaphore(%arg9 : memref<!tpu.dma_semaphore, #tpu.memory_space<semaphore_mem>>) src(%arg7 : memref<128xf32, #tpu.memory_space<vmem>>) dst(%dma_wait3A_189 : memref<100352xf32, #tpu.memory_space<vmem_shared>>)
      %dma_wait3A_190 = arith.constant 8 : i32
      %dma_wait3A_191 = arith.constant 1 : i32
      %dma_wait3A_192 = arith.constant 0 : i32
      %dma_wait3A_193 = tpu.memref_slice %arg6[%dma_wait3A_190, %dma_wait3A_191, %dma_wait3A_192] : memref<16x2x128xi32, #tpu.memory_space<vmem>> -> memref<1x1x128xi32, #tpu.memory_space<vmem>>
      %dma_wait3A_194 = tpu.memref_squeeze %dma_wait3A_193 : memref<1x1x128xi32, #tpu.memory_space<vmem>> -> memref<128xi32, #tpu.memory_space<vmem>>
      %dma_wait3A_195 = arith.constant 0 : i32
      %dma_wait3A_196 = tpu.memref_slice %arg8[%dma_wait3A_195] : memref<100352xf32, #tpu.memory_space<vmem_shared>> -> memref<100352xf32, #tpu.memory_space<vmem_shared>>
      tpu.wait_indirect_dma semaphore(%arg9 : memref<!tpu.dma_semaphore, #tpu.memory_space<semaphore_mem>>) src(%arg7 : memref<128xf32, #tpu.memory_space<vmem>>) dst(%dma_wait3A_196 : memref<100352xf32, #tpu.memory_space<vmem_shared>>)
      %dma_wait3A_197 = arith.constant 9 : i32
      %dma_wait3A_198 = arith.constant 1 : i32
      %dma_wait3A_199 = arith.constant 0 : i32
      %dma_wait3A_200 = tpu.memref_slice %arg6[%dma_wait3A_197, %dma_wait3A_198, %dma_wait3A_199] : memref<16x2x128xi32, #tpu.memory_space<vmem>> -> memref<1x1x128xi32, #tpu.memory_space<vmem>>
      %dma_wait3A_201 = tpu.memref_squeeze %dma_wait3A_200 : memref<1x1x128xi32, #tpu.memory_space<vmem>> -> memref<128xi32, #tpu.memory_space<vmem>>
      %dma_wait3A_202 = arith.constant 0 : i32
      %dma_wait3A_203 = tpu.memref_slice %arg8[%dma_wait3A_202] : memref<100352xf32, #tpu.memory_space<vmem_shared>> -> memref<100352xf32, #tpu.memory_space<vmem_shared>>
      tpu.wait_indirect_dma semaphore(%arg9 : memref<!tpu.dma_semaphore, #tpu.memory_space<semaphore_mem>>) src(%arg7 : memref<128xf32, #tpu.memory_space<vmem>>) dst(%dma_wait3A_203 : memref<100352xf32, #tpu.memory_space<vmem_shared>>)
      %dma_wait3A_204 = arith.constant 10 : i32
      %dma_wait3A_205 = arith.constant 1 : i32
      %dma_wait3A_206 = arith.constant 0 : i32
      %dma_wait3A_207 = tpu.memref_slice %arg6[%dma_wait3A_204, %dma_wait3A_205, %dma_wait3A_206] : memref<16x2x128xi32, #tpu.memory_space<vmem>> -> memref<1x1x128xi32, #tpu.memory_space<vmem>>
      %dma_wait3A_208 = tpu.memref_squeeze %dma_wait3A_207 : memref<1x1x128xi32, #tpu.memory_space<vmem>> -> memref<128xi32, #tpu.memory_space<vmem>>
      %dma_wait3A_209 = arith.constant 0 : i32
      %dma_wait3A_210 = tpu.memref_slice %arg8[%dma_wait3A_209] : memref<100352xf32, #tpu.memory_space<vmem_shared>> -> memref<100352xf32, #tpu.memory_space<vmem_shared>>
      tpu.wait_indirect_dma semaphore(%arg9 : memref<!tpu.dma_semaphore, #tpu.memory_space<semaphore_mem>>) src(%arg7 : memref<128xf32, #tpu.memory_space<vmem>>) dst(%dma_wait3A_210 : memref<100352xf32, #tpu.memory_space<vmem_shared>>)
      %dma_wait3A_211 = arith.constant 11 : i32
      %dma_wait3A_212 = arith.constant 1 : i32
      %dma_wait3A_213 = arith.constant 0 : i32
      %dma_wait3A_214 = tpu.memref_slice %arg6[%dma_wait3A_211, %dma_wait3A_212, %dma_wait3A_213] : memref<16x2x128xi32, #tpu.memory_space<vmem>> -> memref<1x1x128xi32, #tpu.memory_space<vmem>>
      %dma_wait3A_215 = tpu.memref_squeeze %dma_wait3A_214 : memref<1x1x128xi32, #tpu.memory_space<vmem>> -> memref<128xi32, #tpu.memory_space<vmem>>
      %dma_wait3A_216 = arith.constant 0 : i32
      %dma_wait3A_217 = tpu.memref_slice %arg8[%dma_wait3A_216] : memref<100352xf32, #tpu.memory_space<vmem_shared>> -> memref<100352xf32, #tpu.memory_space<vmem_shared>>
      tpu.wait_indirect_dma semaphore(%arg9 : memref<!tpu.dma_semaphore, #tpu.memory_space<semaphore_mem>>) src(%arg7 : memref<128xf32, #tpu.memory_space<vmem>>) dst(%dma_wait3A_217 : memref<100352xf32, #tpu.memory_space<vmem_shared>>)
      %dma_wait3A_218 = arith.constant 12 : i32
      %dma_wait3A_219 = arith.constant 1 : i32
      %dma_wait3A_220 = arith.constant 0 : i32
      %dma_wait3A_221 = tpu.memref_slice %arg6[%dma_wait3A_218, %dma_wait3A_219, %dma_wait3A_220] : memref<16x2x128xi32, #tpu.memory_space<vmem>> -> memref<1x1x128xi32, #tpu.memory_space<vmem>>
      %dma_wait3A_222 = tpu.memref_squeeze %dma_wait3A_221 : memref<1x1x128xi32, #tpu.memory_space<vmem>> -> memref<128xi32, #tpu.memory_space<vmem>>
      %dma_wait3A_223 = arith.constant 0 : i32
      %dma_wait3A_224 = tpu.memref_slice %arg8[%dma_wait3A_223] : memref<100352xf32, #tpu.memory_space<vmem_shared>> -> memref<100352xf32, #tpu.memory_space<vmem_shared>>
      tpu.wait_indirect_dma semaphore(%arg9 : memref<!tpu.dma_semaphore, #tpu.memory_space<semaphore_mem>>) src(%arg7 : memref<128xf32, #tpu.memory_space<vmem>>) dst(%dma_wait3A_224 : memref<100352xf32, #tpu.memory_space<vmem_shared>>)
      %dma_wait3A_225 = arith.constant 13 : i32
      %dma_wait3A_226 = arith.constant 1 : i32
      %dma_wait3A_227 = arith.constant 0 : i32
      %dma_wait3A_228 = tpu.memref_slice %arg6[%dma_wait3A_225, %dma_wait3A_226, %dma_wait3A_227] : memref<16x2x128xi32, #tpu.memory_space<vmem>> -> memref<1x1x128xi32, #tpu.memory_space<vmem>>
      %dma_wait3A_229 = tpu.memref_squeeze %dma_wait3A_228 : memref<1x1x128xi32, #tpu.memory_space<vmem>> -> memref<128xi32, #tpu.memory_space<vmem>>
      %dma_wait3A_230 = arith.constant 0 : i32
      %dma_wait3A_231 = tpu.memref_slice %arg8[%dma_wait3A_230] : memref<100352xf32, #tpu.memory_space<vmem_shared>> -> memref<100352xf32, #tpu.memory_space<vmem_shared>>
      tpu.wait_indirect_dma semaphore(%arg9 : memref<!tpu.dma_semaphore, #tpu.memory_space<semaphore_mem>>) src(%arg7 : memref<128xf32, #tpu.memory_space<vmem>>) dst(%dma_wait3A_231 : memref<100352xf32, #tpu.memory_space<vmem_shared>>)
      %dma_wait3A_232 = arith.constant 14 : i32
      %dma_wait3A_233 = arith.constant 1 : i32
      %dma_wait3A_234 = arith.constant 0 : i32
      %dma_wait3A_235 = tpu.memref_slice %arg6[%dma_wait3A_232, %dma_wait3A_233, %dma_wait3A_234] : memref<16x2x128xi32, #tpu.memory_space<vmem>> -> memref<1x1x128xi32, #tpu.memory_space<vmem>>
      %dma_wait3A_236 = tpu.memref_squeeze %dma_wait3A_235 : memref<1x1x128xi32, #tpu.memory_space<vmem>> -> memref<128xi32, #tpu.memory_space<vmem>>
      %dma_wait3A_237 = arith.constant 0 : i32
      %dma_wait3A_238 = tpu.memref_slice %arg8[%dma_wait3A_237] : memref<100352xf32, #tpu.memory_space<vmem_shared>> -> memref<100352xf32, #tpu.memory_space<vmem_shared>>
      tpu.wait_indirect_dma semaphore(%arg9 : memref<!tpu.dma_semaphore, #tpu.memory_space<semaphore_mem>>) src(%arg7 : memref<128xf32, #tpu.memory_space<vmem>>) dst(%dma_wait3A_238 : memref<100352xf32, #tpu.memory_space<vmem_shared>>)
      %dma_wait3A_239 = arith.constant 15 : i32
      %dma_wait3A_240 = arith.constant 1 : i32
      %dma_wait3A_241 = arith.constant 0 : i32
      %dma_wait3A_242 = tpu.memref_slice %arg6[%dma_wait3A_239, %dma_wait3A_240, %dma_wait3A_241] : memref<16x2x128xi32, #tpu.memory_space<vmem>> -> memref<1x1x128xi32, #tpu.memory_space<vmem>>
      %dma_wait3A_243 = tpu.memref_squeeze %dma_wait3A_242 : memref<1x1x128xi32, #tpu.memory_space<vmem>> -> memref<128xi32, #tpu.memory_space<vmem>>
      %dma_wait3A_244 = arith.constant 0 : i32
      %dma_wait3A_245 = tpu.memref_slice %arg8[%dma_wait3A_244] : memref<100352xf32, #tpu.memory_space<vmem_shared>> -> memref<100352xf32, #tpu.memory_space<vmem_shared>>
      tpu.wait_indirect_dma semaphore(%arg9 : memref<!tpu.dma_semaphore, #tpu.memory_space<semaphore_mem>>) src(%arg7 : memref<128xf32, #tpu.memory_space<vmem>>) dst(%dma_wait3A_245 : memref<100352xf32, #tpu.memory_space<vmem_shared>>)
    }
    %scan3A_11 = arith.constant 49 : i32
    %barrier3A_12 = arith.constant 0 : index
    tpu.barrier barrier_id(%barrier3A_12)
    %mul3A_13 = arith.constant 6272 : i32
    %mul3A_14 = arith.muli %arg1, %mul3A_13 : i32
    %mul3A_15 = arith.constant 100352 : i32
    %mul3A_16 = arith.muli %arg0, %mul3A_15 : i32
    %mul3A_17 = arith.constant 6272 : i32
    %mul3A_18 = arith.muli %arg1, %mul3A_17 : i32
    %add3A_19 = arith.addi %mul3A_16, %mul3A_18 : i32
    "tpu.region"() ({
      %run_scoped3A = tpu.sem_alloc : memref<!tpu.dma_semaphore, #tpu.memory_space<semaphore_mem>>
      %dma_start3A = tpu.memref_slice %arg5[%add3A_19] : memref<200704xf32, #tpu.memory_space<hbm>> -> memref<6272xf32, #tpu.memory_space<hbm>>
      %dma_start3A_20 = tpu.memref_slice %arg8[%mul3A_14] : memref<100352xf32, #tpu.memory_space<vmem_shared>> -> memref<6272xf32, #tpu.memory_space<vmem_shared>>
      tpu.enqueue_dma source(%dma_start3A_20 : memref<6272xf32, #tpu.memory_space<vmem_shared>>) target(%dma_start3A : memref<6272xf32, #tpu.memory_space<hbm>>) target_semaphore(%run_scoped3A : memref<!tpu.dma_semaphore, #tpu.memory_space<semaphore_mem>>)
      %dma_wait3A = tpu.memref_slice %arg5[%add3A_19] : memref<200704xf32, #tpu.memory_space<hbm>> -> memref<6272xf32, #tpu.memory_space<hbm>>
      %dma_wait3A_21 = tpu.memref_slice %arg8[%mul3A_14] : memref<100352xf32, #tpu.memory_space<vmem_shared>> -> memref<6272xf32, #tpu.memory_space<vmem_shared>>
      tpu.wait_dma2 semaphore(%run_scoped3A : memref<!tpu.dma_semaphore, #tpu.memory_space<semaphore_mem>>) src(%dma_wait3A_21 : memref<6272xf32, #tpu.memory_space<vmem_shared>>) dst(%dma_wait3A : memref<6272xf32, #tpu.memory_space<hbm>>)
      tpu.yield
    }) : () -> ()
    return
  }
}

#map = affine_map<(d0, d1) -> (0, 0)>
#map1 = affine_map<(d0, d1) -> (0, 0, 0)>
module attributes {stable_mosaic.version = 14 : i64} {
  func.func @agg(%arg0: i32, %arg1: i32, %arg2: memref<100352x16xf32, #tpu.memory_space<hbm>>, %arg3: memref<25344x2x128xi32, #tpu.memory_space<hbm>>, %arg4: memref<200704x16xf32, #tpu.memory_space<hbm>>, %arg5: memref<12x2x128xi32, #tpu.memory_space<vmem>>, %arg6: memref<768x16xf32, #tpu.memory_space<vmem>>, %arg7: memref<768x16xf32, #tpu.memory_space<vmem>>, %arg8: memref<100352x16xf32, #tpu.memory_space<vmem_shared>>, %arg9: memref<!tpu.dma_semaphore, #tpu.memory_space<semaphore_mem>>, %arg10: memref<!tpu.dma_semaphore, #tpu.memory_space<semaphore_mem>>, %arg11: memref<!tpu.dma_semaphore, #tpu.memory_space<semaphore_mem>>) attributes {dimension_semantics = [#tpu.dimension_semantics<core_parallel>, #tpu.dimension_semantics<subcore_parallel>], iteration_bounds = array<i64: 2, 16>, scalar_prefetch = 0 : i64, scratch_operands = 7 : i64, tpu.core_type = #tpu.core_type<sc_vector_subcore>, window_params = [{transform_indices = #map}, {transform_indices = #map1}, {transform_indices = #map}]} {
    %mul3A = arith.constant 6272 : i32
    %mul3A_0 = arith.muli %arg1, %mul3A : i32
    %mul3A_1 = arith.constant 6272 : i32
    %mul3A_2 = arith.muli %arg1, %mul3A_1 : i32
    "tpu.region"() ({
      %run_scoped3A = tpu.sem_alloc : memref<!tpu.dma_semaphore, #tpu.memory_space<semaphore_mem>>
      %dma_start3A_428 = arith.constant 0 : i32
      %dma_start3A_429 = tpu.memref_slice %arg8[%mul3A_2, %dma_start3A_428] : memref<100352x16xf32, #tpu.memory_space<vmem_shared>> -> memref<6272x16xf32, #tpu.memory_space<vmem_shared>>
      %dma_start3A_430 = arith.constant 0 : i32
      %dma_start3A_431 = tpu.memref_slice %arg2[%mul3A_0, %dma_start3A_430] : memref<100352x16xf32, #tpu.memory_space<hbm>> -> memref<6272x16xf32, #tpu.memory_space<hbm>>
      tpu.enqueue_dma source(%dma_start3A_431 : memref<6272x16xf32, #tpu.memory_space<hbm>>) target(%dma_start3A_429 : memref<6272x16xf32, #tpu.memory_space<vmem_shared>>) target_semaphore(%run_scoped3A : memref<!tpu.dma_semaphore, #tpu.memory_space<semaphore_mem>>)
      %dma_wait3A_432 = arith.constant 0 : i32
      %dma_wait3A_433 = tpu.memref_slice %arg8[%mul3A_2, %dma_wait3A_432] : memref<100352x16xf32, #tpu.memory_space<vmem_shared>> -> memref<6272x16xf32, #tpu.memory_space<vmem_shared>>
      %dma_wait3A_434 = arith.constant 0 : i32
      %dma_wait3A_435 = tpu.memref_slice %arg2[%mul3A_0, %dma_wait3A_434] : memref<100352x16xf32, #tpu.memory_space<hbm>> -> memref<6272x16xf32, #tpu.memory_space<hbm>>
      tpu.wait_dma2 semaphore(%run_scoped3A : memref<!tpu.dma_semaphore, #tpu.memory_space<semaphore_mem>>) src(%dma_wait3A_435 : memref<6272x16xf32, #tpu.memory_space<hbm>>) dst(%dma_wait3A_433 : memref<6272x16xf32, #tpu.memory_space<vmem_shared>>)
      tpu.yield
    }) : () -> ()
    %barrier3A = arith.constant 0 : index
    tpu.barrier barrier_id(%barrier3A)
    %mul3A_3 = arith.constant 16 : i32
    %mul3A_4 = arith.muli %arg0, %mul3A_3 : i32
    %add3A = arith.addi %mul3A_4, %arg1 : i32
    %mul3A_5 = arith.constant 792 : i32
    %mul3A_6 = arith.muli %add3A, %mul3A_5 : i32
    %add3A_7 = arith.constant 0 : i32
    %add3A_8 = arith.addi %mul3A_6, %add3A_7 : i32
    "tpu.region"() ({
      %run_scoped3A = tpu.sem_alloc : memref<!tpu.dma_semaphore, #tpu.memory_space<semaphore_mem>>
      %dma_start3A_428 = arith.constant 0 : i32
      %dma_start3A_429 = arith.constant 0 : i32
      %dma_start3A_430 = tpu.memref_slice %arg3[%add3A_8, %dma_start3A_428, %dma_start3A_429] : memref<25344x2x128xi32, #tpu.memory_space<hbm>> -> memref<12x2x128xi32, #tpu.memory_space<hbm>>
      %dma_start3A_431 = arith.constant 0 : i32
      %dma_start3A_432 = arith.constant 0 : i32
      %dma_start3A_433 = tpu.memref_slice %arg3[%add3A_8, %dma_start3A_431, %dma_start3A_432] : memref<25344x2x128xi32, #tpu.memory_space<hbm>> -> memref<12x2x128xi32, #tpu.memory_space<hbm>>
      tpu.enqueue_dma source(%dma_start3A_433 : memref<12x2x128xi32, #tpu.memory_space<hbm>>) target(%arg5 : memref<12x2x128xi32, #tpu.memory_space<vmem>>) target_semaphore(%run_scoped3A : memref<!tpu.dma_semaphore, #tpu.memory_space<semaphore_mem>>)
      %dma_wait3A_434 = arith.constant 0 : i32
      %dma_wait3A_435 = arith.constant 0 : i32
      %dma_wait3A_436 = tpu.memref_slice %arg3[%add3A_8, %dma_wait3A_434, %dma_wait3A_435] : memref<25344x2x128xi32, #tpu.memory_space<hbm>> -> memref<12x2x128xi32, #tpu.memory_space<hbm>>
      %dma_wait3A_437 = arith.constant 0 : i32
      %dma_wait3A_438 = arith.constant 0 : i32
      %dma_wait3A_439 = tpu.memref_slice %arg3[%add3A_8, %dma_wait3A_437, %dma_wait3A_438] : memref<25344x2x128xi32, #tpu.memory_space<hbm>> -> memref<12x2x128xi32, #tpu.memory_space<hbm>>
      tpu.wait_dma2 semaphore(%run_scoped3A : memref<!tpu.dma_semaphore, #tpu.memory_space<semaphore_mem>>) src(%dma_wait3A_439 : memref<12x2x128xi32, #tpu.memory_space<hbm>>) dst(%arg5 : memref<12x2x128xi32, #tpu.memory_space<vmem>>)
      tpu.yield
    }) : () -> ()
    %dma_start3A = arith.constant 0 : i32
    %dma_start3A_9 = arith.constant 0 : i32
    %dma_start3A_10 = arith.constant 0 : i32
    %dma_start3A_11 = arith.constant 0 : i32
    %dma_start3A_12 = tpu.memref_slice %arg6[%dma_start3A_10, %dma_start3A_11] : memref<768x16xf32, #tpu.memory_space<vmem>> -> memref<128x16xf32, #tpu.memory_space<vmem>>
    %dma_start3A_13 = arith.constant 0 : i32
    %dma_start3A_14 = tpu.memref_slice %arg5[%dma_start3A, %dma_start3A_9, %dma_start3A_13] : memref<12x2x128xi32, #tpu.memory_space<vmem>> -> memref<1x1x128xi32, #tpu.memory_space<vmem>>
    %dma_start3A_15 = tpu.memref_squeeze %dma_start3A_14 : memref<1x1x128xi32, #tpu.memory_space<vmem>> -> memref<128xi32, #tpu.memory_space<vmem>>
    %dma_start3A_16 = arith.constant 0 : i32
    %dma_start3A_17 = arith.constant 0 : i32
    %dma_start3A_18 = tpu.memref_slice %arg2[%dma_start3A_16, %dma_start3A_17] : memref<100352x16xf32, #tpu.memory_space<hbm>> -> memref<100352x16xf32, #tpu.memory_space<hbm>>
    tpu.enqueue_indirect_dma source(%dma_start3A_18 : memref<100352x16xf32, #tpu.memory_space<hbm>>) target(%dma_start3A_12 : memref<128x16xf32, #tpu.memory_space<vmem>>) offsets(%dma_start3A_15 : memref<128xi32, #tpu.memory_space<vmem>>) semaphore(%arg9 : memref<!tpu.dma_semaphore, #tpu.memory_space<semaphore_mem>>)
    %dma_start3A_19 = arith.constant 1 : i32
    %dma_start3A_20 = arith.constant 0 : i32
    %dma_start3A_21 = arith.constant 128 : i32
    %dma_start3A_22 = arith.constant 0 : i32
    %dma_start3A_23 = tpu.memref_slice %arg6[%dma_start3A_21, %dma_start3A_22] : memref<768x16xf32, #tpu.memory_space<vmem>> -> memref<128x16xf32, #tpu.memory_space<vmem>>
    %dma_start3A_24 = arith.constant 0 : i32
    %dma_start3A_25 = tpu.memref_slice %arg5[%dma_start3A_19, %dma_start3A_20, %dma_start3A_24] : memref<12x2x128xi32, #tpu.memory_space<vmem>> -> memref<1x1x128xi32, #tpu.memory_space<vmem>>
    %dma_start3A_26 = tpu.memref_squeeze %dma_start3A_25 : memref<1x1x128xi32, #tpu.memory_space<vmem>> -> memref<128xi32, #tpu.memory_space<vmem>>
    %dma_start3A_27 = arith.constant 0 : i32
    %dma_start3A_28 = arith.constant 0 : i32
    %dma_start3A_29 = tpu.memref_slice %arg2[%dma_start3A_27, %dma_start3A_28] : memref<100352x16xf32, #tpu.memory_space<hbm>> -> memref<100352x16xf32, #tpu.memory_space<hbm>>
    tpu.enqueue_indirect_dma source(%dma_start3A_29 : memref<100352x16xf32, #tpu.memory_space<hbm>>) target(%dma_start3A_23 : memref<128x16xf32, #tpu.memory_space<vmem>>) offsets(%dma_start3A_26 : memref<128xi32, #tpu.memory_space<vmem>>) semaphore(%arg9 : memref<!tpu.dma_semaphore, #tpu.memory_space<semaphore_mem>>)
    %dma_start3A_30 = arith.constant 2 : i32
    %dma_start3A_31 = arith.constant 0 : i32
    %dma_start3A_32 = arith.constant 256 : i32
    %dma_start3A_33 = arith.constant 0 : i32
    %dma_start3A_34 = tpu.memref_slice %arg6[%dma_start3A_32, %dma_start3A_33] : memref<768x16xf32, #tpu.memory_space<vmem>> -> memref<128x16xf32, #tpu.memory_space<vmem>>
    %dma_start3A_35 = arith.constant 0 : i32
    %dma_start3A_36 = tpu.memref_slice %arg5[%dma_start3A_30, %dma_start3A_31, %dma_start3A_35] : memref<12x2x128xi32, #tpu.memory_space<vmem>> -> memref<1x1x128xi32, #tpu.memory_space<vmem>>
    %dma_start3A_37 = tpu.memref_squeeze %dma_start3A_36 : memref<1x1x128xi32, #tpu.memory_space<vmem>> -> memref<128xi32, #tpu.memory_space<vmem>>
    %dma_start3A_38 = arith.constant 0 : i32
    %dma_start3A_39 = arith.constant 0 : i32
    %dma_start3A_40 = tpu.memref_slice %arg2[%dma_start3A_38, %dma_start3A_39] : memref<100352x16xf32, #tpu.memory_space<hbm>> -> memref<100352x16xf32, #tpu.memory_space<hbm>>
    tpu.enqueue_indirect_dma source(%dma_start3A_40 : memref<100352x16xf32, #tpu.memory_space<hbm>>) target(%dma_start3A_34 : memref<128x16xf32, #tpu.memory_space<vmem>>) offsets(%dma_start3A_37 : memref<128xi32, #tpu.memory_space<vmem>>) semaphore(%arg9 : memref<!tpu.dma_semaphore, #tpu.memory_space<semaphore_mem>>)
    %dma_start3A_41 = arith.constant 3 : i32
    %dma_start3A_42 = arith.constant 0 : i32
    %dma_start3A_43 = arith.constant 384 : i32
    %dma_start3A_44 = arith.constant 0 : i32
    %dma_start3A_45 = tpu.memref_slice %arg6[%dma_start3A_43, %dma_start3A_44] : memref<768x16xf32, #tpu.memory_space<vmem>> -> memref<128x16xf32, #tpu.memory_space<vmem>>
    %dma_start3A_46 = arith.constant 0 : i32
    %dma_start3A_47 = tpu.memref_slice %arg5[%dma_start3A_41, %dma_start3A_42, %dma_start3A_46] : memref<12x2x128xi32, #tpu.memory_space<vmem>> -> memref<1x1x128xi32, #tpu.memory_space<vmem>>
    %dma_start3A_48 = tpu.memref_squeeze %dma_start3A_47 : memref<1x1x128xi32, #tpu.memory_space<vmem>> -> memref<128xi32, #tpu.memory_space<vmem>>
    %dma_start3A_49 = arith.constant 0 : i32
    %dma_start3A_50 = arith.constant 0 : i32
    %dma_start3A_51 = tpu.memref_slice %arg2[%dma_start3A_49, %dma_start3A_50] : memref<100352x16xf32, #tpu.memory_space<hbm>> -> memref<100352x16xf32, #tpu.memory_space<hbm>>
    tpu.enqueue_indirect_dma source(%dma_start3A_51 : memref<100352x16xf32, #tpu.memory_space<hbm>>) target(%dma_start3A_45 : memref<128x16xf32, #tpu.memory_space<vmem>>) offsets(%dma_start3A_48 : memref<128xi32, #tpu.memory_space<vmem>>) semaphore(%arg9 : memref<!tpu.dma_semaphore, #tpu.memory_space<semaphore_mem>>)
    %dma_start3A_52 = arith.constant 4 : i32
    %dma_start3A_53 = arith.constant 0 : i32
    %dma_start3A_54 = arith.constant 512 : i32
    %dma_start3A_55 = arith.constant 0 : i32
    %dma_start3A_56 = tpu.memref_slice %arg6[%dma_start3A_54, %dma_start3A_55] : memref<768x16xf32, #tpu.memory_space<vmem>> -> memref<128x16xf32, #tpu.memory_space<vmem>>
    %dma_start3A_57 = arith.constant 0 : i32
    %dma_start3A_58 = tpu.memref_slice %arg5[%dma_start3A_52, %dma_start3A_53, %dma_start3A_57] : memref<12x2x128xi32, #tpu.memory_space<vmem>> -> memref<1x1x128xi32, #tpu.memory_space<vmem>>
    %dma_start3A_59 = tpu.memref_squeeze %dma_start3A_58 : memref<1x1x128xi32, #tpu.memory_space<vmem>> -> memref<128xi32, #tpu.memory_space<vmem>>
    %dma_start3A_60 = arith.constant 0 : i32
    %dma_start3A_61 = arith.constant 0 : i32
    %dma_start3A_62 = tpu.memref_slice %arg2[%dma_start3A_60, %dma_start3A_61] : memref<100352x16xf32, #tpu.memory_space<hbm>> -> memref<100352x16xf32, #tpu.memory_space<hbm>>
    tpu.enqueue_indirect_dma source(%dma_start3A_62 : memref<100352x16xf32, #tpu.memory_space<hbm>>) target(%dma_start3A_56 : memref<128x16xf32, #tpu.memory_space<vmem>>) offsets(%dma_start3A_59 : memref<128xi32, #tpu.memory_space<vmem>>) semaphore(%arg9 : memref<!tpu.dma_semaphore, #tpu.memory_space<semaphore_mem>>)
    %dma_start3A_63 = arith.constant 5 : i32
    %dma_start3A_64 = arith.constant 0 : i32
    %dma_start3A_65 = arith.constant 640 : i32
    %dma_start3A_66 = arith.constant 0 : i32
    %dma_start3A_67 = tpu.memref_slice %arg6[%dma_start3A_65, %dma_start3A_66] : memref<768x16xf32, #tpu.memory_space<vmem>> -> memref<128x16xf32, #tpu.memory_space<vmem>>
    %dma_start3A_68 = arith.constant 0 : i32
    %dma_start3A_69 = tpu.memref_slice %arg5[%dma_start3A_63, %dma_start3A_64, %dma_start3A_68] : memref<12x2x128xi32, #tpu.memory_space<vmem>> -> memref<1x1x128xi32, #tpu.memory_space<vmem>>
    %dma_start3A_70 = tpu.memref_squeeze %dma_start3A_69 : memref<1x1x128xi32, #tpu.memory_space<vmem>> -> memref<128xi32, #tpu.memory_space<vmem>>
    %dma_start3A_71 = arith.constant 0 : i32
    %dma_start3A_72 = arith.constant 0 : i32
    %dma_start3A_73 = tpu.memref_slice %arg2[%dma_start3A_71, %dma_start3A_72] : memref<100352x16xf32, #tpu.memory_space<hbm>> -> memref<100352x16xf32, #tpu.memory_space<hbm>>
    tpu.enqueue_indirect_dma source(%dma_start3A_73 : memref<100352x16xf32, #tpu.memory_space<hbm>>) target(%dma_start3A_67 : memref<128x16xf32, #tpu.memory_space<vmem>>) offsets(%dma_start3A_70 : memref<128xi32, #tpu.memory_space<vmem>>) semaphore(%arg9 : memref<!tpu.dma_semaphore, #tpu.memory_space<semaphore_mem>>)
    %dma_start3A_74 = arith.constant 6 : i32
    %dma_start3A_75 = arith.constant 0 : i32
    %dma_start3A_76 = arith.constant 0 : i32
    %dma_start3A_77 = arith.constant 0 : i32
    %dma_start3A_78 = tpu.memref_slice %arg7[%dma_start3A_76, %dma_start3A_77] : memref<768x16xf32, #tpu.memory_space<vmem>> -> memref<128x16xf32, #tpu.memory_space<vmem>>
    %dma_start3A_79 = arith.constant 0 : i32
    %dma_start3A_80 = tpu.memref_slice %arg5[%dma_start3A_74, %dma_start3A_75, %dma_start3A_79] : memref<12x2x128xi32, #tpu.memory_space<vmem>> -> memref<1x1x128xi32, #tpu.memory_space<vmem>>
    %dma_start3A_81 = tpu.memref_squeeze %dma_start3A_80 : memref<1x1x128xi32, #tpu.memory_space<vmem>> -> memref<128xi32, #tpu.memory_space<vmem>>
    %dma_start3A_82 = arith.constant 0 : i32
    %dma_start3A_83 = arith.constant 0 : i32
    %dma_start3A_84 = tpu.memref_slice %arg2[%dma_start3A_82, %dma_start3A_83] : memref<100352x16xf32, #tpu.memory_space<hbm>> -> memref<100352x16xf32, #tpu.memory_space<hbm>>
    tpu.enqueue_indirect_dma source(%dma_start3A_84 : memref<100352x16xf32, #tpu.memory_space<hbm>>) target(%dma_start3A_78 : memref<128x16xf32, #tpu.memory_space<vmem>>) offsets(%dma_start3A_81 : memref<128xi32, #tpu.memory_space<vmem>>) semaphore(%arg9 : memref<!tpu.dma_semaphore, #tpu.memory_space<semaphore_mem>>)
    %dma_start3A_85 = arith.constant 7 : i32
    %dma_start3A_86 = arith.constant 0 : i32
    %dma_start3A_87 = arith.constant 128 : i32
    %dma_start3A_88 = arith.constant 0 : i32
    %dma_start3A_89 = tpu.memref_slice %arg7[%dma_start3A_87, %dma_start3A_88] : memref<768x16xf32, #tpu.memory_space<vmem>> -> memref<128x16xf32, #tpu.memory_space<vmem>>
    %dma_start3A_90 = arith.constant 0 : i32
    %dma_start3A_91 = tpu.memref_slice %arg5[%dma_start3A_85, %dma_start3A_86, %dma_start3A_90] : memref<12x2x128xi32, #tpu.memory_space<vmem>> -> memref<1x1x128xi32, #tpu.memory_space<vmem>>
    %dma_start3A_92 = tpu.memref_squeeze %dma_start3A_91 : memref<1x1x128xi32, #tpu.memory_space<vmem>> -> memref<128xi32, #tpu.memory_space<vmem>>
    %dma_start3A_93 = arith.constant 0 : i32
    %dma_start3A_94 = arith.constant 0 : i32
    %dma_start3A_95 = tpu.memref_slice %arg2[%dma_start3A_93, %dma_start3A_94] : memref<100352x16xf32, #tpu.memory_space<hbm>> -> memref<100352x16xf32, #tpu.memory_space<hbm>>
    tpu.enqueue_indirect_dma source(%dma_start3A_95 : memref<100352x16xf32, #tpu.memory_space<hbm>>) target(%dma_start3A_89 : memref<128x16xf32, #tpu.memory_space<vmem>>) offsets(%dma_start3A_92 : memref<128xi32, #tpu.memory_space<vmem>>) semaphore(%arg9 : memref<!tpu.dma_semaphore, #tpu.memory_space<semaphore_mem>>)
    %dma_start3A_96 = arith.constant 8 : i32
    %dma_start3A_97 = arith.constant 0 : i32
    %dma_start3A_98 = arith.constant 256 : i32
    %dma_start3A_99 = arith.constant 0 : i32
    %dma_start3A_100 = tpu.memref_slice %arg7[%dma_start3A_98, %dma_start3A_99] : memref<768x16xf32, #tpu.memory_space<vmem>> -> memref<128x16xf32, #tpu.memory_space<vmem>>
    %dma_start3A_101 = arith.constant 0 : i32
    %dma_start3A_102 = tpu.memref_slice %arg5[%dma_start3A_96, %dma_start3A_97, %dma_start3A_101] : memref<12x2x128xi32, #tpu.memory_space<vmem>> -> memref<1x1x128xi32, #tpu.memory_space<vmem>>
    %dma_start3A_103 = tpu.memref_squeeze %dma_start3A_102 : memref<1x1x128xi32, #tpu.memory_space<vmem>> -> memref<128xi32, #tpu.memory_space<vmem>>
    %dma_start3A_104 = arith.constant 0 : i32
    %dma_start3A_105 = arith.constant 0 : i32
    %dma_start3A_106 = tpu.memref_slice %arg2[%dma_start3A_104, %dma_start3A_105] : memref<100352x16xf32, #tpu.memory_space<hbm>> -> memref<100352x16xf32, #tpu.memory_space<hbm>>
    tpu.enqueue_indirect_dma source(%dma_start3A_106 : memref<100352x16xf32, #tpu.memory_space<hbm>>) target(%dma_start3A_100 : memref<128x16xf32, #tpu.memory_space<vmem>>) offsets(%dma_start3A_103 : memref<128xi32, #tpu.memory_space<vmem>>) semaphore(%arg9 : memref<!tpu.dma_semaphore, #tpu.memory_space<semaphore_mem>>)
    %dma_start3A_107 = arith.constant 9 : i32
    %dma_start3A_108 = arith.constant 0 : i32
    %dma_start3A_109 = arith.constant 384 : i32
    %dma_start3A_110 = arith.constant 0 : i32
    %dma_start3A_111 = tpu.memref_slice %arg7[%dma_start3A_109, %dma_start3A_110] : memref<768x16xf32, #tpu.memory_space<vmem>> -> memref<128x16xf32, #tpu.memory_space<vmem>>
    %dma_start3A_112 = arith.constant 0 : i32
    %dma_start3A_113 = tpu.memref_slice %arg5[%dma_start3A_107, %dma_start3A_108, %dma_start3A_112] : memref<12x2x128xi32, #tpu.memory_space<vmem>> -> memref<1x1x128xi32, #tpu.memory_space<vmem>>
    %dma_start3A_114 = tpu.memref_squeeze %dma_start3A_113 : memref<1x1x128xi32, #tpu.memory_space<vmem>> -> memref<128xi32, #tpu.memory_space<vmem>>
    %dma_start3A_115 = arith.constant 0 : i32
    %dma_start3A_116 = arith.constant 0 : i32
    %dma_start3A_117 = tpu.memref_slice %arg2[%dma_start3A_115, %dma_start3A_116] : memref<100352x16xf32, #tpu.memory_space<hbm>> -> memref<100352x16xf32, #tpu.memory_space<hbm>>
    tpu.enqueue_indirect_dma source(%dma_start3A_117 : memref<100352x16xf32, #tpu.memory_space<hbm>>) target(%dma_start3A_111 : memref<128x16xf32, #tpu.memory_space<vmem>>) offsets(%dma_start3A_114 : memref<128xi32, #tpu.memory_space<vmem>>) semaphore(%arg9 : memref<!tpu.dma_semaphore, #tpu.memory_space<semaphore_mem>>)
    %dma_start3A_118 = arith.constant 10 : i32
    %dma_start3A_119 = arith.constant 0 : i32
    %dma_start3A_120 = arith.constant 512 : i32
    %dma_start3A_121 = arith.constant 0 : i32
    %dma_start3A_122 = tpu.memref_slice %arg7[%dma_start3A_120, %dma_start3A_121] : memref<768x16xf32, #tpu.memory_space<vmem>> -> memref<128x16xf32, #tpu.memory_space<vmem>>
    %dma_start3A_123 = arith.constant 0 : i32
    %dma_start3A_124 = tpu.memref_slice %arg5[%dma_start3A_118, %dma_start3A_119, %dma_start3A_123] : memref<12x2x128xi32, #tpu.memory_space<vmem>> -> memref<1x1x128xi32, #tpu.memory_space<vmem>>
    %dma_start3A_125 = tpu.memref_squeeze %dma_start3A_124 : memref<1x1x128xi32, #tpu.memory_space<vmem>> -> memref<128xi32, #tpu.memory_space<vmem>>
    %dma_start3A_126 = arith.constant 0 : i32
    %dma_start3A_127 = arith.constant 0 : i32
    %dma_start3A_128 = tpu.memref_slice %arg2[%dma_start3A_126, %dma_start3A_127] : memref<100352x16xf32, #tpu.memory_space<hbm>> -> memref<100352x16xf32, #tpu.memory_space<hbm>>
    tpu.enqueue_indirect_dma source(%dma_start3A_128 : memref<100352x16xf32, #tpu.memory_space<hbm>>) target(%dma_start3A_122 : memref<128x16xf32, #tpu.memory_space<vmem>>) offsets(%dma_start3A_125 : memref<128xi32, #tpu.memory_space<vmem>>) semaphore(%arg9 : memref<!tpu.dma_semaphore, #tpu.memory_space<semaphore_mem>>)
    %dma_start3A_129 = arith.constant 11 : i32
    %dma_start3A_130 = arith.constant 0 : i32
    %dma_start3A_131 = arith.constant 640 : i32
    %dma_start3A_132 = arith.constant 0 : i32
    %dma_start3A_133 = tpu.memref_slice %arg7[%dma_start3A_131, %dma_start3A_132] : memref<768x16xf32, #tpu.memory_space<vmem>> -> memref<128x16xf32, #tpu.memory_space<vmem>>
    %dma_start3A_134 = arith.constant 0 : i32
    %dma_start3A_135 = tpu.memref_slice %arg5[%dma_start3A_129, %dma_start3A_130, %dma_start3A_134] : memref<12x2x128xi32, #tpu.memory_space<vmem>> -> memref<1x1x128xi32, #tpu.memory_space<vmem>>
    %dma_start3A_136 = tpu.memref_squeeze %dma_start3A_135 : memref<1x1x128xi32, #tpu.memory_space<vmem>> -> memref<128xi32, #tpu.memory_space<vmem>>
    %dma_start3A_137 = arith.constant 0 : i32
    %dma_start3A_138 = arith.constant 0 : i32
    %dma_start3A_139 = tpu.memref_slice %arg2[%dma_start3A_137, %dma_start3A_138] : memref<100352x16xf32, #tpu.memory_space<hbm>> -> memref<100352x16xf32, #tpu.memory_space<hbm>>
    tpu.enqueue_indirect_dma source(%dma_start3A_139 : memref<100352x16xf32, #tpu.memory_space<hbm>>) target(%dma_start3A_133 : memref<128x16xf32, #tpu.memory_space<vmem>>) offsets(%dma_start3A_136 : memref<128xi32, #tpu.memory_space<vmem>>) semaphore(%arg9 : memref<!tpu.dma_semaphore, #tpu.memory_space<semaphore_mem>>)
    %dma_wait3A = arith.constant 0 : i32
    %dma_wait3A_140 = arith.constant 0 : i32
    %dma_wait3A_141 = arith.constant 0 : i32
    %dma_wait3A_142 = arith.constant 0 : i32
    %dma_wait3A_143 = tpu.memref_slice %arg6[%dma_wait3A_141, %dma_wait3A_142] : memref<768x16xf32, #tpu.memory_space<vmem>> -> memref<128x16xf32, #tpu.memory_space<vmem>>
    %dma_wait3A_144 = arith.constant 0 : i32
    %dma_wait3A_145 = tpu.memref_slice %arg5[%dma_wait3A, %dma_wait3A_140, %dma_wait3A_144] : memref<12x2x128xi32, #tpu.memory_space<vmem>> -> memref<1x1x128xi32, #tpu.memory_space<vmem>>
    %dma_wait3A_146 = tpu.memref_squeeze %dma_wait3A_145 : memref<1x1x128xi32, #tpu.memory_space<vmem>> -> memref<128xi32, #tpu.memory_space<vmem>>
    %dma_wait3A_147 = arith.constant 0 : i32
    %dma_wait3A_148 = arith.constant 0 : i32
    %dma_wait3A_149 = tpu.memref_slice %arg2[%dma_wait3A_147, %dma_wait3A_148] : memref<100352x16xf32, #tpu.memory_space<hbm>> -> memref<100352x16xf32, #tpu.memory_space<hbm>>
    tpu.wait_indirect_dma semaphore(%arg9 : memref<!tpu.dma_semaphore, #tpu.memory_space<semaphore_mem>>) src(%dma_wait3A_149 : memref<100352x16xf32, #tpu.memory_space<hbm>>) dst(%dma_wait3A_143 : memref<128x16xf32, #tpu.memory_space<vmem>>)
    %dma_start3A_150 = arith.constant 0 : i32
    %dma_start3A_151 = arith.constant 1 : i32
    %dma_start3A_152 = arith.constant 0 : i32
    %dma_start3A_153 = arith.constant 0 : i32
    %dma_start3A_154 = tpu.memref_slice %arg6[%dma_start3A_152, %dma_start3A_153] : memref<768x16xf32, #tpu.memory_space<vmem>> -> memref<128x16xf32, #tpu.memory_space<vmem>>
    %dma_start3A_155 = arith.constant 0 : i32
    %dma_start3A_156 = tpu.memref_slice %arg5[%dma_start3A_150, %dma_start3A_151, %dma_start3A_155] : memref<12x2x128xi32, #tpu.memory_space<vmem>> -> memref<1x1x128xi32, #tpu.memory_space<vmem>>
    %dma_start3A_157 = tpu.memref_squeeze %dma_start3A_156 : memref<1x1x128xi32, #tpu.memory_space<vmem>> -> memref<128xi32, #tpu.memory_space<vmem>>
    %dma_start3A_158 = arith.constant 0 : i32
    %dma_start3A_159 = arith.constant 0 : i32
    %dma_start3A_160 = tpu.memref_slice %arg8[%dma_start3A_158, %dma_start3A_159] : memref<100352x16xf32, #tpu.memory_space<vmem_shared>> -> memref<100352x16xf32, #tpu.memory_space<vmem_shared>>
    tpu.enqueue_indirect_dma source(%dma_start3A_154 : memref<128x16xf32, #tpu.memory_space<vmem>>) target(%dma_start3A_160 : memref<100352x16xf32, #tpu.memory_space<vmem_shared>>) offsets(%dma_start3A_157 : memref<128xi32, #tpu.memory_space<vmem>>) semaphore(%arg10 : memref<!tpu.dma_semaphore, #tpu.memory_space<semaphore_mem>>) {add = true}
    %dma_wait3A_161 = arith.constant 1 : i32
    %dma_wait3A_162 = arith.constant 0 : i32
    %dma_wait3A_163 = arith.constant 128 : i32
    %dma_wait3A_164 = arith.constant 0 : i32
    %dma_wait3A_165 = tpu.memref_slice %arg6[%dma_wait3A_163, %dma_wait3A_164] : memref<768x16xf32, #tpu.memory_space<vmem>> -> memref<128x16xf32, #tpu.memory_space<vmem>>
    %dma_wait3A_166 = arith.constant 0 : i32
    %dma_wait3A_167 = tpu.memref_slice %arg5[%dma_wait3A_161, %dma_wait3A_162, %dma_wait3A_166] : memref<12x2x128xi32, #tpu.memory_space<vmem>> -> memref<1x1x128xi32, #tpu.memory_space<vmem>>
    %dma_wait3A_168 = tpu.memref_squeeze %dma_wait3A_167 : memref<1x1x128xi32, #tpu.memory_space<vmem>> -> memref<128xi32, #tpu.memory_space<vmem>>
    %dma_wait3A_169 = arith.constant 0 : i32
    %dma_wait3A_170 = arith.constant 0 : i32
    %dma_wait3A_171 = tpu.memref_slice %arg2[%dma_wait3A_169, %dma_wait3A_170] : memref<100352x16xf32, #tpu.memory_space<hbm>> -> memref<100352x16xf32, #tpu.memory_space<hbm>>
    tpu.wait_indirect_dma semaphore(%arg9 : memref<!tpu.dma_semaphore, #tpu.memory_space<semaphore_mem>>) src(%dma_wait3A_171 : memref<100352x16xf32, #tpu.memory_space<hbm>>) dst(%dma_wait3A_165 : memref<128x16xf32, #tpu.memory_space<vmem>>)
    %dma_start3A_172 = arith.constant 1 : i32
    %dma_start3A_173 = arith.constant 1 : i32
    %dma_start3A_174 = arith.constant 128 : i32
    %dma_start3A_175 = arith.constant 0 : i32
    %dma_start3A_176 = tpu.memref_slice %arg6[%dma_start3A_174, %dma_start3A_175] : memref<768x16xf32, #tpu.memory_space<vmem>> -> memref<128x16xf32, #tpu.memory_space<vmem>>
    %dma_start3A_177 = arith.constant 0 : i32
    %dma_start3A_178 = tpu.memref_slice %arg5[%dma_start3A_172, %dma_start3A_173, %dma_start3A_177] : memref<12x2x128xi32, #tpu.memory_space<vmem>> -> memref<1x1x128xi32, #tpu.memory_space<vmem>>
    %dma_start3A_179 = tpu.memref_squeeze %dma_start3A_178 : memref<1x1x128xi32, #tpu.memory_space<vmem>> -> memref<128xi32, #tpu.memory_space<vmem>>
    %dma_start3A_180 = arith.constant 0 : i32
    %dma_start3A_181 = arith.constant 0 : i32
    %dma_start3A_182 = tpu.memref_slice %arg8[%dma_start3A_180, %dma_start3A_181] : memref<100352x16xf32, #tpu.memory_space<vmem_shared>> -> memref<100352x16xf32, #tpu.memory_space<vmem_shared>>
    tpu.enqueue_indirect_dma source(%dma_start3A_176 : memref<128x16xf32, #tpu.memory_space<vmem>>) target(%dma_start3A_182 : memref<100352x16xf32, #tpu.memory_space<vmem_shared>>) offsets(%dma_start3A_179 : memref<128xi32, #tpu.memory_space<vmem>>) semaphore(%arg10 : memref<!tpu.dma_semaphore, #tpu.memory_space<semaphore_mem>>) {add = true}
    %dma_wait3A_183 = arith.constant 2 : i32
    %dma_wait3A_184 = arith.constant 0 : i32
    %dma_wait3A_185 = arith.constant 256 : i32
    %dma_wait3A_186 = arith.constant 0 : i32
    %dma_wait3A_187 = tpu.memref_slice %arg6[%dma_wait3A_185, %dma_wait3A_186] : memref<768x16xf32, #tpu.memory_space<vmem>> -> memref<128x16xf32, #tpu.memory_space<vmem>>
    %dma_wait3A_188 = arith.constant 0 : i32
    %dma_wait3A_189 = tpu.memref_slice %arg5[%dma_wait3A_183, %dma_wait3A_184, %dma_wait3A_188] : memref<12x2x128xi32, #tpu.memory_space<vmem>> -> memref<1x1x128xi32, #tpu.memory_space<vmem>>
    %dma_wait3A_190 = tpu.memref_squeeze %dma_wait3A_189 : memref<1x1x128xi32, #tpu.memory_space<vmem>> -> memref<128xi32, #tpu.memory_space<vmem>>
    %dma_wait3A_191 = arith.constant 0 : i32
    %dma_wait3A_192 = arith.constant 0 : i32
    %dma_wait3A_193 = tpu.memref_slice %arg2[%dma_wait3A_191, %dma_wait3A_192] : memref<100352x16xf32, #tpu.memory_space<hbm>> -> memref<100352x16xf32, #tpu.memory_space<hbm>>
    tpu.wait_indirect_dma semaphore(%arg9 : memref<!tpu.dma_semaphore, #tpu.memory_space<semaphore_mem>>) src(%dma_wait3A_193 : memref<100352x16xf32, #tpu.memory_space<hbm>>) dst(%dma_wait3A_187 : memref<128x16xf32, #tpu.memory_space<vmem>>)
    %dma_start3A_194 = arith.constant 2 : i32
    %dma_start3A_195 = arith.constant 1 : i32
    %dma_start3A_196 = arith.constant 256 : i32
    %dma_start3A_197 = arith.constant 0 : i32
    %dma_start3A_198 = tpu.memref_slice %arg6[%dma_start3A_196, %dma_start3A_197] : memref<768x16xf32, #tpu.memory_space<vmem>> -> memref<128x16xf32, #tpu.memory_space<vmem>>
    %dma_start3A_199 = arith.constant 0 : i32
    %dma_start3A_200 = tpu.memref_slice %arg5[%dma_start3A_194, %dma_start3A_195, %dma_start3A_199] : memref<12x2x128xi32, #tpu.memory_space<vmem>> -> memref<1x1x128xi32, #tpu.memory_space<vmem>>
    %dma_start3A_201 = tpu.memref_squeeze %dma_start3A_200 : memref<1x1x128xi32, #tpu.memory_space<vmem>> -> memref<128xi32, #tpu.memory_space<vmem>>
    %dma_start3A_202 = arith.constant 0 : i32
    %dma_start3A_203 = arith.constant 0 : i32
    %dma_start3A_204 = tpu.memref_slice %arg8[%dma_start3A_202, %dma_start3A_203] : memref<100352x16xf32, #tpu.memory_space<vmem_shared>> -> memref<100352x16xf32, #tpu.memory_space<vmem_shared>>
    tpu.enqueue_indirect_dma source(%dma_start3A_198 : memref<128x16xf32, #tpu.memory_space<vmem>>) target(%dma_start3A_204 : memref<100352x16xf32, #tpu.memory_space<vmem_shared>>) offsets(%dma_start3A_201 : memref<128xi32, #tpu.memory_space<vmem>>) semaphore(%arg10 : memref<!tpu.dma_semaphore, #tpu.memory_space<semaphore_mem>>) {add = true}
    %dma_wait3A_205 = arith.constant 3 : i32
    %dma_wait3A_206 = arith.constant 0 : i32
    %dma_wait3A_207 = arith.constant 384 : i32
    %dma_wait3A_208 = arith.constant 0 : i32
    %dma_wait3A_209 = tpu.memref_slice %arg6[%dma_wait3A_207, %dma_wait3A_208] : memref<768x16xf32, #tpu.memory_space<vmem>> -> memref<128x16xf32, #tpu.memory_space<vmem>>
    %dma_wait3A_210 = arith.constant 0 : i32
    %dma_wait3A_211 = tpu.memref_slice %arg5[%dma_wait3A_205, %dma_wait3A_206, %dma_wait3A_210] : memref<12x2x128xi32, #tpu.memory_space<vmem>> -> memref<1x1x128xi32, #tpu.memory_space<vmem>>
    %dma_wait3A_212 = tpu.memref_squeeze %dma_wait3A_211 : memref<1x1x128xi32, #tpu.memory_space<vmem>> -> memref<128xi32, #tpu.memory_space<vmem>>
    %dma_wait3A_213 = arith.constant 0 : i32
    %dma_wait3A_214 = arith.constant 0 : i32
    %dma_wait3A_215 = tpu.memref_slice %arg2[%dma_wait3A_213, %dma_wait3A_214] : memref<100352x16xf32, #tpu.memory_space<hbm>> -> memref<100352x16xf32, #tpu.memory_space<hbm>>
    tpu.wait_indirect_dma semaphore(%arg9 : memref<!tpu.dma_semaphore, #tpu.memory_space<semaphore_mem>>) src(%dma_wait3A_215 : memref<100352x16xf32, #tpu.memory_space<hbm>>) dst(%dma_wait3A_209 : memref<128x16xf32, #tpu.memory_space<vmem>>)
    %dma_start3A_216 = arith.constant 3 : i32
    %dma_start3A_217 = arith.constant 1 : i32
    %dma_start3A_218 = arith.constant 384 : i32
    %dma_start3A_219 = arith.constant 0 : i32
    %dma_start3A_220 = tpu.memref_slice %arg6[%dma_start3A_218, %dma_start3A_219] : memref<768x16xf32, #tpu.memory_space<vmem>> -> memref<128x16xf32, #tpu.memory_space<vmem>>
    %dma_start3A_221 = arith.constant 0 : i32
    %dma_start3A_222 = tpu.memref_slice %arg5[%dma_start3A_216, %dma_start3A_217, %dma_start3A_221] : memref<12x2x128xi32, #tpu.memory_space<vmem>> -> memref<1x1x128xi32, #tpu.memory_space<vmem>>
    %dma_start3A_223 = tpu.memref_squeeze %dma_start3A_222 : memref<1x1x128xi32, #tpu.memory_space<vmem>> -> memref<128xi32, #tpu.memory_space<vmem>>
    %dma_start3A_224 = arith.constant 0 : i32
    %dma_start3A_225 = arith.constant 0 : i32
    %dma_start3A_226 = tpu.memref_slice %arg8[%dma_start3A_224, %dma_start3A_225] : memref<100352x16xf32, #tpu.memory_space<vmem_shared>> -> memref<100352x16xf32, #tpu.memory_space<vmem_shared>>
    tpu.enqueue_indirect_dma source(%dma_start3A_220 : memref<128x16xf32, #tpu.memory_space<vmem>>) target(%dma_start3A_226 : memref<100352x16xf32, #tpu.memory_space<vmem_shared>>) offsets(%dma_start3A_223 : memref<128xi32, #tpu.memory_space<vmem>>) semaphore(%arg10 : memref<!tpu.dma_semaphore, #tpu.memory_space<semaphore_mem>>) {add = true}
    %dma_wait3A_227 = arith.constant 4 : i32
    %dma_wait3A_228 = arith.constant 0 : i32
    %dma_wait3A_229 = arith.constant 512 : i32
    %dma_wait3A_230 = arith.constant 0 : i32
    %dma_wait3A_231 = tpu.memref_slice %arg6[%dma_wait3A_229, %dma_wait3A_230] : memref<768x16xf32, #tpu.memory_space<vmem>> -> memref<128x16xf32, #tpu.memory_space<vmem>>
    %dma_wait3A_232 = arith.constant 0 : i32
    %dma_wait3A_233 = tpu.memref_slice %arg5[%dma_wait3A_227, %dma_wait3A_228, %dma_wait3A_232] : memref<12x2x128xi32, #tpu.memory_space<vmem>> -> memref<1x1x128xi32, #tpu.memory_space<vmem>>
    %dma_wait3A_234 = tpu.memref_squeeze %dma_wait3A_233 : memref<1x1x128xi32, #tpu.memory_space<vmem>> -> memref<128xi32, #tpu.memory_space<vmem>>
    %dma_wait3A_235 = arith.constant 0 : i32
    %dma_wait3A_236 = arith.constant 0 : i32
    %dma_wait3A_237 = tpu.memref_slice %arg2[%dma_wait3A_235, %dma_wait3A_236] : memref<100352x16xf32, #tpu.memory_space<hbm>> -> memref<100352x16xf32, #tpu.memory_space<hbm>>
    tpu.wait_indirect_dma semaphore(%arg9 : memref<!tpu.dma_semaphore, #tpu.memory_space<semaphore_mem>>) src(%dma_wait3A_237 : memref<100352x16xf32, #tpu.memory_space<hbm>>) dst(%dma_wait3A_231 : memref<128x16xf32, #tpu.memory_space<vmem>>)
    %dma_start3A_238 = arith.constant 4 : i32
    %dma_start3A_239 = arith.constant 1 : i32
    %dma_start3A_240 = arith.constant 512 : i32
    %dma_start3A_241 = arith.constant 0 : i32
    %dma_start3A_242 = tpu.memref_slice %arg6[%dma_start3A_240, %dma_start3A_241] : memref<768x16xf32, #tpu.memory_space<vmem>> -> memref<128x16xf32, #tpu.memory_space<vmem>>
    %dma_start3A_243 = arith.constant 0 : i32
    %dma_start3A_244 = tpu.memref_slice %arg5[%dma_start3A_238, %dma_start3A_239, %dma_start3A_243] : memref<12x2x128xi32, #tpu.memory_space<vmem>> -> memref<1x1x128xi32, #tpu.memory_space<vmem>>
    %dma_start3A_245 = tpu.memref_squeeze %dma_start3A_244 : memref<1x1x128xi32, #tpu.memory_space<vmem>> -> memref<128xi32, #tpu.memory_space<vmem>>
    %dma_start3A_246 = arith.constant 0 : i32
    %dma_start3A_247 = arith.constant 0 : i32
    %dma_start3A_248 = tpu.memref_slice %arg8[%dma_start3A_246, %dma_start3A_247] : memref<100352x16xf32, #tpu.memory_space<vmem_shared>> -> memref<100352x16xf32, #tpu.memory_space<vmem_shared>>
    tpu.enqueue_indirect_dma source(%dma_start3A_242 : memref<128x16xf32, #tpu.memory_space<vmem>>) target(%dma_start3A_248 : memref<100352x16xf32, #tpu.memory_space<vmem_shared>>) offsets(%dma_start3A_245 : memref<128xi32, #tpu.memory_space<vmem>>) semaphore(%arg10 : memref<!tpu.dma_semaphore, #tpu.memory_space<semaphore_mem>>) {add = true}
    %dma_wait3A_249 = arith.constant 5 : i32
    %dma_wait3A_250 = arith.constant 0 : i32
    %dma_wait3A_251 = arith.constant 640 : i32
    %dma_wait3A_252 = arith.constant 0 : i32
    %dma_wait3A_253 = tpu.memref_slice %arg6[%dma_wait3A_251, %dma_wait3A_252] : memref<768x16xf32, #tpu.memory_space<vmem>> -> memref<128x16xf32, #tpu.memory_space<vmem>>
    %dma_wait3A_254 = arith.constant 0 : i32
    %dma_wait3A_255 = tpu.memref_slice %arg5[%dma_wait3A_249, %dma_wait3A_250, %dma_wait3A_254] : memref<12x2x128xi32, #tpu.memory_space<vmem>> -> memref<1x1x128xi32, #tpu.memory_space<vmem>>
    %dma_wait3A_256 = tpu.memref_squeeze %dma_wait3A_255 : memref<1x1x128xi32, #tpu.memory_space<vmem>> -> memref<128xi32, #tpu.memory_space<vmem>>
    %dma_wait3A_257 = arith.constant 0 : i32
    %dma_wait3A_258 = arith.constant 0 : i32
    %dma_wait3A_259 = tpu.memref_slice %arg2[%dma_wait3A_257, %dma_wait3A_258] : memref<100352x16xf32, #tpu.memory_space<hbm>> -> memref<100352x16xf32, #tpu.memory_space<hbm>>
    tpu.wait_indirect_dma semaphore(%arg9 : memref<!tpu.dma_semaphore, #tpu.memory_space<semaphore_mem>>) src(%dma_wait3A_259 : memref<100352x16xf32, #tpu.memory_space<hbm>>) dst(%dma_wait3A_253 : memref<128x16xf32, #tpu.memory_space<vmem>>)
    %dma_start3A_260 = arith.constant 5 : i32
    %dma_start3A_261 = arith.constant 1 : i32
    %dma_start3A_262 = arith.constant 640 : i32
    %dma_start3A_263 = arith.constant 0 : i32
    %dma_start3A_264 = tpu.memref_slice %arg6[%dma_start3A_262, %dma_start3A_263] : memref<768x16xf32, #tpu.memory_space<vmem>> -> memref<128x16xf32, #tpu.memory_space<vmem>>
    %dma_start3A_265 = arith.constant 0 : i32
    %dma_start3A_266 = tpu.memref_slice %arg5[%dma_start3A_260, %dma_start3A_261, %dma_start3A_265] : memref<12x2x128xi32, #tpu.memory_space<vmem>> -> memref<1x1x128xi32, #tpu.memory_space<vmem>>
    %dma_start3A_267 = tpu.memref_squeeze %dma_start3A_266 : memref<1x1x128xi32, #tpu.memory_space<vmem>> -> memref<128xi32, #tpu.memory_space<vmem>>
    %dma_start3A_268 = arith.constant 0 : i32
    %dma_start3A_269 = arith.constant 0 : i32
    %dma_start3A_270 = tpu.memref_slice %arg8[%dma_start3A_268, %dma_start3A_269] : memref<100352x16xf32, #tpu.memory_space<vmem_shared>> -> memref<100352x16xf32, #tpu.memory_space<vmem_shared>>
    tpu.enqueue_indirect_dma source(%dma_start3A_264 : memref<128x16xf32, #tpu.memory_space<vmem>>) target(%dma_start3A_270 : memref<100352x16xf32, #tpu.memory_space<vmem_shared>>) offsets(%dma_start3A_267 : memref<128xi32, #tpu.memory_space<vmem>>) semaphore(%arg10 : memref<!tpu.dma_semaphore, #tpu.memory_space<semaphore_mem>>) {add = true}
    %dma_wait3A_271 = arith.constant 6 : i32
    %dma_wait3A_272 = arith.constant 0 : i32
    %dma_wait3A_273 = arith.constant 0 : i32
    %dma_wait3A_274 = arith.constant 0 : i32
    %dma_wait3A_275 = tpu.memref_slice %arg7[%dma_wait3A_273, %dma_wait3A_274] : memref<768x16xf32, #tpu.memory_space<vmem>> -> memref<128x16xf32, #tpu.memory_space<vmem>>
    %dma_wait3A_276 = arith.constant 0 : i32
    %dma_wait3A_277 = tpu.memref_slice %arg5[%dma_wait3A_271, %dma_wait3A_272, %dma_wait3A_276] : memref<12x2x128xi32, #tpu.memory_space<vmem>> -> memref<1x1x128xi32, #tpu.memory_space<vmem>>
    %dma_wait3A_278 = tpu.memref_squeeze %dma_wait3A_277 : memref<1x1x128xi32, #tpu.memory_space<vmem>> -> memref<128xi32, #tpu.memory_space<vmem>>
    %dma_wait3A_279 = arith.constant 0 : i32
    %dma_wait3A_280 = arith.constant 0 : i32
    %dma_wait3A_281 = tpu.memref_slice %arg2[%dma_wait3A_279, %dma_wait3A_280] : memref<100352x16xf32, #tpu.memory_space<hbm>> -> memref<100352x16xf32, #tpu.memory_space<hbm>>
    tpu.wait_indirect_dma semaphore(%arg9 : memref<!tpu.dma_semaphore, #tpu.memory_space<semaphore_mem>>) src(%dma_wait3A_281 : memref<100352x16xf32, #tpu.memory_space<hbm>>) dst(%dma_wait3A_275 : memref<128x16xf32, #tpu.memory_space<vmem>>)
    %dma_start3A_282 = arith.constant 6 : i32
    %dma_start3A_283 = arith.constant 1 : i32
    %dma_start3A_284 = arith.constant 0 : i32
    %dma_start3A_285 = arith.constant 0 : i32
    %dma_start3A_286 = tpu.memref_slice %arg7[%dma_start3A_284, %dma_start3A_285] : memref<768x16xf32, #tpu.memory_space<vmem>> -> memref<128x16xf32, #tpu.memory_space<vmem>>
    %dma_start3A_287 = arith.constant 0 : i32
    %dma_start3A_288 = tpu.memref_slice %arg5[%dma_start3A_282, %dma_start3A_283, %dma_start3A_287] : memref<12x2x128xi32, #tpu.memory_space<vmem>> -> memref<1x1x128xi32, #tpu.memory_space<vmem>>
    %dma_start3A_289 = tpu.memref_squeeze %dma_start3A_288 : memref<1x1x128xi32, #tpu.memory_space<vmem>> -> memref<128xi32, #tpu.memory_space<vmem>>
    %dma_start3A_290 = arith.constant 0 : i32
    %dma_start3A_291 = arith.constant 0 : i32
    %dma_start3A_292 = tpu.memref_slice %arg8[%dma_start3A_290, %dma_start3A_291] : memref<100352x16xf32, #tpu.memory_space<vmem_shared>> -> memref<100352x16xf32, #tpu.memory_space<vmem_shared>>
    tpu.enqueue_indirect_dma source(%dma_start3A_286 : memref<128x16xf32, #tpu.memory_space<vmem>>) target(%dma_start3A_292 : memref<100352x16xf32, #tpu.memory_space<vmem_shared>>) offsets(%dma_start3A_289 : memref<128xi32, #tpu.memory_space<vmem>>) semaphore(%arg11 : memref<!tpu.dma_semaphore, #tpu.memory_space<semaphore_mem>>) {add = true}
    %dma_wait3A_293 = arith.constant 7 : i32
    %dma_wait3A_294 = arith.constant 0 : i32
    %dma_wait3A_295 = arith.constant 128 : i32
    %dma_wait3A_296 = arith.constant 0 : i32
    %dma_wait3A_297 = tpu.memref_slice %arg7[%dma_wait3A_295, %dma_wait3A_296] : memref<768x16xf32, #tpu.memory_space<vmem>> -> memref<128x16xf32, #tpu.memory_space<vmem>>
    %dma_wait3A_298 = arith.constant 0 : i32
    %dma_wait3A_299 = tpu.memref_slice %arg5[%dma_wait3A_293, %dma_wait3A_294, %dma_wait3A_298] : memref<12x2x128xi32, #tpu.memory_space<vmem>> -> memref<1x1x128xi32, #tpu.memory_space<vmem>>
    %dma_wait3A_300 = tpu.memref_squeeze %dma_wait3A_299 : memref<1x1x128xi32, #tpu.memory_space<vmem>> -> memref<128xi32, #tpu.memory_space<vmem>>
    %dma_wait3A_301 = arith.constant 0 : i32
    %dma_wait3A_302 = arith.constant 0 : i32
    %dma_wait3A_303 = tpu.memref_slice %arg2[%dma_wait3A_301, %dma_wait3A_302] : memref<100352x16xf32, #tpu.memory_space<hbm>> -> memref<100352x16xf32, #tpu.memory_space<hbm>>
    tpu.wait_indirect_dma semaphore(%arg9 : memref<!tpu.dma_semaphore, #tpu.memory_space<semaphore_mem>>) src(%dma_wait3A_303 : memref<100352x16xf32, #tpu.memory_space<hbm>>) dst(%dma_wait3A_297 : memref<128x16xf32, #tpu.memory_space<vmem>>)
    %dma_start3A_304 = arith.constant 7 : i32
    %dma_start3A_305 = arith.constant 1 : i32
    %dma_start3A_306 = arith.constant 128 : i32
    %dma_start3A_307 = arith.constant 0 : i32
    %dma_start3A_308 = tpu.memref_slice %arg7[%dma_start3A_306, %dma_start3A_307] : memref<768x16xf32, #tpu.memory_space<vmem>> -> memref<128x16xf32, #tpu.memory_space<vmem>>
    %dma_start3A_309 = arith.constant 0 : i32
    %dma_start3A_310 = tpu.memref_slice %arg5[%dma_start3A_304, %dma_start3A_305, %dma_start3A_309] : memref<12x2x128xi32, #tpu.memory_space<vmem>> -> memref<1x1x128xi32, #tpu.memory_space<vmem>>
    %dma_start3A_311 = tpu.memref_squeeze %dma_start3A_310 : memref<1x1x128xi32, #tpu.memory_space<vmem>> -> memref<128xi32, #tpu.memory_space<vmem>>
    %dma_start3A_312 = arith.constant 0 : i32
    %dma_start3A_313 = arith.constant 0 : i32
    %dma_start3A_314 = tpu.memref_slice %arg8[%dma_start3A_312, %dma_start3A_313] : memref<100352x16xf32, #tpu.memory_space<vmem_shared>> -> memref<100352x16xf32, #tpu.memory_space<vmem_shared>>
    tpu.enqueue_indirect_dma source(%dma_start3A_308 : memref<128x16xf32, #tpu.memory_space<vmem>>) target(%dma_start3A_314 : memref<100352x16xf32, #tpu.memory_space<vmem_shared>>) offsets(%dma_start3A_311 : memref<128xi32, #tpu.memory_space<vmem>>) semaphore(%arg11 : memref<!tpu.dma_semaphore, #tpu.memory_space<semaphore_mem>>) {add = true}
    %dma_wait3A_315 = arith.constant 8 : i32
    %dma_wait3A_316 = arith.constant 0 : i32
    %dma_wait3A_317 = arith.constant 256 : i32
    %dma_wait3A_318 = arith.constant 0 : i32
    %dma_wait3A_319 = tpu.memref_slice %arg7[%dma_wait3A_317, %dma_wait3A_318] : memref<768x16xf32, #tpu.memory_space<vmem>> -> memref<128x16xf32, #tpu.memory_space<vmem>>
    %dma_wait3A_320 = arith.constant 0 : i32
    %dma_wait3A_321 = tpu.memref_slice %arg5[%dma_wait3A_315, %dma_wait3A_316, %dma_wait3A_320] : memref<12x2x128xi32, #tpu.memory_space<vmem>> -> memref<1x1x128xi32, #tpu.memory_space<vmem>>
    %dma_wait3A_322 = tpu.memref_squeeze %dma_wait3A_321 : memref<1x1x128xi32, #tpu.memory_space<vmem>> -> memref<128xi32, #tpu.memory_space<vmem>>
    %dma_wait3A_323 = arith.constant 0 : i32
    %dma_wait3A_324 = arith.constant 0 : i32
    %dma_wait3A_325 = tpu.memref_slice %arg2[%dma_wait3A_323, %dma_wait3A_324] : memref<100352x16xf32, #tpu.memory_space<hbm>> -> memref<100352x16xf32, #tpu.memory_space<hbm>>
    tpu.wait_indirect_dma semaphore(%arg9 : memref<!tpu.dma_semaphore, #tpu.memory_space<semaphore_mem>>) src(%dma_wait3A_325 : memref<100352x16xf32, #tpu.memory_space<hbm>>) dst(%dma_wait3A_319 : memref<128x16xf32, #tpu.memory_space<vmem>>)
    %dma_start3A_326 = arith.constant 8 : i32
    %dma_start3A_327 = arith.constant 1 : i32
    %dma_start3A_328 = arith.constant 256 : i32
    %dma_start3A_329 = arith.constant 0 : i32
    %dma_start3A_330 = tpu.memref_slice %arg7[%dma_start3A_328, %dma_start3A_329] : memref<768x16xf32, #tpu.memory_space<vmem>> -> memref<128x16xf32, #tpu.memory_space<vmem>>
    %dma_start3A_331 = arith.constant 0 : i32
    %dma_start3A_332 = tpu.memref_slice %arg5[%dma_start3A_326, %dma_start3A_327, %dma_start3A_331] : memref<12x2x128xi32, #tpu.memory_space<vmem>> -> memref<1x1x128xi32, #tpu.memory_space<vmem>>
    %dma_start3A_333 = tpu.memref_squeeze %dma_start3A_332 : memref<1x1x128xi32, #tpu.memory_space<vmem>> -> memref<128xi32, #tpu.memory_space<vmem>>
    %dma_start3A_334 = arith.constant 0 : i32
    %dma_start3A_335 = arith.constant 0 : i32
    %dma_start3A_336 = tpu.memref_slice %arg8[%dma_start3A_334, %dma_start3A_335] : memref<100352x16xf32, #tpu.memory_space<vmem_shared>> -> memref<100352x16xf32, #tpu.memory_space<vmem_shared>>
    tpu.enqueue_indirect_dma source(%dma_start3A_330 : memref<128x16xf32, #tpu.memory_space<vmem>>) target(%dma_start3A_336 : memref<100352x16xf32, #tpu.memory_space<vmem_shared>>) offsets(%dma_start3A_333 : memref<128xi32, #tpu.memory_space<vmem>>) semaphore(%arg11 : memref<!tpu.dma_semaphore, #tpu.memory_space<semaphore_mem>>) {add = true}
    %dma_wait3A_337 = arith.constant 9 : i32
    %dma_wait3A_338 = arith.constant 0 : i32
    %dma_wait3A_339 = arith.constant 384 : i32
    %dma_wait3A_340 = arith.constant 0 : i32
    %dma_wait3A_341 = tpu.memref_slice %arg7[%dma_wait3A_339, %dma_wait3A_340] : memref<768x16xf32, #tpu.memory_space<vmem>> -> memref<128x16xf32, #tpu.memory_space<vmem>>
    %dma_wait3A_342 = arith.constant 0 : i32
    %dma_wait3A_343 = tpu.memref_slice %arg5[%dma_wait3A_337, %dma_wait3A_338, %dma_wait3A_342] : memref<12x2x128xi32, #tpu.memory_space<vmem>> -> memref<1x1x128xi32, #tpu.memory_space<vmem>>
    %dma_wait3A_344 = tpu.memref_squeeze %dma_wait3A_343 : memref<1x1x128xi32, #tpu.memory_space<vmem>> -> memref<128xi32, #tpu.memory_space<vmem>>
    %dma_wait3A_345 = arith.constant 0 : i32
    %dma_wait3A_346 = arith.constant 0 : i32
    %dma_wait3A_347 = tpu.memref_slice %arg2[%dma_wait3A_345, %dma_wait3A_346] : memref<100352x16xf32, #tpu.memory_space<hbm>> -> memref<100352x16xf32, #tpu.memory_space<hbm>>
    tpu.wait_indirect_dma semaphore(%arg9 : memref<!tpu.dma_semaphore, #tpu.memory_space<semaphore_mem>>) src(%dma_wait3A_347 : memref<100352x16xf32, #tpu.memory_space<hbm>>) dst(%dma_wait3A_341 : memref<128x16xf32, #tpu.memory_space<vmem>>)
    %dma_start3A_348 = arith.constant 9 : i32
    %dma_start3A_349 = arith.constant 1 : i32
    %dma_start3A_350 = arith.constant 384 : i32
    %dma_start3A_351 = arith.constant 0 : i32
    %dma_start3A_352 = tpu.memref_slice %arg7[%dma_start3A_350, %dma_start3A_351] : memref<768x16xf32, #tpu.memory_space<vmem>> -> memref<128x16xf32, #tpu.memory_space<vmem>>
    %dma_start3A_353 = arith.constant 0 : i32
    %dma_start3A_354 = tpu.memref_slice %arg5[%dma_start3A_348, %dma_start3A_349, %dma_start3A_353] : memref<12x2x128xi32, #tpu.memory_space<vmem>> -> memref<1x1x128xi32, #tpu.memory_space<vmem>>
    %dma_start3A_355 = tpu.memref_squeeze %dma_start3A_354 : memref<1x1x128xi32, #tpu.memory_space<vmem>> -> memref<128xi32, #tpu.memory_space<vmem>>
    %dma_start3A_356 = arith.constant 0 : i32
    %dma_start3A_357 = arith.constant 0 : i32
    %dma_start3A_358 = tpu.memref_slice %arg8[%dma_start3A_356, %dma_start3A_357] : memref<100352x16xf32, #tpu.memory_space<vmem_shared>> -> memref<100352x16xf32, #tpu.memory_space<vmem_shared>>
    tpu.enqueue_indirect_dma source(%dma_start3A_352 : memref<128x16xf32, #tpu.memory_space<vmem>>) target(%dma_start3A_358 : memref<100352x16xf32, #tpu.memory_space<vmem_shared>>) offsets(%dma_start3A_355 : memref<128xi32, #tpu.memory_space<vmem>>) semaphore(%arg11 : memref<!tpu.dma_semaphore, #tpu.memory_space<semaphore_mem>>) {add = true}
    %dma_wait3A_359 = arith.constant 10 : i32
    %dma_wait3A_360 = arith.constant 0 : i32
    %dma_wait3A_361 = arith.constant 512 : i32
    %dma_wait3A_362 = arith.constant 0 : i32
    %dma_wait3A_363 = tpu.memref_slice %arg7[%dma_wait3A_361, %dma_wait3A_362] : memref<768x16xf32, #tpu.memory_space<vmem>> -> memref<128x16xf32, #tpu.memory_space<vmem>>
    %dma_wait3A_364 = arith.constant 0 : i32
    %dma_wait3A_365 = tpu.memref_slice %arg5[%dma_wait3A_359, %dma_wait3A_360, %dma_wait3A_364] : memref<12x2x128xi32, #tpu.memory_space<vmem>> -> memref<1x1x128xi32, #tpu.memory_space<vmem>>
    %dma_wait3A_366 = tpu.memref_squeeze %dma_wait3A_365 : memref<1x1x128xi32, #tpu.memory_space<vmem>> -> memref<128xi32, #tpu.memory_space<vmem>>
    %dma_wait3A_367 = arith.constant 0 : i32
    %dma_wait3A_368 = arith.constant 0 : i32
    %dma_wait3A_369 = tpu.memref_slice %arg2[%dma_wait3A_367, %dma_wait3A_368] : memref<100352x16xf32, #tpu.memory_space<hbm>> -> memref<100352x16xf32, #tpu.memory_space<hbm>>
    tpu.wait_indirect_dma semaphore(%arg9 : memref<!tpu.dma_semaphore, #tpu.memory_space<semaphore_mem>>) src(%dma_wait3A_369 : memref<100352x16xf32, #tpu.memory_space<hbm>>) dst(%dma_wait3A_363 : memref<128x16xf32, #tpu.memory_space<vmem>>)
    %dma_start3A_370 = arith.constant 10 : i32
    %dma_start3A_371 = arith.constant 1 : i32
    %dma_start3A_372 = arith.constant 512 : i32
    %dma_start3A_373 = arith.constant 0 : i32
    %dma_start3A_374 = tpu.memref_slice %arg7[%dma_start3A_372, %dma_start3A_373] : memref<768x16xf32, #tpu.memory_space<vmem>> -> memref<128x16xf32, #tpu.memory_space<vmem>>
    %dma_start3A_375 = arith.constant 0 : i32
    %dma_start3A_376 = tpu.memref_slice %arg5[%dma_start3A_370, %dma_start3A_371, %dma_start3A_375] : memref<12x2x128xi32, #tpu.memory_space<vmem>> -> memref<1x1x128xi32, #tpu.memory_space<vmem>>
    %dma_start3A_377 = tpu.memref_squeeze %dma_start3A_376 : memref<1x1x128xi32, #tpu.memory_space<vmem>> -> memref<128xi32, #tpu.memory_space<vmem>>
    %dma_start3A_378 = arith.constant 0 : i32
    %dma_start3A_379 = arith.constant 0 : i32
    %dma_start3A_380 = tpu.memref_slice %arg8[%dma_start3A_378, %dma_start3A_379] : memref<100352x16xf32, #tpu.memory_space<vmem_shared>> -> memref<100352x16xf32, #tpu.memory_space<vmem_shared>>
    tpu.enqueue_indirect_dma source(%dma_start3A_374 : memref<128x16xf32, #tpu.memory_space<vmem>>) target(%dma_start3A_380 : memref<100352x16xf32, #tpu.memory_space<vmem_shared>>) offsets(%dma_start3A_377 : memref<128xi32, #tpu.memory_space<vmem>>) semaphore(%arg11 : memref<!tpu.dma_semaphore, #tpu.memory_space<semaphore_mem>>) {add = true}
    %dma_wait3A_381 = arith.constant 11 : i32
    %dma_wait3A_382 = arith.constant 0 : i32
    %dma_wait3A_383 = arith.constant 640 : i32
    %dma_wait3A_384 = arith.constant 0 : i32
    %dma_wait3A_385 = tpu.memref_slice %arg7[%dma_wait3A_383, %dma_wait3A_384] : memref<768x16xf32, #tpu.memory_space<vmem>> -> memref<128x16xf32, #tpu.memory_space<vmem>>
    %dma_wait3A_386 = arith.constant 0 : i32
    %dma_wait3A_387 = tpu.memref_slice %arg5[%dma_wait3A_381, %dma_wait3A_382, %dma_wait3A_386] : memref<12x2x128xi32, #tpu.memory_space<vmem>> -> memref<1x1x128xi32, #tpu.memory_space<vmem>>
    %dma_wait3A_388 = tpu.memref_squeeze %dma_wait3A_387 : memref<1x1x128xi32, #tpu.memory_space<vmem>> -> memref<128xi32, #tpu.memory_space<vmem>>
    %dma_wait3A_389 = arith.constant 0 : i32
    %dma_wait3A_390 = arith.constant 0 : i32
    %dma_wait3A_391 = tpu.memref_slice %arg2[%dma_wait3A_389, %dma_wait3A_390] : memref<100352x16xf32, #tpu.memory_space<hbm>> -> memref<100352x16xf32, #tpu.memory_space<hbm>>
    tpu.wait_indirect_dma semaphore(%arg9 : memref<!tpu.dma_semaphore, #tpu.memory_space<semaphore_mem>>) src(%dma_wait3A_391 : memref<100352x16xf32, #tpu.memory_space<hbm>>) dst(%dma_wait3A_385 : memref<128x16xf32, #tpu.memory_space<vmem>>)
    %dma_start3A_392 = arith.constant 11 : i32
    %dma_start3A_393 = arith.constant 1 : i32
    %dma_start3A_394 = arith.constant 640 : i32
    %dma_start3A_395 = arith.constant 0 : i32
    %dma_start3A_396 = tpu.memref_slice %arg7[%dma_start3A_394, %dma_start3A_395] : memref<768x16xf32, #tpu.memory_space<vmem>> -> memref<128x16xf32, #tpu.memory_space<vmem>>
    %dma_start3A_397 = arith.constant 0 : i32
    %dma_start3A_398 = tpu.memref_slice %arg5[%dma_start3A_392, %dma_start3A_393, %dma_start3A_397] : memref<12x2x128xi32, #tpu.memory_space<vmem>> -> memref<1x1x128xi32, #tpu.memory_space<vmem>>
    %dma_start3A_399 = tpu.memref_squeeze %dma_start3A_398 : memref<1x1x128xi32, #tpu.memory_space<vmem>> -> memref<128xi32, #tpu.memory_space<vmem>>
    %dma_start3A_400 = arith.constant 0 : i32
    %dma_start3A_401 = arith.constant 0 : i32
    %dma_start3A_402 = tpu.memref_slice %arg8[%dma_start3A_400, %dma_start3A_401] : memref<100352x16xf32, #tpu.memory_space<vmem_shared>> -> memref<100352x16xf32, #tpu.memory_space<vmem_shared>>
    tpu.enqueue_indirect_dma source(%dma_start3A_396 : memref<128x16xf32, #tpu.memory_space<vmem>>) target(%dma_start3A_402 : memref<100352x16xf32, #tpu.memory_space<vmem_shared>>) offsets(%dma_start3A_399 : memref<128xi32, #tpu.memory_space<vmem>>) semaphore(%arg11 : memref<!tpu.dma_semaphore, #tpu.memory_space<semaphore_mem>>) {add = true}
    %scan3A = arith.constant 0 : i32
    %scan3A_403 = arith.constant 1 : i32
    %scan3A_404 = arith.constant 65 : i32
    %scan3A_405 = arith.addi %scan3A_403, %scan3A_404 : i32
    %scan3A_406 = arith.constant 1 : i32
    scf.for %scan3A_428 = %scan3A_403 to %scan3A_405 step %scan3A_406  : i32 {
      %dma_wait3A_429 = arith.constant 0 : i32
      %dma_wait3A_430 = arith.constant 0 : i32
      %dma_wait3A_431 = tpu.memref_slice %arg2[%dma_wait3A_429, %dma_wait3A_430] : memref<100352x16xf32, #tpu.memory_space<hbm>> -> memref<768x16xf32, #tpu.memory_space<hbm>>
      %dma_wait3A_432 = arith.constant 0 : i32
      %dma_wait3A_433 = arith.constant 0 : i32
      %dma_wait3A_434 = tpu.memref_slice %arg2[%dma_wait3A_432, %dma_wait3A_433] : memref<100352x16xf32, #tpu.memory_space<hbm>> -> memref<768x16xf32, #tpu.memory_space<hbm>>
      tpu.wait_dma2 semaphore(%arg10 : memref<!tpu.dma_semaphore, #tpu.memory_space<semaphore_mem>>) src(%dma_wait3A_434 : memref<768x16xf32, #tpu.memory_space<hbm>>) dst(%arg6 : memref<768x16xf32, #tpu.memory_space<vmem>>)
      %dma_wait3A_435 = arith.constant 0 : i32
      %dma_wait3A_436 = arith.constant 0 : i32
      %dma_wait3A_437 = tpu.memref_slice %arg2[%dma_wait3A_435, %dma_wait3A_436] : memref<100352x16xf32, #tpu.memory_space<hbm>> -> memref<768x16xf32, #tpu.memory_space<hbm>>
      %dma_wait3A_438 = arith.constant 0 : i32
      %dma_wait3A_439 = arith.constant 0 : i32
      %dma_wait3A_440 = tpu.memref_slice %arg2[%dma_wait3A_438, %dma_wait3A_439] : memref<100352x16xf32, #tpu.memory_space<hbm>> -> memref<768x16xf32, #tpu.memory_space<hbm>>
      tpu.wait_dma2 semaphore(%arg11 : memref<!tpu.dma_semaphore, #tpu.memory_space<semaphore_mem>>) src(%dma_wait3A_440 : memref<768x16xf32, #tpu.memory_space<hbm>>) dst(%arg7 : memref<768x16xf32, #tpu.memory_space<vmem>>)
      %mul3A_441 = arith.constant 2 : i32
      %mul3A_442 = arith.muli %scan3A_428, %mul3A_441 : i32
      %mul3A_443 = arith.constant 6 : i32
      %mul3A_444 = arith.muli %mul3A_442, %mul3A_443 : i32
      %add3A_445 = arith.addi %mul3A_6, %mul3A_444 : i32
      "tpu.region"() ({
        %run_scoped3A = tpu.sem_alloc : memref<!tpu.dma_semaphore, #tpu.memory_space<semaphore_mem>>
        %dma_start3A_842 = arith.constant 0 : i32
        %dma_start3A_843 = arith.constant 0 : i32
        %dma_start3A_844 = tpu.memref_slice %arg3[%add3A_445, %dma_start3A_842, %dma_start3A_843] : memref<25344x2x128xi32, #tpu.memory_space<hbm>> -> memref<12x2x128xi32, #tpu.memory_space<hbm>>
        %dma_start3A_845 = arith.constant 0 : i32
        %dma_start3A_846 = arith.constant 0 : i32
        %dma_start3A_847 = tpu.memref_slice %arg3[%add3A_445, %dma_start3A_845, %dma_start3A_846] : memref<25344x2x128xi32, #tpu.memory_space<hbm>> -> memref<12x2x128xi32, #tpu.memory_space<hbm>>
        tpu.enqueue_dma source(%dma_start3A_847 : memref<12x2x128xi32, #tpu.memory_space<hbm>>) target(%arg5 : memref<12x2x128xi32, #tpu.memory_space<vmem>>) target_semaphore(%run_scoped3A : memref<!tpu.dma_semaphore, #tpu.memory_space<semaphore_mem>>)
        %dma_wait3A_848 = arith.constant 0 : i32
        %dma_wait3A_849 = arith.constant 0 : i32
        %dma_wait3A_850 = tpu.memref_slice %arg3[%add3A_445, %dma_wait3A_848, %dma_wait3A_849] : memref<25344x2x128xi32, #tpu.memory_space<hbm>> -> memref<12x2x128xi32, #tpu.memory_space<hbm>>
        %dma_wait3A_851 = arith.constant 0 : i32
        %dma_wait3A_852 = arith.constant 0 : i32
        %dma_wait3A_853 = tpu.memref_slice %arg3[%add3A_445, %dma_wait3A_851, %dma_wait3A_852] : memref<25344x2x128xi32, #tpu.memory_space<hbm>> -> memref<12x2x128xi32, #tpu.memory_space<hbm>>
        tpu.wait_dma2 semaphore(%run_scoped3A : memref<!tpu.dma_semaphore, #tpu.memory_space<semaphore_mem>>) src(%dma_wait3A_853 : memref<12x2x128xi32, #tpu.memory_space<hbm>>) dst(%arg5 : memref<12x2x128xi32, #tpu.memory_space<vmem>>)
        tpu.yield
      }) : () -> ()
      %dma_start3A_446 = arith.constant 0 : i32
      %dma_start3A_447 = arith.constant 0 : i32
      %dma_start3A_448 = arith.constant 0 : i32
      %dma_start3A_449 = arith.constant 0 : i32
      %dma_start3A_450 = tpu.memref_slice %arg6[%dma_start3A_448, %dma_start3A_449] : memref<768x16xf32, #tpu.memory_space<vmem>> -> memref<128x16xf32, #tpu.memory_space<vmem>>
      %dma_start3A_451 = arith.constant 0 : i32
      %dma_start3A_452 = tpu.memref_slice %arg5[%dma_start3A_446, %dma_start3A_447, %dma_start3A_451] : memref<12x2x128xi32, #tpu.memory_space<vmem>> -> memref<1x1x128xi32, #tpu.memory_space<vmem>>
      %dma_start3A_453 = tpu.memref_squeeze %dma_start3A_452 : memref<1x1x128xi32, #tpu.memory_space<vmem>> -> memref<128xi32, #tpu.memory_space<vmem>>
      %dma_start3A_454 = arith.constant 0 : i32
      %dma_start3A_455 = arith.constant 0 : i32
      %dma_start3A_456 = tpu.memref_slice %arg2[%dma_start3A_454, %dma_start3A_455] : memref<100352x16xf32, #tpu.memory_space<hbm>> -> memref<100352x16xf32, #tpu.memory_space<hbm>>
      tpu.enqueue_indirect_dma source(%dma_start3A_456 : memref<100352x16xf32, #tpu.memory_space<hbm>>) target(%dma_start3A_450 : memref<128x16xf32, #tpu.memory_space<vmem>>) offsets(%dma_start3A_453 : memref<128xi32, #tpu.memory_space<vmem>>) semaphore(%arg9 : memref<!tpu.dma_semaphore, #tpu.memory_space<semaphore_mem>>)
      %dma_start3A_457 = arith.constant 1 : i32
      %dma_start3A_458 = arith.constant 0 : i32
      %dma_start3A_459 = arith.constant 128 : i32
      %dma_start3A_460 = arith.constant 0 : i32
      %dma_start3A_461 = tpu.memref_slice %arg6[%dma_start3A_459, %dma_start3A_460] : memref<768x16xf32, #tpu.memory_space<vmem>> -> memref<128x16xf32, #tpu.memory_space<vmem>>
      %dma_start3A_462 = arith.constant 0 : i32
      %dma_start3A_463 = tpu.memref_slice %arg5[%dma_start3A_457, %dma_start3A_458, %dma_start3A_462] : memref<12x2x128xi32, #tpu.memory_space<vmem>> -> memref<1x1x128xi32, #tpu.memory_space<vmem>>
      %dma_start3A_464 = tpu.memref_squeeze %dma_start3A_463 : memref<1x1x128xi32, #tpu.memory_space<vmem>> -> memref<128xi32, #tpu.memory_space<vmem>>
      %dma_start3A_465 = arith.constant 0 : i32
      %dma_start3A_466 = arith.constant 0 : i32
      %dma_start3A_467 = tpu.memref_slice %arg2[%dma_start3A_465, %dma_start3A_466] : memref<100352x16xf32, #tpu.memory_space<hbm>> -> memref<100352x16xf32, #tpu.memory_space<hbm>>
      tpu.enqueue_indirect_dma source(%dma_start3A_467 : memref<100352x16xf32, #tpu.memory_space<hbm>>) target(%dma_start3A_461 : memref<128x16xf32, #tpu.memory_space<vmem>>) offsets(%dma_start3A_464 : memref<128xi32, #tpu.memory_space<vmem>>) semaphore(%arg9 : memref<!tpu.dma_semaphore, #tpu.memory_space<semaphore_mem>>)
      %dma_start3A_468 = arith.constant 2 : i32
      %dma_start3A_469 = arith.constant 0 : i32
      %dma_start3A_470 = arith.constant 256 : i32
      %dma_start3A_471 = arith.constant 0 : i32
      %dma_start3A_472 = tpu.memref_slice %arg6[%dma_start3A_470, %dma_start3A_471] : memref<768x16xf32, #tpu.memory_space<vmem>> -> memref<128x16xf32, #tpu.memory_space<vmem>>
      %dma_start3A_473 = arith.constant 0 : i32
      %dma_start3A_474 = tpu.memref_slice %arg5[%dma_start3A_468, %dma_start3A_469, %dma_start3A_473] : memref<12x2x128xi32, #tpu.memory_space<vmem>> -> memref<1x1x128xi32, #tpu.memory_space<vmem>>
      %dma_start3A_475 = tpu.memref_squeeze %dma_start3A_474 : memref<1x1x128xi32, #tpu.memory_space<vmem>> -> memref<128xi32, #tpu.memory_space<vmem>>
      %dma_start3A_476 = arith.constant 0 : i32
      %dma_start3A_477 = arith.constant 0 : i32
      %dma_start3A_478 = tpu.memref_slice %arg2[%dma_start3A_476, %dma_start3A_477] : memref<100352x16xf32, #tpu.memory_space<hbm>> -> memref<100352x16xf32, #tpu.memory_space<hbm>>
      tpu.enqueue_indirect_dma source(%dma_start3A_478 : memref<100352x16xf32, #tpu.memory_space<hbm>>) target(%dma_start3A_472 : memref<128x16xf32, #tpu.memory_space<vmem>>) offsets(%dma_start3A_475 : memref<128xi32, #tpu.memory_space<vmem>>) semaphore(%arg9 : memref<!tpu.dma_semaphore, #tpu.memory_space<semaphore_mem>>)
      %dma_start3A_479 = arith.constant 3 : i32
      %dma_start3A_480 = arith.constant 0 : i32
      %dma_start3A_481 = arith.constant 384 : i32
      %dma_start3A_482 = arith.constant 0 : i32
      %dma_start3A_483 = tpu.memref_slice %arg6[%dma_start3A_481, %dma_start3A_482] : memref<768x16xf32, #tpu.memory_space<vmem>> -> memref<128x16xf32, #tpu.memory_space<vmem>>
      %dma_start3A_484 = arith.constant 0 : i32
      %dma_start3A_485 = tpu.memref_slice %arg5[%dma_start3A_479, %dma_start3A_480, %dma_start3A_484] : memref<12x2x128xi32, #tpu.memory_space<vmem>> -> memref<1x1x128xi32, #tpu.memory_space<vmem>>
      %dma_start3A_486 = tpu.memref_squeeze %dma_start3A_485 : memref<1x1x128xi32, #tpu.memory_space<vmem>> -> memref<128xi32, #tpu.memory_space<vmem>>
      %dma_start3A_487 = arith.constant 0 : i32
      %dma_start3A_488 = arith.constant 0 : i32
      %dma_start3A_489 = tpu.memref_slice %arg2[%dma_start3A_487, %dma_start3A_488] : memref<100352x16xf32, #tpu.memory_space<hbm>> -> memref<100352x16xf32, #tpu.memory_space<hbm>>
      tpu.enqueue_indirect_dma source(%dma_start3A_489 : memref<100352x16xf32, #tpu.memory_space<hbm>>) target(%dma_start3A_483 : memref<128x16xf32, #tpu.memory_space<vmem>>) offsets(%dma_start3A_486 : memref<128xi32, #tpu.memory_space<vmem>>) semaphore(%arg9 : memref<!tpu.dma_semaphore, #tpu.memory_space<semaphore_mem>>)
      %dma_start3A_490 = arith.constant 4 : i32
      %dma_start3A_491 = arith.constant 0 : i32
      %dma_start3A_492 = arith.constant 512 : i32
      %dma_start3A_493 = arith.constant 0 : i32
      %dma_start3A_494 = tpu.memref_slice %arg6[%dma_start3A_492, %dma_start3A_493] : memref<768x16xf32, #tpu.memory_space<vmem>> -> memref<128x16xf32, #tpu.memory_space<vmem>>
      %dma_start3A_495 = arith.constant 0 : i32
      %dma_start3A_496 = tpu.memref_slice %arg5[%dma_start3A_490, %dma_start3A_491, %dma_start3A_495] : memref<12x2x128xi32, #tpu.memory_space<vmem>> -> memref<1x1x128xi32, #tpu.memory_space<vmem>>
      %dma_start3A_497 = tpu.memref_squeeze %dma_start3A_496 : memref<1x1x128xi32, #tpu.memory_space<vmem>> -> memref<128xi32, #tpu.memory_space<vmem>>
      %dma_start3A_498 = arith.constant 0 : i32
      %dma_start3A_499 = arith.constant 0 : i32
      %dma_start3A_500 = tpu.memref_slice %arg2[%dma_start3A_498, %dma_start3A_499] : memref<100352x16xf32, #tpu.memory_space<hbm>> -> memref<100352x16xf32, #tpu.memory_space<hbm>>
      tpu.enqueue_indirect_dma source(%dma_start3A_500 : memref<100352x16xf32, #tpu.memory_space<hbm>>) target(%dma_start3A_494 : memref<128x16xf32, #tpu.memory_space<vmem>>) offsets(%dma_start3A_497 : memref<128xi32, #tpu.memory_space<vmem>>) semaphore(%arg9 : memref<!tpu.dma_semaphore, #tpu.memory_space<semaphore_mem>>)
      %dma_start3A_501 = arith.constant 5 : i32
      %dma_start3A_502 = arith.constant 0 : i32
      %dma_start3A_503 = arith.constant 640 : i32
      %dma_start3A_504 = arith.constant 0 : i32
      %dma_start3A_505 = tpu.memref_slice %arg6[%dma_start3A_503, %dma_start3A_504] : memref<768x16xf32, #tpu.memory_space<vmem>> -> memref<128x16xf32, #tpu.memory_space<vmem>>
      %dma_start3A_506 = arith.constant 0 : i32
      %dma_start3A_507 = tpu.memref_slice %arg5[%dma_start3A_501, %dma_start3A_502, %dma_start3A_506] : memref<12x2x128xi32, #tpu.memory_space<vmem>> -> memref<1x1x128xi32, #tpu.memory_space<vmem>>
      %dma_start3A_508 = tpu.memref_squeeze %dma_start3A_507 : memref<1x1x128xi32, #tpu.memory_space<vmem>> -> memref<128xi32, #tpu.memory_space<vmem>>
      %dma_start3A_509 = arith.constant 0 : i32
      %dma_start3A_510 = arith.constant 0 : i32
      %dma_start3A_511 = tpu.memref_slice %arg2[%dma_start3A_509, %dma_start3A_510] : memref<100352x16xf32, #tpu.memory_space<hbm>> -> memref<100352x16xf32, #tpu.memory_space<hbm>>
      tpu.enqueue_indirect_dma source(%dma_start3A_511 : memref<100352x16xf32, #tpu.memory_space<hbm>>) target(%dma_start3A_505 : memref<128x16xf32, #tpu.memory_space<vmem>>) offsets(%dma_start3A_508 : memref<128xi32, #tpu.memory_space<vmem>>) semaphore(%arg9 : memref<!tpu.dma_semaphore, #tpu.memory_space<semaphore_mem>>)
      %dma_start3A_512 = arith.constant 6 : i32
      %dma_start3A_513 = arith.constant 0 : i32
      %dma_start3A_514 = arith.constant 0 : i32
      %dma_start3A_515 = arith.constant 0 : i32
      %dma_start3A_516 = tpu.memref_slice %arg7[%dma_start3A_514, %dma_start3A_515] : memref<768x16xf32, #tpu.memory_space<vmem>> -> memref<128x16xf32, #tpu.memory_space<vmem>>
      %dma_start3A_517 = arith.constant 0 : i32
      %dma_start3A_518 = tpu.memref_slice %arg5[%dma_start3A_512, %dma_start3A_513, %dma_start3A_517] : memref<12x2x128xi32, #tpu.memory_space<vmem>> -> memref<1x1x128xi32, #tpu.memory_space<vmem>>
      %dma_start3A_519 = tpu.memref_squeeze %dma_start3A_518 : memref<1x1x128xi32, #tpu.memory_space<vmem>> -> memref<128xi32, #tpu.memory_space<vmem>>
      %dma_start3A_520 = arith.constant 0 : i32
      %dma_start3A_521 = arith.constant 0 : i32
      %dma_start3A_522 = tpu.memref_slice %arg2[%dma_start3A_520, %dma_start3A_521] : memref<100352x16xf32, #tpu.memory_space<hbm>> -> memref<100352x16xf32, #tpu.memory_space<hbm>>
      tpu.enqueue_indirect_dma source(%dma_start3A_522 : memref<100352x16xf32, #tpu.memory_space<hbm>>) target(%dma_start3A_516 : memref<128x16xf32, #tpu.memory_space<vmem>>) offsets(%dma_start3A_519 : memref<128xi32, #tpu.memory_space<vmem>>) semaphore(%arg9 : memref<!tpu.dma_semaphore, #tpu.memory_space<semaphore_mem>>)
      %dma_start3A_523 = arith.constant 7 : i32
      %dma_start3A_524 = arith.constant 0 : i32
      %dma_start3A_525 = arith.constant 128 : i32
      %dma_start3A_526 = arith.constant 0 : i32
      %dma_start3A_527 = tpu.memref_slice %arg7[%dma_start3A_525, %dma_start3A_526] : memref<768x16xf32, #tpu.memory_space<vmem>> -> memref<128x16xf32, #tpu.memory_space<vmem>>
      %dma_start3A_528 = arith.constant 0 : i32
      %dma_start3A_529 = tpu.memref_slice %arg5[%dma_start3A_523, %dma_start3A_524, %dma_start3A_528] : memref<12x2x128xi32, #tpu.memory_space<vmem>> -> memref<1x1x128xi32, #tpu.memory_space<vmem>>
      %dma_start3A_530 = tpu.memref_squeeze %dma_start3A_529 : memref<1x1x128xi32, #tpu.memory_space<vmem>> -> memref<128xi32, #tpu.memory_space<vmem>>
      %dma_start3A_531 = arith.constant 0 : i32
      %dma_start3A_532 = arith.constant 0 : i32
      %dma_start3A_533 = tpu.memref_slice %arg2[%dma_start3A_531, %dma_start3A_532] : memref<100352x16xf32, #tpu.memory_space<hbm>> -> memref<100352x16xf32, #tpu.memory_space<hbm>>
      tpu.enqueue_indirect_dma source(%dma_start3A_533 : memref<100352x16xf32, #tpu.memory_space<hbm>>) target(%dma_start3A_527 : memref<128x16xf32, #tpu.memory_space<vmem>>) offsets(%dma_start3A_530 : memref<128xi32, #tpu.memory_space<vmem>>) semaphore(%arg9 : memref<!tpu.dma_semaphore, #tpu.memory_space<semaphore_mem>>)
      %dma_start3A_534 = arith.constant 8 : i32
      %dma_start3A_535 = arith.constant 0 : i32
      %dma_start3A_536 = arith.constant 256 : i32
      %dma_start3A_537 = arith.constant 0 : i32
      %dma_start3A_538 = tpu.memref_slice %arg7[%dma_start3A_536, %dma_start3A_537] : memref<768x16xf32, #tpu.memory_space<vmem>> -> memref<128x16xf32, #tpu.memory_space<vmem>>
      %dma_start3A_539 = arith.constant 0 : i32
      %dma_start3A_540 = tpu.memref_slice %arg5[%dma_start3A_534, %dma_start3A_535, %dma_start3A_539] : memref<12x2x128xi32, #tpu.memory_space<vmem>> -> memref<1x1x128xi32, #tpu.memory_space<vmem>>
      %dma_start3A_541 = tpu.memref_squeeze %dma_start3A_540 : memref<1x1x128xi32, #tpu.memory_space<vmem>> -> memref<128xi32, #tpu.memory_space<vmem>>
      %dma_start3A_542 = arith.constant 0 : i32
      %dma_start3A_543 = arith.constant 0 : i32
      %dma_start3A_544 = tpu.memref_slice %arg2[%dma_start3A_542, %dma_start3A_543] : memref<100352x16xf32, #tpu.memory_space<hbm>> -> memref<100352x16xf32, #tpu.memory_space<hbm>>
      tpu.enqueue_indirect_dma source(%dma_start3A_544 : memref<100352x16xf32, #tpu.memory_space<hbm>>) target(%dma_start3A_538 : memref<128x16xf32, #tpu.memory_space<vmem>>) offsets(%dma_start3A_541 : memref<128xi32, #tpu.memory_space<vmem>>) semaphore(%arg9 : memref<!tpu.dma_semaphore, #tpu.memory_space<semaphore_mem>>)
      %dma_start3A_545 = arith.constant 9 : i32
      %dma_start3A_546 = arith.constant 0 : i32
      %dma_start3A_547 = arith.constant 384 : i32
      %dma_start3A_548 = arith.constant 0 : i32
      %dma_start3A_549 = tpu.memref_slice %arg7[%dma_start3A_547, %dma_start3A_548] : memref<768x16xf32, #tpu.memory_space<vmem>> -> memref<128x16xf32, #tpu.memory_space<vmem>>
      %dma_start3A_550 = arith.constant 0 : i32
      %dma_start3A_551 = tpu.memref_slice %arg5[%dma_start3A_545, %dma_start3A_546, %dma_start3A_550] : memref<12x2x128xi32, #tpu.memory_space<vmem>> -> memref<1x1x128xi32, #tpu.memory_space<vmem>>
      %dma_start3A_552 = tpu.memref_squeeze %dma_start3A_551 : memref<1x1x128xi32, #tpu.memory_space<vmem>> -> memref<128xi32, #tpu.memory_space<vmem>>
      %dma_start3A_553 = arith.constant 0 : i32
      %dma_start3A_554 = arith.constant 0 : i32
      %dma_start3A_555 = tpu.memref_slice %arg2[%dma_start3A_553, %dma_start3A_554] : memref<100352x16xf32, #tpu.memory_space<hbm>> -> memref<100352x16xf32, #tpu.memory_space<hbm>>
      tpu.enqueue_indirect_dma source(%dma_start3A_555 : memref<100352x16xf32, #tpu.memory_space<hbm>>) target(%dma_start3A_549 : memref<128x16xf32, #tpu.memory_space<vmem>>) offsets(%dma_start3A_552 : memref<128xi32, #tpu.memory_space<vmem>>) semaphore(%arg9 : memref<!tpu.dma_semaphore, #tpu.memory_space<semaphore_mem>>)
      %dma_start3A_556 = arith.constant 10 : i32
      %dma_start3A_557 = arith.constant 0 : i32
      %dma_start3A_558 = arith.constant 512 : i32
      %dma_start3A_559 = arith.constant 0 : i32
      %dma_start3A_560 = tpu.memref_slice %arg7[%dma_start3A_558, %dma_start3A_559] : memref<768x16xf32, #tpu.memory_space<vmem>> -> memref<128x16xf32, #tpu.memory_space<vmem>>
      %dma_start3A_561 = arith.constant 0 : i32
      %dma_start3A_562 = tpu.memref_slice %arg5[%dma_start3A_556, %dma_start3A_557, %dma_start3A_561] : memref<12x2x128xi32, #tpu.memory_space<vmem>> -> memref<1x1x128xi32, #tpu.memory_space<vmem>>
      %dma_start3A_563 = tpu.memref_squeeze %dma_start3A_562 : memref<1x1x128xi32, #tpu.memory_space<vmem>> -> memref<128xi32, #tpu.memory_space<vmem>>
      %dma_start3A_564 = arith.constant 0 : i32
      %dma_start3A_565 = arith.constant 0 : i32
      %dma_start3A_566 = tpu.memref_slice %arg2[%dma_start3A_564, %dma_start3A_565] : memref<100352x16xf32, #tpu.memory_space<hbm>> -> memref<100352x16xf32, #tpu.memory_space<hbm>>
      tpu.enqueue_indirect_dma source(%dma_start3A_566 : memref<100352x16xf32, #tpu.memory_space<hbm>>) target(%dma_start3A_560 : memref<128x16xf32, #tpu.memory_space<vmem>>) offsets(%dma_start3A_563 : memref<128xi32, #tpu.memory_space<vmem>>) semaphore(%arg9 : memref<!tpu.dma_semaphore, #tpu.memory_space<semaphore_mem>>)
      %dma_start3A_567 = arith.constant 11 : i32
      %dma_start3A_568 = arith.constant 0 : i32
      %dma_start3A_569 = arith.constant 640 : i32
      %dma_start3A_570 = arith.constant 0 : i32
      %dma_start3A_571 = tpu.memref_slice %arg7[%dma_start3A_569, %dma_start3A_570] : memref<768x16xf32, #tpu.memory_space<vmem>> -> memref<128x16xf32, #tpu.memory_space<vmem>>
      %dma_start3A_572 = arith.constant 0 : i32
      %dma_start3A_573 = tpu.memref_slice %arg5[%dma_start3A_567, %dma_start3A_568, %dma_start3A_572] : memref<12x2x128xi32, #tpu.memory_space<vmem>> -> memref<1x1x128xi32, #tpu.memory_space<vmem>>
      %dma_start3A_574 = tpu.memref_squeeze %dma_start3A_573 : memref<1x1x128xi32, #tpu.memory_space<vmem>> -> memref<128xi32, #tpu.memory_space<vmem>>
      %dma_start3A_575 = arith.constant 0 : i32
      %dma_start3A_576 = arith.constant 0 : i32
      %dma_start3A_577 = tpu.memref_slice %arg2[%dma_start3A_575, %dma_start3A_576] : memref<100352x16xf32, #tpu.memory_space<hbm>> -> memref<100352x16xf32, #tpu.memory_space<hbm>>
      tpu.enqueue_indirect_dma source(%dma_start3A_577 : memref<100352x16xf32, #tpu.memory_space<hbm>>) target(%dma_start3A_571 : memref<128x16xf32, #tpu.memory_space<vmem>>) offsets(%dma_start3A_574 : memref<128xi32, #tpu.memory_space<vmem>>) semaphore(%arg9 : memref<!tpu.dma_semaphore, #tpu.memory_space<semaphore_mem>>)
      %dma_wait3A_578 = arith.constant 0 : i32
      %dma_wait3A_579 = arith.constant 0 : i32
      %dma_wait3A_580 = arith.constant 0 : i32
      %dma_wait3A_581 = arith.constant 0 : i32
      %dma_wait3A_582 = tpu.memref_slice %arg6[%dma_wait3A_580, %dma_wait3A_581] : memref<768x16xf32, #tpu.memory_space<vmem>> -> memref<128x16xf32, #tpu.memory_space<vmem>>
      %dma_wait3A_583 = arith.constant 0 : i32
      %dma_wait3A_584 = tpu.memref_slice %arg5[%dma_wait3A_578, %dma_wait3A_579, %dma_wait3A_583] : memref<12x2x128xi32, #tpu.memory_space<vmem>> -> memref<1x1x128xi32, #tpu.memory_space<vmem>>
      %dma_wait3A_585 = tpu.memref_squeeze %dma_wait3A_584 : memref<1x1x128xi32, #tpu.memory_space<vmem>> -> memref<128xi32, #tpu.memory_space<vmem>>
      %dma_wait3A_586 = arith.constant 0 : i32
      %dma_wait3A_587 = arith.constant 0 : i32
      %dma_wait3A_588 = tpu.memref_slice %arg2[%dma_wait3A_586, %dma_wait3A_587] : memref<100352x16xf32, #tpu.memory_space<hbm>> -> memref<100352x16xf32, #tpu.memory_space<hbm>>
      tpu.wait_indirect_dma semaphore(%arg9 : memref<!tpu.dma_semaphore, #tpu.memory_space<semaphore_mem>>) src(%dma_wait3A_588 : memref<100352x16xf32, #tpu.memory_space<hbm>>) dst(%dma_wait3A_582 : memref<128x16xf32, #tpu.memory_space<vmem>>)
      %dma_start3A_589 = arith.constant 0 : i32
      %dma_start3A_590 = arith.constant 1 : i32
      %dma_start3A_591 = arith.constant 0 : i32
      %dma_start3A_592 = arith.constant 0 : i32
      %dma_start3A_593 = tpu.memref_slice %arg6[%dma_start3A_591, %dma_start3A_592] : memref<768x16xf32, #tpu.memory_space<vmem>> -> memref<128x16xf32, #tpu.memory_space<vmem>>
      %dma_start3A_594 = arith.constant 0 : i32
      %dma_start3A_595 = tpu.memref_slice %arg5[%dma_start3A_589, %dma_start3A_590, %dma_start3A_594] : memref<12x2x128xi32, #tpu.memory_space<vmem>> -> memref<1x1x128xi32, #tpu.memory_space<vmem>>
      %dma_start3A_596 = tpu.memref_squeeze %dma_start3A_595 : memref<1x1x128xi32, #tpu.memory_space<vmem>> -> memref<128xi32, #tpu.memory_space<vmem>>
      %dma_start3A_597 = arith.constant 0 : i32
      %dma_start3A_598 = arith.constant 0 : i32
      %dma_start3A_599 = tpu.memref_slice %arg8[%dma_start3A_597, %dma_start3A_598] : memref<100352x16xf32, #tpu.memory_space<vmem_shared>> -> memref<100352x16xf32, #tpu.memory_space<vmem_shared>>
      tpu.enqueue_indirect_dma source(%dma_start3A_593 : memref<128x16xf32, #tpu.memory_space<vmem>>) target(%dma_start3A_599 : memref<100352x16xf32, #tpu.memory_space<vmem_shared>>) offsets(%dma_start3A_596 : memref<128xi32, #tpu.memory_space<vmem>>) semaphore(%arg10 : memref<!tpu.dma_semaphore, #tpu.memory_space<semaphore_mem>>) {add = true}
      %dma_wait3A_600 = arith.constant 1 : i32
      %dma_wait3A_601 = arith.constant 0 : i32
      %dma_wait3A_602 = arith.constant 128 : i32
      %dma_wait3A_603 = arith.constant 0 : i32
      %dma_wait3A_604 = tpu.memref_slice %arg6[%dma_wait3A_602, %dma_wait3A_603] : memref<768x16xf32, #tpu.memory_space<vmem>> -> memref<128x16xf32, #tpu.memory_space<vmem>>
      %dma_wait3A_605 = arith.constant 0 : i32
      %dma_wait3A_606 = tpu.memref_slice %arg5[%dma_wait3A_600, %dma_wait3A_601, %dma_wait3A_605] : memref<12x2x128xi32, #tpu.memory_space<vmem>> -> memref<1x1x128xi32, #tpu.memory_space<vmem>>
      %dma_wait3A_607 = tpu.memref_squeeze %dma_wait3A_606 : memref<1x1x128xi32, #tpu.memory_space<vmem>> -> memref<128xi32, #tpu.memory_space<vmem>>
      %dma_wait3A_608 = arith.constant 0 : i32
      %dma_wait3A_609 = arith.constant 0 : i32
      %dma_wait3A_610 = tpu.memref_slice %arg2[%dma_wait3A_608, %dma_wait3A_609] : memref<100352x16xf32, #tpu.memory_space<hbm>> -> memref<100352x16xf32, #tpu.memory_space<hbm>>
      tpu.wait_indirect_dma semaphore(%arg9 : memref<!tpu.dma_semaphore, #tpu.memory_space<semaphore_mem>>) src(%dma_wait3A_610 : memref<100352x16xf32, #tpu.memory_space<hbm>>) dst(%dma_wait3A_604 : memref<128x16xf32, #tpu.memory_space<vmem>>)
      %dma_start3A_611 = arith.constant 1 : i32
      %dma_start3A_612 = arith.constant 1 : i32
      %dma_start3A_613 = arith.constant 128 : i32
      %dma_start3A_614 = arith.constant 0 : i32
      %dma_start3A_615 = tpu.memref_slice %arg6[%dma_start3A_613, %dma_start3A_614] : memref<768x16xf32, #tpu.memory_space<vmem>> -> memref<128x16xf32, #tpu.memory_space<vmem>>
      %dma_start3A_616 = arith.constant 0 : i32
      %dma_start3A_617 = tpu.memref_slice %arg5[%dma_start3A_611, %dma_start3A_612, %dma_start3A_616] : memref<12x2x128xi32, #tpu.memory_space<vmem>> -> memref<1x1x128xi32, #tpu.memory_space<vmem>>
      %dma_start3A_618 = tpu.memref_squeeze %dma_start3A_617 : memref<1x1x128xi32, #tpu.memory_space<vmem>> -> memref<128xi32, #tpu.memory_space<vmem>>
      %dma_start3A_619 = arith.constant 0 : i32
      %dma_start3A_620 = arith.constant 0 : i32
      %dma_start3A_621 = tpu.memref_slice %arg8[%dma_start3A_619, %dma_start3A_620] : memref<100352x16xf32, #tpu.memory_space<vmem_shared>> -> memref<100352x16xf32, #tpu.memory_space<vmem_shared>>
      tpu.enqueue_indirect_dma source(%dma_start3A_615 : memref<128x16xf32, #tpu.memory_space<vmem>>) target(%dma_start3A_621 : memref<100352x16xf32, #tpu.memory_space<vmem_shared>>) offsets(%dma_start3A_618 : memref<128xi32, #tpu.memory_space<vmem>>) semaphore(%arg10 : memref<!tpu.dma_semaphore, #tpu.memory_space<semaphore_mem>>) {add = true}
      %dma_wait3A_622 = arith.constant 2 : i32
      %dma_wait3A_623 = arith.constant 0 : i32
      %dma_wait3A_624 = arith.constant 256 : i32
      %dma_wait3A_625 = arith.constant 0 : i32
      %dma_wait3A_626 = tpu.memref_slice %arg6[%dma_wait3A_624, %dma_wait3A_625] : memref<768x16xf32, #tpu.memory_space<vmem>> -> memref<128x16xf32, #tpu.memory_space<vmem>>
      %dma_wait3A_627 = arith.constant 0 : i32
      %dma_wait3A_628 = tpu.memref_slice %arg5[%dma_wait3A_622, %dma_wait3A_623, %dma_wait3A_627] : memref<12x2x128xi32, #tpu.memory_space<vmem>> -> memref<1x1x128xi32, #tpu.memory_space<vmem>>
      %dma_wait3A_629 = tpu.memref_squeeze %dma_wait3A_628 : memref<1x1x128xi32, #tpu.memory_space<vmem>> -> memref<128xi32, #tpu.memory_space<vmem>>
      %dma_wait3A_630 = arith.constant 0 : i32
      %dma_wait3A_631 = arith.constant 0 : i32
      %dma_wait3A_632 = tpu.memref_slice %arg2[%dma_wait3A_630, %dma_wait3A_631] : memref<100352x16xf32, #tpu.memory_space<hbm>> -> memref<100352x16xf32, #tpu.memory_space<hbm>>
      tpu.wait_indirect_dma semaphore(%arg9 : memref<!tpu.dma_semaphore, #tpu.memory_space<semaphore_mem>>) src(%dma_wait3A_632 : memref<100352x16xf32, #tpu.memory_space<hbm>>) dst(%dma_wait3A_626 : memref<128x16xf32, #tpu.memory_space<vmem>>)
      %dma_start3A_633 = arith.constant 2 : i32
      %dma_start3A_634 = arith.constant 1 : i32
      %dma_start3A_635 = arith.constant 256 : i32
      %dma_start3A_636 = arith.constant 0 : i32
      %dma_start3A_637 = tpu.memref_slice %arg6[%dma_start3A_635, %dma_start3A_636] : memref<768x16xf32, #tpu.memory_space<vmem>> -> memref<128x16xf32, #tpu.memory_space<vmem>>
      %dma_start3A_638 = arith.constant 0 : i32
      %dma_start3A_639 = tpu.memref_slice %arg5[%dma_start3A_633, %dma_start3A_634, %dma_start3A_638] : memref<12x2x128xi32, #tpu.memory_space<vmem>> -> memref<1x1x128xi32, #tpu.memory_space<vmem>>
      %dma_start3A_640 = tpu.memref_squeeze %dma_start3A_639 : memref<1x1x128xi32, #tpu.memory_space<vmem>> -> memref<128xi32, #tpu.memory_space<vmem>>
      %dma_start3A_641 = arith.constant 0 : i32
      %dma_start3A_642 = arith.constant 0 : i32
      %dma_start3A_643 = tpu.memref_slice %arg8[%dma_start3A_641, %dma_start3A_642] : memref<100352x16xf32, #tpu.memory_space<vmem_shared>> -> memref<100352x16xf32, #tpu.memory_space<vmem_shared>>
      tpu.enqueue_indirect_dma source(%dma_start3A_637 : memref<128x16xf32, #tpu.memory_space<vmem>>) target(%dma_start3A_643 : memref<100352x16xf32, #tpu.memory_space<vmem_shared>>) offsets(%dma_start3A_640 : memref<128xi32, #tpu.memory_space<vmem>>) semaphore(%arg10 : memref<!tpu.dma_semaphore, #tpu.memory_space<semaphore_mem>>) {add = true}
      %dma_wait3A_644 = arith.constant 3 : i32
      %dma_wait3A_645 = arith.constant 0 : i32
      %dma_wait3A_646 = arith.constant 384 : i32
      %dma_wait3A_647 = arith.constant 0 : i32
      %dma_wait3A_648 = tpu.memref_slice %arg6[%dma_wait3A_646, %dma_wait3A_647] : memref<768x16xf32, #tpu.memory_space<vmem>> -> memref<128x16xf32, #tpu.memory_space<vmem>>
      %dma_wait3A_649 = arith.constant 0 : i32
      %dma_wait3A_650 = tpu.memref_slice %arg5[%dma_wait3A_644, %dma_wait3A_645, %dma_wait3A_649] : memref<12x2x128xi32, #tpu.memory_space<vmem>> -> memref<1x1x128xi32, #tpu.memory_space<vmem>>
      %dma_wait3A_651 = tpu.memref_squeeze %dma_wait3A_650 : memref<1x1x128xi32, #tpu.memory_space<vmem>> -> memref<128xi32, #tpu.memory_space<vmem>>
      %dma_wait3A_652 = arith.constant 0 : i32
      %dma_wait3A_653 = arith.constant 0 : i32
      %dma_wait3A_654 = tpu.memref_slice %arg2[%dma_wait3A_652, %dma_wait3A_653] : memref<100352x16xf32, #tpu.memory_space<hbm>> -> memref<100352x16xf32, #tpu.memory_space<hbm>>
      tpu.wait_indirect_dma semaphore(%arg9 : memref<!tpu.dma_semaphore, #tpu.memory_space<semaphore_mem>>) src(%dma_wait3A_654 : memref<100352x16xf32, #tpu.memory_space<hbm>>) dst(%dma_wait3A_648 : memref<128x16xf32, #tpu.memory_space<vmem>>)
      %dma_start3A_655 = arith.constant 3 : i32
      %dma_start3A_656 = arith.constant 1 : i32
      %dma_start3A_657 = arith.constant 384 : i32
      %dma_start3A_658 = arith.constant 0 : i32
      %dma_start3A_659 = tpu.memref_slice %arg6[%dma_start3A_657, %dma_start3A_658] : memref<768x16xf32, #tpu.memory_space<vmem>> -> memref<128x16xf32, #tpu.memory_space<vmem>>
      %dma_start3A_660 = arith.constant 0 : i32
      %dma_start3A_661 = tpu.memref_slice %arg5[%dma_start3A_655, %dma_start3A_656, %dma_start3A_660] : memref<12x2x128xi32, #tpu.memory_space<vmem>> -> memref<1x1x128xi32, #tpu.memory_space<vmem>>
      %dma_start3A_662 = tpu.memref_squeeze %dma_start3A_661 : memref<1x1x128xi32, #tpu.memory_space<vmem>> -> memref<128xi32, #tpu.memory_space<vmem>>
      %dma_start3A_663 = arith.constant 0 : i32
      %dma_start3A_664 = arith.constant 0 : i32
      %dma_start3A_665 = tpu.memref_slice %arg8[%dma_start3A_663, %dma_start3A_664] : memref<100352x16xf32, #tpu.memory_space<vmem_shared>> -> memref<100352x16xf32, #tpu.memory_space<vmem_shared>>
      tpu.enqueue_indirect_dma source(%dma_start3A_659 : memref<128x16xf32, #tpu.memory_space<vmem>>) target(%dma_start3A_665 : memref<100352x16xf32, #tpu.memory_space<vmem_shared>>) offsets(%dma_start3A_662 : memref<128xi32, #tpu.memory_space<vmem>>) semaphore(%arg10 : memref<!tpu.dma_semaphore, #tpu.memory_space<semaphore_mem>>) {add = true}
      %dma_wait3A_666 = arith.constant 4 : i32
      %dma_wait3A_667 = arith.constant 0 : i32
      %dma_wait3A_668 = arith.constant 512 : i32
      %dma_wait3A_669 = arith.constant 0 : i32
      %dma_wait3A_670 = tpu.memref_slice %arg6[%dma_wait3A_668, %dma_wait3A_669] : memref<768x16xf32, #tpu.memory_space<vmem>> -> memref<128x16xf32, #tpu.memory_space<vmem>>
      %dma_wait3A_671 = arith.constant 0 : i32
      %dma_wait3A_672 = tpu.memref_slice %arg5[%dma_wait3A_666, %dma_wait3A_667, %dma_wait3A_671] : memref<12x2x128xi32, #tpu.memory_space<vmem>> -> memref<1x1x128xi32, #tpu.memory_space<vmem>>
      %dma_wait3A_673 = tpu.memref_squeeze %dma_wait3A_672 : memref<1x1x128xi32, #tpu.memory_space<vmem>> -> memref<128xi32, #tpu.memory_space<vmem>>
      %dma_wait3A_674 = arith.constant 0 : i32
      %dma_wait3A_675 = arith.constant 0 : i32
      %dma_wait3A_676 = tpu.memref_slice %arg2[%dma_wait3A_674, %dma_wait3A_675] : memref<100352x16xf32, #tpu.memory_space<hbm>> -> memref<100352x16xf32, #tpu.memory_space<hbm>>
      tpu.wait_indirect_dma semaphore(%arg9 : memref<!tpu.dma_semaphore, #tpu.memory_space<semaphore_mem>>) src(%dma_wait3A_676 : memref<100352x16xf32, #tpu.memory_space<hbm>>) dst(%dma_wait3A_670 : memref<128x16xf32, #tpu.memory_space<vmem>>)
      %dma_start3A_677 = arith.constant 4 : i32
      %dma_start3A_678 = arith.constant 1 : i32
      %dma_start3A_679 = arith.constant 512 : i32
      %dma_start3A_680 = arith.constant 0 : i32
      %dma_start3A_681 = tpu.memref_slice %arg6[%dma_start3A_679, %dma_start3A_680] : memref<768x16xf32, #tpu.memory_space<vmem>> -> memref<128x16xf32, #tpu.memory_space<vmem>>
      %dma_start3A_682 = arith.constant 0 : i32
      %dma_start3A_683 = tpu.memref_slice %arg5[%dma_start3A_677, %dma_start3A_678, %dma_start3A_682] : memref<12x2x128xi32, #tpu.memory_space<vmem>> -> memref<1x1x128xi32, #tpu.memory_space<vmem>>
      %dma_start3A_684 = tpu.memref_squeeze %dma_start3A_683 : memref<1x1x128xi32, #tpu.memory_space<vmem>> -> memref<128xi32, #tpu.memory_space<vmem>>
      %dma_start3A_685 = arith.constant 0 : i32
      %dma_start3A_686 = arith.constant 0 : i32
      %dma_start3A_687 = tpu.memref_slice %arg8[%dma_start3A_685, %dma_start3A_686] : memref<100352x16xf32, #tpu.memory_space<vmem_shared>> -> memref<100352x16xf32, #tpu.memory_space<vmem_shared>>
      tpu.enqueue_indirect_dma source(%dma_start3A_681 : memref<128x16xf32, #tpu.memory_space<vmem>>) target(%dma_start3A_687 : memref<100352x16xf32, #tpu.memory_space<vmem_shared>>) offsets(%dma_start3A_684 : memref<128xi32, #tpu.memory_space<vmem>>) semaphore(%arg10 : memref<!tpu.dma_semaphore, #tpu.memory_space<semaphore_mem>>) {add = true}
      %dma_wait3A_688 = arith.constant 5 : i32
      %dma_wait3A_689 = arith.constant 0 : i32
      %dma_wait3A_690 = arith.constant 640 : i32
      %dma_wait3A_691 = arith.constant 0 : i32
      %dma_wait3A_692 = tpu.memref_slice %arg6[%dma_wait3A_690, %dma_wait3A_691] : memref<768x16xf32, #tpu.memory_space<vmem>> -> memref<128x16xf32, #tpu.memory_space<vmem>>
      %dma_wait3A_693 = arith.constant 0 : i32
      %dma_wait3A_694 = tpu.memref_slice %arg5[%dma_wait3A_688, %dma_wait3A_689, %dma_wait3A_693] : memref<12x2x128xi32, #tpu.memory_space<vmem>> -> memref<1x1x128xi32, #tpu.memory_space<vmem>>
      %dma_wait3A_695 = tpu.memref_squeeze %dma_wait3A_694 : memref<1x1x128xi32, #tpu.memory_space<vmem>> -> memref<128xi32, #tpu.memory_space<vmem>>
      %dma_wait3A_696 = arith.constant 0 : i32
      %dma_wait3A_697 = arith.constant 0 : i32
      %dma_wait3A_698 = tpu.memref_slice %arg2[%dma_wait3A_696, %dma_wait3A_697] : memref<100352x16xf32, #tpu.memory_space<hbm>> -> memref<100352x16xf32, #tpu.memory_space<hbm>>
      tpu.wait_indirect_dma semaphore(%arg9 : memref<!tpu.dma_semaphore, #tpu.memory_space<semaphore_mem>>) src(%dma_wait3A_698 : memref<100352x16xf32, #tpu.memory_space<hbm>>) dst(%dma_wait3A_692 : memref<128x16xf32, #tpu.memory_space<vmem>>)
      %dma_start3A_699 = arith.constant 5 : i32
      %dma_start3A_700 = arith.constant 1 : i32
      %dma_start3A_701 = arith.constant 640 : i32
      %dma_start3A_702 = arith.constant 0 : i32
      %dma_start3A_703 = tpu.memref_slice %arg6[%dma_start3A_701, %dma_start3A_702] : memref<768x16xf32, #tpu.memory_space<vmem>> -> memref<128x16xf32, #tpu.memory_space<vmem>>
      %dma_start3A_704 = arith.constant 0 : i32
      %dma_start3A_705 = tpu.memref_slice %arg5[%dma_start3A_699, %dma_start3A_700, %dma_start3A_704] : memref<12x2x128xi32, #tpu.memory_space<vmem>> -> memref<1x1x128xi32, #tpu.memory_space<vmem>>
      %dma_start3A_706 = tpu.memref_squeeze %dma_start3A_705 : memref<1x1x128xi32, #tpu.memory_space<vmem>> -> memref<128xi32, #tpu.memory_space<vmem>>
      %dma_start3A_707 = arith.constant 0 : i32
      %dma_start3A_708 = arith.constant 0 : i32
      %dma_start3A_709 = tpu.memref_slice %arg8[%dma_start3A_707, %dma_start3A_708] : memref<100352x16xf32, #tpu.memory_space<vmem_shared>> -> memref<100352x16xf32, #tpu.memory_space<vmem_shared>>
      tpu.enqueue_indirect_dma source(%dma_start3A_703 : memref<128x16xf32, #tpu.memory_space<vmem>>) target(%dma_start3A_709 : memref<100352x16xf32, #tpu.memory_space<vmem_shared>>) offsets(%dma_start3A_706 : memref<128xi32, #tpu.memory_space<vmem>>) semaphore(%arg10 : memref<!tpu.dma_semaphore, #tpu.memory_space<semaphore_mem>>) {add = true}
      %dma_wait3A_710 = arith.constant 6 : i32
      %dma_wait3A_711 = arith.constant 0 : i32
      %dma_wait3A_712 = arith.constant 0 : i32
      %dma_wait3A_713 = arith.constant 0 : i32
      %dma_wait3A_714 = tpu.memref_slice %arg7[%dma_wait3A_712, %dma_wait3A_713] : memref<768x16xf32, #tpu.memory_space<vmem>> -> memref<128x16xf32, #tpu.memory_space<vmem>>
      %dma_wait3A_715 = arith.constant 0 : i32
      %dma_wait3A_716 = tpu.memref_slice %arg5[%dma_wait3A_710, %dma_wait3A_711, %dma_wait3A_715] : memref<12x2x128xi32, #tpu.memory_space<vmem>> -> memref<1x1x128xi32, #tpu.memory_space<vmem>>
      %dma_wait3A_717 = tpu.memref_squeeze %dma_wait3A_716 : memref<1x1x128xi32, #tpu.memory_space<vmem>> -> memref<128xi32, #tpu.memory_space<vmem>>
      %dma_wait3A_718 = arith.constant 0 : i32
      %dma_wait3A_719 = arith.constant 0 : i32
      %dma_wait3A_720 = tpu.memref_slice %arg2[%dma_wait3A_718, %dma_wait3A_719] : memref<100352x16xf32, #tpu.memory_space<hbm>> -> memref<100352x16xf32, #tpu.memory_space<hbm>>
      tpu.wait_indirect_dma semaphore(%arg9 : memref<!tpu.dma_semaphore, #tpu.memory_space<semaphore_mem>>) src(%dma_wait3A_720 : memref<100352x16xf32, #tpu.memory_space<hbm>>) dst(%dma_wait3A_714 : memref<128x16xf32, #tpu.memory_space<vmem>>)
      %dma_start3A_721 = arith.constant 6 : i32
      %dma_start3A_722 = arith.constant 1 : i32
      %dma_start3A_723 = arith.constant 0 : i32
      %dma_start3A_724 = arith.constant 0 : i32
      %dma_start3A_725 = tpu.memref_slice %arg7[%dma_start3A_723, %dma_start3A_724] : memref<768x16xf32, #tpu.memory_space<vmem>> -> memref<128x16xf32, #tpu.memory_space<vmem>>
      %dma_start3A_726 = arith.constant 0 : i32
      %dma_start3A_727 = tpu.memref_slice %arg5[%dma_start3A_721, %dma_start3A_722, %dma_start3A_726] : memref<12x2x128xi32, #tpu.memory_space<vmem>> -> memref<1x1x128xi32, #tpu.memory_space<vmem>>
      %dma_start3A_728 = tpu.memref_squeeze %dma_start3A_727 : memref<1x1x128xi32, #tpu.memory_space<vmem>> -> memref<128xi32, #tpu.memory_space<vmem>>
      %dma_start3A_729 = arith.constant 0 : i32
      %dma_start3A_730 = arith.constant 0 : i32
      %dma_start3A_731 = tpu.memref_slice %arg8[%dma_start3A_729, %dma_start3A_730] : memref<100352x16xf32, #tpu.memory_space<vmem_shared>> -> memref<100352x16xf32, #tpu.memory_space<vmem_shared>>
      tpu.enqueue_indirect_dma source(%dma_start3A_725 : memref<128x16xf32, #tpu.memory_space<vmem>>) target(%dma_start3A_731 : memref<100352x16xf32, #tpu.memory_space<vmem_shared>>) offsets(%dma_start3A_728 : memref<128xi32, #tpu.memory_space<vmem>>) semaphore(%arg11 : memref<!tpu.dma_semaphore, #tpu.memory_space<semaphore_mem>>) {add = true}
      %dma_wait3A_732 = arith.constant 7 : i32
      %dma_wait3A_733 = arith.constant 0 : i32
      %dma_wait3A_734 = arith.constant 128 : i32
      %dma_wait3A_735 = arith.constant 0 : i32
      %dma_wait3A_736 = tpu.memref_slice %arg7[%dma_wait3A_734, %dma_wait3A_735] : memref<768x16xf32, #tpu.memory_space<vmem>> -> memref<128x16xf32, #tpu.memory_space<vmem>>
      %dma_wait3A_737 = arith.constant 0 : i32
      %dma_wait3A_738 = tpu.memref_slice %arg5[%dma_wait3A_732, %dma_wait3A_733, %dma_wait3A_737] : memref<12x2x128xi32, #tpu.memory_space<vmem>> -> memref<1x1x128xi32, #tpu.memory_space<vmem>>
      %dma_wait3A_739 = tpu.memref_squeeze %dma_wait3A_738 : memref<1x1x128xi32, #tpu.memory_space<vmem>> -> memref<128xi32, #tpu.memory_space<vmem>>
      %dma_wait3A_740 = arith.constant 0 : i32
      %dma_wait3A_741 = arith.constant 0 : i32
      %dma_wait3A_742 = tpu.memref_slice %arg2[%dma_wait3A_740, %dma_wait3A_741] : memref<100352x16xf32, #tpu.memory_space<hbm>> -> memref<100352x16xf32, #tpu.memory_space<hbm>>
      tpu.wait_indirect_dma semaphore(%arg9 : memref<!tpu.dma_semaphore, #tpu.memory_space<semaphore_mem>>) src(%dma_wait3A_742 : memref<100352x16xf32, #tpu.memory_space<hbm>>) dst(%dma_wait3A_736 : memref<128x16xf32, #tpu.memory_space<vmem>>)
      %dma_start3A_743 = arith.constant 7 : i32
      %dma_start3A_744 = arith.constant 1 : i32
      %dma_start3A_745 = arith.constant 128 : i32
      %dma_start3A_746 = arith.constant 0 : i32
      %dma_start3A_747 = tpu.memref_slice %arg7[%dma_start3A_745, %dma_start3A_746] : memref<768x16xf32, #tpu.memory_space<vmem>> -> memref<128x16xf32, #tpu.memory_space<vmem>>
      %dma_start3A_748 = arith.constant 0 : i32
      %dma_start3A_749 = tpu.memref_slice %arg5[%dma_start3A_743, %dma_start3A_744, %dma_start3A_748] : memref<12x2x128xi32, #tpu.memory_space<vmem>> -> memref<1x1x128xi32, #tpu.memory_space<vmem>>
      %dma_start3A_750 = tpu.memref_squeeze %dma_start3A_749 : memref<1x1x128xi32, #tpu.memory_space<vmem>> -> memref<128xi32, #tpu.memory_space<vmem>>
      %dma_start3A_751 = arith.constant 0 : i32
      %dma_start3A_752 = arith.constant 0 : i32
      %dma_start3A_753 = tpu.memref_slice %arg8[%dma_start3A_751, %dma_start3A_752] : memref<100352x16xf32, #tpu.memory_space<vmem_shared>> -> memref<100352x16xf32, #tpu.memory_space<vmem_shared>>
      tpu.enqueue_indirect_dma source(%dma_start3A_747 : memref<128x16xf32, #tpu.memory_space<vmem>>) target(%dma_start3A_753 : memref<100352x16xf32, #tpu.memory_space<vmem_shared>>) offsets(%dma_start3A_750 : memref<128xi32, #tpu.memory_space<vmem>>) semaphore(%arg11 : memref<!tpu.dma_semaphore, #tpu.memory_space<semaphore_mem>>) {add = true}
      %dma_wait3A_754 = arith.constant 8 : i32
      %dma_wait3A_755 = arith.constant 0 : i32
      %dma_wait3A_756 = arith.constant 256 : i32
      %dma_wait3A_757 = arith.constant 0 : i32
      %dma_wait3A_758 = tpu.memref_slice %arg7[%dma_wait3A_756, %dma_wait3A_757] : memref<768x16xf32, #tpu.memory_space<vmem>> -> memref<128x16xf32, #tpu.memory_space<vmem>>
      %dma_wait3A_759 = arith.constant 0 : i32
      %dma_wait3A_760 = tpu.memref_slice %arg5[%dma_wait3A_754, %dma_wait3A_755, %dma_wait3A_759] : memref<12x2x128xi32, #tpu.memory_space<vmem>> -> memref<1x1x128xi32, #tpu.memory_space<vmem>>
      %dma_wait3A_761 = tpu.memref_squeeze %dma_wait3A_760 : memref<1x1x128xi32, #tpu.memory_space<vmem>> -> memref<128xi32, #tpu.memory_space<vmem>>
      %dma_wait3A_762 = arith.constant 0 : i32
      %dma_wait3A_763 = arith.constant 0 : i32
      %dma_wait3A_764 = tpu.memref_slice %arg2[%dma_wait3A_762, %dma_wait3A_763] : memref<100352x16xf32, #tpu.memory_space<hbm>> -> memref<100352x16xf32, #tpu.memory_space<hbm>>
      tpu.wait_indirect_dma semaphore(%arg9 : memref<!tpu.dma_semaphore, #tpu.memory_space<semaphore_mem>>) src(%dma_wait3A_764 : memref<100352x16xf32, #tpu.memory_space<hbm>>) dst(%dma_wait3A_758 : memref<128x16xf32, #tpu.memory_space<vmem>>)
      %dma_start3A_765 = arith.constant 8 : i32
      %dma_start3A_766 = arith.constant 1 : i32
      %dma_start3A_767 = arith.constant 256 : i32
      %dma_start3A_768 = arith.constant 0 : i32
      %dma_start3A_769 = tpu.memref_slice %arg7[%dma_start3A_767, %dma_start3A_768] : memref<768x16xf32, #tpu.memory_space<vmem>> -> memref<128x16xf32, #tpu.memory_space<vmem>>
      %dma_start3A_770 = arith.constant 0 : i32
      %dma_start3A_771 = tpu.memref_slice %arg5[%dma_start3A_765, %dma_start3A_766, %dma_start3A_770] : memref<12x2x128xi32, #tpu.memory_space<vmem>> -> memref<1x1x128xi32, #tpu.memory_space<vmem>>
      %dma_start3A_772 = tpu.memref_squeeze %dma_start3A_771 : memref<1x1x128xi32, #tpu.memory_space<vmem>> -> memref<128xi32, #tpu.memory_space<vmem>>
      %dma_start3A_773 = arith.constant 0 : i32
      %dma_start3A_774 = arith.constant 0 : i32
      %dma_start3A_775 = tpu.memref_slice %arg8[%dma_start3A_773, %dma_start3A_774] : memref<100352x16xf32, #tpu.memory_space<vmem_shared>> -> memref<100352x16xf32, #tpu.memory_space<vmem_shared>>
      tpu.enqueue_indirect_dma source(%dma_start3A_769 : memref<128x16xf32, #tpu.memory_space<vmem>>) target(%dma_start3A_775 : memref<100352x16xf32, #tpu.memory_space<vmem_shared>>) offsets(%dma_start3A_772 : memref<128xi32, #tpu.memory_space<vmem>>) semaphore(%arg11 : memref<!tpu.dma_semaphore, #tpu.memory_space<semaphore_mem>>) {add = true}
      %dma_wait3A_776 = arith.constant 9 : i32
      %dma_wait3A_777 = arith.constant 0 : i32
      %dma_wait3A_778 = arith.constant 384 : i32
      %dma_wait3A_779 = arith.constant 0 : i32
      %dma_wait3A_780 = tpu.memref_slice %arg7[%dma_wait3A_778, %dma_wait3A_779] : memref<768x16xf32, #tpu.memory_space<vmem>> -> memref<128x16xf32, #tpu.memory_space<vmem>>
      %dma_wait3A_781 = arith.constant 0 : i32
      %dma_wait3A_782 = tpu.memref_slice %arg5[%dma_wait3A_776, %dma_wait3A_777, %dma_wait3A_781] : memref<12x2x128xi32, #tpu.memory_space<vmem>> -> memref<1x1x128xi32, #tpu.memory_space<vmem>>
      %dma_wait3A_783 = tpu.memref_squeeze %dma_wait3A_782 : memref<1x1x128xi32, #tpu.memory_space<vmem>> -> memref<128xi32, #tpu.memory_space<vmem>>
      %dma_wait3A_784 = arith.constant 0 : i32
      %dma_wait3A_785 = arith.constant 0 : i32
      %dma_wait3A_786 = tpu.memref_slice %arg2[%dma_wait3A_784, %dma_wait3A_785] : memref<100352x16xf32, #tpu.memory_space<hbm>> -> memref<100352x16xf32, #tpu.memory_space<hbm>>
      tpu.wait_indirect_dma semaphore(%arg9 : memref<!tpu.dma_semaphore, #tpu.memory_space<semaphore_mem>>) src(%dma_wait3A_786 : memref<100352x16xf32, #tpu.memory_space<hbm>>) dst(%dma_wait3A_780 : memref<128x16xf32, #tpu.memory_space<vmem>>)
      %dma_start3A_787 = arith.constant 9 : i32
      %dma_start3A_788 = arith.constant 1 : i32
      %dma_start3A_789 = arith.constant 384 : i32
      %dma_start3A_790 = arith.constant 0 : i32
      %dma_start3A_791 = tpu.memref_slice %arg7[%dma_start3A_789, %dma_start3A_790] : memref<768x16xf32, #tpu.memory_space<vmem>> -> memref<128x16xf32, #tpu.memory_space<vmem>>
      %dma_start3A_792 = arith.constant 0 : i32
      %dma_start3A_793 = tpu.memref_slice %arg5[%dma_start3A_787, %dma_start3A_788, %dma_start3A_792] : memref<12x2x128xi32, #tpu.memory_space<vmem>> -> memref<1x1x128xi32, #tpu.memory_space<vmem>>
      %dma_start3A_794 = tpu.memref_squeeze %dma_start3A_793 : memref<1x1x128xi32, #tpu.memory_space<vmem>> -> memref<128xi32, #tpu.memory_space<vmem>>
      %dma_start3A_795 = arith.constant 0 : i32
      %dma_start3A_796 = arith.constant 0 : i32
      %dma_start3A_797 = tpu.memref_slice %arg8[%dma_start3A_795, %dma_start3A_796] : memref<100352x16xf32, #tpu.memory_space<vmem_shared>> -> memref<100352x16xf32, #tpu.memory_space<vmem_shared>>
      tpu.enqueue_indirect_dma source(%dma_start3A_791 : memref<128x16xf32, #tpu.memory_space<vmem>>) target(%dma_start3A_797 : memref<100352x16xf32, #tpu.memory_space<vmem_shared>>) offsets(%dma_start3A_794 : memref<128xi32, #tpu.memory_space<vmem>>) semaphore(%arg11 : memref<!tpu.dma_semaphore, #tpu.memory_space<semaphore_mem>>) {add = true}
      %dma_wait3A_798 = arith.constant 10 : i32
      %dma_wait3A_799 = arith.constant 0 : i32
      %dma_wait3A_800 = arith.constant 512 : i32
      %dma_wait3A_801 = arith.constant 0 : i32
      %dma_wait3A_802 = tpu.memref_slice %arg7[%dma_wait3A_800, %dma_wait3A_801] : memref<768x16xf32, #tpu.memory_space<vmem>> -> memref<128x16xf32, #tpu.memory_space<vmem>>
      %dma_wait3A_803 = arith.constant 0 : i32
      %dma_wait3A_804 = tpu.memref_slice %arg5[%dma_wait3A_798, %dma_wait3A_799, %dma_wait3A_803] : memref<12x2x128xi32, #tpu.memory_space<vmem>> -> memref<1x1x128xi32, #tpu.memory_space<vmem>>
      %dma_wait3A_805 = tpu.memref_squeeze %dma_wait3A_804 : memref<1x1x128xi32, #tpu.memory_space<vmem>> -> memref<128xi32, #tpu.memory_space<vmem>>
      %dma_wait3A_806 = arith.constant 0 : i32
      %dma_wait3A_807 = arith.constant 0 : i32
      %dma_wait3A_808 = tpu.memref_slice %arg2[%dma_wait3A_806, %dma_wait3A_807] : memref<100352x16xf32, #tpu.memory_space<hbm>> -> memref<100352x16xf32, #tpu.memory_space<hbm>>
      tpu.wait_indirect_dma semaphore(%arg9 : memref<!tpu.dma_semaphore, #tpu.memory_space<semaphore_mem>>) src(%dma_wait3A_808 : memref<100352x16xf32, #tpu.memory_space<hbm>>) dst(%dma_wait3A_802 : memref<128x16xf32, #tpu.memory_space<vmem>>)
      %dma_start3A_809 = arith.constant 10 : i32
      %dma_start3A_810 = arith.constant 1 : i32
      %dma_start3A_811 = arith.constant 512 : i32
      %dma_start3A_812 = arith.constant 0 : i32
      %dma_start3A_813 = tpu.memref_slice %arg7[%dma_start3A_811, %dma_start3A_812] : memref<768x16xf32, #tpu.memory_space<vmem>> -> memref<128x16xf32, #tpu.memory_space<vmem>>
      %dma_start3A_814 = arith.constant 0 : i32
      %dma_start3A_815 = tpu.memref_slice %arg5[%dma_start3A_809, %dma_start3A_810, %dma_start3A_814] : memref<12x2x128xi32, #tpu.memory_space<vmem>> -> memref<1x1x128xi32, #tpu.memory_space<vmem>>
      %dma_start3A_816 = tpu.memref_squeeze %dma_start3A_815 : memref<1x1x128xi32, #tpu.memory_space<vmem>> -> memref<128xi32, #tpu.memory_space<vmem>>
      %dma_start3A_817 = arith.constant 0 : i32
      %dma_start3A_818 = arith.constant 0 : i32
      %dma_start3A_819 = tpu.memref_slice %arg8[%dma_start3A_817, %dma_start3A_818] : memref<100352x16xf32, #tpu.memory_space<vmem_shared>> -> memref<100352x16xf32, #tpu.memory_space<vmem_shared>>
      tpu.enqueue_indirect_dma source(%dma_start3A_813 : memref<128x16xf32, #tpu.memory_space<vmem>>) target(%dma_start3A_819 : memref<100352x16xf32, #tpu.memory_space<vmem_shared>>) offsets(%dma_start3A_816 : memref<128xi32, #tpu.memory_space<vmem>>) semaphore(%arg11 : memref<!tpu.dma_semaphore, #tpu.memory_space<semaphore_mem>>) {add = true}
      %dma_wait3A_820 = arith.constant 11 : i32
      %dma_wait3A_821 = arith.constant 0 : i32
      %dma_wait3A_822 = arith.constant 640 : i32
      %dma_wait3A_823 = arith.constant 0 : i32
      %dma_wait3A_824 = tpu.memref_slice %arg7[%dma_wait3A_822, %dma_wait3A_823] : memref<768x16xf32, #tpu.memory_space<vmem>> -> memref<128x16xf32, #tpu.memory_space<vmem>>
      %dma_wait3A_825 = arith.constant 0 : i32
      %dma_wait3A_826 = tpu.memref_slice %arg5[%dma_wait3A_820, %dma_wait3A_821, %dma_wait3A_825] : memref<12x2x128xi32, #tpu.memory_space<vmem>> -> memref<1x1x128xi32, #tpu.memory_space<vmem>>
      %dma_wait3A_827 = tpu.memref_squeeze %dma_wait3A_826 : memref<1x1x128xi32, #tpu.memory_space<vmem>> -> memref<128xi32, #tpu.memory_space<vmem>>
      %dma_wait3A_828 = arith.constant 0 : i32
      %dma_wait3A_829 = arith.constant 0 : i32
      %dma_wait3A_830 = tpu.memref_slice %arg2[%dma_wait3A_828, %dma_wait3A_829] : memref<100352x16xf32, #tpu.memory_space<hbm>> -> memref<100352x16xf32, #tpu.memory_space<hbm>>
      tpu.wait_indirect_dma semaphore(%arg9 : memref<!tpu.dma_semaphore, #tpu.memory_space<semaphore_mem>>) src(%dma_wait3A_830 : memref<100352x16xf32, #tpu.memory_space<hbm>>) dst(%dma_wait3A_824 : memref<128x16xf32, #tpu.memory_space<vmem>>)
      %dma_start3A_831 = arith.constant 11 : i32
      %dma_start3A_832 = arith.constant 1 : i32
      %dma_start3A_833 = arith.constant 640 : i32
      %dma_start3A_834 = arith.constant 0 : i32
      %dma_start3A_835 = tpu.memref_slice %arg7[%dma_start3A_833, %dma_start3A_834] : memref<768x16xf32, #tpu.memory_space<vmem>> -> memref<128x16xf32, #tpu.memory_space<vmem>>
      %dma_start3A_836 = arith.constant 0 : i32
      %dma_start3A_837 = tpu.memref_slice %arg5[%dma_start3A_831, %dma_start3A_832, %dma_start3A_836] : memref<12x2x128xi32, #tpu.memory_space<vmem>> -> memref<1x1x128xi32, #tpu.memory_space<vmem>>
      %dma_start3A_838 = tpu.memref_squeeze %dma_start3A_837 : memref<1x1x128xi32, #tpu.memory_space<vmem>> -> memref<128xi32, #tpu.memory_space<vmem>>
      %dma_start3A_839 = arith.constant 0 : i32
      %dma_start3A_840 = arith.constant 0 : i32
      %dma_start3A_841 = tpu.memref_slice %arg8[%dma_start3A_839, %dma_start3A_840] : memref<100352x16xf32, #tpu.memory_space<vmem_shared>> -> memref<100352x16xf32, #tpu.memory_space<vmem_shared>>
      tpu.enqueue_indirect_dma source(%dma_start3A_835 : memref<128x16xf32, #tpu.memory_space<vmem>>) target(%dma_start3A_841 : memref<100352x16xf32, #tpu.memory_space<vmem_shared>>) offsets(%dma_start3A_838 : memref<128xi32, #tpu.memory_space<vmem>>) semaphore(%arg11 : memref<!tpu.dma_semaphore, #tpu.memory_space<semaphore_mem>>) {add = true}
    }
    %scan3A_407 = arith.constant 65 : i32
    %dma_wait3A_408 = arith.constant 0 : i32
    %dma_wait3A_409 = arith.constant 0 : i32
    %dma_wait3A_410 = tpu.memref_slice %arg2[%dma_wait3A_408, %dma_wait3A_409] : memref<100352x16xf32, #tpu.memory_space<hbm>> -> memref<768x16xf32, #tpu.memory_space<hbm>>
    %dma_wait3A_411 = arith.constant 0 : i32
    %dma_wait3A_412 = arith.constant 0 : i32
    %dma_wait3A_413 = tpu.memref_slice %arg2[%dma_wait3A_411, %dma_wait3A_412] : memref<100352x16xf32, #tpu.memory_space<hbm>> -> memref<768x16xf32, #tpu.memory_space<hbm>>
    tpu.wait_dma2 semaphore(%arg10 : memref<!tpu.dma_semaphore, #tpu.memory_space<semaphore_mem>>) src(%dma_wait3A_413 : memref<768x16xf32, #tpu.memory_space<hbm>>) dst(%arg6 : memref<768x16xf32, #tpu.memory_space<vmem>>)
    %dma_wait3A_414 = arith.constant 0 : i32
    %dma_wait3A_415 = arith.constant 0 : i32
    %dma_wait3A_416 = tpu.memref_slice %arg2[%dma_wait3A_414, %dma_wait3A_415] : memref<100352x16xf32, #tpu.memory_space<hbm>> -> memref<768x16xf32, #tpu.memory_space<hbm>>
    %dma_wait3A_417 = arith.constant 0 : i32
    %dma_wait3A_418 = arith.constant 0 : i32
    %dma_wait3A_419 = tpu.memref_slice %arg2[%dma_wait3A_417, %dma_wait3A_418] : memref<100352x16xf32, #tpu.memory_space<hbm>> -> memref<768x16xf32, #tpu.memory_space<hbm>>
    tpu.wait_dma2 semaphore(%arg11 : memref<!tpu.dma_semaphore, #tpu.memory_space<semaphore_mem>>) src(%dma_wait3A_419 : memref<768x16xf32, #tpu.memory_space<hbm>>) dst(%arg7 : memref<768x16xf32, #tpu.memory_space<vmem>>)
    %barrier3A_420 = arith.constant 0 : index
    tpu.barrier barrier_id(%barrier3A_420)
    %mul3A_421 = arith.constant 6272 : i32
    %mul3A_422 = arith.muli %arg1, %mul3A_421 : i32
    %mul3A_423 = arith.constant 100352 : i32
    %mul3A_424 = arith.muli %arg0, %mul3A_423 : i32
    %mul3A_425 = arith.constant 6272 : i32
    %mul3A_426 = arith.muli %arg1, %mul3A_425 : i32
    %add3A_427 = arith.addi %mul3A_424, %mul3A_426 : i32
    "tpu.region"() ({
      %run_scoped3A = tpu.sem_alloc : memref<!tpu.dma_semaphore, #tpu.memory_space<semaphore_mem>>
      %dma_start3A_428 = arith.constant 0 : i32
      %dma_start3A_429 = tpu.memref_slice %arg4[%add3A_427, %dma_start3A_428] : memref<200704x16xf32, #tpu.memory_space<hbm>> -> memref<6272x16xf32, #tpu.memory_space<hbm>>
      %dma_start3A_430 = arith.constant 0 : i32
      %dma_start3A_431 = tpu.memref_slice %arg8[%mul3A_422, %dma_start3A_430] : memref<100352x16xf32, #tpu.memory_space<vmem_shared>> -> memref<6272x16xf32, #tpu.memory_space<vmem_shared>>
      tpu.enqueue_dma source(%dma_start3A_431 : memref<6272x16xf32, #tpu.memory_space<vmem_shared>>) target(%dma_start3A_429 : memref<6272x16xf32, #tpu.memory_space<hbm>>) target_semaphore(%run_scoped3A : memref<!tpu.dma_semaphore, #tpu.memory_space<semaphore_mem>>)
      %dma_wait3A_432 = arith.constant 0 : i32
      %dma_wait3A_433 = tpu.memref_slice %arg4[%add3A_427, %dma_wait3A_432] : memref<200704x16xf32, #tpu.memory_space<hbm>> -> memref<6272x16xf32, #tpu.memory_space<hbm>>
      %dma_wait3A_434 = arith.constant 0 : i32
      %dma_wait3A_435 = tpu.memref_slice %arg8[%mul3A_422, %dma_wait3A_434] : memref<100352x16xf32, #tpu.memory_space<vmem_shared>> -> memref<6272x16xf32, #tpu.memory_space<vmem_shared>>
      tpu.wait_dma2 semaphore(%run_scoped3A : memref<!tpu.dma_semaphore, #tpu.memory_space<semaphore_mem>>) src(%dma_wait3A_435 : memref<6272x16xf32, #tpu.memory_space<vmem_shared>>) dst(%dma_wait3A_433 : memref<6272x16xf32, #tpu.memory_space<hbm>>)
      tpu.yield
    }) : () -> ()
    return
  }
}

#map = affine_map<(d0, d1) -> (0, 0)>
#map1 = affine_map<(d0, d1) -> (0, 0, 0)>
module attributes {stable_mosaic.version = 14 : i64} {
  func.func @agg(%arg0: i32, %arg1: i32, %arg2: memref<100352x16xf32, #tpu.memory_space<hbm>>, %arg3: memref<25344x2x128xi32, #tpu.memory_space<hbm>>, %arg4: memref<200704x16xf32, #tpu.memory_space<hbm>>, %arg5: memref<12x2x128xi32, #tpu.memory_space<vmem>>, %arg6: memref<768x16xf32, #tpu.memory_space<vmem>>, %arg7: memref<768x16xf32, #tpu.memory_space<vmem>>, %arg8: memref<100352x16xf32, #tpu.memory_space<vmem_shared>>, %arg9: memref<!tpu.dma_semaphore, #tpu.memory_space<semaphore_mem>>, %arg10: memref<!tpu.dma_semaphore, #tpu.memory_space<semaphore_mem>>, %arg11: memref<!tpu.dma_semaphore, #tpu.memory_space<semaphore_mem>>) attributes {dimension_semantics = [#tpu.dimension_semantics<core_parallel>, #tpu.dimension_semantics<subcore_parallel>], iteration_bounds = array<i64: 2, 16>, scalar_prefetch = 0 : i64, scratch_operands = 7 : i64, tpu.core_type = #tpu.core_type<sc_vector_subcore>, window_params = [{transform_indices = #map}, {transform_indices = #map1}, {transform_indices = #map}]} {
    %mul3A = arith.constant 6272 : i32
    %mul3A_0 = arith.muli %arg1, %mul3A : i32
    %mul3A_1 = arith.constant 6272 : i32
    %mul3A_2 = arith.muli %arg1, %mul3A_1 : i32
    "tpu.region"() ({
      %run_scoped3A = tpu.sem_alloc : memref<!tpu.dma_semaphore, #tpu.memory_space<semaphore_mem>>
      %dma_start3A_428 = arith.constant 0 : i32
      %dma_start3A_429 = tpu.memref_slice %arg8[%mul3A_2, %dma_start3A_428] : memref<100352x16xf32, #tpu.memory_space<vmem_shared>> -> memref<6272x16xf32, #tpu.memory_space<vmem_shared>>
      %dma_start3A_430 = arith.constant 0 : i32
      %dma_start3A_431 = tpu.memref_slice %arg2[%mul3A_0, %dma_start3A_430] : memref<100352x16xf32, #tpu.memory_space<hbm>> -> memref<6272x16xf32, #tpu.memory_space<hbm>>
      tpu.enqueue_dma source(%dma_start3A_431 : memref<6272x16xf32, #tpu.memory_space<hbm>>) target(%dma_start3A_429 : memref<6272x16xf32, #tpu.memory_space<vmem_shared>>) target_semaphore(%run_scoped3A : memref<!tpu.dma_semaphore, #tpu.memory_space<semaphore_mem>>)
      %dma_wait3A_432 = arith.constant 0 : i32
      %dma_wait3A_433 = tpu.memref_slice %arg8[%mul3A_2, %dma_wait3A_432] : memref<100352x16xf32, #tpu.memory_space<vmem_shared>> -> memref<6272x16xf32, #tpu.memory_space<vmem_shared>>
      %dma_wait3A_434 = arith.constant 0 : i32
      %dma_wait3A_435 = tpu.memref_slice %arg2[%mul3A_0, %dma_wait3A_434] : memref<100352x16xf32, #tpu.memory_space<hbm>> -> memref<6272x16xf32, #tpu.memory_space<hbm>>
      tpu.wait_dma2 semaphore(%run_scoped3A : memref<!tpu.dma_semaphore, #tpu.memory_space<semaphore_mem>>) src(%dma_wait3A_435 : memref<6272x16xf32, #tpu.memory_space<hbm>>) dst(%dma_wait3A_433 : memref<6272x16xf32, #tpu.memory_space<vmem_shared>>)
      tpu.yield
    }) : () -> ()
    %barrier3A = arith.constant 0 : index
    tpu.barrier barrier_id(%barrier3A)
    %mul3A_3 = arith.constant 16 : i32
    %mul3A_4 = arith.muli %arg0, %mul3A_3 : i32
    %add3A = arith.addi %mul3A_4, %arg1 : i32
    %mul3A_5 = arith.constant 792 : i32
    %mul3A_6 = arith.muli %add3A, %mul3A_5 : i32
    %add3A_7 = arith.constant 0 : i32
    %add3A_8 = arith.addi %mul3A_6, %add3A_7 : i32
    "tpu.region"() ({
      %run_scoped3A = tpu.sem_alloc : memref<!tpu.dma_semaphore, #tpu.memory_space<semaphore_mem>>
      %dma_start3A_428 = arith.constant 0 : i32
      %dma_start3A_429 = arith.constant 0 : i32
      %dma_start3A_430 = tpu.memref_slice %arg3[%add3A_8, %dma_start3A_428, %dma_start3A_429] : memref<25344x2x128xi32, #tpu.memory_space<hbm>> -> memref<12x2x128xi32, #tpu.memory_space<hbm>>
      %dma_start3A_431 = arith.constant 0 : i32
      %dma_start3A_432 = arith.constant 0 : i32
      %dma_start3A_433 = tpu.memref_slice %arg3[%add3A_8, %dma_start3A_431, %dma_start3A_432] : memref<25344x2x128xi32, #tpu.memory_space<hbm>> -> memref<12x2x128xi32, #tpu.memory_space<hbm>>
      tpu.enqueue_dma source(%dma_start3A_433 : memref<12x2x128xi32, #tpu.memory_space<hbm>>) target(%arg5 : memref<12x2x128xi32, #tpu.memory_space<vmem>>) target_semaphore(%run_scoped3A : memref<!tpu.dma_semaphore, #tpu.memory_space<semaphore_mem>>)
      %dma_wait3A_434 = arith.constant 0 : i32
      %dma_wait3A_435 = arith.constant 0 : i32
      %dma_wait3A_436 = tpu.memref_slice %arg3[%add3A_8, %dma_wait3A_434, %dma_wait3A_435] : memref<25344x2x128xi32, #tpu.memory_space<hbm>> -> memref<12x2x128xi32, #tpu.memory_space<hbm>>
      %dma_wait3A_437 = arith.constant 0 : i32
      %dma_wait3A_438 = arith.constant 0 : i32
      %dma_wait3A_439 = tpu.memref_slice %arg3[%add3A_8, %dma_wait3A_437, %dma_wait3A_438] : memref<25344x2x128xi32, #tpu.memory_space<hbm>> -> memref<12x2x128xi32, #tpu.memory_space<hbm>>
      tpu.wait_dma2 semaphore(%run_scoped3A : memref<!tpu.dma_semaphore, #tpu.memory_space<semaphore_mem>>) src(%dma_wait3A_439 : memref<12x2x128xi32, #tpu.memory_space<hbm>>) dst(%arg5 : memref<12x2x128xi32, #tpu.memory_space<vmem>>)
      tpu.yield
    }) : () -> ()
    %dma_start3A = arith.constant 0 : i32
    %dma_start3A_9 = arith.constant 0 : i32
    %dma_start3A_10 = arith.constant 0 : i32
    %dma_start3A_11 = arith.constant 0 : i32
    %dma_start3A_12 = tpu.memref_slice %arg6[%dma_start3A_10, %dma_start3A_11] : memref<768x16xf32, #tpu.memory_space<vmem>> -> memref<128x16xf32, #tpu.memory_space<vmem>>
    %dma_start3A_13 = arith.constant 0 : i32
    %dma_start3A_14 = tpu.memref_slice %arg5[%dma_start3A, %dma_start3A_9, %dma_start3A_13] : memref<12x2x128xi32, #tpu.memory_space<vmem>> -> memref<1x1x128xi32, #tpu.memory_space<vmem>>
    %dma_start3A_15 = tpu.memref_squeeze %dma_start3A_14 : memref<1x1x128xi32, #tpu.memory_space<vmem>> -> memref<128xi32, #tpu.memory_space<vmem>>
    %dma_start3A_16 = arith.constant 0 : i32
    %dma_start3A_17 = arith.constant 0 : i32
    %dma_start3A_18 = tpu.memref_slice %arg2[%dma_start3A_16, %dma_start3A_17] : memref<100352x16xf32, #tpu.memory_space<hbm>> -> memref<100352x16xf32, #tpu.memory_space<hbm>>
    tpu.enqueue_indirect_dma source(%dma_start3A_18 : memref<100352x16xf32, #tpu.memory_space<hbm>>) target(%dma_start3A_12 : memref<128x16xf32, #tpu.memory_space<vmem>>) offsets(%dma_start3A_15 : memref<128xi32, #tpu.memory_space<vmem>>) semaphore(%arg9 : memref<!tpu.dma_semaphore, #tpu.memory_space<semaphore_mem>>)
    %dma_start3A_19 = arith.constant 1 : i32
    %dma_start3A_20 = arith.constant 0 : i32
    %dma_start3A_21 = arith.constant 128 : i32
    %dma_start3A_22 = arith.constant 0 : i32
    %dma_start3A_23 = tpu.memref_slice %arg6[%dma_start3A_21, %dma_start3A_22] : memref<768x16xf32, #tpu.memory_space<vmem>> -> memref<128x16xf32, #tpu.memory_space<vmem>>
    %dma_start3A_24 = arith.constant 0 : i32
    %dma_start3A_25 = tpu.memref_slice %arg5[%dma_start3A_19, %dma_start3A_20, %dma_start3A_24] : memref<12x2x128xi32, #tpu.memory_space<vmem>> -> memref<1x1x128xi32, #tpu.memory_space<vmem>>
    %dma_start3A_26 = tpu.memref_squeeze %dma_start3A_25 : memref<1x1x128xi32, #tpu.memory_space<vmem>> -> memref<128xi32, #tpu.memory_space<vmem>>
    %dma_start3A_27 = arith.constant 0 : i32
    %dma_start3A_28 = arith.constant 0 : i32
    %dma_start3A_29 = tpu.memref_slice %arg2[%dma_start3A_27, %dma_start3A_28] : memref<100352x16xf32, #tpu.memory_space<hbm>> -> memref<100352x16xf32, #tpu.memory_space<hbm>>
    tpu.enqueue_indirect_dma source(%dma_start3A_29 : memref<100352x16xf32, #tpu.memory_space<hbm>>) target(%dma_start3A_23 : memref<128x16xf32, #tpu.memory_space<vmem>>) offsets(%dma_start3A_26 : memref<128xi32, #tpu.memory_space<vmem>>) semaphore(%arg9 : memref<!tpu.dma_semaphore, #tpu.memory_space<semaphore_mem>>)
    %dma_start3A_30 = arith.constant 2 : i32
    %dma_start3A_31 = arith.constant 0 : i32
    %dma_start3A_32 = arith.constant 256 : i32
    %dma_start3A_33 = arith.constant 0 : i32
    %dma_start3A_34 = tpu.memref_slice %arg6[%dma_start3A_32, %dma_start3A_33] : memref<768x16xf32, #tpu.memory_space<vmem>> -> memref<128x16xf32, #tpu.memory_space<vmem>>
    %dma_start3A_35 = arith.constant 0 : i32
    %dma_start3A_36 = tpu.memref_slice %arg5[%dma_start3A_30, %dma_start3A_31, %dma_start3A_35] : memref<12x2x128xi32, #tpu.memory_space<vmem>> -> memref<1x1x128xi32, #tpu.memory_space<vmem>>
    %dma_start3A_37 = tpu.memref_squeeze %dma_start3A_36 : memref<1x1x128xi32, #tpu.memory_space<vmem>> -> memref<128xi32, #tpu.memory_space<vmem>>
    %dma_start3A_38 = arith.constant 0 : i32
    %dma_start3A_39 = arith.constant 0 : i32
    %dma_start3A_40 = tpu.memref_slice %arg2[%dma_start3A_38, %dma_start3A_39] : memref<100352x16xf32, #tpu.memory_space<hbm>> -> memref<100352x16xf32, #tpu.memory_space<hbm>>
    tpu.enqueue_indirect_dma source(%dma_start3A_40 : memref<100352x16xf32, #tpu.memory_space<hbm>>) target(%dma_start3A_34 : memref<128x16xf32, #tpu.memory_space<vmem>>) offsets(%dma_start3A_37 : memref<128xi32, #tpu.memory_space<vmem>>) semaphore(%arg9 : memref<!tpu.dma_semaphore, #tpu.memory_space<semaphore_mem>>)
    %dma_start3A_41 = arith.constant 3 : i32
    %dma_start3A_42 = arith.constant 0 : i32
    %dma_start3A_43 = arith.constant 384 : i32
    %dma_start3A_44 = arith.constant 0 : i32
    %dma_start3A_45 = tpu.memref_slice %arg6[%dma_start3A_43, %dma_start3A_44] : memref<768x16xf32, #tpu.memory_space<vmem>> -> memref<128x16xf32, #tpu.memory_space<vmem>>
    %dma_start3A_46 = arith.constant 0 : i32
    %dma_start3A_47 = tpu.memref_slice %arg5[%dma_start3A_41, %dma_start3A_42, %dma_start3A_46] : memref<12x2x128xi32, #tpu.memory_space<vmem>> -> memref<1x1x128xi32, #tpu.memory_space<vmem>>
    %dma_start3A_48 = tpu.memref_squeeze %dma_start3A_47 : memref<1x1x128xi32, #tpu.memory_space<vmem>> -> memref<128xi32, #tpu.memory_space<vmem>>
    %dma_start3A_49 = arith.constant 0 : i32
    %dma_start3A_50 = arith.constant 0 : i32
    %dma_start3A_51 = tpu.memref_slice %arg2[%dma_start3A_49, %dma_start3A_50] : memref<100352x16xf32, #tpu.memory_space<hbm>> -> memref<100352x16xf32, #tpu.memory_space<hbm>>
    tpu.enqueue_indirect_dma source(%dma_start3A_51 : memref<100352x16xf32, #tpu.memory_space<hbm>>) target(%dma_start3A_45 : memref<128x16xf32, #tpu.memory_space<vmem>>) offsets(%dma_start3A_48 : memref<128xi32, #tpu.memory_space<vmem>>) semaphore(%arg9 : memref<!tpu.dma_semaphore, #tpu.memory_space<semaphore_mem>>)
    %dma_start3A_52 = arith.constant 4 : i32
    %dma_start3A_53 = arith.constant 0 : i32
    %dma_start3A_54 = arith.constant 512 : i32
    %dma_start3A_55 = arith.constant 0 : i32
    %dma_start3A_56 = tpu.memref_slice %arg6[%dma_start3A_54, %dma_start3A_55] : memref<768x16xf32, #tpu.memory_space<vmem>> -> memref<128x16xf32, #tpu.memory_space<vmem>>
    %dma_start3A_57 = arith.constant 0 : i32
    %dma_start3A_58 = tpu.memref_slice %arg5[%dma_start3A_52, %dma_start3A_53, %dma_start3A_57] : memref<12x2x128xi32, #tpu.memory_space<vmem>> -> memref<1x1x128xi32, #tpu.memory_space<vmem>>
    %dma_start3A_59 = tpu.memref_squeeze %dma_start3A_58 : memref<1x1x128xi32, #tpu.memory_space<vmem>> -> memref<128xi32, #tpu.memory_space<vmem>>
    %dma_start3A_60 = arith.constant 0 : i32
    %dma_start3A_61 = arith.constant 0 : i32
    %dma_start3A_62 = tpu.memref_slice %arg2[%dma_start3A_60, %dma_start3A_61] : memref<100352x16xf32, #tpu.memory_space<hbm>> -> memref<100352x16xf32, #tpu.memory_space<hbm>>
    tpu.enqueue_indirect_dma source(%dma_start3A_62 : memref<100352x16xf32, #tpu.memory_space<hbm>>) target(%dma_start3A_56 : memref<128x16xf32, #tpu.memory_space<vmem>>) offsets(%dma_start3A_59 : memref<128xi32, #tpu.memory_space<vmem>>) semaphore(%arg9 : memref<!tpu.dma_semaphore, #tpu.memory_space<semaphore_mem>>)
    %dma_start3A_63 = arith.constant 5 : i32
    %dma_start3A_64 = arith.constant 0 : i32
    %dma_start3A_65 = arith.constant 640 : i32
    %dma_start3A_66 = arith.constant 0 : i32
    %dma_start3A_67 = tpu.memref_slice %arg6[%dma_start3A_65, %dma_start3A_66] : memref<768x16xf32, #tpu.memory_space<vmem>> -> memref<128x16xf32, #tpu.memory_space<vmem>>
    %dma_start3A_68 = arith.constant 0 : i32
    %dma_start3A_69 = tpu.memref_slice %arg5[%dma_start3A_63, %dma_start3A_64, %dma_start3A_68] : memref<12x2x128xi32, #tpu.memory_space<vmem>> -> memref<1x1x128xi32, #tpu.memory_space<vmem>>
    %dma_start3A_70 = tpu.memref_squeeze %dma_start3A_69 : memref<1x1x128xi32, #tpu.memory_space<vmem>> -> memref<128xi32, #tpu.memory_space<vmem>>
    %dma_start3A_71 = arith.constant 0 : i32
    %dma_start3A_72 = arith.constant 0 : i32
    %dma_start3A_73 = tpu.memref_slice %arg2[%dma_start3A_71, %dma_start3A_72] : memref<100352x16xf32, #tpu.memory_space<hbm>> -> memref<100352x16xf32, #tpu.memory_space<hbm>>
    tpu.enqueue_indirect_dma source(%dma_start3A_73 : memref<100352x16xf32, #tpu.memory_space<hbm>>) target(%dma_start3A_67 : memref<128x16xf32, #tpu.memory_space<vmem>>) offsets(%dma_start3A_70 : memref<128xi32, #tpu.memory_space<vmem>>) semaphore(%arg9 : memref<!tpu.dma_semaphore, #tpu.memory_space<semaphore_mem>>)
    %dma_start3A_74 = arith.constant 6 : i32
    %dma_start3A_75 = arith.constant 0 : i32
    %dma_start3A_76 = arith.constant 0 : i32
    %dma_start3A_77 = arith.constant 0 : i32
    %dma_start3A_78 = tpu.memref_slice %arg7[%dma_start3A_76, %dma_start3A_77] : memref<768x16xf32, #tpu.memory_space<vmem>> -> memref<128x16xf32, #tpu.memory_space<vmem>>
    %dma_start3A_79 = arith.constant 0 : i32
    %dma_start3A_80 = tpu.memref_slice %arg5[%dma_start3A_74, %dma_start3A_75, %dma_start3A_79] : memref<12x2x128xi32, #tpu.memory_space<vmem>> -> memref<1x1x128xi32, #tpu.memory_space<vmem>>
    %dma_start3A_81 = tpu.memref_squeeze %dma_start3A_80 : memref<1x1x128xi32, #tpu.memory_space<vmem>> -> memref<128xi32, #tpu.memory_space<vmem>>
    %dma_start3A_82 = arith.constant 0 : i32
    %dma_start3A_83 = arith.constant 0 : i32
    %dma_start3A_84 = tpu.memref_slice %arg2[%dma_start3A_82, %dma_start3A_83] : memref<100352x16xf32, #tpu.memory_space<hbm>> -> memref<100352x16xf32, #tpu.memory_space<hbm>>
    tpu.enqueue_indirect_dma source(%dma_start3A_84 : memref<100352x16xf32, #tpu.memory_space<hbm>>) target(%dma_start3A_78 : memref<128x16xf32, #tpu.memory_space<vmem>>) offsets(%dma_start3A_81 : memref<128xi32, #tpu.memory_space<vmem>>) semaphore(%arg9 : memref<!tpu.dma_semaphore, #tpu.memory_space<semaphore_mem>>)
    %dma_start3A_85 = arith.constant 7 : i32
    %dma_start3A_86 = arith.constant 0 : i32
    %dma_start3A_87 = arith.constant 128 : i32
    %dma_start3A_88 = arith.constant 0 : i32
    %dma_start3A_89 = tpu.memref_slice %arg7[%dma_start3A_87, %dma_start3A_88] : memref<768x16xf32, #tpu.memory_space<vmem>> -> memref<128x16xf32, #tpu.memory_space<vmem>>
    %dma_start3A_90 = arith.constant 0 : i32
    %dma_start3A_91 = tpu.memref_slice %arg5[%dma_start3A_85, %dma_start3A_86, %dma_start3A_90] : memref<12x2x128xi32, #tpu.memory_space<vmem>> -> memref<1x1x128xi32, #tpu.memory_space<vmem>>
    %dma_start3A_92 = tpu.memref_squeeze %dma_start3A_91 : memref<1x1x128xi32, #tpu.memory_space<vmem>> -> memref<128xi32, #tpu.memory_space<vmem>>
    %dma_start3A_93 = arith.constant 0 : i32
    %dma_start3A_94 = arith.constant 0 : i32
    %dma_start3A_95 = tpu.memref_slice %arg2[%dma_start3A_93, %dma_start3A_94] : memref<100352x16xf32, #tpu.memory_space<hbm>> -> memref<100352x16xf32, #tpu.memory_space<hbm>>
    tpu.enqueue_indirect_dma source(%dma_start3A_95 : memref<100352x16xf32, #tpu.memory_space<hbm>>) target(%dma_start3A_89 : memref<128x16xf32, #tpu.memory_space<vmem>>) offsets(%dma_start3A_92 : memref<128xi32, #tpu.memory_space<vmem>>) semaphore(%arg9 : memref<!tpu.dma_semaphore, #tpu.memory_space<semaphore_mem>>)
    %dma_start3A_96 = arith.constant 8 : i32
    %dma_start3A_97 = arith.constant 0 : i32
    %dma_start3A_98 = arith.constant 256 : i32
    %dma_start3A_99 = arith.constant 0 : i32
    %dma_start3A_100 = tpu.memref_slice %arg7[%dma_start3A_98, %dma_start3A_99] : memref<768x16xf32, #tpu.memory_space<vmem>> -> memref<128x16xf32, #tpu.memory_space<vmem>>
    %dma_start3A_101 = arith.constant 0 : i32
    %dma_start3A_102 = tpu.memref_slice %arg5[%dma_start3A_96, %dma_start3A_97, %dma_start3A_101] : memref<12x2x128xi32, #tpu.memory_space<vmem>> -> memref<1x1x128xi32, #tpu.memory_space<vmem>>
    %dma_start3A_103 = tpu.memref_squeeze %dma_start3A_102 : memref<1x1x128xi32, #tpu.memory_space<vmem>> -> memref<128xi32, #tpu.memory_space<vmem>>
    %dma_start3A_104 = arith.constant 0 : i32
    %dma_start3A_105 = arith.constant 0 : i32
    %dma_start3A_106 = tpu.memref_slice %arg2[%dma_start3A_104, %dma_start3A_105] : memref<100352x16xf32, #tpu.memory_space<hbm>> -> memref<100352x16xf32, #tpu.memory_space<hbm>>
    tpu.enqueue_indirect_dma source(%dma_start3A_106 : memref<100352x16xf32, #tpu.memory_space<hbm>>) target(%dma_start3A_100 : memref<128x16xf32, #tpu.memory_space<vmem>>) offsets(%dma_start3A_103 : memref<128xi32, #tpu.memory_space<vmem>>) semaphore(%arg9 : memref<!tpu.dma_semaphore, #tpu.memory_space<semaphore_mem>>)
    %dma_start3A_107 = arith.constant 9 : i32
    %dma_start3A_108 = arith.constant 0 : i32
    %dma_start3A_109 = arith.constant 384 : i32
    %dma_start3A_110 = arith.constant 0 : i32
    %dma_start3A_111 = tpu.memref_slice %arg7[%dma_start3A_109, %dma_start3A_110] : memref<768x16xf32, #tpu.memory_space<vmem>> -> memref<128x16xf32, #tpu.memory_space<vmem>>
    %dma_start3A_112 = arith.constant 0 : i32
    %dma_start3A_113 = tpu.memref_slice %arg5[%dma_start3A_107, %dma_start3A_108, %dma_start3A_112] : memref<12x2x128xi32, #tpu.memory_space<vmem>> -> memref<1x1x128xi32, #tpu.memory_space<vmem>>
    %dma_start3A_114 = tpu.memref_squeeze %dma_start3A_113 : memref<1x1x128xi32, #tpu.memory_space<vmem>> -> memref<128xi32, #tpu.memory_space<vmem>>
    %dma_start3A_115 = arith.constant 0 : i32
    %dma_start3A_116 = arith.constant 0 : i32
    %dma_start3A_117 = tpu.memref_slice %arg2[%dma_start3A_115, %dma_start3A_116] : memref<100352x16xf32, #tpu.memory_space<hbm>> -> memref<100352x16xf32, #tpu.memory_space<hbm>>
    tpu.enqueue_indirect_dma source(%dma_start3A_117 : memref<100352x16xf32, #tpu.memory_space<hbm>>) target(%dma_start3A_111 : memref<128x16xf32, #tpu.memory_space<vmem>>) offsets(%dma_start3A_114 : memref<128xi32, #tpu.memory_space<vmem>>) semaphore(%arg9 : memref<!tpu.dma_semaphore, #tpu.memory_space<semaphore_mem>>)
    %dma_start3A_118 = arith.constant 10 : i32
    %dma_start3A_119 = arith.constant 0 : i32
    %dma_start3A_120 = arith.constant 512 : i32
    %dma_start3A_121 = arith.constant 0 : i32
    %dma_start3A_122 = tpu.memref_slice %arg7[%dma_start3A_120, %dma_start3A_121] : memref<768x16xf32, #tpu.memory_space<vmem>> -> memref<128x16xf32, #tpu.memory_space<vmem>>
    %dma_start3A_123 = arith.constant 0 : i32
    %dma_start3A_124 = tpu.memref_slice %arg5[%dma_start3A_118, %dma_start3A_119, %dma_start3A_123] : memref<12x2x128xi32, #tpu.memory_space<vmem>> -> memref<1x1x128xi32, #tpu.memory_space<vmem>>
    %dma_start3A_125 = tpu.memref_squeeze %dma_start3A_124 : memref<1x1x128xi32, #tpu.memory_space<vmem>> -> memref<128xi32, #tpu.memory_space<vmem>>
    %dma_start3A_126 = arith.constant 0 : i32
    %dma_start3A_127 = arith.constant 0 : i32
    %dma_start3A_128 = tpu.memref_slice %arg2[%dma_start3A_126, %dma_start3A_127] : memref<100352x16xf32, #tpu.memory_space<hbm>> -> memref<100352x16xf32, #tpu.memory_space<hbm>>
    tpu.enqueue_indirect_dma source(%dma_start3A_128 : memref<100352x16xf32, #tpu.memory_space<hbm>>) target(%dma_start3A_122 : memref<128x16xf32, #tpu.memory_space<vmem>>) offsets(%dma_start3A_125 : memref<128xi32, #tpu.memory_space<vmem>>) semaphore(%arg9 : memref<!tpu.dma_semaphore, #tpu.memory_space<semaphore_mem>>)
    %dma_start3A_129 = arith.constant 11 : i32
    %dma_start3A_130 = arith.constant 0 : i32
    %dma_start3A_131 = arith.constant 640 : i32
    %dma_start3A_132 = arith.constant 0 : i32
    %dma_start3A_133 = tpu.memref_slice %arg7[%dma_start3A_131, %dma_start3A_132] : memref<768x16xf32, #tpu.memory_space<vmem>> -> memref<128x16xf32, #tpu.memory_space<vmem>>
    %dma_start3A_134 = arith.constant 0 : i32
    %dma_start3A_135 = tpu.memref_slice %arg5[%dma_start3A_129, %dma_start3A_130, %dma_start3A_134] : memref<12x2x128xi32, #tpu.memory_space<vmem>> -> memref<1x1x128xi32, #tpu.memory_space<vmem>>
    %dma_start3A_136 = tpu.memref_squeeze %dma_start3A_135 : memref<1x1x128xi32, #tpu.memory_space<vmem>> -> memref<128xi32, #tpu.memory_space<vmem>>
    %dma_start3A_137 = arith.constant 0 : i32
    %dma_start3A_138 = arith.constant 0 : i32
    %dma_start3A_139 = tpu.memref_slice %arg2[%dma_start3A_137, %dma_start3A_138] : memref<100352x16xf32, #tpu.memory_space<hbm>> -> memref<100352x16xf32, #tpu.memory_space<hbm>>
    tpu.enqueue_indirect_dma source(%dma_start3A_139 : memref<100352x16xf32, #tpu.memory_space<hbm>>) target(%dma_start3A_133 : memref<128x16xf32, #tpu.memory_space<vmem>>) offsets(%dma_start3A_136 : memref<128xi32, #tpu.memory_space<vmem>>) semaphore(%arg9 : memref<!tpu.dma_semaphore, #tpu.memory_space<semaphore_mem>>)
    %dma_wait3A = arith.constant 0 : i32
    %dma_wait3A_140 = arith.constant 0 : i32
    %dma_wait3A_141 = arith.constant 0 : i32
    %dma_wait3A_142 = arith.constant 0 : i32
    %dma_wait3A_143 = tpu.memref_slice %arg6[%dma_wait3A_141, %dma_wait3A_142] : memref<768x16xf32, #tpu.memory_space<vmem>> -> memref<128x16xf32, #tpu.memory_space<vmem>>
    %dma_wait3A_144 = arith.constant 0 : i32
    %dma_wait3A_145 = tpu.memref_slice %arg5[%dma_wait3A, %dma_wait3A_140, %dma_wait3A_144] : memref<12x2x128xi32, #tpu.memory_space<vmem>> -> memref<1x1x128xi32, #tpu.memory_space<vmem>>
    %dma_wait3A_146 = tpu.memref_squeeze %dma_wait3A_145 : memref<1x1x128xi32, #tpu.memory_space<vmem>> -> memref<128xi32, #tpu.memory_space<vmem>>
    %dma_wait3A_147 = arith.constant 0 : i32
    %dma_wait3A_148 = arith.constant 0 : i32
    %dma_wait3A_149 = tpu.memref_slice %arg2[%dma_wait3A_147, %dma_wait3A_148] : memref<100352x16xf32, #tpu.memory_space<hbm>> -> memref<100352x16xf32, #tpu.memory_space<hbm>>
    tpu.wait_indirect_dma semaphore(%arg9 : memref<!tpu.dma_semaphore, #tpu.memory_space<semaphore_mem>>) src(%dma_wait3A_149 : memref<100352x16xf32, #tpu.memory_space<hbm>>) dst(%dma_wait3A_143 : memref<128x16xf32, #tpu.memory_space<vmem>>)
    %dma_start3A_150 = arith.constant 0 : i32
    %dma_start3A_151 = arith.constant 1 : i32
    %dma_start3A_152 = arith.constant 0 : i32
    %dma_start3A_153 = arith.constant 0 : i32
    %dma_start3A_154 = tpu.memref_slice %arg6[%dma_start3A_152, %dma_start3A_153] : memref<768x16xf32, #tpu.memory_space<vmem>> -> memref<128x16xf32, #tpu.memory_space<vmem>>
    %dma_start3A_155 = arith.constant 0 : i32
    %dma_start3A_156 = tpu.memref_slice %arg5[%dma_start3A_150, %dma_start3A_151, %dma_start3A_155] : memref<12x2x128xi32, #tpu.memory_space<vmem>> -> memref<1x1x128xi32, #tpu.memory_space<vmem>>
    %dma_start3A_157 = tpu.memref_squeeze %dma_start3A_156 : memref<1x1x128xi32, #tpu.memory_space<vmem>> -> memref<128xi32, #tpu.memory_space<vmem>>
    %dma_start3A_158 = arith.constant 0 : i32
    %dma_start3A_159 = arith.constant 0 : i32
    %dma_start3A_160 = tpu.memref_slice %arg8[%dma_start3A_158, %dma_start3A_159] : memref<100352x16xf32, #tpu.memory_space<vmem_shared>> -> memref<100352x16xf32, #tpu.memory_space<vmem_shared>>
    tpu.enqueue_indirect_dma source(%dma_start3A_154 : memref<128x16xf32, #tpu.memory_space<vmem>>) target(%dma_start3A_160 : memref<100352x16xf32, #tpu.memory_space<vmem_shared>>) offsets(%dma_start3A_157 : memref<128xi32, #tpu.memory_space<vmem>>) semaphore(%arg10 : memref<!tpu.dma_semaphore, #tpu.memory_space<semaphore_mem>>) {add = true}
    %dma_wait3A_161 = arith.constant 1 : i32
    %dma_wait3A_162 = arith.constant 0 : i32
    %dma_wait3A_163 = arith.constant 128 : i32
    %dma_wait3A_164 = arith.constant 0 : i32
    %dma_wait3A_165 = tpu.memref_slice %arg6[%dma_wait3A_163, %dma_wait3A_164] : memref<768x16xf32, #tpu.memory_space<vmem>> -> memref<128x16xf32, #tpu.memory_space<vmem>>
    %dma_wait3A_166 = arith.constant 0 : i32
    %dma_wait3A_167 = tpu.memref_slice %arg5[%dma_wait3A_161, %dma_wait3A_162, %dma_wait3A_166] : memref<12x2x128xi32, #tpu.memory_space<vmem>> -> memref<1x1x128xi32, #tpu.memory_space<vmem>>
    %dma_wait3A_168 = tpu.memref_squeeze %dma_wait3A_167 : memref<1x1x128xi32, #tpu.memory_space<vmem>> -> memref<128xi32, #tpu.memory_space<vmem>>
    %dma_wait3A_169 = arith.constant 0 : i32
    %dma_wait3A_170 = arith.constant 0 : i32
    %dma_wait3A_171 = tpu.memref_slice %arg2[%dma_wait3A_169, %dma_wait3A_170] : memref<100352x16xf32, #tpu.memory_space<hbm>> -> memref<100352x16xf32, #tpu.memory_space<hbm>>
    tpu.wait_indirect_dma semaphore(%arg9 : memref<!tpu.dma_semaphore, #tpu.memory_space<semaphore_mem>>) src(%dma_wait3A_171 : memref<100352x16xf32, #tpu.memory_space<hbm>>) dst(%dma_wait3A_165 : memref<128x16xf32, #tpu.memory_space<vmem>>)
    %dma_start3A_172 = arith.constant 1 : i32
    %dma_start3A_173 = arith.constant 1 : i32
    %dma_start3A_174 = arith.constant 128 : i32
    %dma_start3A_175 = arith.constant 0 : i32
    %dma_start3A_176 = tpu.memref_slice %arg6[%dma_start3A_174, %dma_start3A_175] : memref<768x16xf32, #tpu.memory_space<vmem>> -> memref<128x16xf32, #tpu.memory_space<vmem>>
    %dma_start3A_177 = arith.constant 0 : i32
    %dma_start3A_178 = tpu.memref_slice %arg5[%dma_start3A_172, %dma_start3A_173, %dma_start3A_177] : memref<12x2x128xi32, #tpu.memory_space<vmem>> -> memref<1x1x128xi32, #tpu.memory_space<vmem>>
    %dma_start3A_179 = tpu.memref_squeeze %dma_start3A_178 : memref<1x1x128xi32, #tpu.memory_space<vmem>> -> memref<128xi32, #tpu.memory_space<vmem>>
    %dma_start3A_180 = arith.constant 0 : i32
    %dma_start3A_181 = arith.constant 0 : i32
    %dma_start3A_182 = tpu.memref_slice %arg8[%dma_start3A_180, %dma_start3A_181] : memref<100352x16xf32, #tpu.memory_space<vmem_shared>> -> memref<100352x16xf32, #tpu.memory_space<vmem_shared>>
    tpu.enqueue_indirect_dma source(%dma_start3A_176 : memref<128x16xf32, #tpu.memory_space<vmem>>) target(%dma_start3A_182 : memref<100352x16xf32, #tpu.memory_space<vmem_shared>>) offsets(%dma_start3A_179 : memref<128xi32, #tpu.memory_space<vmem>>) semaphore(%arg10 : memref<!tpu.dma_semaphore, #tpu.memory_space<semaphore_mem>>) {add = true}
    %dma_wait3A_183 = arith.constant 2 : i32
    %dma_wait3A_184 = arith.constant 0 : i32
    %dma_wait3A_185 = arith.constant 256 : i32
    %dma_wait3A_186 = arith.constant 0 : i32
    %dma_wait3A_187 = tpu.memref_slice %arg6[%dma_wait3A_185, %dma_wait3A_186] : memref<768x16xf32, #tpu.memory_space<vmem>> -> memref<128x16xf32, #tpu.memory_space<vmem>>
    %dma_wait3A_188 = arith.constant 0 : i32
    %dma_wait3A_189 = tpu.memref_slice %arg5[%dma_wait3A_183, %dma_wait3A_184, %dma_wait3A_188] : memref<12x2x128xi32, #tpu.memory_space<vmem>> -> memref<1x1x128xi32, #tpu.memory_space<vmem>>
    %dma_wait3A_190 = tpu.memref_squeeze %dma_wait3A_189 : memref<1x1x128xi32, #tpu.memory_space<vmem>> -> memref<128xi32, #tpu.memory_space<vmem>>
    %dma_wait3A_191 = arith.constant 0 : i32
    %dma_wait3A_192 = arith.constant 0 : i32
    %dma_wait3A_193 = tpu.memref_slice %arg2[%dma_wait3A_191, %dma_wait3A_192] : memref<100352x16xf32, #tpu.memory_space<hbm>> -> memref<100352x16xf32, #tpu.memory_space<hbm>>
    tpu.wait_indirect_dma semaphore(%arg9 : memref<!tpu.dma_semaphore, #tpu.memory_space<semaphore_mem>>) src(%dma_wait3A_193 : memref<100352x16xf32, #tpu.memory_space<hbm>>) dst(%dma_wait3A_187 : memref<128x16xf32, #tpu.memory_space<vmem>>)
    %dma_start3A_194 = arith.constant 2 : i32
    %dma_start3A_195 = arith.constant 1 : i32
    %dma_start3A_196 = arith.constant 256 : i32
    %dma_start3A_197 = arith.constant 0 : i32
    %dma_start3A_198 = tpu.memref_slice %arg6[%dma_start3A_196, %dma_start3A_197] : memref<768x16xf32, #tpu.memory_space<vmem>> -> memref<128x16xf32, #tpu.memory_space<vmem>>
    %dma_start3A_199 = arith.constant 0 : i32
    %dma_start3A_200 = tpu.memref_slice %arg5[%dma_start3A_194, %dma_start3A_195, %dma_start3A_199] : memref<12x2x128xi32, #tpu.memory_space<vmem>> -> memref<1x1x128xi32, #tpu.memory_space<vmem>>
    %dma_start3A_201 = tpu.memref_squeeze %dma_start3A_200 : memref<1x1x128xi32, #tpu.memory_space<vmem>> -> memref<128xi32, #tpu.memory_space<vmem>>
    %dma_start3A_202 = arith.constant 0 : i32
    %dma_start3A_203 = arith.constant 0 : i32
    %dma_start3A_204 = tpu.memref_slice %arg8[%dma_start3A_202, %dma_start3A_203] : memref<100352x16xf32, #tpu.memory_space<vmem_shared>> -> memref<100352x16xf32, #tpu.memory_space<vmem_shared>>
    tpu.enqueue_indirect_dma source(%dma_start3A_198 : memref<128x16xf32, #tpu.memory_space<vmem>>) target(%dma_start3A_204 : memref<100352x16xf32, #tpu.memory_space<vmem_shared>>) offsets(%dma_start3A_201 : memref<128xi32, #tpu.memory_space<vmem>>) semaphore(%arg10 : memref<!tpu.dma_semaphore, #tpu.memory_space<semaphore_mem>>) {add = true}
    %dma_wait3A_205 = arith.constant 3 : i32
    %dma_wait3A_206 = arith.constant 0 : i32
    %dma_wait3A_207 = arith.constant 384 : i32
    %dma_wait3A_208 = arith.constant 0 : i32
    %dma_wait3A_209 = tpu.memref_slice %arg6[%dma_wait3A_207, %dma_wait3A_208] : memref<768x16xf32, #tpu.memory_space<vmem>> -> memref<128x16xf32, #tpu.memory_space<vmem>>
    %dma_wait3A_210 = arith.constant 0 : i32
    %dma_wait3A_211 = tpu.memref_slice %arg5[%dma_wait3A_205, %dma_wait3A_206, %dma_wait3A_210] : memref<12x2x128xi32, #tpu.memory_space<vmem>> -> memref<1x1x128xi32, #tpu.memory_space<vmem>>
    %dma_wait3A_212 = tpu.memref_squeeze %dma_wait3A_211 : memref<1x1x128xi32, #tpu.memory_space<vmem>> -> memref<128xi32, #tpu.memory_space<vmem>>
    %dma_wait3A_213 = arith.constant 0 : i32
    %dma_wait3A_214 = arith.constant 0 : i32
    %dma_wait3A_215 = tpu.memref_slice %arg2[%dma_wait3A_213, %dma_wait3A_214] : memref<100352x16xf32, #tpu.memory_space<hbm>> -> memref<100352x16xf32, #tpu.memory_space<hbm>>
    tpu.wait_indirect_dma semaphore(%arg9 : memref<!tpu.dma_semaphore, #tpu.memory_space<semaphore_mem>>) src(%dma_wait3A_215 : memref<100352x16xf32, #tpu.memory_space<hbm>>) dst(%dma_wait3A_209 : memref<128x16xf32, #tpu.memory_space<vmem>>)
    %dma_start3A_216 = arith.constant 3 : i32
    %dma_start3A_217 = arith.constant 1 : i32
    %dma_start3A_218 = arith.constant 384 : i32
    %dma_start3A_219 = arith.constant 0 : i32
    %dma_start3A_220 = tpu.memref_slice %arg6[%dma_start3A_218, %dma_start3A_219] : memref<768x16xf32, #tpu.memory_space<vmem>> -> memref<128x16xf32, #tpu.memory_space<vmem>>
    %dma_start3A_221 = arith.constant 0 : i32
    %dma_start3A_222 = tpu.memref_slice %arg5[%dma_start3A_216, %dma_start3A_217, %dma_start3A_221] : memref<12x2x128xi32, #tpu.memory_space<vmem>> -> memref<1x1x128xi32, #tpu.memory_space<vmem>>
    %dma_start3A_223 = tpu.memref_squeeze %dma_start3A_222 : memref<1x1x128xi32, #tpu.memory_space<vmem>> -> memref<128xi32, #tpu.memory_space<vmem>>
    %dma_start3A_224 = arith.constant 0 : i32
    %dma_start3A_225 = arith.constant 0 : i32
    %dma_start3A_226 = tpu.memref_slice %arg8[%dma_start3A_224, %dma_start3A_225] : memref<100352x16xf32, #tpu.memory_space<vmem_shared>> -> memref<100352x16xf32, #tpu.memory_space<vmem_shared>>
    tpu.enqueue_indirect_dma source(%dma_start3A_220 : memref<128x16xf32, #tpu.memory_space<vmem>>) target(%dma_start3A_226 : memref<100352x16xf32, #tpu.memory_space<vmem_shared>>) offsets(%dma_start3A_223 : memref<128xi32, #tpu.memory_space<vmem>>) semaphore(%arg10 : memref<!tpu.dma_semaphore, #tpu.memory_space<semaphore_mem>>) {add = true}
    %dma_wait3A_227 = arith.constant 4 : i32
    %dma_wait3A_228 = arith.constant 0 : i32
    %dma_wait3A_229 = arith.constant 512 : i32
    %dma_wait3A_230 = arith.constant 0 : i32
    %dma_wait3A_231 = tpu.memref_slice %arg6[%dma_wait3A_229, %dma_wait3A_230] : memref<768x16xf32, #tpu.memory_space<vmem>> -> memref<128x16xf32, #tpu.memory_space<vmem>>
    %dma_wait3A_232 = arith.constant 0 : i32
    %dma_wait3A_233 = tpu.memref_slice %arg5[%dma_wait3A_227, %dma_wait3A_228, %dma_wait3A_232] : memref<12x2x128xi32, #tpu.memory_space<vmem>> -> memref<1x1x128xi32, #tpu.memory_space<vmem>>
    %dma_wait3A_234 = tpu.memref_squeeze %dma_wait3A_233 : memref<1x1x128xi32, #tpu.memory_space<vmem>> -> memref<128xi32, #tpu.memory_space<vmem>>
    %dma_wait3A_235 = arith.constant 0 : i32
    %dma_wait3A_236 = arith.constant 0 : i32
    %dma_wait3A_237 = tpu.memref_slice %arg2[%dma_wait3A_235, %dma_wait3A_236] : memref<100352x16xf32, #tpu.memory_space<hbm>> -> memref<100352x16xf32, #tpu.memory_space<hbm>>
    tpu.wait_indirect_dma semaphore(%arg9 : memref<!tpu.dma_semaphore, #tpu.memory_space<semaphore_mem>>) src(%dma_wait3A_237 : memref<100352x16xf32, #tpu.memory_space<hbm>>) dst(%dma_wait3A_231 : memref<128x16xf32, #tpu.memory_space<vmem>>)
    %dma_start3A_238 = arith.constant 4 : i32
    %dma_start3A_239 = arith.constant 1 : i32
    %dma_start3A_240 = arith.constant 512 : i32
    %dma_start3A_241 = arith.constant 0 : i32
    %dma_start3A_242 = tpu.memref_slice %arg6[%dma_start3A_240, %dma_start3A_241] : memref<768x16xf32, #tpu.memory_space<vmem>> -> memref<128x16xf32, #tpu.memory_space<vmem>>
    %dma_start3A_243 = arith.constant 0 : i32
    %dma_start3A_244 = tpu.memref_slice %arg5[%dma_start3A_238, %dma_start3A_239, %dma_start3A_243] : memref<12x2x128xi32, #tpu.memory_space<vmem>> -> memref<1x1x128xi32, #tpu.memory_space<vmem>>
    %dma_start3A_245 = tpu.memref_squeeze %dma_start3A_244 : memref<1x1x128xi32, #tpu.memory_space<vmem>> -> memref<128xi32, #tpu.memory_space<vmem>>
    %dma_start3A_246 = arith.constant 0 : i32
    %dma_start3A_247 = arith.constant 0 : i32
    %dma_start3A_248 = tpu.memref_slice %arg8[%dma_start3A_246, %dma_start3A_247] : memref<100352x16xf32, #tpu.memory_space<vmem_shared>> -> memref<100352x16xf32, #tpu.memory_space<vmem_shared>>
    tpu.enqueue_indirect_dma source(%dma_start3A_242 : memref<128x16xf32, #tpu.memory_space<vmem>>) target(%dma_start3A_248 : memref<100352x16xf32, #tpu.memory_space<vmem_shared>>) offsets(%dma_start3A_245 : memref<128xi32, #tpu.memory_space<vmem>>) semaphore(%arg10 : memref<!tpu.dma_semaphore, #tpu.memory_space<semaphore_mem>>) {add = true}
    %dma_wait3A_249 = arith.constant 5 : i32
    %dma_wait3A_250 = arith.constant 0 : i32
    %dma_wait3A_251 = arith.constant 640 : i32
    %dma_wait3A_252 = arith.constant 0 : i32
    %dma_wait3A_253 = tpu.memref_slice %arg6[%dma_wait3A_251, %dma_wait3A_252] : memref<768x16xf32, #tpu.memory_space<vmem>> -> memref<128x16xf32, #tpu.memory_space<vmem>>
    %dma_wait3A_254 = arith.constant 0 : i32
    %dma_wait3A_255 = tpu.memref_slice %arg5[%dma_wait3A_249, %dma_wait3A_250, %dma_wait3A_254] : memref<12x2x128xi32, #tpu.memory_space<vmem>> -> memref<1x1x128xi32, #tpu.memory_space<vmem>>
    %dma_wait3A_256 = tpu.memref_squeeze %dma_wait3A_255 : memref<1x1x128xi32, #tpu.memory_space<vmem>> -> memref<128xi32, #tpu.memory_space<vmem>>
    %dma_wait3A_257 = arith.constant 0 : i32
    %dma_wait3A_258 = arith.constant 0 : i32
    %dma_wait3A_259 = tpu.memref_slice %arg2[%dma_wait3A_257, %dma_wait3A_258] : memref<100352x16xf32, #tpu.memory_space<hbm>> -> memref<100352x16xf32, #tpu.memory_space<hbm>>
    tpu.wait_indirect_dma semaphore(%arg9 : memref<!tpu.dma_semaphore, #tpu.memory_space<semaphore_mem>>) src(%dma_wait3A_259 : memref<100352x16xf32, #tpu.memory_space<hbm>>) dst(%dma_wait3A_253 : memref<128x16xf32, #tpu.memory_space<vmem>>)
    %dma_start3A_260 = arith.constant 5 : i32
    %dma_start3A_261 = arith.constant 1 : i32
    %dma_start3A_262 = arith.constant 640 : i32
    %dma_start3A_263 = arith.constant 0 : i32
    %dma_start3A_264 = tpu.memref_slice %arg6[%dma_start3A_262, %dma_start3A_263] : memref<768x16xf32, #tpu.memory_space<vmem>> -> memref<128x16xf32, #tpu.memory_space<vmem>>
    %dma_start3A_265 = arith.constant 0 : i32
    %dma_start3A_266 = tpu.memref_slice %arg5[%dma_start3A_260, %dma_start3A_261, %dma_start3A_265] : memref<12x2x128xi32, #tpu.memory_space<vmem>> -> memref<1x1x128xi32, #tpu.memory_space<vmem>>
    %dma_start3A_267 = tpu.memref_squeeze %dma_start3A_266 : memref<1x1x128xi32, #tpu.memory_space<vmem>> -> memref<128xi32, #tpu.memory_space<vmem>>
    %dma_start3A_268 = arith.constant 0 : i32
    %dma_start3A_269 = arith.constant 0 : i32
    %dma_start3A_270 = tpu.memref_slice %arg8[%dma_start3A_268, %dma_start3A_269] : memref<100352x16xf32, #tpu.memory_space<vmem_shared>> -> memref<100352x16xf32, #tpu.memory_space<vmem_shared>>
    tpu.enqueue_indirect_dma source(%dma_start3A_264 : memref<128x16xf32, #tpu.memory_space<vmem>>) target(%dma_start3A_270 : memref<100352x16xf32, #tpu.memory_space<vmem_shared>>) offsets(%dma_start3A_267 : memref<128xi32, #tpu.memory_space<vmem>>) semaphore(%arg10 : memref<!tpu.dma_semaphore, #tpu.memory_space<semaphore_mem>>) {add = true}
    %dma_wait3A_271 = arith.constant 6 : i32
    %dma_wait3A_272 = arith.constant 0 : i32
    %dma_wait3A_273 = arith.constant 0 : i32
    %dma_wait3A_274 = arith.constant 0 : i32
    %dma_wait3A_275 = tpu.memref_slice %arg7[%dma_wait3A_273, %dma_wait3A_274] : memref<768x16xf32, #tpu.memory_space<vmem>> -> memref<128x16xf32, #tpu.memory_space<vmem>>
    %dma_wait3A_276 = arith.constant 0 : i32
    %dma_wait3A_277 = tpu.memref_slice %arg5[%dma_wait3A_271, %dma_wait3A_272, %dma_wait3A_276] : memref<12x2x128xi32, #tpu.memory_space<vmem>> -> memref<1x1x128xi32, #tpu.memory_space<vmem>>
    %dma_wait3A_278 = tpu.memref_squeeze %dma_wait3A_277 : memref<1x1x128xi32, #tpu.memory_space<vmem>> -> memref<128xi32, #tpu.memory_space<vmem>>
    %dma_wait3A_279 = arith.constant 0 : i32
    %dma_wait3A_280 = arith.constant 0 : i32
    %dma_wait3A_281 = tpu.memref_slice %arg2[%dma_wait3A_279, %dma_wait3A_280] : memref<100352x16xf32, #tpu.memory_space<hbm>> -> memref<100352x16xf32, #tpu.memory_space<hbm>>
    tpu.wait_indirect_dma semaphore(%arg9 : memref<!tpu.dma_semaphore, #tpu.memory_space<semaphore_mem>>) src(%dma_wait3A_281 : memref<100352x16xf32, #tpu.memory_space<hbm>>) dst(%dma_wait3A_275 : memref<128x16xf32, #tpu.memory_space<vmem>>)
    %dma_start3A_282 = arith.constant 6 : i32
    %dma_start3A_283 = arith.constant 1 : i32
    %dma_start3A_284 = arith.constant 0 : i32
    %dma_start3A_285 = arith.constant 0 : i32
    %dma_start3A_286 = tpu.memref_slice %arg7[%dma_start3A_284, %dma_start3A_285] : memref<768x16xf32, #tpu.memory_space<vmem>> -> memref<128x16xf32, #tpu.memory_space<vmem>>
    %dma_start3A_287 = arith.constant 0 : i32
    %dma_start3A_288 = tpu.memref_slice %arg5[%dma_start3A_282, %dma_start3A_283, %dma_start3A_287] : memref<12x2x128xi32, #tpu.memory_space<vmem>> -> memref<1x1x128xi32, #tpu.memory_space<vmem>>
    %dma_start3A_289 = tpu.memref_squeeze %dma_start3A_288 : memref<1x1x128xi32, #tpu.memory_space<vmem>> -> memref<128xi32, #tpu.memory_space<vmem>>
    %dma_start3A_290 = arith.constant 0 : i32
    %dma_start3A_291 = arith.constant 0 : i32
    %dma_start3A_292 = tpu.memref_slice %arg8[%dma_start3A_290, %dma_start3A_291] : memref<100352x16xf32, #tpu.memory_space<vmem_shared>> -> memref<100352x16xf32, #tpu.memory_space<vmem_shared>>
    tpu.enqueue_indirect_dma source(%dma_start3A_286 : memref<128x16xf32, #tpu.memory_space<vmem>>) target(%dma_start3A_292 : memref<100352x16xf32, #tpu.memory_space<vmem_shared>>) offsets(%dma_start3A_289 : memref<128xi32, #tpu.memory_space<vmem>>) semaphore(%arg11 : memref<!tpu.dma_semaphore, #tpu.memory_space<semaphore_mem>>) {add = true}
    %dma_wait3A_293 = arith.constant 7 : i32
    %dma_wait3A_294 = arith.constant 0 : i32
    %dma_wait3A_295 = arith.constant 128 : i32
    %dma_wait3A_296 = arith.constant 0 : i32
    %dma_wait3A_297 = tpu.memref_slice %arg7[%dma_wait3A_295, %dma_wait3A_296] : memref<768x16xf32, #tpu.memory_space<vmem>> -> memref<128x16xf32, #tpu.memory_space<vmem>>
    %dma_wait3A_298 = arith.constant 0 : i32
    %dma_wait3A_299 = tpu.memref_slice %arg5[%dma_wait3A_293, %dma_wait3A_294, %dma_wait3A_298] : memref<12x2x128xi32, #tpu.memory_space<vmem>> -> memref<1x1x128xi32, #tpu.memory_space<vmem>>
    %dma_wait3A_300 = tpu.memref_squeeze %dma_wait3A_299 : memref<1x1x128xi32, #tpu.memory_space<vmem>> -> memref<128xi32, #tpu.memory_space<vmem>>
    %dma_wait3A_301 = arith.constant 0 : i32
    %dma_wait3A_302 = arith.constant 0 : i32
    %dma_wait3A_303 = tpu.memref_slice %arg2[%dma_wait3A_301, %dma_wait3A_302] : memref<100352x16xf32, #tpu.memory_space<hbm>> -> memref<100352x16xf32, #tpu.memory_space<hbm>>
    tpu.wait_indirect_dma semaphore(%arg9 : memref<!tpu.dma_semaphore, #tpu.memory_space<semaphore_mem>>) src(%dma_wait3A_303 : memref<100352x16xf32, #tpu.memory_space<hbm>>) dst(%dma_wait3A_297 : memref<128x16xf32, #tpu.memory_space<vmem>>)
    %dma_start3A_304 = arith.constant 7 : i32
    %dma_start3A_305 = arith.constant 1 : i32
    %dma_start3A_306 = arith.constant 128 : i32
    %dma_start3A_307 = arith.constant 0 : i32
    %dma_start3A_308 = tpu.memref_slice %arg7[%dma_start3A_306, %dma_start3A_307] : memref<768x16xf32, #tpu.memory_space<vmem>> -> memref<128x16xf32, #tpu.memory_space<vmem>>
    %dma_start3A_309 = arith.constant 0 : i32
    %dma_start3A_310 = tpu.memref_slice %arg5[%dma_start3A_304, %dma_start3A_305, %dma_start3A_309] : memref<12x2x128xi32, #tpu.memory_space<vmem>> -> memref<1x1x128xi32, #tpu.memory_space<vmem>>
    %dma_start3A_311 = tpu.memref_squeeze %dma_start3A_310 : memref<1x1x128xi32, #tpu.memory_space<vmem>> -> memref<128xi32, #tpu.memory_space<vmem>>
    %dma_start3A_312 = arith.constant 0 : i32
    %dma_start3A_313 = arith.constant 0 : i32
    %dma_start3A_314 = tpu.memref_slice %arg8[%dma_start3A_312, %dma_start3A_313] : memref<100352x16xf32, #tpu.memory_space<vmem_shared>> -> memref<100352x16xf32, #tpu.memory_space<vmem_shared>>
    tpu.enqueue_indirect_dma source(%dma_start3A_308 : memref<128x16xf32, #tpu.memory_space<vmem>>) target(%dma_start3A_314 : memref<100352x16xf32, #tpu.memory_space<vmem_shared>>) offsets(%dma_start3A_311 : memref<128xi32, #tpu.memory_space<vmem>>) semaphore(%arg11 : memref<!tpu.dma_semaphore, #tpu.memory_space<semaphore_mem>>) {add = true}
    %dma_wait3A_315 = arith.constant 8 : i32
    %dma_wait3A_316 = arith.constant 0 : i32
    %dma_wait3A_317 = arith.constant 256 : i32
    %dma_wait3A_318 = arith.constant 0 : i32
    %dma_wait3A_319 = tpu.memref_slice %arg7[%dma_wait3A_317, %dma_wait3A_318] : memref<768x16xf32, #tpu.memory_space<vmem>> -> memref<128x16xf32, #tpu.memory_space<vmem>>
    %dma_wait3A_320 = arith.constant 0 : i32
    %dma_wait3A_321 = tpu.memref_slice %arg5[%dma_wait3A_315, %dma_wait3A_316, %dma_wait3A_320] : memref<12x2x128xi32, #tpu.memory_space<vmem>> -> memref<1x1x128xi32, #tpu.memory_space<vmem>>
    %dma_wait3A_322 = tpu.memref_squeeze %dma_wait3A_321 : memref<1x1x128xi32, #tpu.memory_space<vmem>> -> memref<128xi32, #tpu.memory_space<vmem>>
    %dma_wait3A_323 = arith.constant 0 : i32
    %dma_wait3A_324 = arith.constant 0 : i32
    %dma_wait3A_325 = tpu.memref_slice %arg2[%dma_wait3A_323, %dma_wait3A_324] : memref<100352x16xf32, #tpu.memory_space<hbm>> -> memref<100352x16xf32, #tpu.memory_space<hbm>>
    tpu.wait_indirect_dma semaphore(%arg9 : memref<!tpu.dma_semaphore, #tpu.memory_space<semaphore_mem>>) src(%dma_wait3A_325 : memref<100352x16xf32, #tpu.memory_space<hbm>>) dst(%dma_wait3A_319 : memref<128x16xf32, #tpu.memory_space<vmem>>)
    %dma_start3A_326 = arith.constant 8 : i32
    %dma_start3A_327 = arith.constant 1 : i32
    %dma_start3A_328 = arith.constant 256 : i32
    %dma_start3A_329 = arith.constant 0 : i32
    %dma_start3A_330 = tpu.memref_slice %arg7[%dma_start3A_328, %dma_start3A_329] : memref<768x16xf32, #tpu.memory_space<vmem>> -> memref<128x16xf32, #tpu.memory_space<vmem>>
    %dma_start3A_331 = arith.constant 0 : i32
    %dma_start3A_332 = tpu.memref_slice %arg5[%dma_start3A_326, %dma_start3A_327, %dma_start3A_331] : memref<12x2x128xi32, #tpu.memory_space<vmem>> -> memref<1x1x128xi32, #tpu.memory_space<vmem>>
    %dma_start3A_333 = tpu.memref_squeeze %dma_start3A_332 : memref<1x1x128xi32, #tpu.memory_space<vmem>> -> memref<128xi32, #tpu.memory_space<vmem>>
    %dma_start3A_334 = arith.constant 0 : i32
    %dma_start3A_335 = arith.constant 0 : i32
    %dma_start3A_336 = tpu.memref_slice %arg8[%dma_start3A_334, %dma_start3A_335] : memref<100352x16xf32, #tpu.memory_space<vmem_shared>> -> memref<100352x16xf32, #tpu.memory_space<vmem_shared>>
    tpu.enqueue_indirect_dma source(%dma_start3A_330 : memref<128x16xf32, #tpu.memory_space<vmem>>) target(%dma_start3A_336 : memref<100352x16xf32, #tpu.memory_space<vmem_shared>>) offsets(%dma_start3A_333 : memref<128xi32, #tpu.memory_space<vmem>>) semaphore(%arg11 : memref<!tpu.dma_semaphore, #tpu.memory_space<semaphore_mem>>) {add = true}
    %dma_wait3A_337 = arith.constant 9 : i32
    %dma_wait3A_338 = arith.constant 0 : i32
    %dma_wait3A_339 = arith.constant 384 : i32
    %dma_wait3A_340 = arith.constant 0 : i32
    %dma_wait3A_341 = tpu.memref_slice %arg7[%dma_wait3A_339, %dma_wait3A_340] : memref<768x16xf32, #tpu.memory_space<vmem>> -> memref<128x16xf32, #tpu.memory_space<vmem>>
    %dma_wait3A_342 = arith.constant 0 : i32
    %dma_wait3A_343 = tpu.memref_slice %arg5[%dma_wait3A_337, %dma_wait3A_338, %dma_wait3A_342] : memref<12x2x128xi32, #tpu.memory_space<vmem>> -> memref<1x1x128xi32, #tpu.memory_space<vmem>>
    %dma_wait3A_344 = tpu.memref_squeeze %dma_wait3A_343 : memref<1x1x128xi32, #tpu.memory_space<vmem>> -> memref<128xi32, #tpu.memory_space<vmem>>
    %dma_wait3A_345 = arith.constant 0 : i32
    %dma_wait3A_346 = arith.constant 0 : i32
    %dma_wait3A_347 = tpu.memref_slice %arg2[%dma_wait3A_345, %dma_wait3A_346] : memref<100352x16xf32, #tpu.memory_space<hbm>> -> memref<100352x16xf32, #tpu.memory_space<hbm>>
    tpu.wait_indirect_dma semaphore(%arg9 : memref<!tpu.dma_semaphore, #tpu.memory_space<semaphore_mem>>) src(%dma_wait3A_347 : memref<100352x16xf32, #tpu.memory_space<hbm>>) dst(%dma_wait3A_341 : memref<128x16xf32, #tpu.memory_space<vmem>>)
    %dma_start3A_348 = arith.constant 9 : i32
    %dma_start3A_349 = arith.constant 1 : i32
    %dma_start3A_350 = arith.constant 384 : i32
    %dma_start3A_351 = arith.constant 0 : i32
    %dma_start3A_352 = tpu.memref_slice %arg7[%dma_start3A_350, %dma_start3A_351] : memref<768x16xf32, #tpu.memory_space<vmem>> -> memref<128x16xf32, #tpu.memory_space<vmem>>
    %dma_start3A_353 = arith.constant 0 : i32
    %dma_start3A_354 = tpu.memref_slice %arg5[%dma_start3A_348, %dma_start3A_349, %dma_start3A_353] : memref<12x2x128xi32, #tpu.memory_space<vmem>> -> memref<1x1x128xi32, #tpu.memory_space<vmem>>
    %dma_start3A_355 = tpu.memref_squeeze %dma_start3A_354 : memref<1x1x128xi32, #tpu.memory_space<vmem>> -> memref<128xi32, #tpu.memory_space<vmem>>
    %dma_start3A_356 = arith.constant 0 : i32
    %dma_start3A_357 = arith.constant 0 : i32
    %dma_start3A_358 = tpu.memref_slice %arg8[%dma_start3A_356, %dma_start3A_357] : memref<100352x16xf32, #tpu.memory_space<vmem_shared>> -> memref<100352x16xf32, #tpu.memory_space<vmem_shared>>
    tpu.enqueue_indirect_dma source(%dma_start3A_352 : memref<128x16xf32, #tpu.memory_space<vmem>>) target(%dma_start3A_358 : memref<100352x16xf32, #tpu.memory_space<vmem_shared>>) offsets(%dma_start3A_355 : memref<128xi32, #tpu.memory_space<vmem>>) semaphore(%arg11 : memref<!tpu.dma_semaphore, #tpu.memory_space<semaphore_mem>>) {add = true}
    %dma_wait3A_359 = arith.constant 10 : i32
    %dma_wait3A_360 = arith.constant 0 : i32
    %dma_wait3A_361 = arith.constant 512 : i32
    %dma_wait3A_362 = arith.constant 0 : i32
    %dma_wait3A_363 = tpu.memref_slice %arg7[%dma_wait3A_361, %dma_wait3A_362] : memref<768x16xf32, #tpu.memory_space<vmem>> -> memref<128x16xf32, #tpu.memory_space<vmem>>
    %dma_wait3A_364 = arith.constant 0 : i32
    %dma_wait3A_365 = tpu.memref_slice %arg5[%dma_wait3A_359, %dma_wait3A_360, %dma_wait3A_364] : memref<12x2x128xi32, #tpu.memory_space<vmem>> -> memref<1x1x128xi32, #tpu.memory_space<vmem>>
    %dma_wait3A_366 = tpu.memref_squeeze %dma_wait3A_365 : memref<1x1x128xi32, #tpu.memory_space<vmem>> -> memref<128xi32, #tpu.memory_space<vmem>>
    %dma_wait3A_367 = arith.constant 0 : i32
    %dma_wait3A_368 = arith.constant 0 : i32
    %dma_wait3A_369 = tpu.memref_slice %arg2[%dma_wait3A_367, %dma_wait3A_368] : memref<100352x16xf32, #tpu.memory_space<hbm>> -> memref<100352x16xf32, #tpu.memory_space<hbm>>
    tpu.wait_indirect_dma semaphore(%arg9 : memref<!tpu.dma_semaphore, #tpu.memory_space<semaphore_mem>>) src(%dma_wait3A_369 : memref<100352x16xf32, #tpu.memory_space<hbm>>) dst(%dma_wait3A_363 : memref<128x16xf32, #tpu.memory_space<vmem>>)
    %dma_start3A_370 = arith.constant 10 : i32
    %dma_start3A_371 = arith.constant 1 : i32
    %dma_start3A_372 = arith.constant 512 : i32
    %dma_start3A_373 = arith.constant 0 : i32
    %dma_start3A_374 = tpu.memref_slice %arg7[%dma_start3A_372, %dma_start3A_373] : memref<768x16xf32, #tpu.memory_space<vmem>> -> memref<128x16xf32, #tpu.memory_space<vmem>>
    %dma_start3A_375 = arith.constant 0 : i32
    %dma_start3A_376 = tpu.memref_slice %arg5[%dma_start3A_370, %dma_start3A_371, %dma_start3A_375] : memref<12x2x128xi32, #tpu.memory_space<vmem>> -> memref<1x1x128xi32, #tpu.memory_space<vmem>>
    %dma_start3A_377 = tpu.memref_squeeze %dma_start3A_376 : memref<1x1x128xi32, #tpu.memory_space<vmem>> -> memref<128xi32, #tpu.memory_space<vmem>>
    %dma_start3A_378 = arith.constant 0 : i32
    %dma_start3A_379 = arith.constant 0 : i32
    %dma_start3A_380 = tpu.memref_slice %arg8[%dma_start3A_378, %dma_start3A_379] : memref<100352x16xf32, #tpu.memory_space<vmem_shared>> -> memref<100352x16xf32, #tpu.memory_space<vmem_shared>>
    tpu.enqueue_indirect_dma source(%dma_start3A_374 : memref<128x16xf32, #tpu.memory_space<vmem>>) target(%dma_start3A_380 : memref<100352x16xf32, #tpu.memory_space<vmem_shared>>) offsets(%dma_start3A_377 : memref<128xi32, #tpu.memory_space<vmem>>) semaphore(%arg11 : memref<!tpu.dma_semaphore, #tpu.memory_space<semaphore_mem>>) {add = true}
    %dma_wait3A_381 = arith.constant 11 : i32
    %dma_wait3A_382 = arith.constant 0 : i32
    %dma_wait3A_383 = arith.constant 640 : i32
    %dma_wait3A_384 = arith.constant 0 : i32
    %dma_wait3A_385 = tpu.memref_slice %arg7[%dma_wait3A_383, %dma_wait3A_384] : memref<768x16xf32, #tpu.memory_space<vmem>> -> memref<128x16xf32, #tpu.memory_space<vmem>>
    %dma_wait3A_386 = arith.constant 0 : i32
    %dma_wait3A_387 = tpu.memref_slice %arg5[%dma_wait3A_381, %dma_wait3A_382, %dma_wait3A_386] : memref<12x2x128xi32, #tpu.memory_space<vmem>> -> memref<1x1x128xi32, #tpu.memory_space<vmem>>
    %dma_wait3A_388 = tpu.memref_squeeze %dma_wait3A_387 : memref<1x1x128xi32, #tpu.memory_space<vmem>> -> memref<128xi32, #tpu.memory_space<vmem>>
    %dma_wait3A_389 = arith.constant 0 : i32
    %dma_wait3A_390 = arith.constant 0 : i32
    %dma_wait3A_391 = tpu.memref_slice %arg2[%dma_wait3A_389, %dma_wait3A_390] : memref<100352x16xf32, #tpu.memory_space<hbm>> -> memref<100352x16xf32, #tpu.memory_space<hbm>>
    tpu.wait_indirect_dma semaphore(%arg9 : memref<!tpu.dma_semaphore, #tpu.memory_space<semaphore_mem>>) src(%dma_wait3A_391 : memref<100352x16xf32, #tpu.memory_space<hbm>>) dst(%dma_wait3A_385 : memref<128x16xf32, #tpu.memory_space<vmem>>)
    %dma_start3A_392 = arith.constant 11 : i32
    %dma_start3A_393 = arith.constant 1 : i32
    %dma_start3A_394 = arith.constant 640 : i32
    %dma_start3A_395 = arith.constant 0 : i32
    %dma_start3A_396 = tpu.memref_slice %arg7[%dma_start3A_394, %dma_start3A_395] : memref<768x16xf32, #tpu.memory_space<vmem>> -> memref<128x16xf32, #tpu.memory_space<vmem>>
    %dma_start3A_397 = arith.constant 0 : i32
    %dma_start3A_398 = tpu.memref_slice %arg5[%dma_start3A_392, %dma_start3A_393, %dma_start3A_397] : memref<12x2x128xi32, #tpu.memory_space<vmem>> -> memref<1x1x128xi32, #tpu.memory_space<vmem>>
    %dma_start3A_399 = tpu.memref_squeeze %dma_start3A_398 : memref<1x1x128xi32, #tpu.memory_space<vmem>> -> memref<128xi32, #tpu.memory_space<vmem>>
    %dma_start3A_400 = arith.constant 0 : i32
    %dma_start3A_401 = arith.constant 0 : i32
    %dma_start3A_402 = tpu.memref_slice %arg8[%dma_start3A_400, %dma_start3A_401] : memref<100352x16xf32, #tpu.memory_space<vmem_shared>> -> memref<100352x16xf32, #tpu.memory_space<vmem_shared>>
    tpu.enqueue_indirect_dma source(%dma_start3A_396 : memref<128x16xf32, #tpu.memory_space<vmem>>) target(%dma_start3A_402 : memref<100352x16xf32, #tpu.memory_space<vmem_shared>>) offsets(%dma_start3A_399 : memref<128xi32, #tpu.memory_space<vmem>>) semaphore(%arg11 : memref<!tpu.dma_semaphore, #tpu.memory_space<semaphore_mem>>) {add = true}
    %scan3A = arith.constant 0 : i32
    %scan3A_403 = arith.constant 1 : i32
    %scan3A_404 = arith.constant 65 : i32
    %scan3A_405 = arith.addi %scan3A_403, %scan3A_404 : i32
    %scan3A_406 = arith.constant 1 : i32
    scf.for %scan3A_428 = %scan3A_403 to %scan3A_405 step %scan3A_406  : i32 {
      %dma_wait3A_429 = arith.constant 0 : i32
      %dma_wait3A_430 = arith.constant 0 : i32
      %dma_wait3A_431 = tpu.memref_slice %arg2[%dma_wait3A_429, %dma_wait3A_430] : memref<100352x16xf32, #tpu.memory_space<hbm>> -> memref<768x16xf32, #tpu.memory_space<hbm>>
      %dma_wait3A_432 = arith.constant 0 : i32
      %dma_wait3A_433 = arith.constant 0 : i32
      %dma_wait3A_434 = tpu.memref_slice %arg2[%dma_wait3A_432, %dma_wait3A_433] : memref<100352x16xf32, #tpu.memory_space<hbm>> -> memref<768x16xf32, #tpu.memory_space<hbm>>
      tpu.wait_dma2 semaphore(%arg10 : memref<!tpu.dma_semaphore, #tpu.memory_space<semaphore_mem>>) src(%dma_wait3A_434 : memref<768x16xf32, #tpu.memory_space<hbm>>) dst(%arg6 : memref<768x16xf32, #tpu.memory_space<vmem>>)
      %dma_wait3A_435 = arith.constant 0 : i32
      %dma_wait3A_436 = arith.constant 0 : i32
      %dma_wait3A_437 = tpu.memref_slice %arg2[%dma_wait3A_435, %dma_wait3A_436] : memref<100352x16xf32, #tpu.memory_space<hbm>> -> memref<768x16xf32, #tpu.memory_space<hbm>>
      %dma_wait3A_438 = arith.constant 0 : i32
      %dma_wait3A_439 = arith.constant 0 : i32
      %dma_wait3A_440 = tpu.memref_slice %arg2[%dma_wait3A_438, %dma_wait3A_439] : memref<100352x16xf32, #tpu.memory_space<hbm>> -> memref<768x16xf32, #tpu.memory_space<hbm>>
      tpu.wait_dma2 semaphore(%arg11 : memref<!tpu.dma_semaphore, #tpu.memory_space<semaphore_mem>>) src(%dma_wait3A_440 : memref<768x16xf32, #tpu.memory_space<hbm>>) dst(%arg7 : memref<768x16xf32, #tpu.memory_space<vmem>>)
      %mul3A_441 = arith.constant 2 : i32
      %mul3A_442 = arith.muli %scan3A_428, %mul3A_441 : i32
      %mul3A_443 = arith.constant 6 : i32
      %mul3A_444 = arith.muli %mul3A_442, %mul3A_443 : i32
      %add3A_445 = arith.addi %mul3A_6, %mul3A_444 : i32
      "tpu.region"() ({
        %run_scoped3A = tpu.sem_alloc : memref<!tpu.dma_semaphore, #tpu.memory_space<semaphore_mem>>
        %dma_start3A_842 = arith.constant 0 : i32
        %dma_start3A_843 = arith.constant 0 : i32
        %dma_start3A_844 = tpu.memref_slice %arg3[%add3A_445, %dma_start3A_842, %dma_start3A_843] : memref<25344x2x128xi32, #tpu.memory_space<hbm>> -> memref<12x2x128xi32, #tpu.memory_space<hbm>>
        %dma_start3A_845 = arith.constant 0 : i32
        %dma_start3A_846 = arith.constant 0 : i32
        %dma_start3A_847 = tpu.memref_slice %arg3[%add3A_445, %dma_start3A_845, %dma_start3A_846] : memref<25344x2x128xi32, #tpu.memory_space<hbm>> -> memref<12x2x128xi32, #tpu.memory_space<hbm>>
        tpu.enqueue_dma source(%dma_start3A_847 : memref<12x2x128xi32, #tpu.memory_space<hbm>>) target(%arg5 : memref<12x2x128xi32, #tpu.memory_space<vmem>>) target_semaphore(%run_scoped3A : memref<!tpu.dma_semaphore, #tpu.memory_space<semaphore_mem>>)
        %dma_wait3A_848 = arith.constant 0 : i32
        %dma_wait3A_849 = arith.constant 0 : i32
        %dma_wait3A_850 = tpu.memref_slice %arg3[%add3A_445, %dma_wait3A_848, %dma_wait3A_849] : memref<25344x2x128xi32, #tpu.memory_space<hbm>> -> memref<12x2x128xi32, #tpu.memory_space<hbm>>
        %dma_wait3A_851 = arith.constant 0 : i32
        %dma_wait3A_852 = arith.constant 0 : i32
        %dma_wait3A_853 = tpu.memref_slice %arg3[%add3A_445, %dma_wait3A_851, %dma_wait3A_852] : memref<25344x2x128xi32, #tpu.memory_space<hbm>> -> memref<12x2x128xi32, #tpu.memory_space<hbm>>
        tpu.wait_dma2 semaphore(%run_scoped3A : memref<!tpu.dma_semaphore, #tpu.memory_space<semaphore_mem>>) src(%dma_wait3A_853 : memref<12x2x128xi32, #tpu.memory_space<hbm>>) dst(%arg5 : memref<12x2x128xi32, #tpu.memory_space<vmem>>)
        tpu.yield
      }) : () -> ()
      %dma_start3A_446 = arith.constant 0 : i32
      %dma_start3A_447 = arith.constant 0 : i32
      %dma_start3A_448 = arith.constant 0 : i32
      %dma_start3A_449 = arith.constant 0 : i32
      %dma_start3A_450 = tpu.memref_slice %arg6[%dma_start3A_448, %dma_start3A_449] : memref<768x16xf32, #tpu.memory_space<vmem>> -> memref<128x16xf32, #tpu.memory_space<vmem>>
      %dma_start3A_451 = arith.constant 0 : i32
      %dma_start3A_452 = tpu.memref_slice %arg5[%dma_start3A_446, %dma_start3A_447, %dma_start3A_451] : memref<12x2x128xi32, #tpu.memory_space<vmem>> -> memref<1x1x128xi32, #tpu.memory_space<vmem>>
      %dma_start3A_453 = tpu.memref_squeeze %dma_start3A_452 : memref<1x1x128xi32, #tpu.memory_space<vmem>> -> memref<128xi32, #tpu.memory_space<vmem>>
      %dma_start3A_454 = arith.constant 0 : i32
      %dma_start3A_455 = arith.constant 0 : i32
      %dma_start3A_456 = tpu.memref_slice %arg2[%dma_start3A_454, %dma_start3A_455] : memref<100352x16xf32, #tpu.memory_space<hbm>> -> memref<100352x16xf32, #tpu.memory_space<hbm>>
      tpu.enqueue_indirect_dma source(%dma_start3A_456 : memref<100352x16xf32, #tpu.memory_space<hbm>>) target(%dma_start3A_450 : memref<128x16xf32, #tpu.memory_space<vmem>>) offsets(%dma_start3A_453 : memref<128xi32, #tpu.memory_space<vmem>>) semaphore(%arg9 : memref<!tpu.dma_semaphore, #tpu.memory_space<semaphore_mem>>)
      %dma_start3A_457 = arith.constant 1 : i32
      %dma_start3A_458 = arith.constant 0 : i32
      %dma_start3A_459 = arith.constant 128 : i32
      %dma_start3A_460 = arith.constant 0 : i32
      %dma_start3A_461 = tpu.memref_slice %arg6[%dma_start3A_459, %dma_start3A_460] : memref<768x16xf32, #tpu.memory_space<vmem>> -> memref<128x16xf32, #tpu.memory_space<vmem>>
      %dma_start3A_462 = arith.constant 0 : i32
      %dma_start3A_463 = tpu.memref_slice %arg5[%dma_start3A_457, %dma_start3A_458, %dma_start3A_462] : memref<12x2x128xi32, #tpu.memory_space<vmem>> -> memref<1x1x128xi32, #tpu.memory_space<vmem>>
      %dma_start3A_464 = tpu.memref_squeeze %dma_start3A_463 : memref<1x1x128xi32, #tpu.memory_space<vmem>> -> memref<128xi32, #tpu.memory_space<vmem>>
      %dma_start3A_465 = arith.constant 0 : i32
      %dma_start3A_466 = arith.constant 0 : i32
      %dma_start3A_467 = tpu.memref_slice %arg2[%dma_start3A_465, %dma_start3A_466] : memref<100352x16xf32, #tpu.memory_space<hbm>> -> memref<100352x16xf32, #tpu.memory_space<hbm>>
      tpu.enqueue_indirect_dma source(%dma_start3A_467 : memref<100352x16xf32, #tpu.memory_space<hbm>>) target(%dma_start3A_461 : memref<128x16xf32, #tpu.memory_space<vmem>>) offsets(%dma_start3A_464 : memref<128xi32, #tpu.memory_space<vmem>>) semaphore(%arg9 : memref<!tpu.dma_semaphore, #tpu.memory_space<semaphore_mem>>)
      %dma_start3A_468 = arith.constant 2 : i32
      %dma_start3A_469 = arith.constant 0 : i32
      %dma_start3A_470 = arith.constant 256 : i32
      %dma_start3A_471 = arith.constant 0 : i32
      %dma_start3A_472 = tpu.memref_slice %arg6[%dma_start3A_470, %dma_start3A_471] : memref<768x16xf32, #tpu.memory_space<vmem>> -> memref<128x16xf32, #tpu.memory_space<vmem>>
      %dma_start3A_473 = arith.constant 0 : i32
      %dma_start3A_474 = tpu.memref_slice %arg5[%dma_start3A_468, %dma_start3A_469, %dma_start3A_473] : memref<12x2x128xi32, #tpu.memory_space<vmem>> -> memref<1x1x128xi32, #tpu.memory_space<vmem>>
      %dma_start3A_475 = tpu.memref_squeeze %dma_start3A_474 : memref<1x1x128xi32, #tpu.memory_space<vmem>> -> memref<128xi32, #tpu.memory_space<vmem>>
      %dma_start3A_476 = arith.constant 0 : i32
      %dma_start3A_477 = arith.constant 0 : i32
      %dma_start3A_478 = tpu.memref_slice %arg2[%dma_start3A_476, %dma_start3A_477] : memref<100352x16xf32, #tpu.memory_space<hbm>> -> memref<100352x16xf32, #tpu.memory_space<hbm>>
      tpu.enqueue_indirect_dma source(%dma_start3A_478 : memref<100352x16xf32, #tpu.memory_space<hbm>>) target(%dma_start3A_472 : memref<128x16xf32, #tpu.memory_space<vmem>>) offsets(%dma_start3A_475 : memref<128xi32, #tpu.memory_space<vmem>>) semaphore(%arg9 : memref<!tpu.dma_semaphore, #tpu.memory_space<semaphore_mem>>)
      %dma_start3A_479 = arith.constant 3 : i32
      %dma_start3A_480 = arith.constant 0 : i32
      %dma_start3A_481 = arith.constant 384 : i32
      %dma_start3A_482 = arith.constant 0 : i32
      %dma_start3A_483 = tpu.memref_slice %arg6[%dma_start3A_481, %dma_start3A_482] : memref<768x16xf32, #tpu.memory_space<vmem>> -> memref<128x16xf32, #tpu.memory_space<vmem>>
      %dma_start3A_484 = arith.constant 0 : i32
      %dma_start3A_485 = tpu.memref_slice %arg5[%dma_start3A_479, %dma_start3A_480, %dma_start3A_484] : memref<12x2x128xi32, #tpu.memory_space<vmem>> -> memref<1x1x128xi32, #tpu.memory_space<vmem>>
      %dma_start3A_486 = tpu.memref_squeeze %dma_start3A_485 : memref<1x1x128xi32, #tpu.memory_space<vmem>> -> memref<128xi32, #tpu.memory_space<vmem>>
      %dma_start3A_487 = arith.constant 0 : i32
      %dma_start3A_488 = arith.constant 0 : i32
      %dma_start3A_489 = tpu.memref_slice %arg2[%dma_start3A_487, %dma_start3A_488] : memref<100352x16xf32, #tpu.memory_space<hbm>> -> memref<100352x16xf32, #tpu.memory_space<hbm>>
      tpu.enqueue_indirect_dma source(%dma_start3A_489 : memref<100352x16xf32, #tpu.memory_space<hbm>>) target(%dma_start3A_483 : memref<128x16xf32, #tpu.memory_space<vmem>>) offsets(%dma_start3A_486 : memref<128xi32, #tpu.memory_space<vmem>>) semaphore(%arg9 : memref<!tpu.dma_semaphore, #tpu.memory_space<semaphore_mem>>)
      %dma_start3A_490 = arith.constant 4 : i32
      %dma_start3A_491 = arith.constant 0 : i32
      %dma_start3A_492 = arith.constant 512 : i32
      %dma_start3A_493 = arith.constant 0 : i32
      %dma_start3A_494 = tpu.memref_slice %arg6[%dma_start3A_492, %dma_start3A_493] : memref<768x16xf32, #tpu.memory_space<vmem>> -> memref<128x16xf32, #tpu.memory_space<vmem>>
      %dma_start3A_495 = arith.constant 0 : i32
      %dma_start3A_496 = tpu.memref_slice %arg5[%dma_start3A_490, %dma_start3A_491, %dma_start3A_495] : memref<12x2x128xi32, #tpu.memory_space<vmem>> -> memref<1x1x128xi32, #tpu.memory_space<vmem>>
      %dma_start3A_497 = tpu.memref_squeeze %dma_start3A_496 : memref<1x1x128xi32, #tpu.memory_space<vmem>> -> memref<128xi32, #tpu.memory_space<vmem>>
      %dma_start3A_498 = arith.constant 0 : i32
      %dma_start3A_499 = arith.constant 0 : i32
      %dma_start3A_500 = tpu.memref_slice %arg2[%dma_start3A_498, %dma_start3A_499] : memref<100352x16xf32, #tpu.memory_space<hbm>> -> memref<100352x16xf32, #tpu.memory_space<hbm>>
      tpu.enqueue_indirect_dma source(%dma_start3A_500 : memref<100352x16xf32, #tpu.memory_space<hbm>>) target(%dma_start3A_494 : memref<128x16xf32, #tpu.memory_space<vmem>>) offsets(%dma_start3A_497 : memref<128xi32, #tpu.memory_space<vmem>>) semaphore(%arg9 : memref<!tpu.dma_semaphore, #tpu.memory_space<semaphore_mem>>)
      %dma_start3A_501 = arith.constant 5 : i32
      %dma_start3A_502 = arith.constant 0 : i32
      %dma_start3A_503 = arith.constant 640 : i32
      %dma_start3A_504 = arith.constant 0 : i32
      %dma_start3A_505 = tpu.memref_slice %arg6[%dma_start3A_503, %dma_start3A_504] : memref<768x16xf32, #tpu.memory_space<vmem>> -> memref<128x16xf32, #tpu.memory_space<vmem>>
      %dma_start3A_506 = arith.constant 0 : i32
      %dma_start3A_507 = tpu.memref_slice %arg5[%dma_start3A_501, %dma_start3A_502, %dma_start3A_506] : memref<12x2x128xi32, #tpu.memory_space<vmem>> -> memref<1x1x128xi32, #tpu.memory_space<vmem>>
      %dma_start3A_508 = tpu.memref_squeeze %dma_start3A_507 : memref<1x1x128xi32, #tpu.memory_space<vmem>> -> memref<128xi32, #tpu.memory_space<vmem>>
      %dma_start3A_509 = arith.constant 0 : i32
      %dma_start3A_510 = arith.constant 0 : i32
      %dma_start3A_511 = tpu.memref_slice %arg2[%dma_start3A_509, %dma_start3A_510] : memref<100352x16xf32, #tpu.memory_space<hbm>> -> memref<100352x16xf32, #tpu.memory_space<hbm>>
      tpu.enqueue_indirect_dma source(%dma_start3A_511 : memref<100352x16xf32, #tpu.memory_space<hbm>>) target(%dma_start3A_505 : memref<128x16xf32, #tpu.memory_space<vmem>>) offsets(%dma_start3A_508 : memref<128xi32, #tpu.memory_space<vmem>>) semaphore(%arg9 : memref<!tpu.dma_semaphore, #tpu.memory_space<semaphore_mem>>)
      %dma_start3A_512 = arith.constant 6 : i32
      %dma_start3A_513 = arith.constant 0 : i32
      %dma_start3A_514 = arith.constant 0 : i32
      %dma_start3A_515 = arith.constant 0 : i32
      %dma_start3A_516 = tpu.memref_slice %arg7[%dma_start3A_514, %dma_start3A_515] : memref<768x16xf32, #tpu.memory_space<vmem>> -> memref<128x16xf32, #tpu.memory_space<vmem>>
      %dma_start3A_517 = arith.constant 0 : i32
      %dma_start3A_518 = tpu.memref_slice %arg5[%dma_start3A_512, %dma_start3A_513, %dma_start3A_517] : memref<12x2x128xi32, #tpu.memory_space<vmem>> -> memref<1x1x128xi32, #tpu.memory_space<vmem>>
      %dma_start3A_519 = tpu.memref_squeeze %dma_start3A_518 : memref<1x1x128xi32, #tpu.memory_space<vmem>> -> memref<128xi32, #tpu.memory_space<vmem>>
      %dma_start3A_520 = arith.constant 0 : i32
      %dma_start3A_521 = arith.constant 0 : i32
      %dma_start3A_522 = tpu.memref_slice %arg2[%dma_start3A_520, %dma_start3A_521] : memref<100352x16xf32, #tpu.memory_space<hbm>> -> memref<100352x16xf32, #tpu.memory_space<hbm>>
      tpu.enqueue_indirect_dma source(%dma_start3A_522 : memref<100352x16xf32, #tpu.memory_space<hbm>>) target(%dma_start3A_516 : memref<128x16xf32, #tpu.memory_space<vmem>>) offsets(%dma_start3A_519 : memref<128xi32, #tpu.memory_space<vmem>>) semaphore(%arg9 : memref<!tpu.dma_semaphore, #tpu.memory_space<semaphore_mem>>)
      %dma_start3A_523 = arith.constant 7 : i32
      %dma_start3A_524 = arith.constant 0 : i32
      %dma_start3A_525 = arith.constant 128 : i32
      %dma_start3A_526 = arith.constant 0 : i32
      %dma_start3A_527 = tpu.memref_slice %arg7[%dma_start3A_525, %dma_start3A_526] : memref<768x16xf32, #tpu.memory_space<vmem>> -> memref<128x16xf32, #tpu.memory_space<vmem>>
      %dma_start3A_528 = arith.constant 0 : i32
      %dma_start3A_529 = tpu.memref_slice %arg5[%dma_start3A_523, %dma_start3A_524, %dma_start3A_528] : memref<12x2x128xi32, #tpu.memory_space<vmem>> -> memref<1x1x128xi32, #tpu.memory_space<vmem>>
      %dma_start3A_530 = tpu.memref_squeeze %dma_start3A_529 : memref<1x1x128xi32, #tpu.memory_space<vmem>> -> memref<128xi32, #tpu.memory_space<vmem>>
      %dma_start3A_531 = arith.constant 0 : i32
      %dma_start3A_532 = arith.constant 0 : i32
      %dma_start3A_533 = tpu.memref_slice %arg2[%dma_start3A_531, %dma_start3A_532] : memref<100352x16xf32, #tpu.memory_space<hbm>> -> memref<100352x16xf32, #tpu.memory_space<hbm>>
      tpu.enqueue_indirect_dma source(%dma_start3A_533 : memref<100352x16xf32, #tpu.memory_space<hbm>>) target(%dma_start3A_527 : memref<128x16xf32, #tpu.memory_space<vmem>>) offsets(%dma_start3A_530 : memref<128xi32, #tpu.memory_space<vmem>>) semaphore(%arg9 : memref<!tpu.dma_semaphore, #tpu.memory_space<semaphore_mem>>)
      %dma_start3A_534 = arith.constant 8 : i32
      %dma_start3A_535 = arith.constant 0 : i32
      %dma_start3A_536 = arith.constant 256 : i32
      %dma_start3A_537 = arith.constant 0 : i32
      %dma_start3A_538 = tpu.memref_slice %arg7[%dma_start3A_536, %dma_start3A_537] : memref<768x16xf32, #tpu.memory_space<vmem>> -> memref<128x16xf32, #tpu.memory_space<vmem>>
      %dma_start3A_539 = arith.constant 0 : i32
      %dma_start3A_540 = tpu.memref_slice %arg5[%dma_start3A_534, %dma_start3A_535, %dma_start3A_539] : memref<12x2x128xi32, #tpu.memory_space<vmem>> -> memref<1x1x128xi32, #tpu.memory_space<vmem>>
      %dma_start3A_541 = tpu.memref_squeeze %dma_start3A_540 : memref<1x1x128xi32, #tpu.memory_space<vmem>> -> memref<128xi32, #tpu.memory_space<vmem>>
      %dma_start3A_542 = arith.constant 0 : i32
      %dma_start3A_543 = arith.constant 0 : i32
      %dma_start3A_544 = tpu.memref_slice %arg2[%dma_start3A_542, %dma_start3A_543] : memref<100352x16xf32, #tpu.memory_space<hbm>> -> memref<100352x16xf32, #tpu.memory_space<hbm>>
      tpu.enqueue_indirect_dma source(%dma_start3A_544 : memref<100352x16xf32, #tpu.memory_space<hbm>>) target(%dma_start3A_538 : memref<128x16xf32, #tpu.memory_space<vmem>>) offsets(%dma_start3A_541 : memref<128xi32, #tpu.memory_space<vmem>>) semaphore(%arg9 : memref<!tpu.dma_semaphore, #tpu.memory_space<semaphore_mem>>)
      %dma_start3A_545 = arith.constant 9 : i32
      %dma_start3A_546 = arith.constant 0 : i32
      %dma_start3A_547 = arith.constant 384 : i32
      %dma_start3A_548 = arith.constant 0 : i32
      %dma_start3A_549 = tpu.memref_slice %arg7[%dma_start3A_547, %dma_start3A_548] : memref<768x16xf32, #tpu.memory_space<vmem>> -> memref<128x16xf32, #tpu.memory_space<vmem>>
      %dma_start3A_550 = arith.constant 0 : i32
      %dma_start3A_551 = tpu.memref_slice %arg5[%dma_start3A_545, %dma_start3A_546, %dma_start3A_550] : memref<12x2x128xi32, #tpu.memory_space<vmem>> -> memref<1x1x128xi32, #tpu.memory_space<vmem>>
      %dma_start3A_552 = tpu.memref_squeeze %dma_start3A_551 : memref<1x1x128xi32, #tpu.memory_space<vmem>> -> memref<128xi32, #tpu.memory_space<vmem>>
      %dma_start3A_553 = arith.constant 0 : i32
      %dma_start3A_554 = arith.constant 0 : i32
      %dma_start3A_555 = tpu.memref_slice %arg2[%dma_start3A_553, %dma_start3A_554] : memref<100352x16xf32, #tpu.memory_space<hbm>> -> memref<100352x16xf32, #tpu.memory_space<hbm>>
      tpu.enqueue_indirect_dma source(%dma_start3A_555 : memref<100352x16xf32, #tpu.memory_space<hbm>>) target(%dma_start3A_549 : memref<128x16xf32, #tpu.memory_space<vmem>>) offsets(%dma_start3A_552 : memref<128xi32, #tpu.memory_space<vmem>>) semaphore(%arg9 : memref<!tpu.dma_semaphore, #tpu.memory_space<semaphore_mem>>)
      %dma_start3A_556 = arith.constant 10 : i32
      %dma_start3A_557 = arith.constant 0 : i32
      %dma_start3A_558 = arith.constant 512 : i32
      %dma_start3A_559 = arith.constant 0 : i32
      %dma_start3A_560 = tpu.memref_slice %arg7[%dma_start3A_558, %dma_start3A_559] : memref<768x16xf32, #tpu.memory_space<vmem>> -> memref<128x16xf32, #tpu.memory_space<vmem>>
      %dma_start3A_561 = arith.constant 0 : i32
      %dma_start3A_562 = tpu.memref_slice %arg5[%dma_start3A_556, %dma_start3A_557, %dma_start3A_561] : memref<12x2x128xi32, #tpu.memory_space<vmem>> -> memref<1x1x128xi32, #tpu.memory_space<vmem>>
      %dma_start3A_563 = tpu.memref_squeeze %dma_start3A_562 : memref<1x1x128xi32, #tpu.memory_space<vmem>> -> memref<128xi32, #tpu.memory_space<vmem>>
      %dma_start3A_564 = arith.constant 0 : i32
      %dma_start3A_565 = arith.constant 0 : i32
      %dma_start3A_566 = tpu.memref_slice %arg2[%dma_start3A_564, %dma_start3A_565] : memref<100352x16xf32, #tpu.memory_space<hbm>> -> memref<100352x16xf32, #tpu.memory_space<hbm>>
      tpu.enqueue_indirect_dma source(%dma_start3A_566 : memref<100352x16xf32, #tpu.memory_space<hbm>>) target(%dma_start3A_560 : memref<128x16xf32, #tpu.memory_space<vmem>>) offsets(%dma_start3A_563 : memref<128xi32, #tpu.memory_space<vmem>>) semaphore(%arg9 : memref<!tpu.dma_semaphore, #tpu.memory_space<semaphore_mem>>)
      %dma_start3A_567 = arith.constant 11 : i32
      %dma_start3A_568 = arith.constant 0 : i32
      %dma_start3A_569 = arith.constant 640 : i32
      %dma_start3A_570 = arith.constant 0 : i32
      %dma_start3A_571 = tpu.memref_slice %arg7[%dma_start3A_569, %dma_start3A_570] : memref<768x16xf32, #tpu.memory_space<vmem>> -> memref<128x16xf32, #tpu.memory_space<vmem>>
      %dma_start3A_572 = arith.constant 0 : i32
      %dma_start3A_573 = tpu.memref_slice %arg5[%dma_start3A_567, %dma_start3A_568, %dma_start3A_572] : memref<12x2x128xi32, #tpu.memory_space<vmem>> -> memref<1x1x128xi32, #tpu.memory_space<vmem>>
      %dma_start3A_574 = tpu.memref_squeeze %dma_start3A_573 : memref<1x1x128xi32, #tpu.memory_space<vmem>> -> memref<128xi32, #tpu.memory_space<vmem>>
      %dma_start3A_575 = arith.constant 0 : i32
      %dma_start3A_576 = arith.constant 0 : i32
      %dma_start3A_577 = tpu.memref_slice %arg2[%dma_start3A_575, %dma_start3A_576] : memref<100352x16xf32, #tpu.memory_space<hbm>> -> memref<100352x16xf32, #tpu.memory_space<hbm>>
      tpu.enqueue_indirect_dma source(%dma_start3A_577 : memref<100352x16xf32, #tpu.memory_space<hbm>>) target(%dma_start3A_571 : memref<128x16xf32, #tpu.memory_space<vmem>>) offsets(%dma_start3A_574 : memref<128xi32, #tpu.memory_space<vmem>>) semaphore(%arg9 : memref<!tpu.dma_semaphore, #tpu.memory_space<semaphore_mem>>)
      %dma_wait3A_578 = arith.constant 0 : i32
      %dma_wait3A_579 = arith.constant 0 : i32
      %dma_wait3A_580 = arith.constant 0 : i32
      %dma_wait3A_581 = arith.constant 0 : i32
      %dma_wait3A_582 = tpu.memref_slice %arg6[%dma_wait3A_580, %dma_wait3A_581] : memref<768x16xf32, #tpu.memory_space<vmem>> -> memref<128x16xf32, #tpu.memory_space<vmem>>
      %dma_wait3A_583 = arith.constant 0 : i32
      %dma_wait3A_584 = tpu.memref_slice %arg5[%dma_wait3A_578, %dma_wait3A_579, %dma_wait3A_583] : memref<12x2x128xi32, #tpu.memory_space<vmem>> -> memref<1x1x128xi32, #tpu.memory_space<vmem>>
      %dma_wait3A_585 = tpu.memref_squeeze %dma_wait3A_584 : memref<1x1x128xi32, #tpu.memory_space<vmem>> -> memref<128xi32, #tpu.memory_space<vmem>>
      %dma_wait3A_586 = arith.constant 0 : i32
      %dma_wait3A_587 = arith.constant 0 : i32
      %dma_wait3A_588 = tpu.memref_slice %arg2[%dma_wait3A_586, %dma_wait3A_587] : memref<100352x16xf32, #tpu.memory_space<hbm>> -> memref<100352x16xf32, #tpu.memory_space<hbm>>
      tpu.wait_indirect_dma semaphore(%arg9 : memref<!tpu.dma_semaphore, #tpu.memory_space<semaphore_mem>>) src(%dma_wait3A_588 : memref<100352x16xf32, #tpu.memory_space<hbm>>) dst(%dma_wait3A_582 : memref<128x16xf32, #tpu.memory_space<vmem>>)
      %dma_start3A_589 = arith.constant 0 : i32
      %dma_start3A_590 = arith.constant 1 : i32
      %dma_start3A_591 = arith.constant 0 : i32
      %dma_start3A_592 = arith.constant 0 : i32
      %dma_start3A_593 = tpu.memref_slice %arg6[%dma_start3A_591, %dma_start3A_592] : memref<768x16xf32, #tpu.memory_space<vmem>> -> memref<128x16xf32, #tpu.memory_space<vmem>>
      %dma_start3A_594 = arith.constant 0 : i32
      %dma_start3A_595 = tpu.memref_slice %arg5[%dma_start3A_589, %dma_start3A_590, %dma_start3A_594] : memref<12x2x128xi32, #tpu.memory_space<vmem>> -> memref<1x1x128xi32, #tpu.memory_space<vmem>>
      %dma_start3A_596 = tpu.memref_squeeze %dma_start3A_595 : memref<1x1x128xi32, #tpu.memory_space<vmem>> -> memref<128xi32, #tpu.memory_space<vmem>>
      %dma_start3A_597 = arith.constant 0 : i32
      %dma_start3A_598 = arith.constant 0 : i32
      %dma_start3A_599 = tpu.memref_slice %arg8[%dma_start3A_597, %dma_start3A_598] : memref<100352x16xf32, #tpu.memory_space<vmem_shared>> -> memref<100352x16xf32, #tpu.memory_space<vmem_shared>>
      tpu.enqueue_indirect_dma source(%dma_start3A_593 : memref<128x16xf32, #tpu.memory_space<vmem>>) target(%dma_start3A_599 : memref<100352x16xf32, #tpu.memory_space<vmem_shared>>) offsets(%dma_start3A_596 : memref<128xi32, #tpu.memory_space<vmem>>) semaphore(%arg10 : memref<!tpu.dma_semaphore, #tpu.memory_space<semaphore_mem>>) {add = true}
      %dma_wait3A_600 = arith.constant 1 : i32
      %dma_wait3A_601 = arith.constant 0 : i32
      %dma_wait3A_602 = arith.constant 128 : i32
      %dma_wait3A_603 = arith.constant 0 : i32
      %dma_wait3A_604 = tpu.memref_slice %arg6[%dma_wait3A_602, %dma_wait3A_603] : memref<768x16xf32, #tpu.memory_space<vmem>> -> memref<128x16xf32, #tpu.memory_space<vmem>>
      %dma_wait3A_605 = arith.constant 0 : i32
      %dma_wait3A_606 = tpu.memref_slice %arg5[%dma_wait3A_600, %dma_wait3A_601, %dma_wait3A_605] : memref<12x2x128xi32, #tpu.memory_space<vmem>> -> memref<1x1x128xi32, #tpu.memory_space<vmem>>
      %dma_wait3A_607 = tpu.memref_squeeze %dma_wait3A_606 : memref<1x1x128xi32, #tpu.memory_space<vmem>> -> memref<128xi32, #tpu.memory_space<vmem>>
      %dma_wait3A_608 = arith.constant 0 : i32
      %dma_wait3A_609 = arith.constant 0 : i32
      %dma_wait3A_610 = tpu.memref_slice %arg2[%dma_wait3A_608, %dma_wait3A_609] : memref<100352x16xf32, #tpu.memory_space<hbm>> -> memref<100352x16xf32, #tpu.memory_space<hbm>>
      tpu.wait_indirect_dma semaphore(%arg9 : memref<!tpu.dma_semaphore, #tpu.memory_space<semaphore_mem>>) src(%dma_wait3A_610 : memref<100352x16xf32, #tpu.memory_space<hbm>>) dst(%dma_wait3A_604 : memref<128x16xf32, #tpu.memory_space<vmem>>)
      %dma_start3A_611 = arith.constant 1 : i32
      %dma_start3A_612 = arith.constant 1 : i32
      %dma_start3A_613 = arith.constant 128 : i32
      %dma_start3A_614 = arith.constant 0 : i32
      %dma_start3A_615 = tpu.memref_slice %arg6[%dma_start3A_613, %dma_start3A_614] : memref<768x16xf32, #tpu.memory_space<vmem>> -> memref<128x16xf32, #tpu.memory_space<vmem>>
      %dma_start3A_616 = arith.constant 0 : i32
      %dma_start3A_617 = tpu.memref_slice %arg5[%dma_start3A_611, %dma_start3A_612, %dma_start3A_616] : memref<12x2x128xi32, #tpu.memory_space<vmem>> -> memref<1x1x128xi32, #tpu.memory_space<vmem>>
      %dma_start3A_618 = tpu.memref_squeeze %dma_start3A_617 : memref<1x1x128xi32, #tpu.memory_space<vmem>> -> memref<128xi32, #tpu.memory_space<vmem>>
      %dma_start3A_619 = arith.constant 0 : i32
      %dma_start3A_620 = arith.constant 0 : i32
      %dma_start3A_621 = tpu.memref_slice %arg8[%dma_start3A_619, %dma_start3A_620] : memref<100352x16xf32, #tpu.memory_space<vmem_shared>> -> memref<100352x16xf32, #tpu.memory_space<vmem_shared>>
      tpu.enqueue_indirect_dma source(%dma_start3A_615 : memref<128x16xf32, #tpu.memory_space<vmem>>) target(%dma_start3A_621 : memref<100352x16xf32, #tpu.memory_space<vmem_shared>>) offsets(%dma_start3A_618 : memref<128xi32, #tpu.memory_space<vmem>>) semaphore(%arg10 : memref<!tpu.dma_semaphore, #tpu.memory_space<semaphore_mem>>) {add = true}
      %dma_wait3A_622 = arith.constant 2 : i32
      %dma_wait3A_623 = arith.constant 0 : i32
      %dma_wait3A_624 = arith.constant 256 : i32
      %dma_wait3A_625 = arith.constant 0 : i32
      %dma_wait3A_626 = tpu.memref_slice %arg6[%dma_wait3A_624, %dma_wait3A_625] : memref<768x16xf32, #tpu.memory_space<vmem>> -> memref<128x16xf32, #tpu.memory_space<vmem>>
      %dma_wait3A_627 = arith.constant 0 : i32
      %dma_wait3A_628 = tpu.memref_slice %arg5[%dma_wait3A_622, %dma_wait3A_623, %dma_wait3A_627] : memref<12x2x128xi32, #tpu.memory_space<vmem>> -> memref<1x1x128xi32, #tpu.memory_space<vmem>>
      %dma_wait3A_629 = tpu.memref_squeeze %dma_wait3A_628 : memref<1x1x128xi32, #tpu.memory_space<vmem>> -> memref<128xi32, #tpu.memory_space<vmem>>
      %dma_wait3A_630 = arith.constant 0 : i32
      %dma_wait3A_631 = arith.constant 0 : i32
      %dma_wait3A_632 = tpu.memref_slice %arg2[%dma_wait3A_630, %dma_wait3A_631] : memref<100352x16xf32, #tpu.memory_space<hbm>> -> memref<100352x16xf32, #tpu.memory_space<hbm>>
      tpu.wait_indirect_dma semaphore(%arg9 : memref<!tpu.dma_semaphore, #tpu.memory_space<semaphore_mem>>) src(%dma_wait3A_632 : memref<100352x16xf32, #tpu.memory_space<hbm>>) dst(%dma_wait3A_626 : memref<128x16xf32, #tpu.memory_space<vmem>>)
      %dma_start3A_633 = arith.constant 2 : i32
      %dma_start3A_634 = arith.constant 1 : i32
      %dma_start3A_635 = arith.constant 256 : i32
      %dma_start3A_636 = arith.constant 0 : i32
      %dma_start3A_637 = tpu.memref_slice %arg6[%dma_start3A_635, %dma_start3A_636] : memref<768x16xf32, #tpu.memory_space<vmem>> -> memref<128x16xf32, #tpu.memory_space<vmem>>
      %dma_start3A_638 = arith.constant 0 : i32
      %dma_start3A_639 = tpu.memref_slice %arg5[%dma_start3A_633, %dma_start3A_634, %dma_start3A_638] : memref<12x2x128xi32, #tpu.memory_space<vmem>> -> memref<1x1x128xi32, #tpu.memory_space<vmem>>
      %dma_start3A_640 = tpu.memref_squeeze %dma_start3A_639 : memref<1x1x128xi32, #tpu.memory_space<vmem>> -> memref<128xi32, #tpu.memory_space<vmem>>
      %dma_start3A_641 = arith.constant 0 : i32
      %dma_start3A_642 = arith.constant 0 : i32
      %dma_start3A_643 = tpu.memref_slice %arg8[%dma_start3A_641, %dma_start3A_642] : memref<100352x16xf32, #tpu.memory_space<vmem_shared>> -> memref<100352x16xf32, #tpu.memory_space<vmem_shared>>
      tpu.enqueue_indirect_dma source(%dma_start3A_637 : memref<128x16xf32, #tpu.memory_space<vmem>>) target(%dma_start3A_643 : memref<100352x16xf32, #tpu.memory_space<vmem_shared>>) offsets(%dma_start3A_640 : memref<128xi32, #tpu.memory_space<vmem>>) semaphore(%arg10 : memref<!tpu.dma_semaphore, #tpu.memory_space<semaphore_mem>>) {add = true}
      %dma_wait3A_644 = arith.constant 3 : i32
      %dma_wait3A_645 = arith.constant 0 : i32
      %dma_wait3A_646 = arith.constant 384 : i32
      %dma_wait3A_647 = arith.constant 0 : i32
      %dma_wait3A_648 = tpu.memref_slice %arg6[%dma_wait3A_646, %dma_wait3A_647] : memref<768x16xf32, #tpu.memory_space<vmem>> -> memref<128x16xf32, #tpu.memory_space<vmem>>
      %dma_wait3A_649 = arith.constant 0 : i32
      %dma_wait3A_650 = tpu.memref_slice %arg5[%dma_wait3A_644, %dma_wait3A_645, %dma_wait3A_649] : memref<12x2x128xi32, #tpu.memory_space<vmem>> -> memref<1x1x128xi32, #tpu.memory_space<vmem>>
      %dma_wait3A_651 = tpu.memref_squeeze %dma_wait3A_650 : memref<1x1x128xi32, #tpu.memory_space<vmem>> -> memref<128xi32, #tpu.memory_space<vmem>>
      %dma_wait3A_652 = arith.constant 0 : i32
      %dma_wait3A_653 = arith.constant 0 : i32
      %dma_wait3A_654 = tpu.memref_slice %arg2[%dma_wait3A_652, %dma_wait3A_653] : memref<100352x16xf32, #tpu.memory_space<hbm>> -> memref<100352x16xf32, #tpu.memory_space<hbm>>
      tpu.wait_indirect_dma semaphore(%arg9 : memref<!tpu.dma_semaphore, #tpu.memory_space<semaphore_mem>>) src(%dma_wait3A_654 : memref<100352x16xf32, #tpu.memory_space<hbm>>) dst(%dma_wait3A_648 : memref<128x16xf32, #tpu.memory_space<vmem>>)
      %dma_start3A_655 = arith.constant 3 : i32
      %dma_start3A_656 = arith.constant 1 : i32
      %dma_start3A_657 = arith.constant 384 : i32
      %dma_start3A_658 = arith.constant 0 : i32
      %dma_start3A_659 = tpu.memref_slice %arg6[%dma_start3A_657, %dma_start3A_658] : memref<768x16xf32, #tpu.memory_space<vmem>> -> memref<128x16xf32, #tpu.memory_space<vmem>>
      %dma_start3A_660 = arith.constant 0 : i32
      %dma_start3A_661 = tpu.memref_slice %arg5[%dma_start3A_655, %dma_start3A_656, %dma_start3A_660] : memref<12x2x128xi32, #tpu.memory_space<vmem>> -> memref<1x1x128xi32, #tpu.memory_space<vmem>>
      %dma_start3A_662 = tpu.memref_squeeze %dma_start3A_661 : memref<1x1x128xi32, #tpu.memory_space<vmem>> -> memref<128xi32, #tpu.memory_space<vmem>>
      %dma_start3A_663 = arith.constant 0 : i32
      %dma_start3A_664 = arith.constant 0 : i32
      %dma_start3A_665 = tpu.memref_slice %arg8[%dma_start3A_663, %dma_start3A_664] : memref<100352x16xf32, #tpu.memory_space<vmem_shared>> -> memref<100352x16xf32, #tpu.memory_space<vmem_shared>>
      tpu.enqueue_indirect_dma source(%dma_start3A_659 : memref<128x16xf32, #tpu.memory_space<vmem>>) target(%dma_start3A_665 : memref<100352x16xf32, #tpu.memory_space<vmem_shared>>) offsets(%dma_start3A_662 : memref<128xi32, #tpu.memory_space<vmem>>) semaphore(%arg10 : memref<!tpu.dma_semaphore, #tpu.memory_space<semaphore_mem>>) {add = true}
      %dma_wait3A_666 = arith.constant 4 : i32
      %dma_wait3A_667 = arith.constant 0 : i32
      %dma_wait3A_668 = arith.constant 512 : i32
      %dma_wait3A_669 = arith.constant 0 : i32
      %dma_wait3A_670 = tpu.memref_slice %arg6[%dma_wait3A_668, %dma_wait3A_669] : memref<768x16xf32, #tpu.memory_space<vmem>> -> memref<128x16xf32, #tpu.memory_space<vmem>>
      %dma_wait3A_671 = arith.constant 0 : i32
      %dma_wait3A_672 = tpu.memref_slice %arg5[%dma_wait3A_666, %dma_wait3A_667, %dma_wait3A_671] : memref<12x2x128xi32, #tpu.memory_space<vmem>> -> memref<1x1x128xi32, #tpu.memory_space<vmem>>
      %dma_wait3A_673 = tpu.memref_squeeze %dma_wait3A_672 : memref<1x1x128xi32, #tpu.memory_space<vmem>> -> memref<128xi32, #tpu.memory_space<vmem>>
      %dma_wait3A_674 = arith.constant 0 : i32
      %dma_wait3A_675 = arith.constant 0 : i32
      %dma_wait3A_676 = tpu.memref_slice %arg2[%dma_wait3A_674, %dma_wait3A_675] : memref<100352x16xf32, #tpu.memory_space<hbm>> -> memref<100352x16xf32, #tpu.memory_space<hbm>>
      tpu.wait_indirect_dma semaphore(%arg9 : memref<!tpu.dma_semaphore, #tpu.memory_space<semaphore_mem>>) src(%dma_wait3A_676 : memref<100352x16xf32, #tpu.memory_space<hbm>>) dst(%dma_wait3A_670 : memref<128x16xf32, #tpu.memory_space<vmem>>)
      %dma_start3A_677 = arith.constant 4 : i32
      %dma_start3A_678 = arith.constant 1 : i32
      %dma_start3A_679 = arith.constant 512 : i32
      %dma_start3A_680 = arith.constant 0 : i32
      %dma_start3A_681 = tpu.memref_slice %arg6[%dma_start3A_679, %dma_start3A_680] : memref<768x16xf32, #tpu.memory_space<vmem>> -> memref<128x16xf32, #tpu.memory_space<vmem>>
      %dma_start3A_682 = arith.constant 0 : i32
      %dma_start3A_683 = tpu.memref_slice %arg5[%dma_start3A_677, %dma_start3A_678, %dma_start3A_682] : memref<12x2x128xi32, #tpu.memory_space<vmem>> -> memref<1x1x128xi32, #tpu.memory_space<vmem>>
      %dma_start3A_684 = tpu.memref_squeeze %dma_start3A_683 : memref<1x1x128xi32, #tpu.memory_space<vmem>> -> memref<128xi32, #tpu.memory_space<vmem>>
      %dma_start3A_685 = arith.constant 0 : i32
      %dma_start3A_686 = arith.constant 0 : i32
      %dma_start3A_687 = tpu.memref_slice %arg8[%dma_start3A_685, %dma_start3A_686] : memref<100352x16xf32, #tpu.memory_space<vmem_shared>> -> memref<100352x16xf32, #tpu.memory_space<vmem_shared>>
      tpu.enqueue_indirect_dma source(%dma_start3A_681 : memref<128x16xf32, #tpu.memory_space<vmem>>) target(%dma_start3A_687 : memref<100352x16xf32, #tpu.memory_space<vmem_shared>>) offsets(%dma_start3A_684 : memref<128xi32, #tpu.memory_space<vmem>>) semaphore(%arg10 : memref<!tpu.dma_semaphore, #tpu.memory_space<semaphore_mem>>) {add = true}
      %dma_wait3A_688 = arith.constant 5 : i32
      %dma_wait3A_689 = arith.constant 0 : i32
      %dma_wait3A_690 = arith.constant 640 : i32
      %dma_wait3A_691 = arith.constant 0 : i32
      %dma_wait3A_692 = tpu.memref_slice %arg6[%dma_wait3A_690, %dma_wait3A_691] : memref<768x16xf32, #tpu.memory_space<vmem>> -> memref<128x16xf32, #tpu.memory_space<vmem>>
      %dma_wait3A_693 = arith.constant 0 : i32
      %dma_wait3A_694 = tpu.memref_slice %arg5[%dma_wait3A_688, %dma_wait3A_689, %dma_wait3A_693] : memref<12x2x128xi32, #tpu.memory_space<vmem>> -> memref<1x1x128xi32, #tpu.memory_space<vmem>>
      %dma_wait3A_695 = tpu.memref_squeeze %dma_wait3A_694 : memref<1x1x128xi32, #tpu.memory_space<vmem>> -> memref<128xi32, #tpu.memory_space<vmem>>
      %dma_wait3A_696 = arith.constant 0 : i32
      %dma_wait3A_697 = arith.constant 0 : i32
      %dma_wait3A_698 = tpu.memref_slice %arg2[%dma_wait3A_696, %dma_wait3A_697] : memref<100352x16xf32, #tpu.memory_space<hbm>> -> memref<100352x16xf32, #tpu.memory_space<hbm>>
      tpu.wait_indirect_dma semaphore(%arg9 : memref<!tpu.dma_semaphore, #tpu.memory_space<semaphore_mem>>) src(%dma_wait3A_698 : memref<100352x16xf32, #tpu.memory_space<hbm>>) dst(%dma_wait3A_692 : memref<128x16xf32, #tpu.memory_space<vmem>>)
      %dma_start3A_699 = arith.constant 5 : i32
      %dma_start3A_700 = arith.constant 1 : i32
      %dma_start3A_701 = arith.constant 640 : i32
      %dma_start3A_702 = arith.constant 0 : i32
      %dma_start3A_703 = tpu.memref_slice %arg6[%dma_start3A_701, %dma_start3A_702] : memref<768x16xf32, #tpu.memory_space<vmem>> -> memref<128x16xf32, #tpu.memory_space<vmem>>
      %dma_start3A_704 = arith.constant 0 : i32
      %dma_start3A_705 = tpu.memref_slice %arg5[%dma_start3A_699, %dma_start3A_700, %dma_start3A_704] : memref<12x2x128xi32, #tpu.memory_space<vmem>> -> memref<1x1x128xi32, #tpu.memory_space<vmem>>
      %dma_start3A_706 = tpu.memref_squeeze %dma_start3A_705 : memref<1x1x128xi32, #tpu.memory_space<vmem>> -> memref<128xi32, #tpu.memory_space<vmem>>
      %dma_start3A_707 = arith.constant 0 : i32
      %dma_start3A_708 = arith.constant 0 : i32
      %dma_start3A_709 = tpu.memref_slice %arg8[%dma_start3A_707, %dma_start3A_708] : memref<100352x16xf32, #tpu.memory_space<vmem_shared>> -> memref<100352x16xf32, #tpu.memory_space<vmem_shared>>
      tpu.enqueue_indirect_dma source(%dma_start3A_703 : memref<128x16xf32, #tpu.memory_space<vmem>>) target(%dma_start3A_709 : memref<100352x16xf32, #tpu.memory_space<vmem_shared>>) offsets(%dma_start3A_706 : memref<128xi32, #tpu.memory_space<vmem>>) semaphore(%arg10 : memref<!tpu.dma_semaphore, #tpu.memory_space<semaphore_mem>>) {add = true}
      %dma_wait3A_710 = arith.constant 6 : i32
      %dma_wait3A_711 = arith.constant 0 : i32
      %dma_wait3A_712 = arith.constant 0 : i32
      %dma_wait3A_713 = arith.constant 0 : i32
      %dma_wait3A_714 = tpu.memref_slice %arg7[%dma_wait3A_712, %dma_wait3A_713] : memref<768x16xf32, #tpu.memory_space<vmem>> -> memref<128x16xf32, #tpu.memory_space<vmem>>
      %dma_wait3A_715 = arith.constant 0 : i32
      %dma_wait3A_716 = tpu.memref_slice %arg5[%dma_wait3A_710, %dma_wait3A_711, %dma_wait3A_715] : memref<12x2x128xi32, #tpu.memory_space<vmem>> -> memref<1x1x128xi32, #tpu.memory_space<vmem>>
      %dma_wait3A_717 = tpu.memref_squeeze %dma_wait3A_716 : memref<1x1x128xi32, #tpu.memory_space<vmem>> -> memref<128xi32, #tpu.memory_space<vmem>>
      %dma_wait3A_718 = arith.constant 0 : i32
      %dma_wait3A_719 = arith.constant 0 : i32
      %dma_wait3A_720 = tpu.memref_slice %arg2[%dma_wait3A_718, %dma_wait3A_719] : memref<100352x16xf32, #tpu.memory_space<hbm>> -> memref<100352x16xf32, #tpu.memory_space<hbm>>
      tpu.wait_indirect_dma semaphore(%arg9 : memref<!tpu.dma_semaphore, #tpu.memory_space<semaphore_mem>>) src(%dma_wait3A_720 : memref<100352x16xf32, #tpu.memory_space<hbm>>) dst(%dma_wait3A_714 : memref<128x16xf32, #tpu.memory_space<vmem>>)
      %dma_start3A_721 = arith.constant 6 : i32
      %dma_start3A_722 = arith.constant 1 : i32
      %dma_start3A_723 = arith.constant 0 : i32
      %dma_start3A_724 = arith.constant 0 : i32
      %dma_start3A_725 = tpu.memref_slice %arg7[%dma_start3A_723, %dma_start3A_724] : memref<768x16xf32, #tpu.memory_space<vmem>> -> memref<128x16xf32, #tpu.memory_space<vmem>>
      %dma_start3A_726 = arith.constant 0 : i32
      %dma_start3A_727 = tpu.memref_slice %arg5[%dma_start3A_721, %dma_start3A_722, %dma_start3A_726] : memref<12x2x128xi32, #tpu.memory_space<vmem>> -> memref<1x1x128xi32, #tpu.memory_space<vmem>>
      %dma_start3A_728 = tpu.memref_squeeze %dma_start3A_727 : memref<1x1x128xi32, #tpu.memory_space<vmem>> -> memref<128xi32, #tpu.memory_space<vmem>>
      %dma_start3A_729 = arith.constant 0 : i32
      %dma_start3A_730 = arith.constant 0 : i32
      %dma_start3A_731 = tpu.memref_slice %arg8[%dma_start3A_729, %dma_start3A_730] : memref<100352x16xf32, #tpu.memory_space<vmem_shared>> -> memref<100352x16xf32, #tpu.memory_space<vmem_shared>>
      tpu.enqueue_indirect_dma source(%dma_start3A_725 : memref<128x16xf32, #tpu.memory_space<vmem>>) target(%dma_start3A_731 : memref<100352x16xf32, #tpu.memory_space<vmem_shared>>) offsets(%dma_start3A_728 : memref<128xi32, #tpu.memory_space<vmem>>) semaphore(%arg11 : memref<!tpu.dma_semaphore, #tpu.memory_space<semaphore_mem>>) {add = true}
      %dma_wait3A_732 = arith.constant 7 : i32
      %dma_wait3A_733 = arith.constant 0 : i32
      %dma_wait3A_734 = arith.constant 128 : i32
      %dma_wait3A_735 = arith.constant 0 : i32
      %dma_wait3A_736 = tpu.memref_slice %arg7[%dma_wait3A_734, %dma_wait3A_735] : memref<768x16xf32, #tpu.memory_space<vmem>> -> memref<128x16xf32, #tpu.memory_space<vmem>>
      %dma_wait3A_737 = arith.constant 0 : i32
      %dma_wait3A_738 = tpu.memref_slice %arg5[%dma_wait3A_732, %dma_wait3A_733, %dma_wait3A_737] : memref<12x2x128xi32, #tpu.memory_space<vmem>> -> memref<1x1x128xi32, #tpu.memory_space<vmem>>
      %dma_wait3A_739 = tpu.memref_squeeze %dma_wait3A_738 : memref<1x1x128xi32, #tpu.memory_space<vmem>> -> memref<128xi32, #tpu.memory_space<vmem>>
      %dma_wait3A_740 = arith.constant 0 : i32
      %dma_wait3A_741 = arith.constant 0 : i32
      %dma_wait3A_742 = tpu.memref_slice %arg2[%dma_wait3A_740, %dma_wait3A_741] : memref<100352x16xf32, #tpu.memory_space<hbm>> -> memref<100352x16xf32, #tpu.memory_space<hbm>>
      tpu.wait_indirect_dma semaphore(%arg9 : memref<!tpu.dma_semaphore, #tpu.memory_space<semaphore_mem>>) src(%dma_wait3A_742 : memref<100352x16xf32, #tpu.memory_space<hbm>>) dst(%dma_wait3A_736 : memref<128x16xf32, #tpu.memory_space<vmem>>)
      %dma_start3A_743 = arith.constant 7 : i32
      %dma_start3A_744 = arith.constant 1 : i32
      %dma_start3A_745 = arith.constant 128 : i32
      %dma_start3A_746 = arith.constant 0 : i32
      %dma_start3A_747 = tpu.memref_slice %arg7[%dma_start3A_745, %dma_start3A_746] : memref<768x16xf32, #tpu.memory_space<vmem>> -> memref<128x16xf32, #tpu.memory_space<vmem>>
      %dma_start3A_748 = arith.constant 0 : i32
      %dma_start3A_749 = tpu.memref_slice %arg5[%dma_start3A_743, %dma_start3A_744, %dma_start3A_748] : memref<12x2x128xi32, #tpu.memory_space<vmem>> -> memref<1x1x128xi32, #tpu.memory_space<vmem>>
      %dma_start3A_750 = tpu.memref_squeeze %dma_start3A_749 : memref<1x1x128xi32, #tpu.memory_space<vmem>> -> memref<128xi32, #tpu.memory_space<vmem>>
      %dma_start3A_751 = arith.constant 0 : i32
      %dma_start3A_752 = arith.constant 0 : i32
      %dma_start3A_753 = tpu.memref_slice %arg8[%dma_start3A_751, %dma_start3A_752] : memref<100352x16xf32, #tpu.memory_space<vmem_shared>> -> memref<100352x16xf32, #tpu.memory_space<vmem_shared>>
      tpu.enqueue_indirect_dma source(%dma_start3A_747 : memref<128x16xf32, #tpu.memory_space<vmem>>) target(%dma_start3A_753 : memref<100352x16xf32, #tpu.memory_space<vmem_shared>>) offsets(%dma_start3A_750 : memref<128xi32, #tpu.memory_space<vmem>>) semaphore(%arg11 : memref<!tpu.dma_semaphore, #tpu.memory_space<semaphore_mem>>) {add = true}
      %dma_wait3A_754 = arith.constant 8 : i32
      %dma_wait3A_755 = arith.constant 0 : i32
      %dma_wait3A_756 = arith.constant 256 : i32
      %dma_wait3A_757 = arith.constant 0 : i32
      %dma_wait3A_758 = tpu.memref_slice %arg7[%dma_wait3A_756, %dma_wait3A_757] : memref<768x16xf32, #tpu.memory_space<vmem>> -> memref<128x16xf32, #tpu.memory_space<vmem>>
      %dma_wait3A_759 = arith.constant 0 : i32
      %dma_wait3A_760 = tpu.memref_slice %arg5[%dma_wait3A_754, %dma_wait3A_755, %dma_wait3A_759] : memref<12x2x128xi32, #tpu.memory_space<vmem>> -> memref<1x1x128xi32, #tpu.memory_space<vmem>>
      %dma_wait3A_761 = tpu.memref_squeeze %dma_wait3A_760 : memref<1x1x128xi32, #tpu.memory_space<vmem>> -> memref<128xi32, #tpu.memory_space<vmem>>
      %dma_wait3A_762 = arith.constant 0 : i32
      %dma_wait3A_763 = arith.constant 0 : i32
      %dma_wait3A_764 = tpu.memref_slice %arg2[%dma_wait3A_762, %dma_wait3A_763] : memref<100352x16xf32, #tpu.memory_space<hbm>> -> memref<100352x16xf32, #tpu.memory_space<hbm>>
      tpu.wait_indirect_dma semaphore(%arg9 : memref<!tpu.dma_semaphore, #tpu.memory_space<semaphore_mem>>) src(%dma_wait3A_764 : memref<100352x16xf32, #tpu.memory_space<hbm>>) dst(%dma_wait3A_758 : memref<128x16xf32, #tpu.memory_space<vmem>>)
      %dma_start3A_765 = arith.constant 8 : i32
      %dma_start3A_766 = arith.constant 1 : i32
      %dma_start3A_767 = arith.constant 256 : i32
      %dma_start3A_768 = arith.constant 0 : i32
      %dma_start3A_769 = tpu.memref_slice %arg7[%dma_start3A_767, %dma_start3A_768] : memref<768x16xf32, #tpu.memory_space<vmem>> -> memref<128x16xf32, #tpu.memory_space<vmem>>
      %dma_start3A_770 = arith.constant 0 : i32
      %dma_start3A_771 = tpu.memref_slice %arg5[%dma_start3A_765, %dma_start3A_766, %dma_start3A_770] : memref<12x2x128xi32, #tpu.memory_space<vmem>> -> memref<1x1x128xi32, #tpu.memory_space<vmem>>
      %dma_start3A_772 = tpu.memref_squeeze %dma_start3A_771 : memref<1x1x128xi32, #tpu.memory_space<vmem>> -> memref<128xi32, #tpu.memory_space<vmem>>
      %dma_start3A_773 = arith.constant 0 : i32
      %dma_start3A_774 = arith.constant 0 : i32
      %dma_start3A_775 = tpu.memref_slice %arg8[%dma_start3A_773, %dma_start3A_774] : memref<100352x16xf32, #tpu.memory_space<vmem_shared>> -> memref<100352x16xf32, #tpu.memory_space<vmem_shared>>
      tpu.enqueue_indirect_dma source(%dma_start3A_769 : memref<128x16xf32, #tpu.memory_space<vmem>>) target(%dma_start3A_775 : memref<100352x16xf32, #tpu.memory_space<vmem_shared>>) offsets(%dma_start3A_772 : memref<128xi32, #tpu.memory_space<vmem>>) semaphore(%arg11 : memref<!tpu.dma_semaphore, #tpu.memory_space<semaphore_mem>>) {add = true}
      %dma_wait3A_776 = arith.constant 9 : i32
      %dma_wait3A_777 = arith.constant 0 : i32
      %dma_wait3A_778 = arith.constant 384 : i32
      %dma_wait3A_779 = arith.constant 0 : i32
      %dma_wait3A_780 = tpu.memref_slice %arg7[%dma_wait3A_778, %dma_wait3A_779] : memref<768x16xf32, #tpu.memory_space<vmem>> -> memref<128x16xf32, #tpu.memory_space<vmem>>
      %dma_wait3A_781 = arith.constant 0 : i32
      %dma_wait3A_782 = tpu.memref_slice %arg5[%dma_wait3A_776, %dma_wait3A_777, %dma_wait3A_781] : memref<12x2x128xi32, #tpu.memory_space<vmem>> -> memref<1x1x128xi32, #tpu.memory_space<vmem>>
      %dma_wait3A_783 = tpu.memref_squeeze %dma_wait3A_782 : memref<1x1x128xi32, #tpu.memory_space<vmem>> -> memref<128xi32, #tpu.memory_space<vmem>>
      %dma_wait3A_784 = arith.constant 0 : i32
      %dma_wait3A_785 = arith.constant 0 : i32
      %dma_wait3A_786 = tpu.memref_slice %arg2[%dma_wait3A_784, %dma_wait3A_785] : memref<100352x16xf32, #tpu.memory_space<hbm>> -> memref<100352x16xf32, #tpu.memory_space<hbm>>
      tpu.wait_indirect_dma semaphore(%arg9 : memref<!tpu.dma_semaphore, #tpu.memory_space<semaphore_mem>>) src(%dma_wait3A_786 : memref<100352x16xf32, #tpu.memory_space<hbm>>) dst(%dma_wait3A_780 : memref<128x16xf32, #tpu.memory_space<vmem>>)
      %dma_start3A_787 = arith.constant 9 : i32
      %dma_start3A_788 = arith.constant 1 : i32
      %dma_start3A_789 = arith.constant 384 : i32
      %dma_start3A_790 = arith.constant 0 : i32
      %dma_start3A_791 = tpu.memref_slice %arg7[%dma_start3A_789, %dma_start3A_790] : memref<768x16xf32, #tpu.memory_space<vmem>> -> memref<128x16xf32, #tpu.memory_space<vmem>>
      %dma_start3A_792 = arith.constant 0 : i32
      %dma_start3A_793 = tpu.memref_slice %arg5[%dma_start3A_787, %dma_start3A_788, %dma_start3A_792] : memref<12x2x128xi32, #tpu.memory_space<vmem>> -> memref<1x1x128xi32, #tpu.memory_space<vmem>>
      %dma_start3A_794 = tpu.memref_squeeze %dma_start3A_793 : memref<1x1x128xi32, #tpu.memory_space<vmem>> -> memref<128xi32, #tpu.memory_space<vmem>>
      %dma_start3A_795 = arith.constant 0 : i32
      %dma_start3A_796 = arith.constant 0 : i32
      %dma_start3A_797 = tpu.memref_slice %arg8[%dma_start3A_795, %dma_start3A_796] : memref<100352x16xf32, #tpu.memory_space<vmem_shared>> -> memref<100352x16xf32, #tpu.memory_space<vmem_shared>>
      tpu.enqueue_indirect_dma source(%dma_start3A_791 : memref<128x16xf32, #tpu.memory_space<vmem>>) target(%dma_start3A_797 : memref<100352x16xf32, #tpu.memory_space<vmem_shared>>) offsets(%dma_start3A_794 : memref<128xi32, #tpu.memory_space<vmem>>) semaphore(%arg11 : memref<!tpu.dma_semaphore, #tpu.memory_space<semaphore_mem>>) {add = true}
      %dma_wait3A_798 = arith.constant 10 : i32
      %dma_wait3A_799 = arith.constant 0 : i32
      %dma_wait3A_800 = arith.constant 512 : i32
      %dma_wait3A_801 = arith.constant 0 : i32
      %dma_wait3A_802 = tpu.memref_slice %arg7[%dma_wait3A_800, %dma_wait3A_801] : memref<768x16xf32, #tpu.memory_space<vmem>> -> memref<128x16xf32, #tpu.memory_space<vmem>>
      %dma_wait3A_803 = arith.constant 0 : i32
      %dma_wait3A_804 = tpu.memref_slice %arg5[%dma_wait3A_798, %dma_wait3A_799, %dma_wait3A_803] : memref<12x2x128xi32, #tpu.memory_space<vmem>> -> memref<1x1x128xi32, #tpu.memory_space<vmem>>
      %dma_wait3A_805 = tpu.memref_squeeze %dma_wait3A_804 : memref<1x1x128xi32, #tpu.memory_space<vmem>> -> memref<128xi32, #tpu.memory_space<vmem>>
      %dma_wait3A_806 = arith.constant 0 : i32
      %dma_wait3A_807 = arith.constant 0 : i32
      %dma_wait3A_808 = tpu.memref_slice %arg2[%dma_wait3A_806, %dma_wait3A_807] : memref<100352x16xf32, #tpu.memory_space<hbm>> -> memref<100352x16xf32, #tpu.memory_space<hbm>>
      tpu.wait_indirect_dma semaphore(%arg9 : memref<!tpu.dma_semaphore, #tpu.memory_space<semaphore_mem>>) src(%dma_wait3A_808 : memref<100352x16xf32, #tpu.memory_space<hbm>>) dst(%dma_wait3A_802 : memref<128x16xf32, #tpu.memory_space<vmem>>)
      %dma_start3A_809 = arith.constant 10 : i32
      %dma_start3A_810 = arith.constant 1 : i32
      %dma_start3A_811 = arith.constant 512 : i32
      %dma_start3A_812 = arith.constant 0 : i32
      %dma_start3A_813 = tpu.memref_slice %arg7[%dma_start3A_811, %dma_start3A_812] : memref<768x16xf32, #tpu.memory_space<vmem>> -> memref<128x16xf32, #tpu.memory_space<vmem>>
      %dma_start3A_814 = arith.constant 0 : i32
      %dma_start3A_815 = tpu.memref_slice %arg5[%dma_start3A_809, %dma_start3A_810, %dma_start3A_814] : memref<12x2x128xi32, #tpu.memory_space<vmem>> -> memref<1x1x128xi32, #tpu.memory_space<vmem>>
      %dma_start3A_816 = tpu.memref_squeeze %dma_start3A_815 : memref<1x1x128xi32, #tpu.memory_space<vmem>> -> memref<128xi32, #tpu.memory_space<vmem>>
      %dma_start3A_817 = arith.constant 0 : i32
      %dma_start3A_818 = arith.constant 0 : i32
      %dma_start3A_819 = tpu.memref_slice %arg8[%dma_start3A_817, %dma_start3A_818] : memref<100352x16xf32, #tpu.memory_space<vmem_shared>> -> memref<100352x16xf32, #tpu.memory_space<vmem_shared>>
      tpu.enqueue_indirect_dma source(%dma_start3A_813 : memref<128x16xf32, #tpu.memory_space<vmem>>) target(%dma_start3A_819 : memref<100352x16xf32, #tpu.memory_space<vmem_shared>>) offsets(%dma_start3A_816 : memref<128xi32, #tpu.memory_space<vmem>>) semaphore(%arg11 : memref<!tpu.dma_semaphore, #tpu.memory_space<semaphore_mem>>) {add = true}
      %dma_wait3A_820 = arith.constant 11 : i32
      %dma_wait3A_821 = arith.constant 0 : i32
      %dma_wait3A_822 = arith.constant 640 : i32
      %dma_wait3A_823 = arith.constant 0 : i32
      %dma_wait3A_824 = tpu.memref_slice %arg7[%dma_wait3A_822, %dma_wait3A_823] : memref<768x16xf32, #tpu.memory_space<vmem>> -> memref<128x16xf32, #tpu.memory_space<vmem>>
      %dma_wait3A_825 = arith.constant 0 : i32
      %dma_wait3A_826 = tpu.memref_slice %arg5[%dma_wait3A_820, %dma_wait3A_821, %dma_wait3A_825] : memref<12x2x128xi32, #tpu.memory_space<vmem>> -> memref<1x1x128xi32, #tpu.memory_space<vmem>>
      %dma_wait3A_827 = tpu.memref_squeeze %dma_wait3A_826 : memref<1x1x128xi32, #tpu.memory_space<vmem>> -> memref<128xi32, #tpu.memory_space<vmem>>
      %dma_wait3A_828 = arith.constant 0 : i32
      %dma_wait3A_829 = arith.constant 0 : i32
      %dma_wait3A_830 = tpu.memref_slice %arg2[%dma_wait3A_828, %dma_wait3A_829] : memref<100352x16xf32, #tpu.memory_space<hbm>> -> memref<100352x16xf32, #tpu.memory_space<hbm>>
      tpu.wait_indirect_dma semaphore(%arg9 : memref<!tpu.dma_semaphore, #tpu.memory_space<semaphore_mem>>) src(%dma_wait3A_830 : memref<100352x16xf32, #tpu.memory_space<hbm>>) dst(%dma_wait3A_824 : memref<128x16xf32, #tpu.memory_space<vmem>>)
      %dma_start3A_831 = arith.constant 11 : i32
      %dma_start3A_832 = arith.constant 1 : i32
      %dma_start3A_833 = arith.constant 640 : i32
      %dma_start3A_834 = arith.constant 0 : i32
      %dma_start3A_835 = tpu.memref_slice %arg7[%dma_start3A_833, %dma_start3A_834] : memref<768x16xf32, #tpu.memory_space<vmem>> -> memref<128x16xf32, #tpu.memory_space<vmem>>
      %dma_start3A_836 = arith.constant 0 : i32
      %dma_start3A_837 = tpu.memref_slice %arg5[%dma_start3A_831, %dma_start3A_832, %dma_start3A_836] : memref<12x2x128xi32, #tpu.memory_space<vmem>> -> memref<1x1x128xi32, #tpu.memory_space<vmem>>
      %dma_start3A_838 = tpu.memref_squeeze %dma_start3A_837 : memref<1x1x128xi32, #tpu.memory_space<vmem>> -> memref<128xi32, #tpu.memory_space<vmem>>
      %dma_start3A_839 = arith.constant 0 : i32
      %dma_start3A_840 = arith.constant 0 : i32
      %dma_start3A_841 = tpu.memref_slice %arg8[%dma_start3A_839, %dma_start3A_840] : memref<100352x16xf32, #tpu.memory_space<vmem_shared>> -> memref<100352x16xf32, #tpu.memory_space<vmem_shared>>
      tpu.enqueue_indirect_dma source(%dma_start3A_835 : memref<128x16xf32, #tpu.memory_space<vmem>>) target(%dma_start3A_841 : memref<100352x16xf32, #tpu.memory_space<vmem_shared>>) offsets(%dma_start3A_838 : memref<128xi32, #tpu.memory_space<vmem>>) semaphore(%arg11 : memref<!tpu.dma_semaphore, #tpu.memory_space<semaphore_mem>>) {add = true}
    }
    %scan3A_407 = arith.constant 65 : i32
    %dma_wait3A_408 = arith.constant 0 : i32
    %dma_wait3A_409 = arith.constant 0 : i32
    %dma_wait3A_410 = tpu.memref_slice %arg2[%dma_wait3A_408, %dma_wait3A_409] : memref<100352x16xf32, #tpu.memory_space<hbm>> -> memref<768x16xf32, #tpu.memory_space<hbm>>
    %dma_wait3A_411 = arith.constant 0 : i32
    %dma_wait3A_412 = arith.constant 0 : i32
    %dma_wait3A_413 = tpu.memref_slice %arg2[%dma_wait3A_411, %dma_wait3A_412] : memref<100352x16xf32, #tpu.memory_space<hbm>> -> memref<768x16xf32, #tpu.memory_space<hbm>>
    tpu.wait_dma2 semaphore(%arg10 : memref<!tpu.dma_semaphore, #tpu.memory_space<semaphore_mem>>) src(%dma_wait3A_413 : memref<768x16xf32, #tpu.memory_space<hbm>>) dst(%arg6 : memref<768x16xf32, #tpu.memory_space<vmem>>)
    %dma_wait3A_414 = arith.constant 0 : i32
    %dma_wait3A_415 = arith.constant 0 : i32
    %dma_wait3A_416 = tpu.memref_slice %arg2[%dma_wait3A_414, %dma_wait3A_415] : memref<100352x16xf32, #tpu.memory_space<hbm>> -> memref<768x16xf32, #tpu.memory_space<hbm>>
    %dma_wait3A_417 = arith.constant 0 : i32
    %dma_wait3A_418 = arith.constant 0 : i32
    %dma_wait3A_419 = tpu.memref_slice %arg2[%dma_wait3A_417, %dma_wait3A_418] : memref<100352x16xf32, #tpu.memory_space<hbm>> -> memref<768x16xf32, #tpu.memory_space<hbm>>
    tpu.wait_dma2 semaphore(%arg11 : memref<!tpu.dma_semaphore, #tpu.memory_space<semaphore_mem>>) src(%dma_wait3A_419 : memref<768x16xf32, #tpu.memory_space<hbm>>) dst(%arg7 : memref<768x16xf32, #tpu.memory_space<vmem>>)
    %barrier3A_420 = arith.constant 0 : index
    tpu.barrier barrier_id(%barrier3A_420)
    %mul3A_421 = arith.constant 6272 : i32
    %mul3A_422 = arith.muli %arg1, %mul3A_421 : i32
    %mul3A_423 = arith.constant 100352 : i32
    %mul3A_424 = arith.muli %arg0, %mul3A_423 : i32
    %mul3A_425 = arith.constant 6272 : i32
    %mul3A_426 = arith.muli %arg1, %mul3A_425 : i32
    %add3A_427 = arith.addi %mul3A_424, %mul3A_426 : i32
    "tpu.region"() ({
      %run_scoped3A = tpu.sem_alloc : memref<!tpu.dma_semaphore, #tpu.memory_space<semaphore_mem>>
      %dma_start3A_428 = arith.constant 0 : i32
      %dma_start3A_429 = tpu.memref_slice %arg4[%add3A_427, %dma_start3A_428] : memref<200704x16xf32, #tpu.memory_space<hbm>> -> memref<6272x16xf32, #tpu.memory_space<hbm>>
      %dma_start3A_430 = arith.constant 0 : i32
      %dma_start3A_431 = tpu.memref_slice %arg8[%mul3A_422, %dma_start3A_430] : memref<100352x16xf32, #tpu.memory_space<vmem_shared>> -> memref<6272x16xf32, #tpu.memory_space<vmem_shared>>
      tpu.enqueue_dma source(%dma_start3A_431 : memref<6272x16xf32, #tpu.memory_space<vmem_shared>>) target(%dma_start3A_429 : memref<6272x16xf32, #tpu.memory_space<hbm>>) target_semaphore(%run_scoped3A : memref<!tpu.dma_semaphore, #tpu.memory_space<semaphore_mem>>)
      %dma_wait3A_432 = arith.constant 0 : i32
      %dma_wait3A_433 = tpu.memref_slice %arg4[%add3A_427, %dma_wait3A_432] : memref<200704x16xf32, #tpu.memory_space<hbm>> -> memref<6272x16xf32, #tpu.memory_space<hbm>>
      %dma_wait3A_434 = arith.constant 0 : i32
      %dma_wait3A_435 = tpu.memref_slice %arg8[%mul3A_422, %dma_wait3A_434] : memref<100352x16xf32, #tpu.memory_space<vmem_shared>> -> memref<6272x16xf32, #tpu.memory_space<vmem_shared>>
      tpu.wait_dma2 semaphore(%run_scoped3A : memref<!tpu.dma_semaphore, #tpu.memory_space<semaphore_mem>>) src(%dma_wait3A_435 : memref<6272x16xf32, #tpu.memory_space<vmem_shared>>) dst(%dma_wait3A_433 : memref<6272x16xf32, #tpu.memory_space<hbm>>)
      tpu.yield
    }) : () -> ()
    return
  }
}

module attributes {stable_mosaic.version = 14 : i64} {
  func.func @_mmh_body(%arg0: i32, %arg1: memref<1433x1024xf32, #tpu.memory_space<vmem>>, %arg2: memref<1433x16xf32, #tpu.memory_space<vmem>>, %arg3: memref<1024x16xf32, #tpu.memory_space<vmem>>) attributes {dimension_semantics = [#tpu.dimension_semantics<arbitrary>], iteration_bounds = array<i64: 98>, scalar_prefetch = 0 : i64, scratch_operands = 0 : i64, tpu.core_type = #tpu.core_type<tc>, window_params = [{transform_indices = @transform_0, window_bounds = array<i64: 1433, 1024>}, {pipeline_mode = #tpu.pipeline_mode<synchronous>, transform_indices = @transform_1, window_bounds = array<i64: 1433, 16>}, {transform_indices = @transform_2, window_bounds = array<i64: 1024, 16>}]} {
    %get3A = arith.constant 0 : index
    %get3A_0 = arith.constant 0 : index
    %get3A_1 = vector.load %arg1[%get3A, %get3A_0] : memref<1433x1024xf32, #tpu.memory_space<vmem>>, vector<1433x1024xf32>
    %get3A_2 = arith.constant 0 : index
    %get3A_3 = arith.constant 0 : index
    %get3A_4 = vector.load %arg2[%get3A_2, %get3A_3] : memref<1433x16xf32, #tpu.memory_space<vmem>>, vector<1433x16xf32>
    %dot_general3A = arith.constant dense<0.000000e+00> : vector<1024x16xf32>
    %dot_general3A_5 = tpu.matmul %get3A_1, %get3A_4, %dot_general3A {dimension_numbers = #tpu.dot_dimension_numbers<[0], [0], [1], [1], [0, 1, 1, 1], [], []>, transpose_lhs_hint = false} : vector<1433x1024xf32>, vector<1433x16xf32>, vector<1024x16xf32> -> vector<1024x16xf32>
    %swap3A = arith.constant 0 : index
    %swap3A_6 = arith.constant 0 : index
    %swap3A_7 = vector.load %arg3[%swap3A, %swap3A_6] : memref<1024x16xf32, #tpu.memory_space<vmem>>, vector<1024x16xf32>
    tpu.vector_store %arg3[%swap3A, %swap3A_6], %dot_general3A_5 {strides = array<i32>} : memref<1024x16xf32, #tpu.memory_space<vmem>>, vector<1024x16xf32>,
    return
  }
  func.func @transform_0(%arg0: i32) -> (i32, i32) {
    %c0_i32 = arith.constant 0 : i32
    %c0_i32_0 = arith.constant 0 : i32
    return %c0_i32, %arg0 : i32, i32
  }
  func.func @transform_1(%arg0: i32) -> (i32, i32) {
    %c0_i32 = arith.constant 0 : i32
    %c0_i32_0 = arith.constant 0 : i32
    %c0_i32_1 = arith.constant 0 : i32
    return %c0_i32, %c0_i32_0 : i32, i32
  }
  func.func @transform_2(%arg0: i32) -> (i32, i32) {
    %c0_i32 = arith.constant 0 : i32
    %c0_i32_0 = arith.constant 0 : i32
    return %arg0, %c0_i32 : i32, i32
  }
}

module attributes {stable_mosaic.version = 14 : i64} {
  func.func @_scale_body(%arg0: i32, %arg1: memref<128x128xf32, #tpu.memory_space<vmem>>, %arg2: memref<128x8xf32, #tpu.memory_space<vmem>>, %arg3: memref<128x8xf32, #tpu.memory_space<vmem>>, %arg4: memref<8x128xf32, #tpu.memory_space<vmem>>, %arg5: memref<128x128xf32, #tpu.memory_space<vmem>>, %arg6: memref<128x128xf32, #tpu.memory_space<vmem>>) attributes {dimension_semantics = [#tpu.dimension_semantics<arbitrary>], iteration_bounds = array<i64: 98>, scalar_prefetch = 0 : i64, scratch_operands = 0 : i64, tpu.core_type = #tpu.core_type<tc>, window_params = [{transform_indices = @transform_0, window_bounds = array<i64: 128, 128>}, {transform_indices = @transform_1, window_bounds = array<i64: 128, 8>}, {transform_indices = @transform_2, window_bounds = array<i64: 128, 8>}, {pipeline_mode = #tpu.pipeline_mode<synchronous>, transform_indices = @transform_3, window_bounds = array<i64: 8, 128>}, {transform_indices = @transform_4, window_bounds = array<i64: 128, 128>}, {transform_indices = @transform_5, window_bounds = array<i64: 128, 128>}]} {
    %get3A = arith.constant 0 : index
    %get3A_0 = arith.constant 0 : index
    %get3A_1 = vector.load %arg2[%get3A, %get3A_0] : memref<128x8xf32, #tpu.memory_space<vmem>>, vector<128x8xf32>
    %get3A_2 = arith.constant 0 : index
    %get3A_3 = arith.constant 0 : index
    %get3A_4 = vector.load %arg3[%get3A_2, %get3A_3] : memref<128x8xf32, #tpu.memory_space<vmem>>, vector<128x8xf32>
    %add3A = arith.addf %get3A_1, %get3A_4 : vector<128x8xf32>
    %add3A_5 = arith.constant 1.000000e+00 : f32
    %add3A_6 = vector.broadcast %add3A_5 : f32 to vector<128x8xf32>
    %add3A_7 = arith.addf %add3A, %add3A_6 : vector<128x8xf32>
    %rsqrt3A = math.rsqrt %add3A_7 : vector<128x8xf32>
    %get3A_8 = arith.constant 0 : index
    %get3A_9 = arith.constant 0 : index
    %get3A_10 = vector.load %arg4[%get3A_8, %get3A_9] : memref<8x128xf32, #tpu.memory_space<vmem>>, vector<8x128xf32>
    %dot_general3A = arith.constant dense<0.000000e+00> : vector<128x128xf32>
    %dot_general3A_11 = tpu.matmul %rsqrt3A, %get3A_10, %dot_general3A {dimension_numbers = #tpu.dot_dimension_numbers<[1], [0], [0], [1], [0, 0, 1, 1], [], []>, transpose_lhs_hint = false} : vector<128x8xf32>, vector<8x128xf32>, vector<128x128xf32> -> vector<128x128xf32>
    %get3A_12 = arith.constant 0 : index
    %get3A_13 = arith.constant 0 : index
    %get3A_14 = vector.load %arg1[%get3A_12, %get3A_13] : memref<128x128xf32, #tpu.memory_space<vmem>>, vector<128x128xf32>
    %mul3A = arith.mulf %get3A_14, %dot_general3A_11 : vector<128x128xf32>
    %swap3A = arith.constant 0 : index
    %swap3A_15 = arith.constant 0 : index
    %swap3A_16 = vector.load %arg5[%swap3A, %swap3A_15] : memref<128x128xf32, #tpu.memory_space<vmem>>, vector<128x128xf32>
    tpu.vector_store %arg5[%swap3A, %swap3A_15], %mul3A {strides = array<i32>} : memref<128x128xf32, #tpu.memory_space<vmem>>, vector<128x128xf32>,
    %swap3A_17 = arith.constant 0 : index
    %swap3A_18 = arith.constant 0 : index
    %swap3A_19 = vector.load %arg6[%swap3A_17, %swap3A_18] : memref<128x128xf32, #tpu.memory_space<vmem>>, vector<128x128xf32>
    tpu.vector_store %arg6[%swap3A_17, %swap3A_18], %dot_general3A_11 {strides = array<i32>} : memref<128x128xf32, #tpu.memory_space<vmem>>, vector<128x128xf32>,
    return
  }
  func.func @transform_0(%arg0: i32) -> (i32, i32) {
    %c0_i32 = arith.constant 0 : i32
    %c0_i32_0 = arith.constant 0 : i32
    return %arg0, %c0_i32 : i32, i32
  }
  func.func @transform_1(%arg0: i32) -> (i32, i32) {
    %c0_i32 = arith.constant 0 : i32
    %c0_i32_0 = arith.constant 0 : i32
    return %arg0, %c0_i32 : i32, i32
  }
  func.func @transform_2(%arg0: i32) -> (i32, i32) {
    %add3A = arith.constant 98 : i32
    %add3A_0 = arith.addi %arg0, %add3A : i32
    %c0_i32 = arith.constant 0 : i32
    %c0_i32_1 = arith.constant 0 : i32
    return %add3A_0, %c0_i32 : i32, i32
  }
  func.func @transform_3(%arg0: i32) -> (i32, i32) {
    %c0_i32 = arith.constant 0 : i32
    %c0_i32_0 = arith.constant 0 : i32
    %c0_i32_1 = arith.constant 0 : i32
    return %c0_i32, %c0_i32_0 : i32, i32
  }
  func.func @transform_4(%arg0: i32) -> (i32, i32) {
    %c0_i32 = arith.constant 0 : i32
    %c0_i32_0 = arith.constant 0 : i32
    return %arg0, %c0_i32 : i32, i32
  }
  func.func @transform_5(%arg0: i32) -> (i32, i32) {
    %c0_i32 = arith.constant 0 : i32
    %c0_i32_0 = arith.constant 0 : i32
    return %arg0, %c0_i32 : i32, i32
  }
}

module attributes {stable_mosaic.version = 14 : i64} {
  func.func @_mid_body(%arg0: i32, %arg1: memref<128x128xf32, #tpu.memory_space<vmem>>, %arg2: memref<128x128xf32, #tpu.memory_space<vmem>>, %arg3: memref<128x128xf32, #tpu.memory_space<vmem>>, %arg4: memref<128x128xf32, #tpu.memory_space<vmem>>, %arg5: memref<1x128xf32, #tpu.memory_space<vmem>>, %arg6: memref<128x128xf32, #tpu.memory_space<vmem>>, %arg7: memref<128x128xf32, #tpu.memory_space<vmem>>) attributes {dimension_semantics = [#tpu.dimension_semantics<arbitrary>], iteration_bounds = array<i64: 98>, scalar_prefetch = 0 : i64, scratch_operands = 0 : i64, tpu.core_type = #tpu.core_type<tc>, window_params = [{transform_indices = @transform_0, window_bounds = array<i64: 128, 128>}, {transform_indices = @transform_1, window_bounds = array<i64: 128, 128>}, {transform_indices = @transform_2, window_bounds = array<i64: 128, 128>}, {transform_indices = @transform_3, window_bounds = array<i64: 128, 128>}, {pipeline_mode = #tpu.pipeline_mode<synchronous>, transform_indices = @transform_4, window_bounds = array<i64: 1, 128>}, {pipeline_mode = #tpu.pipeline_mode<synchronous>, transform_indices = @transform_5, window_bounds = array<i64: 128, 128>}, {transform_indices = @transform_6, window_bounds = array<i64: 128, 128>}]} {
    %get3A = arith.constant 0 : index
    %get3A_0 = arith.constant 0 : index
    %get3A_1 = vector.load %arg1[%get3A, %get3A_0] : memref<128x128xf32, #tpu.memory_space<vmem>>, vector<128x128xf32>
    %get3A_2 = arith.constant 0 : index
    %get3A_3 = arith.constant 0 : index
    %get3A_4 = vector.load %arg2[%get3A_2, %get3A_3] : memref<128x128xf32, #tpu.memory_space<vmem>>, vector<128x128xf32>
    %add3A = arith.addf %get3A_1, %get3A_4 : vector<128x128xf32>
    %get3A_5 = arith.constant 0 : index
    %get3A_6 = arith.constant 0 : index
    %get3A_7 = vector.load %arg3[%get3A_5, %get3A_6] : memref<128x128xf32, #tpu.memory_space<vmem>>, vector<128x128xf32>
    %sub3A = arith.subf %add3A, %get3A_7 : vector<128x128xf32>
    %get3A_8 = arith.constant 0 : index
    %get3A_9 = arith.constant 0 : index
    %get3A_10 = vector.load %arg4[%get3A_8, %get3A_9] : memref<128x128xf32, #tpu.memory_space<vmem>>, vector<128x128xf32>
    %mul3A = arith.mulf %get3A_10, %sub3A : vector<128x128xf32>
    %get3A_11 = arith.constant 0 : index
    %get3A_12 = arith.constant 0 : index
    %get3A_13 = vector.load %arg5[%get3A_11, %get3A_12] : memref<1x128xf32, #tpu.memory_space<vmem>>, vector<1x128xf32>
    %add3A_14 = vector.broadcast %get3A_13 : vector<1x128xf32> to vector<128x128xf32>
    %add3A_15 = arith.addf %mul3A, %add3A_14 : vector<128x128xf32>
    %max3A = arith.constant 0.000000e+00 : f32
    %max3A_16 = vector.broadcast %max3A : f32 to vector<128x128xf32>
    %max3A_17 = arith.maximumf %add3A_15, %max3A_16 : vector<128x128xf32>
    %get3A_18 = arith.constant 0 : index
    %get3A_19 = arith.constant 0 : index
    %get3A_20 = vector.load %arg6[%get3A_18, %get3A_19] : memref<128x128xf32, #tpu.memory_space<vmem>>, vector<128x128xf32>
    %dot_general3A = arith.constant dense<0.000000e+00> : vector<128x128xf32>
    %dot_general3A_21 = tpu.matmul %max3A_17, %get3A_20, %dot_general3A {dimension_numbers = #tpu.dot_dimension_numbers<[1], [0], [0], [1], [0, 0, 1, 1], [], []>, transpose_lhs_hint = false} : vector<128x128xf32>, vector<128x128xf32>, vector<128x128xf32> -> vector<128x128xf32>
    %mul3A_22 = arith.mulf %dot_general3A_21, %get3A_10 : vector<128x128xf32>
    %swap3A = arith.constant 0 : index
    %swap3A_23 = arith.constant 0 : index
    %swap3A_24 = vector.load %arg7[%swap3A, %swap3A_23] : memref<128x128xf32, #tpu.memory_space<vmem>>, vector<128x128xf32>
    tpu.vector_store %arg7[%swap3A, %swap3A_23], %mul3A_22 {strides = array<i32>} : memref<128x128xf32, #tpu.memory_space<vmem>>, vector<128x128xf32>,
    return
  }
  func.func @transform_0(%arg0: i32) -> (i32, i32) {
    %c0_i32 = arith.constant 0 : i32
    %c0_i32_0 = arith.constant 0 : i32
    return %arg0, %c0_i32 : i32, i32
  }
  func.func @transform_1(%arg0: i32) -> (i32, i32) {
    %add3A = arith.constant 98 : i32
    %add3A_0 = arith.addi %arg0, %add3A : i32
    %c0_i32 = arith.constant 0 : i32
    %c0_i32_1 = arith.constant 0 : i32
    return %add3A_0, %c0_i32 : i32, i32
  }
  func.func @transform_2(%arg0: i32) -> (i32, i32) {
    %c0_i32 = arith.constant 0 : i32
    %c0_i32_0 = arith.constant 0 : i32
    return %arg0, %c0_i32 : i32, i32
  }
  func.func @transform_3(%arg0: i32) -> (i32, i32) {
    %c0_i32 = arith.constant 0 : i32
    %c0_i32_0 = arith.constant 0 : i32
    return %arg0, %c0_i32 : i32, i32
  }
  func.func @transform_4(%arg0: i32) -> (i32, i32) {
    %c0_i32 = arith.constant 0 : i32
    %c0_i32_0 = arith.constant 0 : i32
    %c0_i32_1 = arith.constant 0 : i32
    return %c0_i32, %c0_i32_0 : i32, i32
  }
  func.func @transform_5(%arg0: i32) -> (i32, i32) {
    %c0_i32 = arith.constant 0 : i32
    %c0_i32_0 = arith.constant 0 : i32
    %c0_i32_1 = arith.constant 0 : i32
    return %c0_i32, %c0_i32_0 : i32, i32
  }
  func.func @transform_6(%arg0: i32) -> (i32, i32) {
    %c0_i32 = arith.constant 0 : i32
    %c0_i32_0 = arith.constant 0 : i32
    return %arg0, %c0_i32 : i32, i32
  }
}

module attributes {stable_mosaic.version = 14 : i64} {
  func.func @_fin_body(%arg0: i32, %arg1: memref<128x128xf32, #tpu.memory_space<vmem>>, %arg2: memref<128x128xf32, #tpu.memory_space<vmem>>, %arg3: memref<128x128xf32, #tpu.memory_space<vmem>>, %arg4: memref<128x128xf32, #tpu.memory_space<vmem>>, %arg5: memref<1x128xf32, #tpu.memory_space<vmem>>, %arg6: memref<128x128xf32, #tpu.memory_space<vmem>>, %arg7: memref<128x128xf32, #tpu.memory_space<vmem>>) attributes {dimension_semantics = [#tpu.dimension_semantics<arbitrary>], iteration_bounds = array<i64: 98>, scalar_prefetch = 0 : i64, scratch_operands = 0 : i64, tpu.core_type = #tpu.core_type<tc>, window_params = [{transform_indices = @transform_0, window_bounds = array<i64: 128, 128>}, {transform_indices = @transform_1, window_bounds = array<i64: 128, 128>}, {transform_indices = @transform_2, window_bounds = array<i64: 128, 128>}, {transform_indices = @transform_3, window_bounds = array<i64: 128, 128>}, {pipeline_mode = #tpu.pipeline_mode<synchronous>, transform_indices = @transform_4, window_bounds = array<i64: 1, 128>}, {pipeline_mode = #tpu.pipeline_mode<synchronous>, transform_indices = @transform_5, window_bounds = array<i64: 128, 128>}, {transform_indices = @transform_6, window_bounds = array<i64: 128, 128>}]} {
    %get3A = arith.constant 0 : index
    %get3A_0 = arith.constant 0 : index
    %get3A_1 = vector.load %arg4[%get3A, %get3A_0] : memref<128x128xf32, #tpu.memory_space<vmem>>, vector<128x128xf32>
    %get3A_2 = arith.constant 0 : index
    %get3A_3 = arith.constant 0 : index
    %get3A_4 = vector.load %arg1[%get3A_2, %get3A_3] : memref<128x128xf32, #tpu.memory_space<vmem>>, vector<128x128xf32>
    %get3A_5 = arith.constant 0 : index
    %get3A_6 = arith.constant 0 : index
    %get3A_7 = vector.load %arg2[%get3A_5, %get3A_6] : memref<128x128xf32, #tpu.memory_space<vmem>>, vector<128x128xf32>
    %add3A = arith.addf %get3A_4, %get3A_7 : vector<128x128xf32>
    %get3A_8 = arith.constant 0 : index
    %get3A_9 = arith.constant 0 : index
    %get3A_10 = vector.load %arg3[%get3A_8, %get3A_9] : memref<128x128xf32, #tpu.memory_space<vmem>>, vector<128x128xf32>
    %sub3A = arith.subf %add3A, %get3A_10 : vector<128x128xf32>
    %mul3A = arith.mulf %get3A_1, %sub3A : vector<128x128xf32>
    %get3A_11 = arith.constant 0 : index
    %get3A_12 = arith.constant 0 : index
    %get3A_13 = vector.load %arg5[%get3A_11, %get3A_12] : memref<1x128xf32, #tpu.memory_space<vmem>>, vector<1x128xf32>
    %add3A_14 = vector.broadcast %get3A_13 : vector<1x128xf32> to vector<128x128xf32>
    %add3A_15 = arith.addf %mul3A, %add3A_14 : vector<128x128xf32>
    %iota3A = tpu.iota {dimensions = array<i32: 1>} : vector<128x128xi32>
    %jit3A = arith.constant 16 : i32
    %eq3A = arith.constant 0 : i32
    %eq3A_16 = arith.cmpi eq, %jit3A, %eq3A : i32
    %jit3A_17 = arith.constant 1 : i32
    %select_n3A = arith.select %eq3A_16, %jit3A_17, %jit3A : i32
    %rem3A = vector.broadcast %select_n3A : i32 to vector<128x128xi32>
    %rem3A_18 = arith.remsi %iota3A, %rem3A : vector<128x128xi32>
    %ne3A = arith.constant 0 : i32
    %ne3A_19 = vector.broadcast %ne3A : i32 to vector<128x128xi32>
    %ne3A_20 = arith.cmpi ne, %rem3A_18, %ne3A_19 : vector<128x128xi32>
    %lt3A = arith.constant 0 : i32
    %lt3A_21 = vector.broadcast %lt3A : i32 to vector<128x128xi32>
    %lt3A_22 = arith.cmpi slt, %rem3A_18, %lt3A_21 : vector<128x128xi32>
    %lt3A_23 = arith.constant 0 : i32
    %lt3A_24 = arith.cmpi slt, %select_n3A, %lt3A_23 : i32
    %ne3A_25 = vector.broadcast %lt3A_24 : i1 to vector<128x128xi1>
    %ne3A_26 = vector.broadcast %ne3A_25 : vector<128x128xi1> to vector<128x128xi1>
    %ne3A_27 = arith.xori %lt3A_22, %ne3A_26 : vector<128x128xi1>
    %and3A = arith.andi %ne3A_27, %ne3A_20 : vector<128x128xi1>
    %add3A_28 = vector.broadcast %select_n3A : i32 to vector<128x128xi32>
    %add3A_29 = arith.addi %rem3A_18, %add3A_28 : vector<128x128xi32>
    %select_n3A_30 = arith.select %and3A, %add3A_29, %rem3A_18 : vector<128x128xi1>, vector<128x128xi32>
    %lt3A_31 = arith.constant 7 : i32
    %lt3A_32 = vector.broadcast %lt3A_31 : i32 to vector<128x128xi32>
    %lt3A_33 = arith.cmpi slt, %select_n3A_30, %lt3A_32 : vector<128x128xi32>
    %exp3A = math.exp %add3A_15 : vector<128x128xf32>
    %jit3A_34 = arith.constant 0.000000e+00 : f32
    %broadcast_in_dim3A = vector.broadcast %jit3A_34 : f32 to vector<128x128xf32>
    %select_n3A_35 = arith.select %lt3A_33, %exp3A, %broadcast_in_dim3A : vector<128x128xi1>, vector<128x128xf32>
    %get3A_36 = arith.constant 0 : index
    %get3A_37 = arith.constant 0 : index
    %get3A_38 = vector.load %arg6[%get3A_36, %get3A_37] : memref<128x128xf32, #tpu.memory_space<vmem>>, vector<128x128xf32>
    %dot_general3A = arith.constant dense<0.000000e+00> : vector<128x128xf32>
    %dot_general3A_39 = tpu.matmul %select_n3A_35, %get3A_38, %dot_general3A {dimension_numbers = #tpu.dot_dimension_numbers<[1], [0], [0], [1], [0, 0, 1, 1], [], []>, transpose_lhs_hint = false} : vector<128x128xf32>, vector<128x128xf32>, vector<128x128xf32> -> vector<128x128xf32>
    %log3A = math.log %dot_general3A_39 : vector<128x128xf32>
    %sub3A_40 = arith.subf %add3A_15, %log3A : vector<128x128xf32>
    %swap3A = arith.constant 0 : index
    %swap3A_41 = arith.constant 0 : index
    %swap3A_42 = vector.load %arg7[%swap3A, %swap3A_41] : memref<128x128xf32, #tpu.memory_space<vmem>>, vector<128x128xf32>
    tpu.vector_store %arg7[%swap3A, %swap3A_41], %sub3A_40 {strides = array<i32>} : memref<128x128xf32, #tpu.memory_space<vmem>>, vector<128x128xf32>,
    return
  }
  func.func @transform_0(%arg0: i32) -> (i32, i32) {
    %c0_i32 = arith.constant 0 : i32
    %c0_i32_0 = arith.constant 0 : i32
    return %arg0, %c0_i32 : i32, i32
  }
  func.func @transform_1(%arg0: i32) -> (i32, i32) {
    %add3A = arith.constant 98 : i32
    %add3A_0 = arith.addi %arg0, %add3A : i32
    %c0_i32 = arith.constant 0 : i32
    %c0_i32_1 = arith.constant 0 : i32
    return %add3A_0, %c0_i32 : i32, i32
  }
  func.func @transform_2(%arg0: i32) -> (i32, i32) {
    %c0_i32 = arith.constant 0 : i32
    %c0_i32_0 = arith.constant 0 : i32
    return %arg0, %c0_i32 : i32, i32
  }
  func.func @transform_3(%arg0: i32) -> (i32, i32) {
    %c0_i32 = arith.constant 0 : i32
    %c0_i32_0 = arith.constant 0 : i32
    return %arg0, %c0_i32 : i32, i32
  }
  func.func @transform_4(%arg0: i32) -> (i32, i32) {
    %c0_i32 = arith.constant 0 : i32
    %c0_i32_0 = arith.constant 0 : i32
    %c0_i32_1 = arith.constant 0 : i32
    return %c0_i32, %c0_i32_0 : i32, i32
  }
  func.func @transform_5(%arg0: i32) -> (i32, i32) {
    %c0_i32 = arith.constant 0 : i32
    %c0_i32_0 = arith.constant 0 : i32
    %c0_i32_1 = arith.constant 0 : i32
    return %c0_i32, %c0_i32_0 : i32, i32
  }
  func.func @transform_6(%arg0: i32) -> (i32, i32) {
    %c0_i32 = arith.constant 0 : i32
    %c0_i32_0 = arith.constant 0 : i32
    return %arg0, %c0_i32 : i32, i32
  }
}

</mosaic_0001>

<sc_bundles>
// kernel: kernel.12.cloned.1.call-start
scs
__scs_entry_jumppad:
0x0: {  	(pc) =	sbr.rel $0x88, $3  }
0x1: {  	(tag) =	ssettag $0x0;
	lr =	simm.s32 $0x1  }
0x2: {  	[smem:$0x3F9B] =	sst lr;
	_ =	strace $0xD0000000  }
0x3: {  	_ = 	snop  }
0x4: {  	_ = 	snop  }
0x5: {  	_ = 	snop  }
0x6: {  	_ = 	snop  }
0x7: {  	_ = 	snop  }
__scs_overlays_trampoline_lowered:
0x8: {  	[smem:$0x3FAA] =	sst s0  }
0x9: {  	[smem:$0x3FAB] =	sst s1  }
0xa: {  	[smem:$0x3FAC] =	sst s2  }
0xb: {  	[smem:$0x3FAD] =	sst s3  }
0xc: {  	[smem:$0x3FAE] =	sst s4  }
0xd: {  	[smem:$0x3FAF] =	sst s5  }
0xe: {  	[smem:$0x3FB0] =	sst s6  }
0xf: {  	[smem:$0x3FB1] =	sst s7  }
0x10: {  	[smem:$0x3FB2] =	sst s8  }
0x11: {  	[smem:$0x3FB3] =	sst s9;
	s0 =	simm.s32 @!p0 $0x0  }
0x12: {  	s1 =	sld [smem:$0x3F99];
	s0 =	simm.s32 @p0 $0x1  }
0x13: {  	[smem:$0x3FB4] =	sst s0;
	s0 =	simm.s32 @!p1 $0x0  }
0x14: {  	s2 =	sld [smem:$0x3F98];
	s0 =	simm.s32 @p1 $0x1  }
0x15: {  	[smem:$0x3FB5] =	sst s0;
	s0 =	simm.s32 @!p2 $0x0  }
0x16: {  	s3 =	sld [smem:$0x3FDB];
	s0 =	simm.s32 @p2 $0x1  }
0x17: {  	s4 =	simm.s32 $0x1BF5;
	[smem:$0x3FB7] =	sst s0  }
0x18: {  	s0 =	sld [smem:$0x3F9A];
	_ =	swait.ge [sflag:s4], $0x0  }
0x19: {  	s7 =	sld [smem:$0x3F9B]  }
0x1a: {  	s8 =	sadd.s32 $0xFFFFE003, lr  }
0x1b: {  	s9 =	sadd.s32 $0xFFFFFEF7, lr;
	s5 =	simm.s32 $0xFFFFFFFF;
	p2 =	slt.u32 s8, $0xFFFFF086  }
0x1c: {  	p1 =	slt.u32 s9, $0xF7A;
	s5 =	simm.s32 @!p2 $0x0  }
0x1d: {  	s5 =	simm.s32 @p1 $0x1;
	p0 =	seq.s32 s7, s2  }
0x1e: {  	s7 =	smul.u32 @!p0 $0xF7A, s2;
	p2 =	seq.s32 @!p0 s5, $0x0  }
0x1f: {  	s9 =	smul.u32 $0xF7A, s1;
	s8 =	simm.s32 @!p0 $0x1BF5;
	p2 =	por !p2, p0  }
0x20: {  	[sflag:s8] =	ssyncset.s32 @!p0 $0xFFFFF086;
	s6 =	sadd.s32 @!p0 s3, s7;
	s7 =	simm.s32 @!p0 $0x108  }
0x21: {  	s3 =	sadd.s32 s3, s9;
	s6 =	sadd.s32 @!p0 $0x88, s6;
	s7 =	simm.s32 @p2 $0x1082  }
0x22: {  	[simem:s7], [sflag:s8] =	dma.local @!p0 [hbm:s6], $0xF7A  }
0x23: {  	s9 =	sor.u32 $0xD0000000, s2;
	s6 =	simm.s32 $0x108;
	_ =	swait.ge @!p0 [sflag:s8], $0x0  }
0x24: {  	s3 =	sadd.s32 $0x88, s3;
	s6 =	simm.s32 @!p1 $0x1082;
	[sflag:s4] =	ssyncset.s32 $0xFFFFF086  }
0x25: {  	[simem:s6], [sflag:s4] =	dma.local [hbm:s3], $0xF7A  }
0x26: {  	[smem:$0x3F9B] =	sst s1;
	(tag) =	ssettag s2;
	_ =	strace s9  }
0x27: {  	s1 =	sld [smem:$0x3FAB]  }
0x28: {  	s2 =	sld [smem:$0x3FAC]  }
0x29: {  	s4 =	sld [smem:$0x3FAE]  }
0x2a: {  	p0 =	seq.s32 s5, $0x0;
	s5 =	sld [smem:$0x3FAF]  }
0x2b: {  	s6 =	sld [smem:$0x3FB0]  }
0x2c: {  	s7 =	sld [smem:$0x3FB1]  }
0x2d: {  	s3 =	simm.s32 $0x108;
	s8 =	sld [smem:$0x3FB2]  }
0x2e: {  	s3 =	simm.s32 @!p0 $0x1082;
	s9 =	sld [smem:$0x3FB3]  }
0x2f: {  	lr =	sadd.s32 s0, s3;
	s0 =	sld [smem:$0x3FAA]  }
0x30: {  	s3 =	sld [smem:$0x3FAD]  }
0x31: {  	[smem:$0x3FB6] =	sst s10  }
0x32: {  	s10 =	sld [smem:$0x3FB4];
	_ =	sdelay $0x3  }
0x33: {  	p0 =	seq.s32 s10, $0x1;
	s10 =	sld [smem:$0x3FB6];
	_ =	sdelay $0x3  }
0x34: {  	[smem:$0x3FB6] =	sst s10  }
0x35: {  	s10 =	sld [smem:$0x3FB5];
	_ =	sdelay $0x3  }
0x36: {  	p1 =	seq.s32 s10, $0x1;
	s10 =	sld [smem:$0x3FB6];
	_ =	sdelay $0x3  }
0x37: {  	[smem:$0x3FB6] =	sst s10  }
0x38: {  	s10 =	sld [smem:$0x3FB7]  }
0x39: {  	_ = 	snop;
	(pc) =	sbr.ind lr, $3  }
0x3a: {  	_ = 	snop  }
0x3b: {  	_ = 	snop  }
0x3c: {  	p2 =	seq.s32 s10, $0x1;
	s10 =	sld [smem:$0x3FB6]  }
0x3d: {  	_ =	shalt  }
0x3e: {  	_ =	shalt  }
0x3f: {  	_ =	shalt  }
0x40: {  	_ =	shalt  }
0x41: {  	_ =	shalt  }
0x42: {  	_ =	shalt  }
0x43: {  	_ =	shalt  }
0x44: {  	_ =	shalt  }
0x45: {  	_ =	shalt  }
0x46: {  	_ =	shalt  }
0x47: {  	_ =	shalt  }
0x48: {  	_ =	shalt  }
0x49: {  	_ =	shalt  }
0x4a: {  	_ =	shalt  }
0x4b: {  	_ =	shalt  }
0x4c: {  	_ =	shalt  }
0x4d: {  	_ =	shalt  }
0x4e: {  	_ =	shalt  }
0x4f: {  	_ =	shalt  }
0x50: {  	_ =	shalt  }
0x51: {  	_ =	shalt  }
0x52: {  	_ =	shalt  }
0x53: {  	_ =	shalt  }
0x54: {  	_ =	shalt  }
0x55: {  	_ =	shalt  }
0x56: {  	_ =	shalt  }
0x57: {  	_ =	shalt  }
0x58: {  	_ =	shalt  }
0x59: {  	_ =	shalt  }
0x5a: {  	_ =	shalt  }
0x5b: {  	_ =	shalt  }
0x5c: {  	_ =	shalt  }
0x5d: {  	_ =	shalt  }
0x5e: {  	_ =	shalt  }
0x5f: {  	_ =	shalt  }
0x60: {  	_ =	shalt  }
0x61: {  	_ =	shalt  }
0x62: {  	_ =	shalt  }
0x63: {  	_ =	shalt  }
0x64: {  	_ =	shalt  }
0x65: {  	_ =	shalt  }
0x66: {  	_ =	shalt  }
0x67: {  	_ =	shalt  }
0x68: {  	_ =	shalt  }
0x69: {  	_ =	shalt  }
0x6a: {  	_ =	shalt  }
0x6b: {  	_ =	shalt  }
0x6c: {  	_ =	shalt  }
0x6d: {  	_ =	shalt  }
0x6e: {  	_ =	shalt  }
0x6f: {  	_ =	shalt  }
0x70: {  	_ =	shalt  }
0x71: {  	_ =	shalt  }
0x72: {  	_ =	shalt  }
0x73: {  	_ =	shalt  }
0x74: {  	_ =	shalt  }
0x75: {  	_ =	shalt  }
0x76: {  	_ =	shalt  }
0x77: {  	_ =	shalt  }
0x78: {  	_ =	shalt  }
0x79: {  	_ =	shalt  }
0x7a: {  	_ =	shalt  }
0x7b: {  	_ =	shalt  }
0x7c: {  	_ =	shalt  }
0x7d: {  	_ =	shalt  }
0x7e: {  	_ =	shalt  }
0x7f: {  	_ =	shalt  }
0x80: {  	_ =	shalt  }
0x81: {  	_ =	shalt  }
0x82: {  	_ =	shalt  }
0x83: {  	_ =	shalt  }
0x84: {  	_ =	shalt  }
0x85: {  	_ =	shalt  }
0x86: {  	_ =	shalt  }
0x87: {  	_ =	shalt  }
.Lfunc_end0:
.L_simem_size_0:
called_computation.1_lowered:
.L_overlay_start_0:
0x88: {  	s2 =	sld [smem:$0x3FD9]  }
0x89: {  	s3 =	sld [smem:$0x3FFE];
	_ =	sdelay $0x1  }
0x8a: {  	s1 =	srdreg.scid  }
0x8b: {  	s0 =	sand.u32 $0x1, s1  }
0x8c: {  	s16 =	sshll.u32 s0, $0xA;
	s2 =	sadd.s32 s3, s2  }
0x8d: {  	s2 =	sadd.s32 s2, s16  }
0x8e: {  	[smem:$0x3FC2] =	sst s2  }
0x8f: {  	_ = 	snop  }
0x90: {  	(tm) =	ssettm $0x1  }
0x91: {  	s17 =	sld [smem:$0x3FFB];
	_ =	sdelay $0x3  }
0x92: {  	_ =	strace s17  }
0x93: {  	s2 =	sld [smem:$0x3FFC];
	_ =	sdelay $0x3  }
0x94: {  	_ =	strace s2  }
0x95: {  	s2 =	sld [smem:$0x3FFD];
	_ =	sdelay $0x3  }
0x96: {  	_ =	strace s2  }
0x97: {  	_ =	strace $0x8FFFFFFF  }
0x98: {  	s18 =	sld [smem:$0x3FDB];
	_ =	sdelay $0x1  }
0x99: {  	s19 =	simm.s32 $_scs_section_size  }
0x9a: {  	s4 =	simm.s32 $_size__tile_overlayer_lowered;
	s5 =	simm.s32 $_tile_overlayer_lowered  }
0x9b: {  	s22 =	simm.s32 $0x1BFF;
	s21 =	sshll.u32 s5, $0x1;
	s2 =	sadd.s32 s19, s18  }
0x9c: {  	s6 =	simm.s32 $0x0;
	s20 =	sshll.u32 s4, $0x1;
	s4 =	sadd.s32 s21, s2  }
0x9d: {  	[timem:s6], [sflag:s22] =	dma.local [hbm:s4], s20  }
0x9e: {  	_ =	swait.ge [sflag:s22], s20  }
0x9f: {  	s3 =	ssub.s32 $0x0, s20;
	[sflag:s22] =	ssyncset.done $0x0  }
0xa0: {  	[sflag:s22] =	ssyncadd.s32 s3;
	_ =	sdelay $0x1  }
0xa1: {  	s23 =	simm.s32 $0x1B8B  }
0xa2: {  	_ =	swait.ge [sflag:s23], $0x1  }
0xa3: {  	[sflag:s23] =	ssyncset.done $0x0  }
0xa4: {  	s25 =	simm.s32 $0x1B8E;
	s24 =	sld [smem:$0x3FFE];
	[sflag:s23] =	ssyncadd.s32 $0xFFFFFFFF  }
0xa5: {  	s26 =	simm.s32 $execute0_lowered;
	[smem:$0x3FD2] =	sst s25  }
0xa6: {  	s4 =	sshll.u32 s26, $0x1;
	_ =	strace $0x80000049;
	[dreg:$0x1] =	wrdreg $0xFFFFFFFF  }
0xa7: {  	s28 =	simm.s32 $_size_execute0_lowered;
	s2 =	sadd.s32 s2, s4;
	[dreg:$0x0] =	wrdreg $0x0  }
0xa8: {  	s4 =	sshll.u32 s28, $0x1;
	[dreg:$0x2] =	wrdreg s2  }
0xa9: {  	[dreg:$0x3] =	wrdreg s4  }
0xaa: {  	[dreg:$0x4] =	wrdreg $0xC0  }
0xab: {  	_ =	task [dreg:s6], $0x5FFFF  }
0xac: {  	[dreg:$0x1] =	wrdreg $0xFFFFFFFF  }
0xad: {  	[dreg:$0x0] =	wrdreg $0x60  }
0xae: {  	[dreg:$0x2] =	wrdreg s24  }
0xaf: {  	[dreg:$0x3] =	wrdreg $0x6C000  }
0xb0: {  	[dreg:$0x4] =	wrdreg $0x9  }
0xb1: {  	_ =	task.clear_ibuf [dreg:s6], $0x5FFFF;
	_ =	strace $0x90000049  }
0xb2: {  	s29 =	simm.s32 $0x9;
	_ =	strace $0x8000004B  }
0xb3: {  	_ =	swait.ge [sflag:s29], $0x1  }
0xb4: {  	[sflag:s29] =	ssyncadd.s32 $0xFFFFFFFF  }
0xb5: {  	_ =	strace $0x9000004B  }
0xb6: {  	_ =	sfence  }
0xb7: {  	s30 =	sld [smem:$0x0];
	_ =	sdelay $0x2  }
0xb8: {  	s31 =	sshll.u32 s1, $0xD;
	s1 =	sshrl.u32 s1, $0x2  }
0xb9: {  	s3 =	sand.u32 $0x4000, s31;
	s1 =	sadd.s32 s1, s30  }
0xba: {  	s0 =	sor.u32 s3, s0;
	s1 =	sshll.u32 s1, $0x11  }
0xbb: {  	s0 =	sor.u32 s1, s0  }
0xbc: {  	s0 =	sadd.s32 $0x8F2B, s0  }
0xbd: {  	[sflag:s0] =	ssyncadd.remote.s32 $0x1  }
0xbe: {  	_ =	sfence.sel $0xFFFF  }
0xbf: {  	[dreg:$0x0] =	wrdreg $0xFFFFFFFF;
	(pc) =	sbr.abs _section_cstart, $3  }
0xc0: {  	[dreg:$0x1] =	wrdreg $0xFFFFFFFF  }
0xc1: {  	_ =	task.clear_ibuf [dreg:s6], $0x2FFFF;
	_ =	strace $0x9FFFFFFF  }
0xc2: {  	(tm) =	ssettm $0x7FFFFFFF  }
0xc3: {  	_ =	shalt  }
tec
execute0_lowered:
.L_overlay_start_1:
0x0: {  	(tag) =	ssettag $0x1  }
0x1: {  	s0 =	rddreg [dreg:$0x0]  }
0x2: {  	s2 =	rddreg [dreg:$0x1]  }
0x3: {  	s1 =	srdreg.scid;
	s11 =	stileid.u32  }
0x4: {  	s3 =	simm.s32 $0x0;
	s12 =	simm.s32 $0x80;
	s13 =	simm.s32 $0xC00  }
0x5: {  	s15 =	simm.s32 $0x1400;
	s17 =	simm.s32 $0x1C00;
	s19 =	simm.s32 $0x2400  }
0x6: {  	s21 =	simm.s32 $0x2C00;
	s28 =	simm.s32 $0x4400;
	s30 =	simm.s32 $0x4C00  }
0x7: {  	s16 =	simm.s32 $0x0;
	s1 =	sand.u32 $0x1, s1;
	s5 =	smul.u32 $0x3100, s11  }
0x8: {  	[smem:$0x7FF] =	sst s3;
	s4 =	sadd.s32 $0xCBC00, s0;
	s22 =	smul.u32 $0x18800, s11  }
0x9: {  	s7 =	sadd.s32 $0x2600, s0;
	s10 =	smul.u32 $0x318, s11;
	s25 =	sshll.u32 s11, $0x6  }
0xa: {  	s6 =	smul.u32 $0x31000, s1;
	_ =	strace $0x8000004A;
	s23 =	ssub.s32 $0x2, s1  }
0xb: {  	s8 =	smul.u32 $0x3180, s1;
	s1 =	sshll.u32 s1, $0x4;
	s9 =	sshrl.u32 s23, $0x1  }
0xc: {  	s24 =	sadd.s32 s22, s2;
	s1 =	sor.u32 s11, s1;
	s11 =	simm.s32 $0x4  }
0xd: {  	s5 =	sadd.s32 s5, s6;
	s6 =	sshrl.u32 s22, $0x3;
	s1 =	smul.u32 $0x6300, s1  }
0xe: {  	s8 =	sadd.s32 s10, s8;
	s10 =	sor.u32 $0x1C04, s25;
	s14 =	sshrl.u32 s24, $0x3  }
0xf: {  	s25 =	simm.s32 $0x3C00;
	s0 =	sadd.s32 s5, s0;
	s5 =	ssub.s32 s23, s9  }
0x10: {  	s6 =	sadd.s32 s4, s6;
	s8 =	sshll.u32 s8, $0x5;
	[dreg:$0x5] =	wrdreg s10  }
0x11: {  	s23 =	simm.s32 $0x3400;
	s9 =	simm.s32 $0x1;
	[dreg:$0x9] =	wrdreg s14  }
0x12: {  	[dreg:$0x4] =	wrdreg s6;
	s1 =	sadd.s32 s7, s1;
	s26 =	sadd.s32 s7, s8  }
0x13: {  	s0 =	sadd.s32 $0xFCC00, s0;
	s29 =	smax.u32 s5, $0x1;
	[dreg:$0x6] =	wrdreg s1  }
0x14: {  	s5 =	simm.s32 $0x5C00;
	s8 =	simm.s32 $0x6400;
	[dreg:$0x7] =	wrdreg s0  }
0x15: {  	s7 =	simm.s32 $0x3;
	[dreg:$0x8] =	wrdreg s29;
	s31 =	sadd.s32 $0x180, s26  }
0x16: {  	s0 =	simm.s32 $0x5400;
	s1 =	simm.s32 $0x2;
	[dreg:$0x3] =	wrdreg s31  }
.LBB2_1:
0x17: {  	[dreg:$0xa] =	wrdreg s16  }
0x18: {  	s6 =	rddreg [dreg:$0x4]  }
0x19: {  	[spmem:s14], [sflag:s10] =	dma.local [hbm:s6], $0x3100  }
0x1a: {  	_ =	swait.ge [sflag:s11], $0x3100  }
0x1b: {  	[sflag:s11] =	ssyncset.done $0x0  }
0x1c: {  	[sflag:s11] =	ssyncadd.s32 $0xFFFFCF00  }
0x1d: {  	[bflag:$0x0] =	sbarrier.arrive $0xFFFF  }
0x1e: {  	s16 =	rddreg [dreg:$0x6]  }
0x1f: {  	[tilespmem:s3], [sflag:$0x4] =	stream.linear.gather [hbm4b:s16+s3], $0xC00, $0x38;
	[tilespmem:$0x1F400] =	vst v63  }
0x20: {  	_ =	swait.ge [sflag:s11], $0xC00  }
0x21: {  	[sflag:s11] =	ssyncset.done $0x0  }
0x22: {  	[sflag:s11] =	ssyncadd.s32 $0xFFFFF400  }
0x23: {  	[tilespmem:s13], [sflag:$0x1] =	stream.indirect.gather [hbm4b:s4+s12], $0x10, s3, s12, $0xb8;
	[tilespmem:$0x1F400] =	vst v63  }
0x24: {  	s10 =	simm.s32 $0x100  }
0x25: {  	[tilespmem:s15], [sflag:$0x1] =	stream.indirect.gather [hbm4b:s4+s12], $0x10, s10, s12, $0xb8;
	[tilespmem:$0x1F400] =	vst v63  }
0x26: {  	s14 =	simm.s32 $0x200  }
0x27: {  	[tilespmem:s17], [sflag:$0x1] =	stream.indirect.gather [hbm4b:s4+s12], $0x10, s14, s12, $0xb8;
	[tilespmem:$0x1F400] =	vst v63  }
0x28: {  	s16 =	simm.s32 $0x300  }
0x29: {  	[tilespmem:s19], [sflag:$0x1] =	stream.indirect.gather [hbm4b:s4+s12], $0x10, s16, s12, $0xb8;
	[tilespmem:$0x1F400] =	vst v63  }
0x2a: {  	s18 =	simm.s32 $0x400  }
0x2b: {  	[tilespmem:s21], [sflag:$0x1] =	stream.indirect.gather [hbm4b:s4+s12], $0x10, s18, s12, $0xb8;
	[tilespmem:$0x1F400] =	vst v63  }
0x2c: {  	s20 =	simm.s32 $0x500  }
0x2d: {  	[tilespmem:s23], [sflag:$0x1] =	stream.indirect.gather [hbm4b:s4+s12], $0x10, s20, s12, $0xb8;
	[tilespmem:$0x1F400] =	vst v63  }
0x2e: {  	s22 =	simm.s32 $0x600  }
0x2f: {  	[tilespmem:s25], [sflag:$0x1] =	stream.indirect.gather [hbm4b:s4+s12], $0x10, s22, s12, $0xb8;
	[tilespmem:$0x1F400] =	vst v63  }
0x30: {  	s24 =	simm.s32 $0x700  }
0x31: {  	[tilespmem:s28], [sflag:$0x1] =	stream.indirect.gather [hbm4b:s4+s12], $0x10, s24, s12, $0xb8;
	[tilespmem:$0x1F400] =	vst v63  }
0x32: {  	s26 =	simm.s32 $0x800  }
0x33: {  	[tilespmem:s30], [sflag:$0x1] =	stream.indirect.gather [hbm4b:s4+s12], $0x10, s26, s12, $0xb8;
	[tilespmem:$0x1F400] =	vst v63  }
0x34: {  	s29 =	simm.s32 $0x900  }
0x35: {  	[tilespmem:s0], [sflag:$0x1] =	stream.indirect.gather [hbm4b:s4+s12], $0x10, s29, s12, $0xb8;
	[tilespmem:$0x1F400] =	vst v63  }
0x36: {  	s31 =	simm.s32 $0xA00  }
0x37: {  	[tilespmem:s5], [sflag:$0x1] =	stream.indirect.gather [hbm4b:s4+s12], $0x10, s31, s12, $0xb8;
	[tilespmem:$0x1F400] =	vst v63  }
0x38: {  	s6 =	simm.s32 $0xB00  }
0x39: {  	[tilespmem:s8], [sflag:$0x1] =	stream.indirect.gather [hbm4b:s4+s12], $0x10, s6, s12, $0xb8;
	[tilespmem:$0x1F400] =	vst v63  }
0x3a: {  	_ =	swait.ge [sflag:s9], $0x800  }
0x3b: {  	[sflag:s9] =	ssyncset.done $0x0  }
0x3c: {  	[sflag:s9] =	ssyncadd.s32 $0xFFFFF800  }
0x3d: {  	[spmem:s2] =	stream.indirect.scatter.add.f32 [tilespmem:s13], [sflag:$0x2], $0x10, s12, s12, $0xb8;
	[tilespmem:$0x1F400] =	vst v63  }
0x3e: {  	_ =	swait.ge [sflag:s9], $0x800  }
0x3f: {  	[sflag:s9] =	ssyncset.done $0x0  }
0x40: {  	s6 =	simm.s32 $0x180;
	[sflag:s9] =	ssyncadd.s32 $0xFFFFF800  }
0x41: {  	[spmem:s2] =	stream.indirect.scatter.add.f32 [tilespmem:s15], [sflag:$0x2], $0x10, s6, s12, $0xb8;
	[tilespmem:$0x1F400] =	vst v63  }
0x42: {  	_ =	swait.ge [sflag:s9], $0x800  }
0x43: {  	[sflag:s9] =	ssyncset.done $0x0  }
0x44: {  	s6 =	simm.s32 $0x280;
	[sflag:s9] =	ssyncadd.s32 $0xFFFFF800  }
0x45: {  	[spmem:s2] =	stream.indirect.scatter.add.f32 [tilespmem:s17], [sflag:$0x2], $0x10, s6, s12, $0xb8;
	[tilespmem:$0x1F400] =	vst v63  }
0x46: {  	_ =	swait.ge [sflag:s9], $0x800  }
0x47: {  	[sflag:s9] =	ssyncset.done $0x0  }
0x48: {  	s6 =	simm.s32 $0x380;
	[sflag:s9] =	ssyncadd.s32 $0xFFFFF800  }
0x49: {  	[spmem:s2] =	stream.indirect.scatter.add.f32 [tilespmem:s19], [sflag:$0x2], $0x10, s6, s12, $0xb8;
	[tilespmem:$0x1F400] =	vst v63  }
0x4a: {  	_ =	swait.ge [sflag:s9], $0x800  }
0x4b: {  	[sflag:s9] =	ssyncset.done $0x0  }
0x4c: {  	s6 =	simm.s32 $0x480;
	[sflag:s9] =	ssyncadd.s32 $0xFFFFF800  }
0x4d: {  	[spmem:s2] =	stream.indirect.scatter.add.f32 [tilespmem:s21], [sflag:$0x2], $0x10, s6, s12, $0xb8;
	[tilespmem:$0x1F400] =	vst v63  }
0x4e: {  	_ =	swait.ge [sflag:s9], $0x800  }
0x4f: {  	[sflag:s9] =	ssyncset.done $0x0  }
0x50: {  	s6 =	simm.s32 $0x580;
	[sflag:s9] =	ssyncadd.s32 $0xFFFFF800  }
0x51: {  	[spmem:s2] =	stream.indirect.scatter.add.f32 [tilespmem:s23], [sflag:$0x2], $0x10, s6, s12, $0xb8;
	[tilespmem:$0x1F400] =	vst v63  }
0x52: {  	_ =	swait.ge [sflag:s9], $0x800  }
0x53: {  	[sflag:s9] =	ssyncset.done $0x0  }
0x54: {  	s6 =	simm.s32 $0x680;
	[sflag:s9] =	ssyncadd.s32 $0xFFFFF800  }
0x55: {  	[spmem:s2] =	stream.indirect.scatter.add.f32 [tilespmem:s25], [sflag:$0x3], $0x10, s6, s12, $0xb8;
	[tilespmem:$0x1F400] =	vst v63  }
0x56: {  	_ =	swait.ge [sflag:s9], $0x800  }
0x57: {  	[sflag:s9] =	ssyncset.done $0x0  }
0x58: {  	s6 =	simm.s32 $0x780;
	[sflag:s9] =	ssyncadd.s32 $0xFFFFF800  }
0x59: {  	[spmem:s2] =	stream.indirect.scatter.add.f32 [tilespmem:s28], [sflag:$0x3], $0x10, s6, s12, $0xb8;
	[tilespmem:$0x1F400] =	vst v63  }
0x5a: {  	_ =	swait.ge [sflag:s9], $0x800  }
0x5b: {  	[sflag:s9] =	ssyncset.done $0x0  }
0x5c: {  	s6 =	simm.s32 $0x880;
	[sflag:s9] =	ssyncadd.s32 $0xFFFFF800  }
0x5d: {  	[spmem:s2] =	stream.indirect.scatter.add.f32 [tilespmem:s30], [sflag:$0x3], $0x10, s6, s12, $0xb8;
	[tilespmem:$0x1F400] =	vst v63  }
0x5e: {  	_ =	swait.ge [sflag:s9], $0x800  }
0x5f: {  	[sflag:s9] =	ssyncset.done $0x0  }
0x60: {  	s6 =	simm.s32 $0x980;
	[sflag:s9] =	ssyncadd.s32 $0xFFFFF800  }
0x61: {  	[spmem:s2] =	stream.indirect.scatter.add.f32 [tilespmem:s0], [sflag:$0x3], $0x10, s6, s12, $0xb8;
	[tilespmem:$0x1F400] =	vst v63  }
0x62: {  	_ =	swait.ge [sflag:s9], $0x800  }
0x63: {  	[sflag:s9] =	ssyncset.done $0x0  }
0x64: {  	s6 =	simm.s32 $0xA80;
	[sflag:s9] =	ssyncadd.s32 $0xFFFFF800  }
0x65: {  	[spmem:s2] =	stream.indirect.scatter.add.f32 [tilespmem:s5], [sflag:$0x3], $0x10, s6, s12, $0xb8;
	[tilespmem:$0x1F400] =	vst v63  }
0x66: {  	_ =	swait.ge [sflag:s9], $0x800  }
0x67: {  	[sflag:s9] =	ssyncset.done $0x0  }
0x68: {  	s6 =	simm.s32 $0xB80;
	[sflag:s9] =	ssyncadd.s32 $0xFFFFF800  }
0x69: {  	[spmem:s2] =	stream.indirect.scatter.add.f32 [tilespmem:s8], [sflag:$0x3], $0x10, s6, s12, $0xb8;
	[tilespmem:$0x1F400] =	vst v63  }
0x6a: {  	_ =	swait.ge [sflag:s1], $0x3000  }
0x6b: {  	[sflag:s1] =	ssyncset.done $0x0  }
0x6c: {  	[sflag:s1] =	ssyncadd.s32 $0xFFFFD000  }
0x6d: {  	_ =	swait.ge [sflag:s7], $0x3000  }
0x6e: {  	s6 =	rddreg [dreg:$0x3];
	[sflag:s7] =	ssyncset.done $0x0  }
0x6f: {  	[sflag:s7] =	ssyncadd.s32 $0xFFFFD000;
	s6 =	sadd.s32 $0x0, s6  }
0x70: {  	[tilespmem:s3], [sflag:$0x4] =	stream.linear.gather [hbm4b:s6+s3], $0xC00, $0x38;
	[tilespmem:$0x1F400] =	vst v63  }
0x71: {  	_ =	swait.ge [sflag:s11], $0xC00  }
0x72: {  	[sflag:s11] =	ssyncset.done $0x0  }
0x73: {  	[sflag:s11] =	ssyncadd.s32 $0xFFFFF400  }
0x74: {  	[tilespmem:s13], [sflag:$0x1] =	stream.indirect.gather [hbm4b:s4+s12], $0x10, s3, s12, $0xb8;
	[tilespmem:$0x1F400] =	vst v63  }
0x75: {  	_ = 	snop  }
0x76: {  	[tilespmem:s15], [sflag:$0x1] =	stream.indirect.gather [hbm4b:s4+s12], $0x10, s10, s12, $0xb8;
	[tilespmem:$0x1F400] =	vst v63  }
0x77: {  	_ = 	snop  }
0x78: {  	[tilespmem:s17], [sflag:$0x1] =	stream.indirect.gather [hbm4b:s4+s12], $0x10, s14, s12, $0xb8;
	[tilespmem:$0x1F400] =	vst v63  }
0x79: {  	_ = 	snop  }
0x7a: {  	[tilespmem:s19], [sflag:$0x1] =	stream.indirect.gather [hbm4b:s4+s12], $0x10, s16, s12, $0xb8;
	[tilespmem:$0x1F400] =	vst v63  }
0x7b: {  	_ = 	snop  }
0x7c: {  	[tilespmem:s21], [sflag:$0x1] =	stream.indirect.gather [hbm4b:s4+s12], $0x10, s18, s12, $0xb8;
	[tilespmem:$0x1F400] =	vst v63  }
0x7d: {  	_ = 	snop  }
0x7e: {  	[tilespmem:s23], [sflag:$0x1] =	stream.indirect.gather [hbm4b:s4+s12], $0x10, s20, s12, $0xb8;
	[tilespmem:$0x1F400] =	vst v63  }
0x7f: {  	_ = 	snop  }
0x80: {  	[tilespmem:s25], [sflag:$0x1] =	stream.indirect.gather [hbm4b:s4+s12], $0x10, s22, s12, $0xb8;
	[tilespmem:$0x1F400] =	vst v63  }
0x81: {  	_ = 	snop  }
0x82: {  	[tilespmem:s28], [sflag:$0x1] =	stream.indirect.gather [hbm4b:s4+s12], $0x10, s24, s12, $0xb8;
	[tilespmem:$0x1F400] =	vst v63  }
0x83: {  	_ = 	snop  }
0x84: {  	[tilespmem:s30], [sflag:$0x1] =	stream.indirect.gather [hbm4b:s4+s12], $0x10, s26, s12, $0xb8;
	[tilespmem:$0x1F400] =	vst v63  }
0x85: {  	_ = 	snop  }
0x86: {  	[tilespmem:s0], [sflag:$0x1] =	stream.indirect.gather [hbm4b:s4+s12], $0x10, s29, s12, $0xb8;
	[tilespmem:$0x1F400] =	vst v63  }
0x87: {  	_ = 	snop  }
0x88: {  	[tilespmem:s5], [sflag:$0x1] =	stream.indirect.gather [hbm4b:s4+s12], $0x10, s31, s12, $0xb8;
	[tilespmem:$0x1F400] =	vst v63  }
0x89: {  	s18 =	simm.s32 $0xB00  }
0x8a: {  	[tilespmem:s8], [sflag:$0x1] =	stream.indirect.gather [hbm4b:s4+s12], $0x10, s18, s12, $0xb8;
	[tilespmem:$0x1F400] =	vst v63  }
0x8b: {  	_ =	swait.ge [sflag:s9], $0x800  }
0x8c: {  	[sflag:s9] =	ssyncset.done $0x0  }
0x8d: {  	[sflag:s9] =	ssyncadd.s32 $0xFFFFF800  }
0x8e: {  	[spmem:s2] =	stream.indirect.scatter.add.f32 [tilespmem:s13], [sflag:$0x2], $0x10, s12, s12, $0xb8;
	[tilespmem:$0x1F400] =	vst v63  }
0x8f: {  	_ =	swait.ge [sflag:s9], $0x800  }
0x90: {  	[sflag:s9] =	ssyncset.done $0x0  }
0x91: {  	s20 =	simm.s32 $0x180;
	[sflag:s9] =	ssyncadd.s32 $0xFFFFF800  }
0x92: {  	[spmem:s2] =	stream.indirect.scatter.add.f32 [tilespmem:s15], [sflag:$0x2], $0x10, s20, s12, $0xb8;
	[tilespmem:$0x1F400] =	vst v63  }
0x93: {  	_ =	swait.ge [sflag:s9], $0x800  }
0x94: {  	[sflag:s9] =	ssyncset.done $0x0  }
0x95: {  	s22 =	simm.s32 $0x280;
	[sflag:s9] =	ssyncadd.s32 $0xFFFFF800  }
0x96: {  	[spmem:s2] =	stream.indirect.scatter.add.f32 [tilespmem:s17], [sflag:$0x2], $0x10, s22, s12, $0xb8;
	[tilespmem:$0x1F400] =	vst v63  }
0x97: {  	_ =	swait.ge [sflag:s9], $0x800  }
0x98: {  	[sflag:s9] =	ssyncset.done $0x0  }
0x99: {  	s24 =	simm.s32 $0x380;
	[sflag:s9] =	ssyncadd.s32 $0xFFFFF800  }
0x9a: {  	[spmem:s2] =	stream.indirect.scatter.add.f32 [tilespmem:s19], [sflag:$0x2], $0x10, s24, s12, $0xb8;
	[tilespmem:$0x1F400] =	vst v63  }
0x9b: {  	_ =	swait.ge [sflag:s9], $0x800  }
0x9c: {  	[sflag:s9] =	ssyncset.done $0x0  }
0x9d: {  	s26 =	simm.s32 $0x480;
	[sflag:s9] =	ssyncadd.s32 $0xFFFFF800  }
0x9e: {  	[spmem:s2] =	stream.indirect.scatter.add.f32 [tilespmem:s21], [sflag:$0x2], $0x10, s26, s12, $0xb8;
	[tilespmem:$0x1F400] =	vst v63  }
0x9f: {  	_ =	swait.ge [sflag:s9], $0x800  }
0xa0: {  	[sflag:s9] =	ssyncset.done $0x0  }
0xa1: {  	s10 =	simm.s32 $0x580;
	[sflag:s9] =	ssyncadd.s32 $0xFFFFF800  }
0xa2: {  	[spmem:s2] =	stream.indirect.scatter.add.f32 [tilespmem:s23], [sflag:$0x2], $0x10, s10, s12, $0xb8;
	[tilespmem:$0x1F400] =	vst v63  }
0xa3: {  	_ =	swait.ge [sflag:s9], $0x800  }
0xa4: {  	[sflag:s9] =	ssyncset.done $0x0  }
0xa5: {  	s14 =	simm.s32 $0x680;
	[sflag:s9] =	ssyncadd.s32 $0xFFFFF800  }
0xa6: {  	[spmem:s2] =	stream.indirect.scatter.add.f32 [tilespmem:s25], [sflag:$0x3], $0x10, s14, s12, $0xb8;
	[tilespmem:$0x1F400] =	vst v63  }
0xa7: {  	_ =	swait.ge [sflag:s9], $0x800  }
0xa8: {  	[sflag:s9] =	ssyncset.done $0x0  }
0xa9: {  	s16 =	simm.s32 $0x780;
	[sflag:s9] =	ssyncadd.s32 $0xFFFFF800  }
0xaa: {  	[spmem:s2] =	stream.indirect.scatter.add.f32 [tilespmem:s28], [sflag:$0x3], $0x10, s16, s12, $0xb8;
	[tilespmem:$0x1F400] =	vst v63  }
0xab: {  	_ =	swait.ge [sflag:s9], $0x800  }
0xac: {  	[sflag:s9] =	ssyncset.done $0x0  }
0xad: {  	s18 =	simm.s32 $0x880;
	[sflag:s9] =	ssyncadd.s32 $0xFFFFF800  }
0xae: {  	[spmem:s2] =	stream.indirect.scatter.add.f32 [tilespmem:s30], [sflag:$0x3], $0x10, s18, s12, $0xb8;
	[tilespmem:$0x1F400] =	vst v63  }
0xaf: {  	_ =	swait.ge [sflag:s9], $0x800  }
0xb0: {  	[sflag:s9] =	ssyncset.done $0x0  }
0xb1: {  	s10 =	simm.s32 $0x980;
	[sflag:s9] =	ssyncadd.s32 $0xFFFFF800  }
0xb2: {  	[spmem:s2] =	stream.indirect.scatter.add.f32 [tilespmem:s0], [sflag:$0x3], $0x10, s10, s12, $0xb8;
	[tilespmem:$0x1F400] =	vst v63  }
0xb3: {  	_ =	swait.ge [sflag:s9], $0x800  }
0xb4: {  	s6 =	simm.s32 $0x180;
	s29 =	simm.s32 $0x780;
	[sflag:s9] =	ssyncset.done $0x0  }
0xb5: {  	s31 =	simm.s32 $0x880;
	s14 =	simm.s32 $0xA80;
	[sflag:s9] =	ssyncadd.s32 $0xFFFFF800  }
0xb6: {  	[spmem:s2] =	stream.indirect.scatter.add.f32 [tilespmem:s5], [sflag:$0x3], $0x10, s14, s12, $0xb8;
	[tilespmem:$0x1F400] =	vst v63  }
0xb7: {  	s20 =	simm.s32 $0x380;
	s22 =	simm.s32 $0x480;
	_ =	swait.ge [sflag:s9], $0x800  }
0xb8: {  	s24 =	simm.s32 $0x580;
	s26 =	simm.s32 $0x680;
	[sflag:s9] =	ssyncset.done $0x0  }
0xb9: {  	s16 =	simm.s32 $0x980;
	s18 =	simm.s32 $0xA80;
	[sflag:s9] =	ssyncadd.s32 $0xFFFFF800  }
.LBB2_2:
0xba: {  	s10 =	simm.s32 $0xB80  }
0xbb: {  	[spmem:s2] =	stream.indirect.scatter.add.f32 [tilespmem:s8], [sflag:$0x3], $0x10, s10, s12, $0xb8;
	[tilespmem:$0x1F400] =	vst v63  }
0xbc: {  	_ =	swait.ge [sflag:s1], $0x3000  }
0xbd: {  	[sflag:s1] =	ssyncset.done $0x0  }
0xbe: {  	[sflag:s1] =	ssyncadd.s32 $0xFFFFD000  }
0xbf: {  	_ =	swait.ge [sflag:s7], $0x3000  }
0xc0: {  	s10 =	smov.u32 s6;
	s14 =	rddreg [dreg:$0x3];
	[sflag:s7] =	ssyncset.done $0x0  }
0xc1: {  	[sflag:s7] =	ssyncadd.s32 $0xFFFFD000;
	s10 =	sadd.s32 s10, s14  }
0xc2: {  	[tilespmem:s3], [sflag:$0x4] =	stream.linear.gather [hbm4b:s10+s3], $0xC00, $0x38;
	[tilespmem:$0x1F400] =	vst v63  }
0xc3: {  	_ =	swait.ge [sflag:s11], $0xC00  }
0xc4: {  	[sflag:s11] =	ssyncset.done $0x0  }
0xc5: {  	[sflag:s11] =	ssyncadd.s32 $0xFFFFF400  }
0xc6: {  	[tilespmem:s13], [sflag:$0x1] =	stream.indirect.gather [hbm4b:s4+s12], $0x10, s3, s12, $0xb8;
	[tilespmem:$0x1F400] =	vst v63  }
0xc7: {  	s14 =	simm.s32 $0x100  }
0xc8: {  	[tilespmem:s15], [sflag:$0x1] =	stream.indirect.gather [hbm4b:s4+s12], $0x10, s14, s12, $0xb8;
	[tilespmem:$0x1F400] =	vst v63  }
0xc9: {  	s14 =	simm.s32 $0x200  }
0xca: {  	[tilespmem:s17], [sflag:$0x1] =	stream.indirect.gather [hbm4b:s4+s12], $0x10, s14, s12, $0xb8;
	[tilespmem:$0x1F400] =	vst v63  }
0xcb: {  	s14 =	simm.s32 $0x300  }
0xcc: {  	[tilespmem:s19], [sflag:$0x1] =	stream.indirect.gather [hbm4b:s4+s12], $0x10, s14, s12, $0xb8;
	[tilespmem:$0x1F400] =	vst v63  }
0xcd: {  	s14 =	simm.s32 $0x400  }
0xce: {  	[tilespmem:s21], [sflag:$0x1] =	stream.indirect.gather [hbm4b:s4+s12], $0x10, s14, s12, $0xb8;
	[tilespmem:$0x1F400] =	vst v63  }
0xcf: {  	s14 =	simm.s32 $0x500  }
0xd0: {  	[tilespmem:s23], [sflag:$0x1] =	stream.indirect.gather [hbm4b:s4+s12], $0x10, s14, s12, $0xb8;
	[tilespmem:$0x1F400] =	vst v63  }
0xd1: {  	s14 =	simm.s32 $0x600  }
0xd2: {  	[tilespmem:s25], [sflag:$0x1] =	stream.indirect.gather [hbm4b:s4+s12], $0x10, s14, s12, $0xb8;
	[tilespmem:$0x1F400] =	vst v63  }
0xd3: {  	s14 =	simm.s32 $0x700  }
0xd4: {  	[tilespmem:s28], [sflag:$0x1] =	stream.indirect.gather [hbm4b:s4+s12], $0x10, s14, s12, $0xb8;
	[tilespmem:$0x1F400] =	vst v63  }
0xd5: {  	s14 =	simm.s32 $0x800  }
0xd6: {  	[tilespmem:s30], [sflag:$0x1] =	stream.indirect.gather [hbm4b:s4+s12], $0x10, s14, s12, $0xb8;
	[tilespmem:$0x1F400] =	vst v63  }
0xd7: {  	s14 =	simm.s32 $0x900  }
0xd8: {  	[tilespmem:s0], [sflag:$0x1] =	stream.indirect.gather [hbm4b:s4+s12], $0x10, s14, s12, $0xb8;
	[tilespmem:$0x1F400] =	vst v63  }
0xd9: {  	s14 =	simm.s32 $0xA00  }
0xda: {  	[tilespmem:s5], [sflag:$0x1] =	stream.indirect.gather [hbm4b:s4+s12], $0x10, s14, s12, $0xb8;
	[tilespmem:$0x1F400] =	vst v63  }
0xdb: {  	s14 =	simm.s32 $0xB00  }
0xdc: {  	[tilespmem:s8], [sflag:$0x1] =	stream.indirect.gather [hbm4b:s4+s12], $0x10, s14, s12, $0xb8;
	[tilespmem:$0x1F400] =	vst v63  }
0xdd: {  	_ =	swait.ge [sflag:s9], $0x800  }
0xde: {  	[sflag:s9] =	ssyncset.done $0x0  }
0xdf: {  	[sflag:s9] =	ssyncadd.s32 $0xFFFFF800  }
0xe0: {  	[spmem:s2] =	stream.indirect.scatter.add.f32 [tilespmem:s13], [sflag:$0x2], $0x10, s12, s12, $0xb8;
	[tilespmem:$0x1F400] =	vst v63  }
0xe1: {  	_ =	swait.ge [sflag:s9], $0x800  }
0xe2: {  	[sflag:s9] =	ssyncset.done $0x0  }
0xe3: {  	s14 =	simm.s32 $0x180;
	[sflag:s9] =	ssyncadd.s32 $0xFFFFF800  }
0xe4: {  	[spmem:s2] =	stream.indirect.scatter.add.f32 [tilespmem:s15], [sflag:$0x2], $0x10, s14, s12, $0xb8;
	[tilespmem:$0x1F400] =	vst v63  }
0xe5: {  	_ =	swait.ge [sflag:s9], $0x800  }
0xe6: {  	[sflag:s9] =	ssyncset.done $0x0  }
0xe7: {  	s14 =	simm.s32 $0x280;
	[sflag:s9] =	ssyncadd.s32 $0xFFFFF800  }
0xe8: {  	[spmem:s2] =	stream.indirect.scatter.add.f32 [tilespmem:s17], [sflag:$0x2], $0x10, s14, s12, $0xb8;
	[tilespmem:$0x1F400] =	vst v63  }
0xe9: {  	_ =	swait.ge [sflag:s9], $0x800  }
0xea: {  	[sflag:s9] =	ssyncset.done $0x0  }
0xeb: {  	[sflag:s9] =	ssyncadd.s32 $0xFFFFF800  }
0xec: {  	[spmem:s2] =	stream.indirect.scatter.add.f32 [tilespmem:s19], [sflag:$0x2], $0x10, s20, s12, $0xb8;
	[tilespmem:$0x1F400] =	vst v63  }
0xed: {  	_ =	swait.ge [sflag:s9], $0x800  }
0xee: {  	[sflag:s9] =	ssyncset.done $0x0  }
0xef: {  	[sflag:s9] =	ssyncadd.s32 $0xFFFFF800  }
0xf0: {  	[spmem:s2] =	stream.indirect.scatter.add.f32 [tilespmem:s21], [sflag:$0x2], $0x10, s22, s12, $0xb8;
	[tilespmem:$0x1F400] =	vst v63  }
0xf1: {  	_ =	swait.ge [sflag:s9], $0x800  }
0xf2: {  	[sflag:s9] =	ssyncset.done $0x0  }
0xf3: {  	[sflag:s9] =	ssyncadd.s32 $0xFFFFF800  }
0xf4: {  	[spmem:s2] =	stream.indirect.scatter.add.f32 [tilespmem:s23], [sflag:$0x2], $0x10, s24, s12, $0xb8;
	[tilespmem:$0x1F400] =	vst v63  }
0xf5: {  	_ =	swait.ge [sflag:s9], $0x800  }
0xf6: {  	[sflag:s9] =	ssyncset.done $0x0  }
0xf7: {  	[sflag:s9] =	ssyncadd.s32 $0xFFFFF800  }
0xf8: {  	[spmem:s2] =	stream.indirect.scatter.add.f32 [tilespmem:s25], [sflag:$0x3], $0x10, s26, s12, $0xb8;
	[tilespmem:$0x1F400] =	vst v63  }
0xf9: {  	_ =	swait.ge [sflag:s9], $0x800  }
0xfa: {  	[sflag:s9] =	ssyncset.done $0x0  }
0xfb: {  	[sflag:s9] =	ssyncadd.s32 $0xFFFFF800  }
0xfc: {  	[spmem:s2] =	stream.indirect.scatter.add.f32 [tilespmem:s28], [sflag:$0x3], $0x10, s29, s12, $0xb8;
	[tilespmem:$0x1F400] =	vst v63  }
0xfd: {  	_ =	swait.ge [sflag:s9], $0x800  }
0xfe: {  	[sflag:s9] =	ssyncset.done $0x0  }
0xff: {  	[sflag:s9] =	ssyncadd.s32 $0xFFFFF800  }
0x100: {  	[spmem:s2] =	stream.indirect.scatter.add.f32 [tilespmem:s30], [sflag:$0x3], $0x10, s31, s12, $0xb8;
	[tilespmem:$0x1F400] =	vst v63  }
0x101: {  	_ =	swait.ge [sflag:s9], $0x800  }
0x102: {  	[sflag:s9] =	ssyncset.done $0x0  }
0x103: {  	[sflag:s9] =	ssyncadd.s32 $0xFFFFF800  }
0x104: {  	[spmem:s2] =	stream.indirect.scatter.add.f32 [tilespmem:s0], [sflag:$0x3], $0x10, s16, s12, $0xb8;
	[tilespmem:$0x1F400] =	vst v63  }
0x105: {  	_ =	swait.ge [sflag:s9], $0x800  }
0x106: {  	p0 =	sne.s32 s6, $0x6000;
	[sflag:s9] =	ssyncset.done $0x0  }
.Ltmp0:
0x107: {  	[sflag:s9] =	ssyncadd.s32 $0xFFFFF800;
	(pc) =	sbr.rel @p0 .LBB2_2-.Ltmp0, $4  }
0x108: {  	[spmem:s2] =	stream.indirect.scatter.add.f32 [tilespmem:s5], [sflag:$0x3], $0x10, s18, s12, $0xb8;
	[tilespmem:$0x1F400] =	vst v63  }
0x109: {  	_ =	swait.ge [sflag:s9], $0x800  }
0x10a: {  	[sflag:s9] =	ssyncset.done $0x0  }
0x10b: {  	s6 =	sadd.s32 $0x180, s6;
	[sflag:s9] =	ssyncadd.s32 $0xFFFFF800  }
0x10c: {  	s6 =	simm.s32 $0xB80  }
0x10d: {  	[spmem:s2] =	stream.indirect.scatter.add.f32 [tilespmem:s8], [sflag:$0x3], $0x10, s6, s12, $0xb8;
	[tilespmem:$0x1F400] =	vst v63  }
0x10e: {  	_ =	swait.ge [sflag:s1], $0x3000  }
0x10f: {  	[sflag:s1] =	ssyncset.done $0x0  }
0x110: {  	[sflag:s1] =	ssyncadd.s32 $0xFFFFD000  }
0x111: {  	_ =	swait.ge [sflag:s7], $0x3000  }
0x112: {  	[sflag:s7] =	ssyncset.done $0x0  }
0x113: {  	[sflag:s7] =	ssyncadd.s32 $0xFFFFD000  }
0x114: {  	[bflag:$0x0] =	sbarrier.arrive $0xFFFF  }
0x115: {  	s10 =	rddreg [dreg:$0x5]  }
0x116: {  	s29 =	rddreg [dreg:$0x7]  }
0x117: {  	s14 =	rddreg [dreg:$0x9]  }
0x118: {  	[hbm:s29], [sflag:s10] =	dma.local [spmem:s14], $0x3100  }
0x119: {  	_ =	swait.ge [sflag:s11], $0x3100  }
0x11a: {  	s16 =	rddreg [dreg:$0xa]  }
0x11b: {  	s31 =	rddreg [dreg:$0x8];
	s16 =	sadd.s32 $0x1, s16  }
0x11c: {  	p0 =	sne.s32 s16, s31  }
.Ltmp1:
0x11d: {  	_ = 	snop;
	(pc) =	sbr.rel @p0 .LBB2_1-.Ltmp1, $3  }
0x11e: {  	_ =	sdelay $0x1  }
0x11f: {  	[sflag:s11] =	ssyncset.done $0x0  }
0x120: {  	[sflag:s11] =	ssyncadd.s32 $0xFFFFCF00  }
0x121: {  	_ =	sfence.sel $0x180000  }
0x122: {  	[bflag:$0x0] =	sbarrier.arrive $0xFFFF  }
0x123: {  	_ =	strace $0x9000004A  }
0x124: {  	s0 =	stileid.u32;
	[bflag:$0x2] =	sbarrier.arrive $0xFFFF  }
0x125: {  	p0 =	sne.s32 s0, $0x0;
	s0 =	rddreg [dreg:$0x2]  }
0x126: {  	s0 =	sadd.s32 @!p0 $0x100000, s0  }
0x127: {  	[sflag:s0] =	ssyncadd.tile.s32 @!p0 $0x1;
	_ =	shalt  }
.Lfunc_end2:
_tile_overlayer_lowered:
.L_overlay_start_2:
0x128: {  	(tag) =	ssettag $0x2  }
0x129: {  	s0 =	rddreg [dreg:$0x0];
	s2 =	stileid.u32  }
0x12a: {  	s1 =	rddreg [dreg:$0x1];
	p0 =	sne.s32 s2, $0x0  }
0x12b: {  	s3 =	rddreg [dreg:$0x2];
	[bflag:$0x3] =	sbarrier.arrive $0xFFFF;
	s2 =	simm.s32 @!p0 $0x1C04  }
0x12c: {  	[timem:s3], [sflag:s2] =	dma.local @!p0 [hbm:s0], s1  }
0x12d: {  	s0 =	simm.s32 @!p0 $0x4  }
0x12e: {  	_ =	swait.ge @!p0 [sflag:s0], s1  }
0x12f: {  	s1 =	ssub.s32 @!p0 $0x0, s1;
	[sflag:s0] =	ssyncset.done @!p0 $0x0  }
0x130: {  	[sflag:s0] =	ssyncadd.s32 @!p0 s1  }
0x131: {  	[bflag:$0x3] =	sbarrier.arrive $0xFFFF  }
0x132: {  	_ =	shalt  }

// kernel: kernel.15.cloned.1.call-start
scs
__scs_entry_jumppad:
0x0: {  	(pc) =	sbr.rel $0x88, $3  }
0x1: {  	(tag) =	ssettag $0x0;
	lr =	simm.s32 $0x1  }
0x2: {  	[smem:$0x3F9B] =	sst lr;
	_ =	strace $0xD0000000  }
0x3: {  	_ = 	snop  }
0x4: {  	_ = 	snop  }
0x5: {  	_ = 	snop  }
0x6: {  	_ = 	snop  }
0x7: {  	_ = 	snop  }
__scs_overlays_trampoline_lowered:
0x8: {  	[smem:$0x3FAA] =	sst s0  }
0x9: {  	[smem:$0x3FAB] =	sst s1  }
0xa: {  	[smem:$0x3FAC] =	sst s2  }
0xb: {  	[smem:$0x3FAD] =	sst s3  }
0xc: {  	[smem:$0x3FAE] =	sst s4  }
0xd: {  	[smem:$0x3FAF] =	sst s5  }
0xe: {  	[smem:$0x3FB0] =	sst s6  }
0xf: {  	[smem:$0x3FB1] =	sst s7  }
0x10: {  	[smem:$0x3FB2] =	sst s8  }
0x11: {  	[smem:$0x3FB3] =	sst s9;
	s0 =	simm.s32 @!p0 $0x0  }
0x12: {  	s1 =	sld [smem:$0x3F99];
	s0 =	simm.s32 @p0 $0x1  }
0x13: {  	[smem:$0x3FB4] =	sst s0;
	s0 =	simm.s32 @!p1 $0x0  }
0x14: {  	s2 =	sld [smem:$0x3F98];
	s0 =	simm.s32 @p1 $0x1  }
0x15: {  	[smem:$0x3FB5] =	sst s0;
	s0 =	simm.s32 @!p2 $0x0  }
0x16: {  	s3 =	sld [smem:$0x3FDB];
	s0 =	simm.s32 @p2 $0x1  }
0x17: {  	s4 =	simm.s32 $0x1BF5;
	[smem:$0x3FB7] =	sst s0  }
0x18: {  	s0 =	sld [smem:$0x3F9A];
	_ =	swait.ge [sflag:s4], $0x0  }
0x19: {  	s7 =	sld [smem:$0x3F9B]  }
0x1a: {  	s8 =	sadd.s32 $0xFFFFE003, lr  }
0x1b: {  	s9 =	sadd.s32 $0xFFFFFEF7, lr;
	s5 =	simm.s32 $0xFFFFFFFF;
	p2 =	slt.u32 s8, $0xFFFFF086  }
0x1c: {  	p1 =	slt.u32 s9, $0xF7A;
	s5 =	simm.s32 @!p2 $0x0  }
0x1d: {  	s5 =	simm.s32 @p1 $0x1;
	p0 =	seq.s32 s7, s2  }
0x1e: {  	s7 =	smul.u32 @!p0 $0xF7A, s2;
	p2 =	seq.s32 @!p0 s5, $0x0  }
0x1f: {  	s9 =	smul.u32 $0xF7A, s1;
	s8 =	simm.s32 @!p0 $0x1BF5;
	p2 =	por !p2, p0  }
0x20: {  	[sflag:s8] =	ssyncset.s32 @!p0 $0xFFFFF086;
	s6 =	sadd.s32 @!p0 s3, s7;
	s7 =	simm.s32 @!p0 $0x108  }
0x21: {  	s3 =	sadd.s32 s3, s9;
	s6 =	sadd.s32 @!p0 $0x88, s6;
	s7 =	simm.s32 @p2 $0x1082  }
0x22: {  	[simem:s7], [sflag:s8] =	dma.local @!p0 [hbm:s6], $0xF7A  }
0x23: {  	s9 =	sor.u32 $0xD0000000, s2;
	s6 =	simm.s32 $0x108;
	_ =	swait.ge @!p0 [sflag:s8], $0x0  }
0x24: {  	s3 =	sadd.s32 $0x88, s3;
	s6 =	simm.s32 @!p1 $0x1082;
	[sflag:s4] =	ssyncset.s32 $0xFFFFF086  }
0x25: {  	[simem:s6], [sflag:s4] =	dma.local [hbm:s3], $0xF7A  }
0x26: {  	[smem:$0x3F9B] =	sst s1;
	(tag) =	ssettag s2;
	_ =	strace s9  }
0x27: {  	s1 =	sld [smem:$0x3FAB]  }
0x28: {  	s2 =	sld [smem:$0x3FAC]  }
0x29: {  	s4 =	sld [smem:$0x3FAE]  }
0x2a: {  	p0 =	seq.s32 s5, $0x0;
	s5 =	sld [smem:$0x3FAF]  }
0x2b: {  	s6 =	sld [smem:$0x3FB0]  }
0x2c: {  	s7 =	sld [smem:$0x3FB1]  }
0x2d: {  	s3 =	simm.s32 $0x108;
	s8 =	sld [smem:$0x3FB2]  }
0x2e: {  	s3 =	simm.s32 @!p0 $0x1082;
	s9 =	sld [smem:$0x3FB3]  }
0x2f: {  	lr =	sadd.s32 s0, s3;
	s0 =	sld [smem:$0x3FAA]  }
0x30: {  	s3 =	sld [smem:$0x3FAD]  }
0x31: {  	[smem:$0x3FB6] =	sst s10  }
0x32: {  	s10 =	sld [smem:$0x3FB4];
	_ =	sdelay $0x3  }
0x33: {  	p0 =	seq.s32 s10, $0x1;
	s10 =	sld [smem:$0x3FB6];
	_ =	sdelay $0x3  }
0x34: {  	[smem:$0x3FB6] =	sst s10  }
0x35: {  	s10 =	sld [smem:$0x3FB5];
	_ =	sdelay $0x3  }
0x36: {  	p1 =	seq.s32 s10, $0x1;
	s10 =	sld [smem:$0x3FB6];
	_ =	sdelay $0x3  }
0x37: {  	[smem:$0x3FB6] =	sst s10  }
0x38: {  	s10 =	sld [smem:$0x3FB7]  }
0x39: {  	_ = 	snop;
	(pc) =	sbr.ind lr, $3  }
0x3a: {  	_ = 	snop  }
0x3b: {  	_ = 	snop  }
0x3c: {  	p2 =	seq.s32 s10, $0x1;
	s10 =	sld [smem:$0x3FB6]  }
0x3d: {  	_ =	shalt  }
0x3e: {  	_ =	shalt  }
0x3f: {  	_ =	shalt  }
0x40: {  	_ =	shalt  }
0x41: {  	_ =	shalt  }
0x42: {  	_ =	shalt  }
0x43: {  	_ =	shalt  }
0x44: {  	_ =	shalt  }
0x45: {  	_ =	shalt  }
0x46: {  	_ =	shalt  }
0x47: {  	_ =	shalt  }
0x48: {  	_ =	shalt  }
0x49: {  	_ =	shalt  }
0x4a: {  	_ =	shalt  }
0x4b: {  	_ =	shalt  }
0x4c: {  	_ =	shalt  }
0x4d: {  	_ =	shalt  }
0x4e: {  	_ =	shalt  }
0x4f: {  	_ =	shalt  }
0x50: {  	_ =	shalt  }
0x51: {  	_ =	shalt  }
0x52: {  	_ =	shalt  }
0x53: {  	_ =	shalt  }
0x54: {  	_ =	shalt  }
0x55: {  	_ =	shalt  }
0x56: {  	_ =	shalt  }
0x57: {  	_ =	shalt  }
0x58: {  	_ =	shalt  }
0x59: {  	_ =	shalt  }
0x5a: {  	_ =	shalt  }
0x5b: {  	_ =	shalt  }
0x5c: {  	_ =	shalt  }
0x5d: {  	_ =	shalt  }
0x5e: {  	_ =	shalt  }
0x5f: {  	_ =	shalt  }
0x60: {  	_ =	shalt  }
0x61: {  	_ =	shalt  }
0x62: {  	_ =	shalt  }
0x63: {  	_ =	shalt  }
0x64: {  	_ =	shalt  }
0x65: {  	_ =	shalt  }
0x66: {  	_ =	shalt  }
0x67: {  	_ =	shalt  }
0x68: {  	_ =	shalt  }
0x69: {  	_ =	shalt  }
0x6a: {  	_ =	shalt  }
0x6b: {  	_ =	shalt  }
0x6c: {  	_ =	shalt  }
0x6d: {  	_ =	shalt  }
0x6e: {  	_ =	shalt  }
0x6f: {  	_ =	shalt  }
0x70: {  	_ =	shalt  }
0x71: {  	_ =	shalt  }
0x72: {  	_ =	shalt  }
0x73: {  	_ =	shalt  }
0x74: {  	_ =	shalt  }
0x75: {  	_ =	shalt  }
0x76: {  	_ =	shalt  }
0x77: {  	_ =	shalt  }
0x78: {  	_ =	shalt  }
0x79: {  	_ =	shalt  }
0x7a: {  	_ =	shalt  }
0x7b: {  	_ =	shalt  }
0x7c: {  	_ =	shalt  }
0x7d: {  	_ =	shalt  }
0x7e: {  	_ =	shalt  }
0x7f: {  	_ =	shalt  }
0x80: {  	_ =	shalt  }
0x81: {  	_ =	shalt  }
0x82: {  	_ =	shalt  }
0x83: {  	_ =	shalt  }
0x84: {  	_ =	shalt  }
0x85: {  	_ =	shalt  }
0x86: {  	_ =	shalt  }
0x87: {  	_ =	shalt  }
.Lfunc_end0:
.L_simem_size_0:
called_computation.2_lowered:
.L_overlay_start_0:
0x88: {  	s2 =	sld [smem:$0x3FD9]  }
0x89: {  	s3 =	sld [smem:$0x3FFE];
	_ =	sdelay $0x1  }
0x8a: {  	s1 =	srdreg.scid  }
0x8b: {  	s0 =	sand.u32 $0x1, s1  }
0x8c: {  	s16 =	sshll.u32 s0, $0xA;
	s2 =	sadd.s32 s3, s2  }
0x8d: {  	s2 =	sadd.s32 s2, s16  }
0x8e: {  	[smem:$0x3FC2] =	sst s2  }
0x8f: {  	_ = 	snop  }
0x90: {  	(tm) =	ssettm $0x1  }
0x91: {  	s17 =	sld [smem:$0x3FFB];
	_ =	sdelay $0x3  }
0x92: {  	_ =	strace s17  }
0x93: {  	s2 =	sld [smem:$0x3FFC];
	_ =	sdelay $0x3  }
0x94: {  	_ =	strace s2  }
0x95: {  	s2 =	sld [smem:$0x3FFD];
	_ =	sdelay $0x3  }
0x96: {  	_ =	strace s2  }
0x97: {  	_ =	strace $0x8FFFFFFF  }
0x98: {  	s18 =	sld [smem:$0x3FDB];
	_ =	sdelay $0x1  }
0x99: {  	s19 =	simm.s32 $_scs_section_size  }
0x9a: {  	s4 =	simm.s32 $_size__tile_overlayer_lowered;
	s5 =	simm.s32 $_tile_overlayer_lowered  }
0x9b: {  	s22 =	simm.s32 $0x1BFF;
	s21 =	sshll.u32 s5, $0x1;
	s2 =	sadd.s32 s19, s18  }
0x9c: {  	s6 =	simm.s32 $0x0;
	s20 =	sshll.u32 s4, $0x1;
	s4 =	sadd.s32 s21, s2  }
0x9d: {  	[timem:s6], [sflag:s22] =	dma.local [hbm:s4], s20  }
0x9e: {  	_ =	swait.ge [sflag:s22], s20  }
0x9f: {  	s3 =	ssub.s32 $0x0, s20;
	[sflag:s22] =	ssyncset.done $0x0  }
0xa0: {  	[sflag:s22] =	ssyncadd.s32 s3;
	_ =	sdelay $0x1  }
0xa1: {  	s23 =	simm.s32 $0x1B8B  }
0xa2: {  	_ =	swait.ge [sflag:s23], $0x1  }
0xa3: {  	[sflag:s23] =	ssyncset.done $0x0  }
0xa4: {  	s25 =	simm.s32 $0x1B8E;
	s24 =	sld [smem:$0x3FFE];
	[sflag:s23] =	ssyncadd.s32 $0xFFFFFFFF  }
0xa5: {  	s26 =	simm.s32 $execute0_lowered;
	[smem:$0x3FD2] =	sst s25  }
0xa6: {  	s4 =	sshll.u32 s26, $0x1;
	_ =	strace $0x8000004C;
	[dreg:$0x1] =	wrdreg $0xFFFFFFFF  }
0xa7: {  	s28 =	simm.s32 $_size_execute0_lowered;
	s2 =	sadd.s32 s2, s4;
	[dreg:$0x0] =	wrdreg $0x0  }
0xa8: {  	s4 =	sshll.u32 s28, $0x1;
	[dreg:$0x2] =	wrdreg s2  }
0xa9: {  	[dreg:$0x3] =	wrdreg s4  }
0xaa: {  	[dreg:$0x4] =	wrdreg $0xC0  }
0xab: {  	_ =	task [dreg:s6], $0x5FFFF  }
0xac: {  	[dreg:$0x1] =	wrdreg $0xFFFFFFFF  }
0xad: {  	[dreg:$0x0] =	wrdreg $0x60  }
0xae: {  	[dreg:$0x2] =	wrdreg s24  }
0xaf: {  	[dreg:$0x3] =	wrdreg $0x6C000  }
0xb0: {  	[dreg:$0x4] =	wrdreg $0x9  }
0xb1: {  	_ =	task.clear_ibuf [dreg:s6], $0x5FFFF;
	_ =	strace $0x9000004C  }
0xb2: {  	s29 =	simm.s32 $0x9;
	_ =	strace $0x8000004E  }
0xb3: {  	_ =	swait.ge [sflag:s29], $0x1  }
0xb4: {  	[sflag:s29] =	ssyncadd.s32 $0xFFFFFFFF  }
0xb5: {  	_ =	strace $0x9000004E  }
0xb6: {  	_ =	sfence  }
0xb7: {  	s30 =	sld [smem:$0x0];
	_ =	sdelay $0x2  }
0xb8: {  	s31 =	sshll.u32 s1, $0xD;
	s1 =	sshrl.u32 s1, $0x2  }
0xb9: {  	s3 =	sand.u32 $0x4000, s31;
	s1 =	sadd.s32 s1, s30  }
0xba: {  	s0 =	sor.u32 s3, s0;
	s1 =	sshll.u32 s1, $0x11  }
0xbb: {  	s0 =	sor.u32 s1, s0  }
0xbc: {  	s0 =	sadd.s32 $0x8F2B, s0  }
0xbd: {  	[sflag:s0] =	ssyncadd.remote.s32 $0x1  }
0xbe: {  	_ =	sfence.sel $0xFFFF  }
0xbf: {  	[dreg:$0x0] =	wrdreg $0xFFFFFFFF;
	(pc) =	sbr.abs _section_cstart, $3  }
0xc0: {  	[dreg:$0x1] =	wrdreg $0xFFFFFFFF  }
0xc1: {  	_ =	task.clear_ibuf [dreg:s6], $0x2FFFF;
	_ =	strace $0x9FFFFFFF  }
0xc2: {  	(tm) =	ssettm $0x7FFFFFFF  }
0xc3: {  	_ =	shalt  }
tec
execute0_lowered:
.L_overlay_start_1:
0x0: {  	(tag) =	ssettag $0x1  }
0x1: {  	s0 =	rddreg [dreg:$0x0]  }
0x2: {  	s2 =	rddreg [dreg:$0x1]  }
0x3: {  	s1 =	srdreg.scid;
	s11 =	stileid.u32  }
0x4: {  	s3 =	simm.s32 $0x0;
	s12 =	simm.s32 $0x80;
	s13 =	simm.s32 $0xC00  }
0x5: {  	s15 =	simm.s32 $0x1400;
	s17 =	simm.s32 $0x1C00;
	s19 =	simm.s32 $0x2400  }
0x6: {  	s21 =	simm.s32 $0x2C00;
	s28 =	simm.s32 $0x4400;
	s30 =	simm.s32 $0x4C00  }
0x7: {  	s16 =	simm.s32 $0x0;
	s1 =	sand.u32 $0x1, s1;
	s5 =	smul.u32 $0x3100, s11  }
0x8: {  	[smem:$0x7FF] =	sst s3;
	s4 =	sadd.s32 $0xC8600, s0;
	s22 =	smul.u32 $0x18800, s11  }
0x9: {  	s7 =	sadd.s32 $0x2600, s0;
	s10 =	smul.u32 $0x318, s11;
	s25 =	sshll.u32 s11, $0x6  }
0xa: {  	s6 =	smul.u32 $0x31000, s1;
	_ =	strace $0x8000004D;
	s23 =	ssub.s32 $0x2, s1  }
0xb: {  	s8 =	smul.u32 $0x3180, s1;
	s1 =	sshll.u32 s1, $0x4;
	s9 =	sshrl.u32 s23, $0x1  }
0xc: {  	s24 =	sadd.s32 s22, s2;
	s1 =	sor.u32 s11, s1;
	s11 =	simm.s32 $0x4  }
0xd: {  	s5 =	sadd.s32 s5, s6;
	s6 =	sshrl.u32 s22, $0x3;
	s1 =	smul.u32 $0x6300, s1  }
0xe: {  	s8 =	sadd.s32 s10, s8;
	s10 =	sor.u32 $0x1C04, s25;
	s14 =	sshrl.u32 s24, $0x3  }
0xf: {  	s25 =	simm.s32 $0x3C00;
	s0 =	sadd.s32 s5, s0;
	s5 =	ssub.s32 s23, s9  }
0x10: {  	s6 =	sadd.s32 s4, s6;
	s8 =	sshll.u32 s8, $0x5;
	[dreg:$0x5] =	wrdreg s10  }
0x11: {  	s23 =	simm.s32 $0x3400;
	s9 =	simm.s32 $0x1;
	[dreg:$0x9] =	wrdreg s14  }
0x12: {  	[dreg:$0x4] =	wrdreg s6;
	s1 =	sadd.s32 s7, s1;
	s26 =	sadd.s32 s7, s8  }
0x13: {  	s0 =	sadd.s32 $0xF9600, s0;
	s29 =	smax.u32 s5, $0x1;
	[dreg:$0x6] =	wrdreg s1  }
0x14: {  	s5 =	simm.s32 $0x5C00;
	s8 =	simm.s32 $0x6400;
	[dreg:$0x7] =	wrdreg s0  }
0x15: {  	s7 =	simm.s32 $0x3;
	[dreg:$0x8] =	wrdreg s29;
	s31 =	sadd.s32 $0x180, s26  }
0x16: {  	s0 =	simm.s32 $0x5400;
	s1 =	simm.s32 $0x2;
	[dreg:$0x3] =	wrdreg s31  }
.LBB2_1:
0x17: {  	[dreg:$0xa] =	wrdreg s16  }
0x18: {  	s6 =	rddreg [dreg:$0x4]  }
0x19: {  	[spmem:s14], [sflag:s10] =	dma.local [hbm:s6], $0x3100  }
0x1a: {  	_ =	swait.ge [sflag:s11], $0x3100  }
0x1b: {  	[sflag:s11] =	ssyncset.done $0x0  }
0x1c: {  	[sflag:s11] =	ssyncadd.s32 $0xFFFFCF00  }
0x1d: {  	[bflag:$0x0] =	sbarrier.arrive $0xFFFF  }
0x1e: {  	s16 =	rddreg [dreg:$0x6]  }
0x1f: {  	[tilespmem:s3], [sflag:$0x4] =	stream.linear.gather [hbm4b:s16+s3], $0xC00, $0x38;
	[tilespmem:$0x1F400] =	vst v63  }
0x20: {  	_ =	swait.ge [sflag:s11], $0xC00  }
0x21: {  	[sflag:s11] =	ssyncset.done $0x0  }
0x22: {  	[sflag:s11] =	ssyncadd.s32 $0xFFFFF400  }
0x23: {  	[tilespmem:s13], [sflag:$0x1] =	stream.indirect.gather [hbm4b:s4+s12], $0x10, s3, s12, $0xb8;
	[tilespmem:$0x1F400] =	vst v63  }
0x24: {  	s10 =	simm.s32 $0x100  }
0x25: {  	[tilespmem:s15], [sflag:$0x1] =	stream.indirect.gather [hbm4b:s4+s12], $0x10, s10, s12, $0xb8;
	[tilespmem:$0x1F400] =	vst v63  }
0x26: {  	s14 =	simm.s32 $0x200  }
0x27: {  	[tilespmem:s17], [sflag:$0x1] =	stream.indirect.gather [hbm4b:s4+s12], $0x10, s14, s12, $0xb8;
	[tilespmem:$0x1F400] =	vst v63  }
0x28: {  	s16 =	simm.s32 $0x300  }
0x29: {  	[tilespmem:s19], [sflag:$0x1] =	stream.indirect.gather [hbm4b:s4+s12], $0x10, s16, s12, $0xb8;
	[tilespmem:$0x1F400] =	vst v63  }
0x2a: {  	s18 =	simm.s32 $0x400  }
0x2b: {  	[tilespmem:s21], [sflag:$0x1] =	stream.indirect.gather [hbm4b:s4+s12], $0x10, s18, s12, $0xb8;
	[tilespmem:$0x1F400] =	vst v63  }
0x2c: {  	s20 =	simm.s32 $0x500  }
0x2d: {  	[tilespmem:s23], [sflag:$0x1] =	stream.indirect.gather [hbm4b:s4+s12], $0x10, s20, s12, $0xb8;
	[tilespmem:$0x1F400] =	vst v63  }
0x2e: {  	s22 =	simm.s32 $0x600  }
0x2f: {  	[tilespmem:s25], [sflag:$0x1] =	stream.indirect.gather [hbm4b:s4+s12], $0x10, s22, s12, $0xb8;
	[tilespmem:$0x1F400] =	vst v63  }
0x30: {  	s24 =	simm.s32 $0x700  }
0x31: {  	[tilespmem:s28], [sflag:$0x1] =	stream.indirect.gather [hbm4b:s4+s12], $0x10, s24, s12, $0xb8;
	[tilespmem:$0x1F400] =	vst v63  }
0x32: {  	s26 =	simm.s32 $0x800  }
0x33: {  	[tilespmem:s30], [sflag:$0x1] =	stream.indirect.gather [hbm4b:s4+s12], $0x10, s26, s12, $0xb8;
	[tilespmem:$0x1F400] =	vst v63  }
0x34: {  	s29 =	simm.s32 $0x900  }
0x35: {  	[tilespmem:s0], [sflag:$0x1] =	stream.indirect.gather [hbm4b:s4+s12], $0x10, s29, s12, $0xb8;
	[tilespmem:$0x1F400] =	vst v63  }
0x36: {  	s31 =	simm.s32 $0xA00  }
0x37: {  	[tilespmem:s5], [sflag:$0x1] =	stream.indirect.gather [hbm4b:s4+s12], $0x10, s31, s12, $0xb8;
	[tilespmem:$0x1F400] =	vst v63  }
0x38: {  	s6 =	simm.s32 $0xB00  }
0x39: {  	[tilespmem:s8], [sflag:$0x1] =	stream.indirect.gather [hbm4b:s4+s12], $0x10, s6, s12, $0xb8;
	[tilespmem:$0x1F400] =	vst v63  }
0x3a: {  	_ =	swait.ge [sflag:s9], $0x800  }
0x3b: {  	[sflag:s9] =	ssyncset.done $0x0  }
0x3c: {  	[sflag:s9] =	ssyncadd.s32 $0xFFFFF800  }
0x3d: {  	[spmem:s2] =	stream.indirect.scatter.add.f32 [tilespmem:s13], [sflag:$0x2], $0x10, s12, s12, $0xb8;
	[tilespmem:$0x1F400] =	vst v63  }
0x3e: {  	_ =	swait.ge [sflag:s9], $0x800  }
0x3f: {  	[sflag:s9] =	ssyncset.done $0x0  }
0x40: {  	s6 =	simm.s32 $0x180;
	[sflag:s9] =	ssyncadd.s32 $0xFFFFF800  }
0x41: {  	[spmem:s2] =	stream.indirect.scatter.add.f32 [tilespmem:s15], [sflag:$0x2], $0x10, s6, s12, $0xb8;
	[tilespmem:$0x1F400] =	vst v63  }
0x42: {  	_ =	swait.ge [sflag:s9], $0x800  }
0x43: {  	[sflag:s9] =	ssyncset.done $0x0  }
0x44: {  	s6 =	simm.s32 $0x280;
	[sflag:s9] =	ssyncadd.s32 $0xFFFFF800  }
0x45: {  	[spmem:s2] =	stream.indirect.scatter.add.f32 [tilespmem:s17], [sflag:$0x2], $0x10, s6, s12, $0xb8;
	[tilespmem:$0x1F400] =	vst v63  }
0x46: {  	_ =	swait.ge [sflag:s9], $0x800  }
0x47: {  	[sflag:s9] =	ssyncset.done $0x0  }
0x48: {  	s6 =	simm.s32 $0x380;
	[sflag:s9] =	ssyncadd.s32 $0xFFFFF800  }
0x49: {  	[spmem:s2] =	stream.indirect.scatter.add.f32 [tilespmem:s19], [sflag:$0x2], $0x10, s6, s12, $0xb8;
	[tilespmem:$0x1F400] =	vst v63  }
0x4a: {  	_ =	swait.ge [sflag:s9], $0x800  }
0x4b: {  	[sflag:s9] =	ssyncset.done $0x0  }
0x4c: {  	s6 =	simm.s32 $0x480;
	[sflag:s9] =	ssyncadd.s32 $0xFFFFF800  }
0x4d: {  	[spmem:s2] =	stream.indirect.scatter.add.f32 [tilespmem:s21], [sflag:$0x2], $0x10, s6, s12, $0xb8;
	[tilespmem:$0x1F400] =	vst v63  }
0x4e: {  	_ =	swait.ge [sflag:s9], $0x800  }
0x4f: {  	[sflag:s9] =	ssyncset.done $0x0  }
0x50: {  	s6 =	simm.s32 $0x580;
	[sflag:s9] =	ssyncadd.s32 $0xFFFFF800  }
0x51: {  	[spmem:s2] =	stream.indirect.scatter.add.f32 [tilespmem:s23], [sflag:$0x2], $0x10, s6, s12, $0xb8;
	[tilespmem:$0x1F400] =	vst v63  }
0x52: {  	_ =	swait.ge [sflag:s9], $0x800  }
0x53: {  	[sflag:s9] =	ssyncset.done $0x0  }
0x54: {  	s6 =	simm.s32 $0x680;
	[sflag:s9] =	ssyncadd.s32 $0xFFFFF800  }
0x55: {  	[spmem:s2] =	stream.indirect.scatter.add.f32 [tilespmem:s25], [sflag:$0x3], $0x10, s6, s12, $0xb8;
	[tilespmem:$0x1F400] =	vst v63  }
0x56: {  	_ =	swait.ge [sflag:s9], $0x800  }
0x57: {  	[sflag:s9] =	ssyncset.done $0x0  }
0x58: {  	s6 =	simm.s32 $0x780;
	[sflag:s9] =	ssyncadd.s32 $0xFFFFF800  }
0x59: {  	[spmem:s2] =	stream.indirect.scatter.add.f32 [tilespmem:s28], [sflag:$0x3], $0x10, s6, s12, $0xb8;
	[tilespmem:$0x1F400] =	vst v63  }
0x5a: {  	_ =	swait.ge [sflag:s9], $0x800  }
0x5b: {  	[sflag:s9] =	ssyncset.done $0x0  }
0x5c: {  	s6 =	simm.s32 $0x880;
	[sflag:s9] =	ssyncadd.s32 $0xFFFFF800  }
0x5d: {  	[spmem:s2] =	stream.indirect.scatter.add.f32 [tilespmem:s30], [sflag:$0x3], $0x10, s6, s12, $0xb8;
	[tilespmem:$0x1F400] =	vst v63  }
0x5e: {  	_ =	swait.ge [sflag:s9], $0x800  }
0x5f: {  	[sflag:s9] =	ssyncset.done $0x0  }
0x60: {  	s6 =	simm.s32 $0x980;
	[sflag:s9] =	ssyncadd.s32 $0xFFFFF800  }
0x61: {  	[spmem:s2] =	stream.indirect.scatter.add.f32 [tilespmem:s0], [sflag:$0x3], $0x10, s6, s12, $0xb8;
	[tilespmem:$0x1F400] =	vst v63  }
0x62: {  	_ =	swait.ge [sflag:s9], $0x800  }
0x63: {  	[sflag:s9] =	ssyncset.done $0x0  }
0x64: {  	s6 =	simm.s32 $0xA80;
	[sflag:s9] =	ssyncadd.s32 $0xFFFFF800  }
0x65: {  	[spmem:s2] =	stream.indirect.scatter.add.f32 [tilespmem:s5], [sflag:$0x3], $0x10, s6, s12, $0xb8;
	[tilespmem:$0x1F400] =	vst v63  }
0x66: {  	_ =	swait.ge [sflag:s9], $0x800  }
0x67: {  	[sflag:s9] =	ssyncset.done $0x0  }
0x68: {  	s6 =	simm.s32 $0xB80;
	[sflag:s9] =	ssyncadd.s32 $0xFFFFF800  }
0x69: {  	[spmem:s2] =	stream.indirect.scatter.add.f32 [tilespmem:s8], [sflag:$0x3], $0x10, s6, s12, $0xb8;
	[tilespmem:$0x1F400] =	vst v63  }
0x6a: {  	_ =	swait.ge [sflag:s1], $0x3000  }
0x6b: {  	[sflag:s1] =	ssyncset.done $0x0  }
0x6c: {  	[sflag:s1] =	ssyncadd.s32 $0xFFFFD000  }
0x6d: {  	_ =	swait.ge [sflag:s7], $0x3000  }
0x6e: {  	s6 =	rddreg [dreg:$0x3];
	[sflag:s7] =	ssyncset.done $0x0  }
0x6f: {  	[sflag:s7] =	ssyncadd.s32 $0xFFFFD000;
	s6 =	sadd.s32 $0x0, s6  }
0x70: {  	[tilespmem:s3], [sflag:$0x4] =	stream.linear.gather [hbm4b:s6+s3], $0xC00, $0x38;
	[tilespmem:$0x1F400] =	vst v63  }
0x71: {  	_ =	swait.ge [sflag:s11], $0xC00  }
0x72: {  	[sflag:s11] =	ssyncset.done $0x0  }
0x73: {  	[sflag:s11] =	ssyncadd.s32 $0xFFFFF400  }
0x74: {  	[tilespmem:s13], [sflag:$0x1] =	stream.indirect.gather [hbm4b:s4+s12], $0x10, s3, s12, $0xb8;
	[tilespmem:$0x1F400] =	vst v63  }
0x75: {  	_ = 	snop  }
0x76: {  	[tilespmem:s15], [sflag:$0x1] =	stream.indirect.gather [hbm4b:s4+s12], $0x10, s10, s12, $0xb8;
	[tilespmem:$0x1F400] =	vst v63  }
0x77: {  	_ = 	snop  }
0x78: {  	[tilespmem:s17], [sflag:$0x1] =	stream.indirect.gather [hbm4b:s4+s12], $0x10, s14, s12, $0xb8;
	[tilespmem:$0x1F400] =	vst v63  }
0x79: {  	_ = 	snop  }
0x7a: {  	[tilespmem:s19], [sflag:$0x1] =	stream.indirect.gather [hbm4b:s4+s12], $0x10, s16, s12, $0xb8;
	[tilespmem:$0x1F400] =	vst v63  }
0x7b: {  	_ = 	snop  }
0x7c: {  	[tilespmem:s21], [sflag:$0x1] =	stream.indirect.gather [hbm4b:s4+s12], $0x10, s18, s12, $0xb8;
	[tilespmem:$0x1F400] =	vst v63  }
0x7d: {  	_ = 	snop  }
0x7e: {  	[tilespmem:s23], [sflag:$0x1] =	stream.indirect.gather [hbm4b:s4+s12], $0x10, s20, s12, $0xb8;
	[tilespmem:$0x1F400] =	vst v63  }
0x7f: {  	_ = 	snop  }
0x80: {  	[tilespmem:s25], [sflag:$0x1] =	stream.indirect.gather [hbm4b:s4+s12], $0x10, s22, s12, $0xb8;
	[tilespmem:$0x1F400] =	vst v63  }
0x81: {  	_ = 	snop  }
0x82: {  	[tilespmem:s28], [sflag:$0x1] =	stream.indirect.gather [hbm4b:s4+s12], $0x10, s24, s12, $0xb8;
	[tilespmem:$0x1F400] =	vst v63  }
0x83: {  	_ = 	snop  }
0x84: {  	[tilespmem:s30], [sflag:$0x1] =	stream.indirect.gather [hbm4b:s4+s12], $0x10, s26, s12, $0xb8;
	[tilespmem:$0x1F400] =	vst v63  }
0x85: {  	_ = 	snop  }
0x86: {  	[tilespmem:s0], [sflag:$0x1] =	stream.indirect.gather [hbm4b:s4+s12], $0x10, s29, s12, $0xb8;
	[tilespmem:$0x1F400] =	vst v63  }
0x87: {  	_ = 	snop  }
0x88: {  	[tilespmem:s5], [sflag:$0x1] =	stream.indirect.gather [hbm4b:s4+s12], $0x10, s31, s12, $0xb8;
	[tilespmem:$0x1F400] =	vst v63  }
0x89: {  	s18 =	simm.s32 $0xB00  }
0x8a: {  	[tilespmem:s8], [sflag:$0x1] =	stream.indirect.gather [hbm4b:s4+s12], $0x10, s18, s12, $0xb8;
	[tilespmem:$0x1F400] =	vst v63  }
0x8b: {  	_ =	swait.ge [sflag:s9], $0x800  }
0x8c: {  	[sflag:s9] =	ssyncset.done $0x0  }
0x8d: {  	[sflag:s9] =	ssyncadd.s32 $0xFFFFF800  }
0x8e: {  	[spmem:s2] =	stream.indirect.scatter.add.f32 [tilespmem:s13], [sflag:$0x2], $0x10, s12, s12, $0xb8;
	[tilespmem:$0x1F400] =	vst v63  }
0x8f: {  	_ =	swait.ge [sflag:s9], $0x800  }
0x90: {  	[sflag:s9] =	ssyncset.done $0x0  }
0x91: {  	s20 =	simm.s32 $0x180;
	[sflag:s9] =	ssyncadd.s32 $0xFFFFF800  }
0x92: {  	[spmem:s2] =	stream.indirect.scatter.add.f32 [tilespmem:s15], [sflag:$0x2], $0x10, s20, s12, $0xb8;
	[tilespmem:$0x1F400] =	vst v63  }
0x93: {  	_ =	swait.ge [sflag:s9], $0x800  }
0x94: {  	[sflag:s9] =	ssyncset.done $0x0  }
0x95: {  	s22 =	simm.s32 $0x280;
	[sflag:s9] =	ssyncadd.s32 $0xFFFFF800  }
0x96: {  	[spmem:s2] =	stream.indirect.scatter.add.f32 [tilespmem:s17], [sflag:$0x2], $0x10, s22, s12, $0xb8;
	[tilespmem:$0x1F400] =	vst v63  }
0x97: {  	_ =	swait.ge [sflag:s9], $0x800  }
0x98: {  	[sflag:s9] =	ssyncset.done $0x0  }
0x99: {  	s24 =	simm.s32 $0x380;
	[sflag:s9] =	ssyncadd.s32 $0xFFFFF800  }
0x9a: {  	[spmem:s2] =	stream.indirect.scatter.add.f32 [tilespmem:s19], [sflag:$0x2], $0x10, s24, s12, $0xb8;
	[tilespmem:$0x1F400] =	vst v63  }
0x9b: {  	_ =	swait.ge [sflag:s9], $0x800  }
0x9c: {  	[sflag:s9] =	ssyncset.done $0x0  }
0x9d: {  	s26 =	simm.s32 $0x480;
	[sflag:s9] =	ssyncadd.s32 $0xFFFFF800  }
0x9e: {  	[spmem:s2] =	stream.indirect.scatter.add.f32 [tilespmem:s21], [sflag:$0x2], $0x10, s26, s12, $0xb8;
	[tilespmem:$0x1F400] =	vst v63  }
0x9f: {  	_ =	swait.ge [sflag:s9], $0x800  }
0xa0: {  	[sflag:s9] =	ssyncset.done $0x0  }
0xa1: {  	s10 =	simm.s32 $0x580;
	[sflag:s9] =	ssyncadd.s32 $0xFFFFF800  }
0xa2: {  	[spmem:s2] =	stream.indirect.scatter.add.f32 [tilespmem:s23], [sflag:$0x2], $0x10, s10, s12, $0xb8;
	[tilespmem:$0x1F400] =	vst v63  }
0xa3: {  	_ =	swait.ge [sflag:s9], $0x800  }
0xa4: {  	[sflag:s9] =	ssyncset.done $0x0  }
0xa5: {  	s14 =	simm.s32 $0x680;
	[sflag:s9] =	ssyncadd.s32 $0xFFFFF800  }
0xa6: {  	[spmem:s2] =	stream.indirect.scatter.add.f32 [tilespmem:s25], [sflag:$0x3], $0x10, s14, s12, $0xb8;
	[tilespmem:$0x1F400] =	vst v63  }
0xa7: {  	_ =	swait.ge [sflag:s9], $0x800  }
0xa8: {  	[sflag:s9] =	ssyncset.done $0x0  }
0xa9: {  	s16 =	simm.s32 $0x780;
	[sflag:s9] =	ssyncadd.s32 $0xFFFFF800  }
0xaa: {  	[spmem:s2] =	stream.indirect.scatter.add.f32 [tilespmem:s28], [sflag:$0x3], $0x10, s16, s12, $0xb8;
	[tilespmem:$0x1F400] =	vst v63  }
0xab: {  	_ =	swait.ge [sflag:s9], $0x800  }
0xac: {  	[sflag:s9] =	ssyncset.done $0x0  }
0xad: {  	s18 =	simm.s32 $0x880;
	[sflag:s9] =	ssyncadd.s32 $0xFFFFF800  }
0xae: {  	[spmem:s2] =	stream.indirect.scatter.add.f32 [tilespmem:s30], [sflag:$0x3], $0x10, s18, s12, $0xb8;
	[tilespmem:$0x1F400] =	vst v63  }
0xaf: {  	_ =	swait.ge [sflag:s9], $0x800  }
0xb0: {  	[sflag:s9] =	ssyncset.done $0x0  }
0xb1: {  	s10 =	simm.s32 $0x980;
	[sflag:s9] =	ssyncadd.s32 $0xFFFFF800  }
0xb2: {  	[spmem:s2] =	stream.indirect.scatter.add.f32 [tilespmem:s0], [sflag:$0x3], $0x10, s10, s12, $0xb8;
	[tilespmem:$0x1F400] =	vst v63  }
0xb3: {  	_ =	swait.ge [sflag:s9], $0x800  }
0xb4: {  	s6 =	simm.s32 $0x180;
	s29 =	simm.s32 $0x780;
	[sflag:s9] =	ssyncset.done $0x0  }
0xb5: {  	s31 =	simm.s32 $0x880;
	s14 =	simm.s32 $0xA80;
	[sflag:s9] =	ssyncadd.s32 $0xFFFFF800  }
0xb6: {  	[spmem:s2] =	stream.indirect.scatter.add.f32 [tilespmem:s5], [sflag:$0x3], $0x10, s14, s12, $0xb8;
	[tilespmem:$0x1F400] =	vst v63  }
0xb7: {  	s20 =	simm.s32 $0x380;
	s22 =	simm.s32 $0x480;
	_ =	swait.ge [sflag:s9], $0x800  }
0xb8: {  	s24 =	simm.s32 $0x580;
	s26 =	simm.s32 $0x680;
	[sflag:s9] =	ssyncset.done $0x0  }
0xb9: {  	s16 =	simm.s32 $0x980;
	s18 =	simm.s32 $0xA80;
	[sflag:s9] =	ssyncadd.s32 $0xFFFFF800  }
.LBB2_2:
0xba: {  	s10 =	simm.s32 $0xB80  }
0xbb: {  	[spmem:s2] =	stream.indirect.scatter.add.f32 [tilespmem:s8], [sflag:$0x3], $0x10, s10, s12, $0xb8;
	[tilespmem:$0x1F400] =	vst v63  }
0xbc: {  	_ =	swait.ge [sflag:s1], $0x3000  }
0xbd: {  	[sflag:s1] =	ssyncset.done $0x0  }
0xbe: {  	[sflag:s1] =	ssyncadd.s32 $0xFFFFD000  }
0xbf: {  	_ =	swait.ge [sflag:s7], $0x3000  }
0xc0: {  	s10 =	smov.u32 s6;
	s14 =	rddreg [dreg:$0x3];
	[sflag:s7] =	ssyncset.done $0x0  }
0xc1: {  	[sflag:s7] =	ssyncadd.s32 $0xFFFFD000;
	s10 =	sadd.s32 s10, s14  }
0xc2: {  	[tilespmem:s3], [sflag:$0x4] =	stream.linear.gather [hbm4b:s10+s3], $0xC00, $0x38;
	[tilespmem:$0x1F400] =	vst v63  }
0xc3: {  	_ =	swait.ge [sflag:s11], $0xC00  }
0xc4: {  	[sflag:s11] =	ssyncset.done $0x0  }
0xc5: {  	[sflag:s11] =	ssyncadd.s32 $0xFFFFF400  }
0xc6: {  	[tilespmem:s13], [sflag:$0x1] =	stream.indirect.gather [hbm4b:s4+s12], $0x10, s3, s12, $0xb8;
	[tilespmem:$0x1F400] =	vst v63  }
0xc7: {  	s14 =	simm.s32 $0x100  }
0xc8: {  	[tilespmem:s15], [sflag:$0x1] =	stream.indirect.gather [hbm4b:s4+s12], $0x10, s14, s12, $0xb8;
	[tilespmem:$0x1F400] =	vst v63  }
0xc9: {  	s14 =	simm.s32 $0x200  }
0xca: {  	[tilespmem:s17], [sflag:$0x1] =	stream.indirect.gather [hbm4b:s4+s12], $0x10, s14, s12, $0xb8;
	[tilespmem:$0x1F400] =	vst v63  }
0xcb: {  	s14 =	simm.s32 $0x300  }
0xcc: {  	[tilespmem:s19], [sflag:$0x1] =	stream.indirect.gather [hbm4b:s4+s12], $0x10, s14, s12, $0xb8;
	[tilespmem:$0x1F400] =	vst v63  }
0xcd: {  	s14 =	simm.s32 $0x400  }
0xce: {  	[tilespmem:s21], [sflag:$0x1] =	stream.indirect.gather [hbm4b:s4+s12], $0x10, s14, s12, $0xb8;
	[tilespmem:$0x1F400] =	vst v63  }
0xcf: {  	s14 =	simm.s32 $0x500  }
0xd0: {  	[tilespmem:s23], [sflag:$0x1] =	stream.indirect.gather [hbm4b:s4+s12], $0x10, s14, s12, $0xb8;
	[tilespmem:$0x1F400] =	vst v63  }
0xd1: {  	s14 =	simm.s32 $0x600  }
0xd2: {  	[tilespmem:s25], [sflag:$0x1] =	stream.indirect.gather [hbm4b:s4+s12], $0x10, s14, s12, $0xb8;
	[tilespmem:$0x1F400] =	vst v63  }
0xd3: {  	s14 =	simm.s32 $0x700  }
0xd4: {  	[tilespmem:s28], [sflag:$0x1] =	stream.indirect.gather [hbm4b:s4+s12], $0x10, s14, s12, $0xb8;
	[tilespmem:$0x1F400] =	vst v63  }
0xd5: {  	s14 =	simm.s32 $0x800  }
0xd6: {  	[tilespmem:s30], [sflag:$0x1] =	stream.indirect.gather [hbm4b:s4+s12], $0x10, s14, s12, $0xb8;
	[tilespmem:$0x1F400] =	vst v63  }
0xd7: {  	s14 =	simm.s32 $0x900  }
0xd8: {  	[tilespmem:s0], [sflag:$0x1] =	stream.indirect.gather [hbm4b:s4+s12], $0x10, s14, s12, $0xb8;
	[tilespmem:$0x1F400] =	vst v63  }
0xd9: {  	s14 =	simm.s32 $0xA00  }
0xda: {  	[tilespmem:s5], [sflag:$0x1] =	stream.indirect.gather [hbm4b:s4+s12], $0x10, s14, s12, $0xb8;
	[tilespmem:$0x1F400] =	vst v63  }
0xdb: {  	s14 =	simm.s32 $0xB00  }
0xdc: {  	[tilespmem:s8], [sflag:$0x1] =	stream.indirect.gather [hbm4b:s4+s12], $0x10, s14, s12, $0xb8;
	[tilespmem:$0x1F400] =	vst v63  }
0xdd: {  	_ =	swait.ge [sflag:s9], $0x800  }
0xde: {  	[sflag:s9] =	ssyncset.done $0x0  }
0xdf: {  	[sflag:s9] =	ssyncadd.s32 $0xFFFFF800  }
0xe0: {  	[spmem:s2] =	stream.indirect.scatter.add.f32 [tilespmem:s13], [sflag:$0x2], $0x10, s12, s12, $0xb8;
	[tilespmem:$0x1F400] =	vst v63  }
0xe1: {  	_ =	swait.ge [sflag:s9], $0x800  }
0xe2: {  	[sflag:s9] =	ssyncset.done $0x0  }
0xe3: {  	s14 =	simm.s32 $0x180;
	[sflag:s9] =	ssyncadd.s32 $0xFFFFF800  }
0xe4: {  	[spmem:s2] =	stream.indirect.scatter.add.f32 [tilespmem:s15], [sflag:$0x2], $0x10, s14, s12, $0xb8;
	[tilespmem:$0x1F400] =	vst v63  }
0xe5: {  	_ =	swait.ge [sflag:s9], $0x800  }
0xe6: {  	[sflag:s9] =	ssyncset.done $0x0  }
0xe7: {  	s14 =	simm.s32 $0x280;
	[sflag:s9] =	ssyncadd.s32 $0xFFFFF800  }
0xe8: {  	[spmem:s2] =	stream.indirect.scatter.add.f32 [tilespmem:s17], [sflag:$0x2], $0x10, s14, s12, $0xb8;
	[tilespmem:$0x1F400] =	vst v63  }
0xe9: {  	_ =	swait.ge [sflag:s9], $0x800  }
0xea: {  	[sflag:s9] =	ssyncset.done $0x0  }
0xeb: {  	[sflag:s9] =	ssyncadd.s32 $0xFFFFF800  }
0xec: {  	[spmem:s2] =	stream.indirect.scatter.add.f32 [tilespmem:s19], [sflag:$0x2], $0x10, s20, s12, $0xb8;
	[tilespmem:$0x1F400] =	vst v63  }
0xed: {  	_ =	swait.ge [sflag:s9], $0x800  }
0xee: {  	[sflag:s9] =	ssyncset.done $0x0  }
0xef: {  	[sflag:s9] =	ssyncadd.s32 $0xFFFFF800  }
0xf0: {  	[spmem:s2] =	stream.indirect.scatter.add.f32 [tilespmem:s21], [sflag:$0x2], $0x10, s22, s12, $0xb8;
	[tilespmem:$0x1F400] =	vst v63  }
0xf1: {  	_ =	swait.ge [sflag:s9], $0x800  }
0xf2: {  	[sflag:s9] =	ssyncset.done $0x0  }
0xf3: {  	[sflag:s9] =	ssyncadd.s32 $0xFFFFF800  }
0xf4: {  	[spmem:s2] =	stream.indirect.scatter.add.f32 [tilespmem:s23], [sflag:$0x2], $0x10, s24, s12, $0xb8;
	[tilespmem:$0x1F400] =	vst v63  }
0xf5: {  	_ =	swait.ge [sflag:s9], $0x800  }
0xf6: {  	[sflag:s9] =	ssyncset.done $0x0  }
0xf7: {  	[sflag:s9] =	ssyncadd.s32 $0xFFFFF800  }
0xf8: {  	[spmem:s2] =	stream.indirect.scatter.add.f32 [tilespmem:s25], [sflag:$0x3], $0x10, s26, s12, $0xb8;
	[tilespmem:$0x1F400] =	vst v63  }
0xf9: {  	_ =	swait.ge [sflag:s9], $0x800  }
0xfa: {  	[sflag:s9] =	ssyncset.done $0x0  }
0xfb: {  	[sflag:s9] =	ssyncadd.s32 $0xFFFFF800  }
0xfc: {  	[spmem:s2] =	stream.indirect.scatter.add.f32 [tilespmem:s28], [sflag:$0x3], $0x10, s29, s12, $0xb8;
	[tilespmem:$0x1F400] =	vst v63  }
0xfd: {  	_ =	swait.ge [sflag:s9], $0x800  }
0xfe: {  	[sflag:s9] =	ssyncset.done $0x0  }
0xff: {  	[sflag:s9] =	ssyncadd.s32 $0xFFFFF800  }
0x100: {  	[spmem:s2] =	stream.indirect.scatter.add.f32 [tilespmem:s30], [sflag:$0x3], $0x10, s31, s12, $0xb8;
	[tilespmem:$0x1F400] =	vst v63  }
0x101: {  	_ =	swait.ge [sflag:s9], $0x800  }
0x102: {  	[sflag:s9] =	ssyncset.done $0x0  }
0x103: {  	[sflag:s9] =	ssyncadd.s32 $0xFFFFF800  }
0x104: {  	[spmem:s2] =	stream.indirect.scatter.add.f32 [tilespmem:s0], [sflag:$0x3], $0x10, s16, s12, $0xb8;
	[tilespmem:$0x1F400] =	vst v63  }
0x105: {  	_ =	swait.ge [sflag:s9], $0x800  }
0x106: {  	p0 =	sne.s32 s6, $0x6000;
	[sflag:s9] =	ssyncset.done $0x0  }
.Ltmp0:
0x107: {  	[sflag:s9] =	ssyncadd.s32 $0xFFFFF800;
	(pc) =	sbr.rel @p0 .LBB2_2-.Ltmp0, $4  }
0x108: {  	[spmem:s2] =	stream.indirect.scatter.add.f32 [tilespmem:s5], [sflag:$0x3], $0x10, s18, s12, $0xb8;
	[tilespmem:$0x1F400] =	vst v63  }
0x109: {  	_ =	swait.ge [sflag:s9], $0x800  }
0x10a: {  	[sflag:s9] =	ssyncset.done $0x0  }
0x10b: {  	s6 =	sadd.s32 $0x180, s6;
	[sflag:s9] =	ssyncadd.s32 $0xFFFFF800  }
0x10c: {  	s6 =	simm.s32 $0xB80  }
0x10d: {  	[spmem:s2] =	stream.indirect.scatter.add.f32 [tilespmem:s8], [sflag:$0x3], $0x10, s6, s12, $0xb8;
	[tilespmem:$0x1F400] =	vst v63  }
0x10e: {  	_ =	swait.ge [sflag:s1], $0x3000  }
0x10f: {  	[sflag:s1] =	ssyncset.done $0x0  }
0x110: {  	[sflag:s1] =	ssyncadd.s32 $0xFFFFD000  }
0x111: {  	_ =	swait.ge [sflag:s7], $0x3000  }
0x112: {  	[sflag:s7] =	ssyncset.done $0x0  }
0x113: {  	[sflag:s7] =	ssyncadd.s32 $0xFFFFD000  }
0x114: {  	[bflag:$0x0] =	sbarrier.arrive $0xFFFF  }
0x115: {  	s10 =	rddreg [dreg:$0x5]  }
0x116: {  	s29 =	rddreg [dreg:$0x7]  }
0x117: {  	s14 =	rddreg [dreg:$0x9]  }
0x118: {  	[hbm:s29], [sflag:s10] =	dma.local [spmem:s14], $0x3100  }
0x119: {  	_ =	swait.ge [sflag:s11], $0x3100  }
0x11a: {  	s16 =	rddreg [dreg:$0xa]  }
0x11b: {  	s31 =	rddreg [dreg:$0x8];
	s16 =	sadd.s32 $0x1, s16  }
0x11c: {  	p0 =	sne.s32 s16, s31  }
.Ltmp1:
0x11d: {  	_ = 	snop;
	(pc) =	sbr.rel @p0 .LBB2_1-.Ltmp1, $3  }
0x11e: {  	_ =	sdelay $0x1  }
0x11f: {  	[sflag:s11] =	ssyncset.done $0x0  }
0x120: {  	[sflag:s11] =	ssyncadd.s32 $0xFFFFCF00  }
0x121: {  	_ =	sfence.sel $0x180000  }
0x122: {  	[bflag:$0x0] =	sbarrier.arrive $0xFFFF  }
0x123: {  	_ =	strace $0x9000004D  }
0x124: {  	s0 =	stileid.u32;
	[bflag:$0x2] =	sbarrier.arrive $0xFFFF  }
0x125: {  	p0 =	sne.s32 s0, $0x0;
	s0 =	rddreg [dreg:$0x2]  }
0x126: {  	s0 =	sadd.s32 @!p0 $0x100000, s0  }
0x127: {  	[sflag:s0] =	ssyncadd.tile.s32 @!p0 $0x1;
	_ =	shalt  }
.Lfunc_end2:
_tile_overlayer_lowered:
.L_overlay_start_2:
0x128: {  	(tag) =	ssettag $0x2  }
0x129: {  	s0 =	rddreg [dreg:$0x0];
	s2 =	stileid.u32  }
0x12a: {  	s1 =	rddreg [dreg:$0x1];
	p0 =	sne.s32 s2, $0x0  }
0x12b: {  	s3 =	rddreg [dreg:$0x2];
	[bflag:$0x3] =	sbarrier.arrive $0xFFFF;
	s2 =	simm.s32 @!p0 $0x1C04  }
0x12c: {  	[timem:s3], [sflag:s2] =	dma.local @!p0 [hbm:s0], s1  }
0x12d: {  	s0 =	simm.s32 @!p0 $0x4  }
0x12e: {  	_ =	swait.ge @!p0 [sflag:s0], s1  }
0x12f: {  	s1 =	ssub.s32 @!p0 $0x0, s1;
	[sflag:s0] =	ssyncset.done @!p0 $0x0  }
0x130: {  	[sflag:s0] =	ssyncadd.s32 @!p0 s1  }
0x131: {  	[bflag:$0x3] =	sbarrier.arrive $0xFFFF  }
0x132: {  	_ =	shalt  }

// kernel: kernel.9.cloned.1.call-start
scs
__scs_entry_jumppad:
0x0: {  	(pc) =	sbr.rel $0x88, $3  }
0x1: {  	(tag) =	ssettag $0x0;
	lr =	simm.s32 $0x1  }
0x2: {  	[smem:$0x3F9B] =	sst lr;
	_ =	strace $0xD0000000  }
0x3: {  	_ = 	snop  }
0x4: {  	_ = 	snop  }
0x5: {  	_ = 	snop  }
0x6: {  	_ = 	snop  }
0x7: {  	_ = 	snop  }
__scs_overlays_trampoline_lowered:
0x8: {  	[smem:$0x3FAA] =	sst s0  }
0x9: {  	[smem:$0x3FAB] =	sst s1  }
0xa: {  	[smem:$0x3FAC] =	sst s2  }
0xb: {  	[smem:$0x3FAD] =	sst s3  }
0xc: {  	[smem:$0x3FAE] =	sst s4  }
0xd: {  	[smem:$0x3FAF] =	sst s5  }
0xe: {  	[smem:$0x3FB0] =	sst s6  }
0xf: {  	[smem:$0x3FB1] =	sst s7  }
0x10: {  	[smem:$0x3FB2] =	sst s8  }
0x11: {  	[smem:$0x3FB3] =	sst s9;
	s0 =	simm.s32 @!p0 $0x0  }
0x12: {  	s1 =	sld [smem:$0x3F99];
	s0 =	simm.s32 @p0 $0x1  }
0x13: {  	[smem:$0x3FB4] =	sst s0;
	s0 =	simm.s32 @!p1 $0x0  }
0x14: {  	s2 =	sld [smem:$0x3F98];
	s0 =	simm.s32 @p1 $0x1  }
0x15: {  	[smem:$0x3FB5] =	sst s0;
	s0 =	simm.s32 @!p2 $0x0  }
0x16: {  	s3 =	sld [smem:$0x3FDB];
	s0 =	simm.s32 @p2 $0x1  }
0x17: {  	s4 =	simm.s32 $0x1BF5;
	[smem:$0x3FB7] =	sst s0  }
0x18: {  	s0 =	sld [smem:$0x3F9A];
	_ =	swait.ge [sflag:s4], $0x0  }
0x19: {  	s7 =	sld [smem:$0x3F9B]  }
0x1a: {  	s8 =	sadd.s32 $0xFFFFE003, lr  }
0x1b: {  	s9 =	sadd.s32 $0xFFFFFEF7, lr;
	s5 =	simm.s32 $0xFFFFFFFF;
	p2 =	slt.u32 s8, $0xFFFFF086  }
0x1c: {  	p1 =	slt.u32 s9, $0xF7A;
	s5 =	simm.s32 @!p2 $0x0  }
0x1d: {  	s5 =	simm.s32 @p1 $0x1;
	p0 =	seq.s32 s7, s2  }
0x1e: {  	s7 =	smul.u32 @!p0 $0xF7A, s2;
	p2 =	seq.s32 @!p0 s5, $0x0  }
0x1f: {  	s9 =	smul.u32 $0xF7A, s1;
	s8 =	simm.s32 @!p0 $0x1BF5;
	p2 =	por !p2, p0  }
0x20: {  	[sflag:s8] =	ssyncset.s32 @!p0 $0xFFFFF086;
	s6 =	sadd.s32 @!p0 s3, s7;
	s7 =	simm.s32 @!p0 $0x108  }
0x21: {  	s3 =	sadd.s32 s3, s9;
	s6 =	sadd.s32 @!p0 $0x88, s6;
	s7 =	simm.s32 @p2 $0x1082  }
0x22: {  	[simem:s7], [sflag:s8] =	dma.local @!p0 [hbm:s6], $0xF7A  }
0x23: {  	s9 =	sor.u32 $0xD0000000, s2;
	s6 =	simm.s32 $0x108;
	_ =	swait.ge @!p0 [sflag:s8], $0x0  }
0x24: {  	s3 =	sadd.s32 $0x88, s3;
	s6 =	simm.s32 @!p1 $0x1082;
	[sflag:s4] =	ssyncset.s32 $0xFFFFF086  }
0x25: {  	[simem:s6], [sflag:s4] =	dma.local [hbm:s3], $0xF7A  }
0x26: {  	[smem:$0x3F9B] =	sst s1;
	(tag) =	ssettag s2;
	_ =	strace s9  }
0x27: {  	s1 =	sld [smem:$0x3FAB]  }
0x28: {  	s2 =	sld [smem:$0x3FAC]  }
0x29: {  	s4 =	sld [smem:$0x3FAE]  }
0x2a: {  	p0 =	seq.s32 s5, $0x0;
	s5 =	sld [smem:$0x3FAF]  }
0x2b: {  	s6 =	sld [smem:$0x3FB0]  }
0x2c: {  	s7 =	sld [smem:$0x3FB1]  }
0x2d: {  	s3 =	simm.s32 $0x108;
	s8 =	sld [smem:$0x3FB2]  }
0x2e: {  	s3 =	simm.s32 @!p0 $0x1082;
	s9 =	sld [smem:$0x3FB3]  }
0x2f: {  	lr =	sadd.s32 s0, s3;
	s0 =	sld [smem:$0x3FAA]  }
0x30: {  	s3 =	sld [smem:$0x3FAD]  }
0x31: {  	[smem:$0x3FB6] =	sst s10  }
0x32: {  	s10 =	sld [smem:$0x3FB4];
	_ =	sdelay $0x3  }
0x33: {  	p0 =	seq.s32 s10, $0x1;
	s10 =	sld [smem:$0x3FB6];
	_ =	sdelay $0x3  }
0x34: {  	[smem:$0x3FB6] =	sst s10  }
0x35: {  	s10 =	sld [smem:$0x3FB5];
	_ =	sdelay $0x3  }
0x36: {  	p1 =	seq.s32 s10, $0x1;
	s10 =	sld [smem:$0x3FB6];
	_ =	sdelay $0x3  }
0x37: {  	[smem:$0x3FB6] =	sst s10  }
0x38: {  	s10 =	sld [smem:$0x3FB7]  }
0x39: {  	_ = 	snop;
	(pc) =	sbr.ind lr, $3  }
0x3a: {  	_ = 	snop  }
0x3b: {  	_ = 	snop  }
0x3c: {  	p2 =	seq.s32 s10, $0x1;
	s10 =	sld [smem:$0x3FB6]  }
0x3d: {  	_ =	shalt  }
0x3e: {  	_ =	shalt  }
0x3f: {  	_ =	shalt  }
0x40: {  	_ =	shalt  }
0x41: {  	_ =	shalt  }
0x42: {  	_ =	shalt  }
0x43: {  	_ =	shalt  }
0x44: {  	_ =	shalt  }
0x45: {  	_ =	shalt  }
0x46: {  	_ =	shalt  }
0x47: {  	_ =	shalt  }
0x48: {  	_ =	shalt  }
0x49: {  	_ =	shalt  }
0x4a: {  	_ =	shalt  }
0x4b: {  	_ =	shalt  }
0x4c: {  	_ =	shalt  }
0x4d: {  	_ =	shalt  }
0x4e: {  	_ =	shalt  }
0x4f: {  	_ =	shalt  }
0x50: {  	_ =	shalt  }
0x51: {  	_ =	shalt  }
0x52: {  	_ =	shalt  }
0x53: {  	_ =	shalt  }
0x54: {  	_ =	shalt  }
0x55: {  	_ =	shalt  }
0x56: {  	_ =	shalt  }
0x57: {  	_ =	shalt  }
0x58: {  	_ =	shalt  }
0x59: {  	_ =	shalt  }
0x5a: {  	_ =	shalt  }
0x5b: {  	_ =	shalt  }
0x5c: {  	_ =	shalt  }
0x5d: {  	_ =	shalt  }
0x5e: {  	_ =	shalt  }
0x5f: {  	_ =	shalt  }
0x60: {  	_ =	shalt  }
0x61: {  	_ =	shalt  }
0x62: {  	_ =	shalt  }
0x63: {  	_ =	shalt  }
0x64: {  	_ =	shalt  }
0x65: {  	_ =	shalt  }
0x66: {  	_ =	shalt  }
0x67: {  	_ =	shalt  }
0x68: {  	_ =	shalt  }
0x69: {  	_ =	shalt  }
0x6a: {  	_ =	shalt  }
0x6b: {  	_ =	shalt  }
0x6c: {  	_ =	shalt  }
0x6d: {  	_ =	shalt  }
0x6e: {  	_ =	shalt  }
0x6f: {  	_ =	shalt  }
0x70: {  	_ =	shalt  }
0x71: {  	_ =	shalt  }
0x72: {  	_ =	shalt  }
0x73: {  	_ =	shalt  }
0x74: {  	_ =	shalt  }
0x75: {  	_ =	shalt  }
0x76: {  	_ =	shalt  }
0x77: {  	_ =	shalt  }
0x78: {  	_ =	shalt  }
0x79: {  	_ =	shalt  }
0x7a: {  	_ =	shalt  }
0x7b: {  	_ =	shalt  }
0x7c: {  	_ =	shalt  }
0x7d: {  	_ =	shalt  }
0x7e: {  	_ =	shalt  }
0x7f: {  	_ =	shalt  }
0x80: {  	_ =	shalt  }
0x81: {  	_ =	shalt  }
0x82: {  	_ =	shalt  }
0x83: {  	_ =	shalt  }
0x84: {  	_ =	shalt  }
0x85: {  	_ =	shalt  }
0x86: {  	_ =	shalt  }
0x87: {  	_ =	shalt  }
.Lfunc_end0:
.L_simem_size_0:
called_computation_lowered:
.L_overlay_start_0:
0x88: {  	s2 =	sld [smem:$0x3FD9]  }
0x89: {  	s3 =	sld [smem:$0x3FFE];
	_ =	sdelay $0x1  }
0x8a: {  	s1 =	srdreg.scid  }
0x8b: {  	s0 =	sand.u32 $0x1, s1  }
0x8c: {  	s17 =	sshll.u32 s0, $0xA;
	s2 =	sadd.s32 s3, s2  }
0x8d: {  	s2 =	sadd.s32 s2, s17  }
0x8e: {  	[smem:$0x3FC2] =	sst s2  }
0x8f: {  	_ = 	snop  }
0x90: {  	s2 =	sld [smem:$0x3FD0];
	(tm) =	ssettm $0x1  }
0x91: {  	s18 =	sld [smem:$0x3FFB];
	_ =	sdelay $0x3  }
0x92: {  	_ =	strace s18  }
0x93: {  	s3 =	sld [smem:$0x3FFC];
	_ =	sdelay $0x3  }
0x94: {  	_ =	strace s3  }
0x95: {  	s3 =	sld [smem:$0x3FFD];
	_ =	sdelay $0x3  }
0x96: {  	_ =	strace s3  }
0x97: {  	_ =	strace $0x8FFFFFFF  }
0x98: {  	s19 =	sld [smem:$0x3FDB];
	_ =	sdelay $0x1  }
0x99: {  	s4 =	simm.s32 $_scs_section_size  }
0x9a: {  	s5 =	simm.s32 $_size__tile_overlayer_lowered;
	s6 =	simm.s32 $_tile_overlayer_lowered  }
0x9b: {  	s22 =	simm.s32 $0x1BFF;
	s21 =	sshll.u32 s6, $0x1;
	s3 =	sadd.s32 s4, s19  }
0x9c: {  	s7 =	simm.s32 $0x0;
	s20 =	sshll.u32 s5, $0x1;
	s5 =	sadd.s32 s21, s3  }
0x9d: {  	[timem:s7], [sflag:s22] =	dma.local [hbm:s5], s20  }
0x9e: {  	_ =	swait.ge [sflag:s22], s20  }
0x9f: {  	s4 =	ssub.s32 $0x0, s20;
	[sflag:s22] =	ssyncset.done $0x0  }
0xa0: {  	[sflag:s22] =	ssyncadd.s32 s4;
	_ =	sdelay $0x1  }
0xa1: {  	s23 =	simm.s32 $0x1B8B  }
0xa2: {  	_ =	swait.ge [sflag:s23], $0x1  }
0xa3: {  	[sflag:s23] =	ssyncset.done $0x0  }
0xa4: {  	s25 =	simm.s32 $0x1B8E;
	s24 =	sld [smem:$0x3FFE];
	[sflag:s23] =	ssyncadd.s32 $0xFFFFFFFF  }
0xa5: {  	s26 =	simm.s32 $execute0_lowered;
	[smem:$0x3FD2] =	sst s25  }
0xa6: {  	s5 =	sshll.u32 s26, $0x1;
	_ =	strace $0x80000046;
	[dreg:$0x1] =	wrdreg $0xFFFFFFFF  }
0xa7: {  	s28 =	simm.s32 $_size_execute0_lowered;
	s3 =	sadd.s32 s3, s5;
	[dreg:$0x0] =	wrdreg $0x0  }
0xa8: {  	s5 =	sshll.u32 s28, $0x1;
	[dreg:$0x2] =	wrdreg s3  }
0xa9: {  	[dreg:$0x3] =	wrdreg s5  }
0xaa: {  	[dreg:$0x4] =	wrdreg $0xC0  }
0xab: {  	_ =	task [dreg:s7], $0x5FFFF  }
0xac: {  	[dreg:$0x1] =	wrdreg $0xFFFFFFFF  }
0xad: {  	[dreg:$0x0] =	wrdreg $0x60  }
0xae: {  	[dreg:$0x2] =	wrdreg s24  }
0xaf: {  	[dreg:$0x3] =	wrdreg s2  }
0xb0: {  	[dreg:$0x4] =	wrdreg $0x10800  }
0xb1: {  	[dreg:$0x5] =	wrdreg $0x9  }
0xb2: {  	_ =	task.clear_ibuf [dreg:s7], $0x6FFFF;
	_ =	strace $0x90000046  }
0xb3: {  	s29 =	simm.s32 $0x9;
	_ =	strace $0x80000048  }
0xb4: {  	_ =	swait.ge [sflag:s29], $0x1  }
0xb5: {  	[sflag:s29] =	ssyncadd.s32 $0xFFFFFFFF  }
0xb6: {  	_ =	strace $0x90000048  }
0xb7: {  	_ =	sfence  }
0xb8: {  	s30 =	sld [smem:$0x0];
	_ =	sdelay $0x2  }
0xb9: {  	s31 =	sshll.u32 s1, $0xD;
	s1 =	sshrl.u32 s1, $0x2  }
0xba: {  	s3 =	sand.u32 $0x4000, s31;
	s1 =	sadd.s32 s1, s30  }
0xbb: {  	s0 =	sor.u32 s3, s0;
	s1 =	sshll.u32 s1, $0x11  }
0xbc: {  	s0 =	sor.u32 s1, s0  }
0xbd: {  	s0 =	sadd.s32 $0x8F2B, s0  }
0xbe: {  	[sflag:s0] =	ssyncadd.remote.s32 $0x1  }
0xbf: {  	_ =	sfence.sel $0xFFFF  }
0xc0: {  	[dreg:$0x0] =	wrdreg $0xFFFFFFFF;
	(pc) =	sbr.abs _section_cstart, $3  }
0xc1: {  	[dreg:$0x1] =	wrdreg $0xFFFFFFFF  }
0xc2: {  	_ =	task.clear_ibuf [dreg:s7], $0x2FFFF;
	_ =	strace $0x9FFFFFFF  }
0xc3: {  	(tm) =	ssettm $0x7FFFFFFF  }
tec
execute0_lowered:
.L_overlay_start_1:
0x0: {  	(tag) =	ssettag $0x1  }
0x1: {  	s1 =	rddreg [dreg:$0x0]  }
0x2: {  	s0 =	srdreg.scid;
	s7 =	rddreg [dreg:$0x1]  }
0x3: {  	s11 =	stileid.u32;
	s2 =	rddreg [dreg:$0x2];
	s3 =	simm.s32 $0x0  }
0x4: {  	s12 =	simm.s32 $0x1000;
	s13 =	simm.s32 $0x80;
	s14 =	simm.s32 $0x180  }
0x5: {  	s15 =	simm.s32 $0x280;
	s16 =	simm.s32 $0x380;
	s17 =	simm.s32 $0x480  }
0x6: {  	s18 =	simm.s32 $0x580;
	s19 =	simm.s32 $0x680;
	s20 =	simm.s32 $0x780  }
0x7: {  	s21 =	simm.s32 $0x880;
	s22 =	simm.s32 $0x980;
	s28 =	simm.s32 $0xE80  }
0x8: {  	s29 =	simm.s32 $0xF80;
	s30 =	simm.s32 $0x1;
	s31 =	simm.s32 $0x0  }
0x9: {  	s0 =	sand.u32 $0x1, s0;
	s5 =	smul.u32 $0x31800, s11;
	[smem:$0x7FF] =	sst s3  }
0xa: {  	s23 =	smul.u32 $0x1880, s11;
	s10 =	sadd.s32 $0xC8600, s1;
	s26 =	sshll.u32 s11, $0x6  }
0xb: {  	s11 =	simm.s32 $0x2;
	s4 =	smul.u32 $0x318000, s0;
	_ =	strace $0x80000047  }
0xc: {  	s6 =	ssub.s32 $0x2, s0;
	s0 =	smul.u32 $0x18800, s0;
	[dreg:$0x4] =	wrdreg s10  }
0xd: {  	s8 =	sshrl.u32 s23, $0x3;
	s9 =	sshrl.u32 s6, $0x1;
	s25 =	sadd.s32 s23, s2  }
0xe: {  	s4 =	sadd.s32 s5, s4;
	s24 =	ssub.s32 s6, s9;
	s0 =	sadd.s32 s23, s0  }
0xf: {  	s6 =	sor.u32 $0x1C02, s26;
	s10 =	sshrl.u32 s25, $0x3;
	s23 =	simm.s32 $0xA80  }
0x10: {  	s25 =	simm.s32 $0xC80;
	s26 =	simm.s32 $0xD80;
	s4 =	sshrl.u32 s4, $0x3  }
0x11: {  	s0 =	sshrl.u32 s0, $0x3;
	s4 =	sadd.s32 s4, s1;
	s1 =	sadd.s32 s8, s1  }
0x12: {  	s7 =	sadd.s32 s7, s0;
	s8 =	smax.u32 s24, $0x1;
	s1 =	sadd.s32 $0xC8800, s1  }
0x13: {  	s24 =	simm.s32 $0xB80;
	s9 =	sadd.s32 $0x2600, s4;
	[dreg:$0x5] =	wrdreg s1  }
.LBB2_1:
0x14: {  	s0 =	rddreg [dreg:$0x5]  }
0x15: {  	[spmem:s10], [sflag:s6] =	dma.local [hbm:s0], $0x310  }
0x16: {  	_ =	swait.ge [sflag:s11], $0x310  }
0x17: {  	[sflag:s11] =	ssyncset.done $0x0  }
0x18: {  	s4 =	rddreg [dreg:$0x4];
	[sflag:s11] =	ssyncadd.s32 $0xFFFFFCF0  }
0x19: {  	[tilespmem:s12], [sflag:$0x2] =	stream.linear.gather [hbm4b:s4+s3], $0x80, $0x38;
	[tilespmem:$0x2900] =	vst v63  }
0x1a: {  	_ =	swait.ge [sflag:s11], $0x80  }
0x1b: {  	[sflag:s11] =	ssyncset.done $0x0  }
0x1c: {  	[sflag:s11] =	ssyncadd.s32 $0xFFFFFF80  }
0x1d: {  	s5 =	sadd.s32 $0x0, s9;
	[bflag:$0x0] =	sbarrier.arrive $0xFFFF  }
0x1e: {  	[tilespmem:s3], [sflag:$0x2] =	stream.linear.gather [hbm4b:s5+s3], $0x1000, $0x38;
	[tilespmem:$0x2900] =	vst v63  }
0x1f: {  	_ =	swait.ge [sflag:s11], $0x1000  }
0x20: {  	[sflag:s11] =	ssyncset.done $0x0  }
0x21: {  	[sflag:s11] =	ssyncadd.s32 $0xFFFFF000  }
0x22: {  	[spmem:s2] =	stream.indirect.scatter.add.f32 [tilespmem:s12], [sflag:$0x1], $0x1, s13, s13, $0xb8;
	[tilespmem:$0x2900] =	vst v63  }
0x23: {  	_ = 	snop  }
0x24: {  	[spmem:s2] =	stream.indirect.scatter.add.f32 [tilespmem:s12], [sflag:$0x1], $0x1, s14, s13, $0xb8;
	[tilespmem:$0x2900] =	vst v63  }
0x25: {  	_ = 	snop  }
0x26: {  	[spmem:s2] =	stream.indirect.scatter.add.f32 [tilespmem:s12], [sflag:$0x1], $0x1, s15, s13, $0xb8;
	[tilespmem:$0x2900] =	vst v63  }
0x27: {  	_ = 	snop  }
0x28: {  	[spmem:s2] =	stream.indirect.scatter.add.f32 [tilespmem:s12], [sflag:$0x1], $0x1, s16, s13, $0xb8;
	[tilespmem:$0x2900] =	vst v63  }
0x29: {  	_ = 	snop  }
0x2a: {  	[spmem:s2] =	stream.indirect.scatter.add.f32 [tilespmem:s12], [sflag:$0x1], $0x1, s17, s13, $0xb8;
	[tilespmem:$0x2900] =	vst v63  }
0x2b: {  	_ = 	snop  }
0x2c: {  	[spmem:s2] =	stream.indirect.scatter.add.f32 [tilespmem:s12], [sflag:$0x1], $0x1, s18, s13, $0xb8;
	[tilespmem:$0x2900] =	vst v63  }
0x2d: {  	_ = 	snop  }
0x2e: {  	[spmem:s2] =	stream.indirect.scatter.add.f32 [tilespmem:s12], [sflag:$0x1], $0x1, s19, s13, $0xb8;
	[tilespmem:$0x2900] =	vst v63  }
0x2f: {  	_ = 	snop  }
0x30: {  	[spmem:s2] =	stream.indirect.scatter.add.f32 [tilespmem:s12], [sflag:$0x1], $0x1, s20, s13, $0xb8;
	[tilespmem:$0x2900] =	vst v63  }
0x31: {  	_ = 	snop  }
0x32: {  	[spmem:s2] =	stream.indirect.scatter.add.f32 [tilespmem:s12], [sflag:$0x1], $0x1, s21, s13, $0xb8;
	[tilespmem:$0x2900] =	vst v63  }
0x33: {  	_ = 	snop  }
0x34: {  	[spmem:s2] =	stream.indirect.scatter.add.f32 [tilespmem:s12], [sflag:$0x1], $0x1, s22, s13, $0xb8;
	[tilespmem:$0x2900] =	vst v63  }
0x35: {  	_ = 	snop  }
0x36: {  	[spmem:s2] =	stream.indirect.scatter.add.f32 [tilespmem:s12], [sflag:$0x1], $0x1, s23, s13, $0xb8;
	[tilespmem:$0x2900] =	vst v63  }
0x37: {  	_ = 	snop  }
0x38: {  	[spmem:s2] =	stream.indirect.scatter.add.f32 [tilespmem:s12], [sflag:$0x1], $0x1, s24, s13, $0xb8;
	[tilespmem:$0x2900] =	vst v63  }
0x39: {  	_ = 	snop  }
0x3a: {  	[spmem:s2] =	stream.indirect.scatter.add.f32 [tilespmem:s12], [sflag:$0x1], $0x1, s25, s13, $0xb8;
	[tilespmem:$0x2900] =	vst v63  }
0x3b: {  	_ = 	snop  }
0x3c: {  	[spmem:s2] =	stream.indirect.scatter.add.f32 [tilespmem:s12], [sflag:$0x1], $0x1, s26, s13, $0xb8;
	[tilespmem:$0x2900] =	vst v63  }
0x3d: {  	_ = 	snop  }
0x3e: {  	[spmem:s2] =	stream.indirect.scatter.add.f32 [tilespmem:s12], [sflag:$0x1], $0x1, s28, s13, $0xb8;
	[tilespmem:$0x2900] =	vst v63  }
0x3f: {  	_ = 	snop  }
0x40: {  	[spmem:s2] =	stream.indirect.scatter.add.f32 [tilespmem:s12], [sflag:$0x1], $0x1, s29, s13, $0xb8;
	[tilespmem:$0x2900] =	vst v63  }
0x41: {  	_ =	swait.ge [sflag:s30], $0x80  }
0x42: {  	[sflag:s30] =	ssyncset.done $0x0  }
0x43: {  	[sflag:s30] =	ssyncadd.s32 $0xFFFFFF80  }
0x44: {  	_ =	swait.ge [sflag:s30], $0x80  }
0x45: {  	[sflag:s30] =	ssyncset.done $0x0  }
0x46: {  	[sflag:s30] =	ssyncadd.s32 $0xFFFFFF80  }
0x47: {  	_ =	swait.ge [sflag:s30], $0x80  }
0x48: {  	[sflag:s30] =	ssyncset.done $0x0  }
0x49: {  	[sflag:s30] =	ssyncadd.s32 $0xFFFFFF80  }
0x4a: {  	_ =	swait.ge [sflag:s30], $0x80  }
0x4b: {  	[sflag:s30] =	ssyncset.done $0x0  }
0x4c: {  	[sflag:s30] =	ssyncadd.s32 $0xFFFFFF80  }
0x4d: {  	_ =	swait.ge [sflag:s30], $0x80  }
0x4e: {  	[sflag:s30] =	ssyncset.done $0x0  }
0x4f: {  	[sflag:s30] =	ssyncadd.s32 $0xFFFFFF80  }
0x50: {  	_ =	swait.ge [sflag:s30], $0x80  }
0x51: {  	[sflag:s30] =	ssyncset.done $0x0  }
0x52: {  	[sflag:s30] =	ssyncadd.s32 $0xFFFFFF80  }
0x53: {  	_ =	swait.ge [sflag:s30], $0x80  }
0x54: {  	[sflag:s30] =	ssyncset.done $0x0  }
0x55: {  	[sflag:s30] =	ssyncadd.s32 $0xFFFFFF80  }
0x56: {  	_ =	swait.ge [sflag:s30], $0x80  }
0x57: {  	[sflag:s30] =	ssyncset.done $0x0  }
0x58: {  	[sflag:s30] =	ssyncadd.s32 $0xFFFFFF80  }
0x59: {  	_ =	swait.ge [sflag:s30], $0x80  }
0x5a: {  	[sflag:s30] =	ssyncset.done $0x0  }
0x5b: {  	[sflag:s30] =	ssyncadd.s32 $0xFFFFFF80  }
0x5c: {  	_ =	swait.ge [sflag:s30], $0x80  }
0x5d: {  	[sflag:s30] =	ssyncset.done $0x0  }
0x5e: {  	[sflag:s30] =	ssyncadd.s32 $0xFFFFFF80  }
0x5f: {  	_ =	swait.ge [sflag:s30], $0x80  }
0x60: {  	[sflag:s30] =	ssyncset.done $0x0  }
0x61: {  	[sflag:s30] =	ssyncadd.s32 $0xFFFFFF80  }
0x62: {  	_ =	swait.ge [sflag:s30], $0x80  }
0x63: {  	[sflag:s30] =	ssyncset.done $0x0  }
0x64: {  	[sflag:s30] =	ssyncadd.s32 $0xFFFFFF80  }
0x65: {  	_ =	swait.ge [sflag:s30], $0x80  }
0x66: {  	[sflag:s30] =	ssyncset.done $0x0  }
0x67: {  	[sflag:s30] =	ssyncadd.s32 $0xFFFFFF80  }
0x68: {  	_ =	swait.ge [sflag:s30], $0x80  }
0x69: {  	[sflag:s30] =	ssyncset.done $0x0  }
0x6a: {  	[sflag:s30] =	ssyncadd.s32 $0xFFFFFF80  }
0x6b: {  	_ =	swait.ge [sflag:s30], $0x80  }
0x6c: {  	[sflag:s30] =	ssyncset.done $0x0  }
0x6d: {  	[sflag:s30] =	ssyncadd.s32 $0xFFFFFF80  }
0x6e: {  	_ =	swait.ge [sflag:s30], $0x80  }
0x6f: {  	s1 =	simm.s32 $0x200;
	s0 =	simm.s32 $0x400;
	[sflag:s30] =	ssyncset.done $0x0  }
.LBB2_2:
0x70: {  	s5 =	sadd.s32 s1, s9  }
0x71: {  	[sflag:s30] =	ssyncadd.s32 $0xFFFFFF80;
	s1 =	smov.u32 s0;
	s4 =	sadd.s32 $0x200, s0  }
0x72: {  	[tilespmem:s3], [sflag:$0x2] =	stream.linear.gather [hbm4b:s5+s3], $0x1000, $0x38;
	[tilespmem:$0x2900] =	vst v63  }
0x73: {  	p0 =	sne.s32 s0, $0x6000;
	_ =	swait.ge [sflag:s11], $0x1000  }
0x74: {  	[sflag:s11] =	ssyncset.done $0x0  }
0x75: {  	[sflag:s11] =	ssyncadd.s32 $0xFFFFF000  }
0x76: {  	[spmem:s2] =	stream.indirect.scatter.add.f32 [tilespmem:s12], [sflag:$0x1], $0x1, s13, s13, $0xb8;
	[tilespmem:$0x2900] =	vst v63  }
0x77: {  	_ = 	snop  }
0x78: {  	[spmem:s2] =	stream.indirect.scatter.add.f32 [tilespmem:s12], [sflag:$0x1], $0x1, s14, s13, $0xb8;
	[tilespmem:$0x2900] =	vst v63  }
0x79: {  	_ = 	snop  }
0x7a: {  	[spmem:s2] =	stream.indirect.scatter.add.f32 [tilespmem:s12], [sflag:$0x1], $0x1, s15, s13, $0xb8;
	[tilespmem:$0x2900] =	vst v63  }
0x7b: {  	_ = 	snop  }
0x7c: {  	[spmem:s2] =	stream.indirect.scatter.add.f32 [tilespmem:s12], [sflag:$0x1], $0x1, s16, s13, $0xb8;
	[tilespmem:$0x2900] =	vst v63  }
0x7d: {  	_ = 	snop  }
0x7e: {  	[spmem:s2] =	stream.indirect.scatter.add.f32 [tilespmem:s12], [sflag:$0x1], $0x1, s17, s13, $0xb8;
	[tilespmem:$0x2900] =	vst v63  }
0x7f: {  	_ = 	snop  }
0x80: {  	[spmem:s2] =	stream.indirect.scatter.add.f32 [tilespmem:s12], [sflag:$0x1], $0x1, s18, s13, $0xb8;
	[tilespmem:$0x2900] =	vst v63  }
0x81: {  	_ = 	snop  }
0x82: {  	[spmem:s2] =	stream.indirect.scatter.add.f32 [tilespmem:s12], [sflag:$0x1], $0x1, s19, s13, $0xb8;
	[tilespmem:$0x2900] =	vst v63  }
0x83: {  	_ = 	snop  }
0x84: {  	[spmem:s2] =	stream.indirect.scatter.add.f32 [tilespmem:s12], [sflag:$0x1], $0x1, s20, s13, $0xb8;
	[tilespmem:$0x2900] =	vst v63  }
0x85: {  	_ = 	snop  }
0x86: {  	[spmem:s2] =	stream.indirect.scatter.add.f32 [tilespmem:s12], [sflag:$0x1], $0x1, s21, s13, $0xb8;
	[tilespmem:$0x2900] =	vst v63  }
0x87: {  	_ = 	snop  }
0x88: {  	[spmem:s2] =	stream.indirect.scatter.add.f32 [tilespmem:s12], [sflag:$0x1], $0x1, s22, s13, $0xb8;
	[tilespmem:$0x2900] =	vst v63  }
0x89: {  	_ = 	snop  }
0x8a: {  	[spmem:s2] =	stream.indirect.scatter.add.f32 [tilespmem:s12], [sflag:$0x1], $0x1, s23, s13, $0xb8;
	[tilespmem:$0x2900] =	vst v63  }
0x8b: {  	_ = 	snop  }
0x8c: {  	[spmem:s2] =	stream.indirect.scatter.add.f32 [tilespmem:s12], [sflag:$0x1], $0x1, s24, s13, $0xb8;
	[tilespmem:$0x2900] =	vst v63  }
0x8d: {  	_ = 	snop  }
0x8e: {  	[spmem:s2] =	stream.indirect.scatter.add.f32 [tilespmem:s12], [sflag:$0x1], $0x1, s25, s13, $0xb8;
	[tilespmem:$0x2900] =	vst v63  }
0x8f: {  	_ = 	snop  }
0x90: {  	[spmem:s2] =	stream.indirect.scatter.add.f32 [tilespmem:s12], [sflag:$0x1], $0x1, s26, s13, $0xb8;
	[tilespmem:$0x2900] =	vst v63  }
0x91: {  	_ = 	snop  }
0x92: {  	[spmem:s2] =	stream.indirect.scatter.add.f32 [tilespmem:s12], [sflag:$0x1], $0x1, s28, s13, $0xb8;
	[tilespmem:$0x2900] =	vst v63  }
0x93: {  	_ = 	snop  }
0x94: {  	[spmem:s2] =	stream.indirect.scatter.add.f32 [tilespmem:s12], [sflag:$0x1], $0x1, s29, s13, $0xb8;
	[tilespmem:$0x2900] =	vst v63  }
0x95: {  	_ =	swait.ge [sflag:s30], $0x80  }
0x96: {  	[sflag:s30] =	ssyncset.done $0x0  }
0x97: {  	[sflag:s30] =	ssyncadd.s32 $0xFFFFFF80  }
0x98: {  	_ =	swait.ge [sflag:s30], $0x80  }
0x99: {  	[sflag:s30] =	ssyncset.done $0x0  }
0x9a: {  	[sflag:s30] =	ssyncadd.s32 $0xFFFFFF80  }
0x9b: {  	_ =	swait.ge [sflag:s30], $0x80  }
0x9c: {  	[sflag:s30] =	ssyncset.done $0x0  }
0x9d: {  	[sflag:s30] =	ssyncadd.s32 $0xFFFFFF80  }
0x9e: {  	_ =	swait.ge [sflag:s30], $0x80  }
0x9f: {  	[sflag:s30] =	ssyncset.done $0x0  }
0xa0: {  	[sflag:s30] =	ssyncadd.s32 $0xFFFFFF80  }
0xa1: {  	_ =	swait.ge [sflag:s30], $0x80  }
0xa2: {  	[sflag:s30] =	ssyncset.done $0x0  }
0xa3: {  	[sflag:s30] =	ssyncadd.s32 $0xFFFFFF80  }
0xa4: {  	_ =	swait.ge [sflag:s30], $0x80  }
0xa5: {  	[sflag:s30] =	ssyncset.done $0x0  }
0xa6: {  	[sflag:s30] =	ssyncadd.s32 $0xFFFFFF80  }
0xa7: {  	_ =	swait.ge [sflag:s30], $0x80  }
0xa8: {  	[sflag:s30] =	ssyncset.done $0x0  }
0xa9: {  	[sflag:s30] =	ssyncadd.s32 $0xFFFFFF80  }
0xaa: {  	_ =	swait.ge [sflag:s30], $0x80  }
0xab: {  	[sflag:s30] =	ssyncset.done $0x0  }
0xac: {  	[sflag:s30] =	ssyncadd.s32 $0xFFFFFF80  }
0xad: {  	_ =	swait.ge [sflag:s30], $0x80  }
0xae: {  	[sflag:s30] =	ssyncset.done $0x0  }
0xaf: {  	[sflag:s30] =	ssyncadd.s32 $0xFFFFFF80  }
0xb0: {  	_ =	swait.ge [sflag:s30], $0x80  }
0xb1: {  	[sflag:s30] =	ssyncset.done $0x0  }
0xb2: {  	[sflag:s30] =	ssyncadd.s32 $0xFFFFFF80  }
0xb3: {  	_ =	swait.ge [sflag:s30], $0x80  }
0xb4: {  	[sflag:s30] =	ssyncset.done $0x0  }
0xb5: {  	[sflag:s30] =	ssyncadd.s32 $0xFFFFFF80  }
0xb6: {  	_ =	swait.ge [sflag:s30], $0x80  }
0xb7: {  	[sflag:s30] =	ssyncset.done $0x0  }
0xb8: {  	[sflag:s30] =	ssyncadd.s32 $0xFFFFFF80  }
0xb9: {  	_ =	swait.ge [sflag:s30], $0x80  }
0xba: {  	[sflag:s30] =	ssyncset.done $0x0  }
0xbb: {  	[sflag:s30] =	ssyncadd.s32 $0xFFFFFF80  }
0xbc: {  	_ =	swait.ge [sflag:s30], $0x80  }
0xbd: {  	[sflag:s30] =	ssyncset.done $0x0  }
0xbe: {  	[sflag:s30] =	ssyncadd.s32 $0xFFFFFF80  }
.Ltmp0:
0xbf: {  	_ =	swait.ge [sflag:s30], $0x80;
	(pc) =	sbr.rel @p0 .LBB2_2-.Ltmp0, $4  }
0xc0: {  	[sflag:s30] =	ssyncset.done $0x0  }
0xc1: {  	[sflag:s30] =	ssyncadd.s32 $0xFFFFFF80  }
0xc2: {  	_ =	swait.ge [sflag:s30], $0x80  }
0xc3: {  	s0 =	smov.u32 s4;
	[sflag:s30] =	ssyncset.done $0x0  }
0xc4: {  	s0 =	sadd.s32 s1, s9;
	[sflag:s30] =	ssyncadd.s32 $0xFFFFFF80  }
0xc5: {  	[tilespmem:s3], [sflag:$0x2] =	stream.linear.gather [hbm4b:s0+s3], $0x1000, $0x38;
	[tilespmem:$0x2900] =	vst v63  }
0xc6: {  	_ =	swait.ge [sflag:s11], $0x1000  }
0xc7: {  	[sflag:s11] =	ssyncset.done $0x0  }
0xc8: {  	[sflag:s11] =	ssyncadd.s32 $0xFFFFF000  }
0xc9: {  	[spmem:s2] =	stream.indirect.scatter.add.f32 [tilespmem:s12], [sflag:$0x1], $0x1, s13, s13, $0xb8;
	[tilespmem:$0x2900] =	vst v63  }
0xca: {  	_ = 	snop  }
0xcb: {  	[spmem:s2] =	stream.indirect.scatter.add.f32 [tilespmem:s12], [sflag:$0x1], $0x1, s14, s13, $0xb8;
	[tilespmem:$0x2900] =	vst v63  }
0xcc: {  	_ = 	snop  }
0xcd: {  	[spmem:s2] =	stream.indirect.scatter.add.f32 [tilespmem:s12], [sflag:$0x1], $0x1, s15, s13, $0xb8;
	[tilespmem:$0x2900] =	vst v63  }
0xce: {  	_ = 	snop  }
0xcf: {  	[spmem:s2] =	stream.indirect.scatter.add.f32 [tilespmem:s12], [sflag:$0x1], $0x1, s16, s13, $0xb8;
	[tilespmem:$0x2900] =	vst v63  }
0xd0: {  	_ = 	snop  }
0xd1: {  	[spmem:s2] =	stream.indirect.scatter.add.f32 [tilespmem:s12], [sflag:$0x1], $0x1, s17, s13, $0xb8;
	[tilespmem:$0x2900] =	vst v63  }
0xd2: {  	_ = 	snop  }
0xd3: {  	[spmem:s2] =	stream.indirect.scatter.add.f32 [tilespmem:s12], [sflag:$0x1], $0x1, s18, s13, $0xb8;
	[tilespmem:$0x2900] =	vst v63  }
0xd4: {  	_ = 	snop  }
0xd5: {  	[spmem:s2] =	stream.indirect.scatter.add.f32 [tilespmem:s12], [sflag:$0x1], $0x1, s19, s13, $0xb8;
	[tilespmem:$0x2900] =	vst v63  }
0xd6: {  	_ = 	snop  }
0xd7: {  	[spmem:s2] =	stream.indirect.scatter.add.f32 [tilespmem:s12], [sflag:$0x1], $0x1, s20, s13, $0xb8;
	[tilespmem:$0x2900] =	vst v63  }
0xd8: {  	_ = 	snop  }
0xd9: {  	[spmem:s2] =	stream.indirect.scatter.add.f32 [tilespmem:s12], [sflag:$0x1], $0x1, s21, s13, $0xb8;
	[tilespmem:$0x2900] =	vst v63  }
0xda: {  	_ = 	snop  }
0xdb: {  	[spmem:s2] =	stream.indirect.scatter.add.f32 [tilespmem:s12], [sflag:$0x1], $0x1, s22, s13, $0xb8;
	[tilespmem:$0x2900] =	vst v63  }
0xdc: {  	_ = 	snop  }
0xdd: {  	[spmem:s2] =	stream.indirect.scatter.add.f32 [tilespmem:s12], [sflag:$0x1], $0x1, s23, s13, $0xb8;
	[tilespmem:$0x2900] =	vst v63  }
0xde: {  	_ = 	snop  }
0xdf: {  	[spmem:s2] =	stream.indirect.scatter.add.f32 [tilespmem:s12], [sflag:$0x1], $0x1, s24, s13, $0xb8;
	[tilespmem:$0x2900] =	vst v63  }
0xe0: {  	_ = 	snop  }
0xe1: {  	[spmem:s2] =	stream.indirect.scatter.add.f32 [tilespmem:s12], [sflag:$0x1], $0x1, s25, s13, $0xb8;
	[tilespmem:$0x2900] =	vst v63  }
0xe2: {  	_ = 	snop  }
0xe3: {  	[spmem:s2] =	stream.indirect.scatter.add.f32 [tilespmem:s12], [sflag:$0x1], $0x1, s26, s13, $0xb8;
	[tilespmem:$0x2900] =	vst v63  }
0xe4: {  	_ = 	snop  }
0xe5: {  	[spmem:s2] =	stream.indirect.scatter.add.f32 [tilespmem:s12], [sflag:$0x1], $0x1, s28, s13, $0xb8;
	[tilespmem:$0x2900] =	vst v63  }
0xe6: {  	_ = 	snop  }
0xe7: {  	[spmem:s2] =	stream.indirect.scatter.add.f32 [tilespmem:s12], [sflag:$0x1], $0x1, s29, s13, $0xb8;
	[tilespmem:$0x2900] =	vst v63  }
0xe8: {  	_ =	swait.ge [sflag:s30], $0x80  }
0xe9: {  	[sflag:s30] =	ssyncset.done $0x0  }
0xea: {  	[sflag:s30] =	ssyncadd.s32 $0xFFFFFF80  }
0xeb: {  	_ =	swait.ge [sflag:s30], $0x80  }
0xec: {  	[sflag:s30] =	ssyncset.done $0x0  }
0xed: {  	[sflag:s30] =	ssyncadd.s32 $0xFFFFFF80  }
0xee: {  	_ =	swait.ge [sflag:s30], $0x80  }
0xef: {  	[sflag:s30] =	ssyncset.done $0x0  }
0xf0: {  	[sflag:s30] =	ssyncadd.s32 $0xFFFFFF80  }
0xf1: {  	_ =	swait.ge [sflag:s30], $0x80  }
0xf2: {  	[sflag:s30] =	ssyncset.done $0x0  }
0xf3: {  	[sflag:s30] =	ssyncadd.s32 $0xFFFFFF80  }
0xf4: {  	_ =	swait.ge [sflag:s30], $0x80  }
0xf5: {  	[sflag:s30] =	ssyncset.done $0x0  }
0xf6: {  	[sflag:s30] =	ssyncadd.s32 $0xFFFFFF80  }
0xf7: {  	_ =	swait.ge [sflag:s30], $0x80  }
0xf8: {  	[sflag:s30] =	ssyncset.done $0x0  }
0xf9: {  	[sflag:s30] =	ssyncadd.s32 $0xFFFFFF80  }
0xfa: {  	_ =	swait.ge [sflag:s30], $0x80  }
0xfb: {  	[sflag:s30] =	ssyncset.done $0x0  }
0xfc: {  	[sflag:s30] =	ssyncadd.s32 $0xFFFFFF80  }
0xfd: {  	_ =	swait.ge [sflag:s30], $0x80  }
0xfe: {  	[sflag:s30] =	ssyncset.done $0x0  }
0xff: {  	[sflag:s30] =	ssyncadd.s32 $0xFFFFFF80  }
0x100: {  	_ =	swait.ge [sflag:s30], $0x80  }
0x101: {  	[sflag:s30] =	ssyncset.done $0x0  }
0x102: {  	[sflag:s30] =	ssyncadd.s32 $0xFFFFFF80  }
0x103: {  	_ =	swait.ge [sflag:s30], $0x80  }
0x104: {  	[sflag:s30] =	ssyncset.done $0x0  }
0x105: {  	[sflag:s30] =	ssyncadd.s32 $0xFFFFFF80  }
0x106: {  	_ =	swait.ge [sflag:s30], $0x80  }
0x107: {  	[sflag:s30] =	ssyncset.done $0x0  }
0x108: {  	[sflag:s30] =	ssyncadd.s32 $0xFFFFFF80  }
0x109: {  	_ =	swait.ge [sflag:s30], $0x80  }
0x10a: {  	[sflag:s30] =	ssyncset.done $0x0  }
0x10b: {  	[sflag:s30] =	ssyncadd.s32 $0xFFFFFF80  }
0x10c: {  	_ =	swait.ge [sflag:s30], $0x80  }
0x10d: {  	[sflag:s30] =	ssyncset.done $0x0  }
0x10e: {  	[sflag:s30] =	ssyncadd.s32 $0xFFFFFF80  }
0x10f: {  	_ =	swait.ge [sflag:s30], $0x80  }
0x110: {  	[sflag:s30] =	ssyncset.done $0x0  }
0x111: {  	[sflag:s30] =	ssyncadd.s32 $0xFFFFFF80  }
0x112: {  	_ =	swait.ge [sflag:s30], $0x80  }
0x113: {  	[sflag:s30] =	ssyncset.done $0x0  }
0x114: {  	[sflag:s30] =	ssyncadd.s32 $0xFFFFFF80  }
0x115: {  	_ =	swait.ge [sflag:s30], $0x80  }
0x116: {  	s31 =	sadd.s32 $0x1, s31;
	[sflag:s30] =	ssyncset.done $0x0  }
0x117: {  	p0 =	sne.s32 s31, s8;
	[sflag:s30] =	ssyncadd.s32 $0xFFFFFF80  }
.Ltmp1:
0x118: {  	[bflag:$0x0] =	sbarrier.arrive $0xFFFF;
	(pc) =	sbr.rel @p0 .LBB2_1-.Ltmp1, $4  }
0x119: {  	[hbm:s7], [sflag:s6] =	dma.local [spmem:s10], $0x310  }
0x11a: {  	_ =	swait.ge [sflag:s11], $0x310  }
0x11b: {  	[sflag:s11] =	ssyncset.done $0x0  }
0x11c: {  	[sflag:s11] =	ssyncadd.s32 $0xFFFFFCF0  }
0x11d: {  	_ =	sfence.sel $0x180000  }
0x11e: {  	[bflag:$0x0] =	sbarrier.arrive $0xFFFF  }
0x11f: {  	_ =	strace $0x90000047  }
0x120: {  	s0 =	stileid.u32;
	[bflag:$0x2] =	sbarrier.arrive $0xFFFF  }
0x121: {  	p0 =	sne.s32 s0, $0x0;
	s0 =	rddreg [dreg:$0x3]  }
0x122: {  	s0 =	sadd.s32 @!p0 $0x100000, s0  }
0x123: {  	[sflag:s0] =	ssyncadd.tile.s32 @!p0 $0x1;
	_ =	shalt  }
.Lfunc_end2:
_tile_overlayer_lowered:
.L_overlay_start_2:
0x124: {  	(tag) =	ssettag $0x2  }
0x125: {  	s0 =	rddreg [dreg:$0x0];
	s2 =	stileid.u32  }
0x126: {  	s1 =	rddreg [dreg:$0x1];
	p0 =	sne.s32 s2, $0x0  }
0x127: {  	s3 =	rddreg [dreg:$0x2];
	[bflag:$0x3] =	sbarrier.arrive $0xFFFF;
	s2 =	simm.s32 @!p0 $0x1C02  }
0x128: {  	[timem:s3], [sflag:s2] =	dma.local @!p0 [hbm:s0], s1  }
0x129: {  	s0 =	simm.s32 @!p0 $0x2  }
0x12a: {  	_ =	swait.ge @!p0 [sflag:s0], s1  }
0x12b: {  	s1 =	ssub.s32 @!p0 $0x0, s1;
	[sflag:s0] =	ssyncset.done @!p0 $0x0  }
0x12c: {  	[sflag:s0] =	ssyncadd.s32 @!p0 s1  }
0x12d: {  	[bflag:$0x3] =	sbarrier.arrive $0xFFFF  }
0x12e: {  	_ =	shalt  }

</sc_bundles>
